<compile_context>
chip_gen: v7x
topology: tpu7x:2x2x1
jax: 0.10.2.dev20260603
libtpu: 0.0.44.dev20260713+nightly
codegen_flags: <defaults>
</compile_context>

<pallas_src>
import jax
import jax.numpy as jnp
from jax import lax
from jax.experimental import pallas as pl
from jax.experimental.pallas import tpu as pltpu
from jax.experimental.pallas import tpu_sc as plsc

N = 10000
E = 160000
D_IN = 128
LATENT = 64
HID = 128

NC, NS = 2, 16
NW = NC * NS
NP = 10240
EP = 163840
EPT = EP // NW
CHUNK = 128
NCHUNK = EPT // CHUNK
NCH_A = 60
NCH_B = 20
ROWS_PT = NP // NS

_MESH = plsc.VectorSubcoreMesh(
    core_axis_name="c", subcore_axis_name="s", num_cores=NC, num_subcores=NS)


def _worker(cid, sid):
    return sid * NC + cid


def _hist_body(dst2_hbm, ones_hbm, z_hbm, out_hbm, didx_v, ones_v, rows_v,
               acc_sh, sem):
    cid = lax.axis_index("c")
    sid = lax.axis_index("s")
    wid = _worker(cid, sid)
    pltpu.sync_copy(dst2_hbm.at[wid], didx_v)
    pltpu.sync_copy(ones_hbm, ones_v)
    pltpu.sync_copy(z_hbm, rows_v)
    for j in range(ROWS_PT // CHUNK):
        pltpu.sync_copy(rows_v, acc_sh.at[pl.ds(sid * ROWS_PT + j * CHUNK, CHUNK)])
    plsc.subcore_barrier()

    def wave(i, carry):
        k = 8 * i
        for j in range(8):
            pltpu.async_copy(ones_v, acc_sh.at[didx_v.at[k + j]], sem, add=True)
        for j in range(8):
            pltpu.make_async_copy(ones_v, acc_sh.at[didx_v.at[k + j]], sem).wait()
        return carry

    lax.fori_loop(0, NCHUNK // 8, wave, 0)
    plsc.subcore_barrier()
    for j in range(ROWS_PT // CHUNK):
        rows = pl.ds(sid * ROWS_PT + j * CHUNK, CHUNK)
        pltpu.sync_copy(acc_sh.at[rows], rows_v)
        pltpu.sync_copy(rows_v, out_hbm.at[cid, rows])


_hist_call = pl.kernel(
    _hist_body,
    out_type=jax.ShapeDtypeStruct((NC, NP, HID), jnp.float32),
    mesh=_MESH,
    scratch_types=[
        pltpu.VMEM((NCHUNK + 2, CHUNK), jnp.int32),
        pltpu.VMEM((CHUNK, HID), jnp.float32),
        pltpu.VMEM((CHUNK, HID), jnp.float32),
        pltpu.VMEM_SHARED((NP, HID), jnp.float32),
        pltpu.SemaphoreType.DMA,
    ],
)


def _agg_body(y_hbm, src_hbm, dst_hbm, z_hbm, out_hbm,
              sidx0_v, didx0_v, sidx1_v, didx1_v, rows0_v, rows1_v,
              acc_sh, sem0, sem1):
    cid = lax.axis_index("c")
    sid = lax.axis_index("s")
    pltpu.sync_copy(z_hbm, rows0_v)
    for j in range(ROWS_PT // CHUNK):
        pltpu.sync_copy(rows0_v, acc_sh.at[pl.ds(sid * ROWS_PT + j * CHUNK, CHUNK)])
    plsc.subcore_barrier()

    base_chunk = jnp.where(cid == 0, sid * NCH_A, NS * NCH_A + sid * NCH_B)
    nch = jnp.where(cid == 0, NCH_A, NCH_B)

    def pair(i, carry):
        base0 = (base_chunk + 2 * i) * CHUNK
        base1 = base0 + CHUNK
        pltpu.sync_copy(src_hbm.at[pl.ds(base0, CHUNK)], sidx0_v)
        d0 = pltpu.async_copy(y_hbm.at[sidx0_v], rows0_v, sem0)
        pltpu.sync_copy(src_hbm.at[pl.ds(base1, CHUNK)], sidx1_v)
        d1 = pltpu.async_copy(y_hbm.at[sidx1_v], rows1_v, sem1)
        pltpu.sync_copy(dst_hbm.at[pl.ds(base0, CHUNK)], didx0_v)
        pltpu.sync_copy(dst_hbm.at[pl.ds(base1, CHUNK)], didx1_v)
        d0.wait()
        pltpu.sync_copy(rows0_v, acc_sh.at[didx0_v], add=True)
        d1.wait()
        pltpu.sync_copy(rows1_v, acc_sh.at[didx1_v], add=True)
        return carry

    lax.fori_loop(0, nch // 2, pair, 0)
    plsc.subcore_barrier()
    for j in range(ROWS_PT // CHUNK):
        rows = pl.ds(sid * ROWS_PT + j * CHUNK, CHUNK)
        pltpu.sync_copy(acc_sh.at[rows], rows0_v)
        pltpu.sync_copy(rows0_v, out_hbm.at[cid, rows])


_agg128 = pl.kernel(
    _agg_body,
    out_type=jax.ShapeDtypeStruct((NC, NP, HID), jnp.float32),
    mesh=_MESH,
    scratch_types=[
        pltpu.VMEM((CHUNK,), jnp.int32),
        pltpu.VMEM((CHUNK,), jnp.int32),
        pltpu.VMEM((CHUNK,), jnp.int32),
        pltpu.VMEM((CHUNK,), jnp.int32),
        pltpu.VMEM((CHUNK, HID), jnp.float32),
        pltpu.VMEM((CHUNK, HID), jnp.float32),
        pltpu.VMEM_SHARED((NP, HID), jnp.float32),
        pltpu.SemaphoreType.DMA,
        pltpu.SemaphoreType.DMA,
    ],
)


_BR = 256
_GRID = NP // _BR


def _t1a_body(x_ref, w1_ref, xw_ref):
    xw_ref[...] = jnp.dot(x_ref[...], w1_ref[...], preferred_element_type=jnp.float32)


def _t1b_body(hist_ref, xw_ref, y1_ref, dinv_ref):
    deg = hist_ref[0, :, 0:1] + hist_ref[1, :, 0:1] + 2.0
    dinv = lax.rsqrt(deg)
    y1_ref[...] = xw_ref[...] * dinv
    dinv_ref[...] = dinv


def _t2_body(acc_ref, y1_ref, dinv_ref, w2_ref, b1_ref, y2_ref):
    dinv = dinv_ref[...]
    h = dinv * (acc_ref[0] + acc_ref[1] + 2.0 * y1_ref[...]) + b1_ref[...]
    h = jnp.maximum(h, 0.0)
    y2_ref[...] = dinv * jnp.dot(h, w2_ref[...], preferred_element_type=jnp.float32)


def _t3_body(acc_ref, y2_ref, dinv_ref, wm_ref, wl_ref, b2_ref, bm_ref, bl_ref,
             mu_ref, lv_ref):
    h2 = dinv_ref[...] * (acc_ref[0] + acc_ref[1] + 2.0 * y2_ref[...]) + b2_ref[...]
    mu_ref[...] = jnp.dot(h2, wm_ref[...], preferred_element_type=jnp.float32) + bm_ref[...]
    lv_ref[...] = jnp.dot(h2, wl_ref[...], preferred_element_type=jnp.float32) + bl_ref[...]


_DB = 512


def _dec_body(mu_i_ref, mu_j_ref, adj_ref):
    prod = lax.dot_general(mu_i_ref[...], mu_j_ref[...],
                           (((1,), (1,)), ((), ())),
                           preferred_element_type=jnp.float32)
    adj_ref[...] = jax.nn.sigmoid(prod)


def kernel(x, edge_index, W1, b1, W2, b2, Wm, bm, Wl, bl):
    src = edge_index[0]
    dst = edge_index[1]
    pad_e = EP - E
    srcp = jnp.concatenate([src, jnp.zeros((pad_e,), jnp.int32)])
    dstp = jnp.concatenate([dst, jnp.full((pad_e,), N, jnp.int32)])
    src2 = jnp.pad(srcp.reshape(NW, NCHUNK, CHUNK), ((0, 0), (0, 2), (0, 0)))
    dst2 = jnp.pad(dstp.reshape(NW, NCHUNK, CHUNK), ((0, 0), (0, 2), (0, 0)))
    xp = jnp.pad(x, ((0, NP - N), (0, 0)))
    zc = jnp.zeros((CHUNK, HID), jnp.float32)
    W2p = jnp.pad(W2, ((0, 0), (0, HID - LATENT)))
    ones_hot = jnp.zeros((CHUNK, HID), jnp.float32).at[:, 0].set(1.0)

    hist = _hist_call(dst2, ones_hot, zc)

    xw = pl.pallas_call(
        _t1a_body,
        grid=(_GRID,),
        in_specs=[
            pl.BlockSpec((_BR, D_IN), lambda i: (i, 0)),
            pl.BlockSpec((D_IN, HID), lambda i: (0, 0)),
        ],
        out_specs=pl.BlockSpec((_BR, HID), lambda i: (i, 0)),
        out_shape=jax.ShapeDtypeStruct((NP, HID), jnp.float32),
    )(xp, W1)

    y1, dinv = pl.pallas_call(
        _t1b_body,
        grid=(_GRID,),
        in_specs=[
            pl.BlockSpec((NC, _BR, HID), lambda i: (0, i, 0)),
            pl.BlockSpec((_BR, HID), lambda i: (i, 0)),
        ],
        out_specs=[
            pl.BlockSpec((_BR, HID), lambda i: (i, 0)),
            pl.BlockSpec((_BR, 1), lambda i: (i, 0)),
        ],
        out_shape=[
            jax.ShapeDtypeStruct((NP, HID), jnp.float32),
            jax.ShapeDtypeStruct((NP, 1), jnp.float32),
        ],
    )(hist, xw)

    acc1 = _agg128(y1, srcp, dstp, zc)

    y2 = pl.pallas_call(
        _t2_body,
        grid=(_GRID,),
        in_specs=[
            pl.BlockSpec((NC, _BR, HID), lambda i: (0, i, 0)),
            pl.BlockSpec((_BR, HID), lambda i: (i, 0)),
            pl.BlockSpec((_BR, 1), lambda i: (i, 0)),
            pl.BlockSpec((HID, HID), lambda i: (0, 0)),
            pl.BlockSpec((1, HID), lambda i: (0, 0)),
        ],
        out_specs=pl.BlockSpec((_BR, HID), lambda i: (i, 0)),
        out_shape=jax.ShapeDtypeStruct((NP, HID), jnp.float32),
    )(acc1, y1, dinv, W2p, b1.reshape(1, HID))

    acc2 = _agg128(y2, srcp, dstp, zc)

    mu_p, lv_p = pl.pallas_call(
        _t3_body,
        grid=(_GRID,),
        in_specs=[
            pl.BlockSpec((NC, _BR, HID), lambda i: (0, i, 0)),
            pl.BlockSpec((_BR, HID), lambda i: (i, 0)),
            pl.BlockSpec((_BR, 1), lambda i: (i, 0)),
            pl.BlockSpec((HID, LATENT), lambda i: (0, 0)),
            pl.BlockSpec((HID, LATENT), lambda i: (0, 0)),
            pl.BlockSpec((1, HID), lambda i: (0, 0)),
            pl.BlockSpec((1, LATENT), lambda i: (0, 0)),
            pl.BlockSpec((1, LATENT), lambda i: (0, 0)),
        ],
        out_specs=[
            pl.BlockSpec((_BR, LATENT), lambda i: (i, 0)),
            pl.BlockSpec((_BR, LATENT), lambda i: (i, 0)),
        ],
        out_shape=[
            jax.ShapeDtypeStruct((NP, LATENT), jnp.float32),
            jax.ShapeDtypeStruct((NP, LATENT), jnp.float32),
        ],
    )(acc2, y2, dinv,
      jnp.pad(Wm, ((0, HID - LATENT), (0, 0))),
      jnp.pad(Wl, ((0, HID - LATENT), (0, 0))),
      jnp.pad(b2, (0, HID - LATENT)).reshape(1, HID),
      bm.reshape(1, LATENT), bl.reshape(1, LATENT))

    adj = pl.pallas_call(
        _dec_body,
        grid=(N // _DB + 1, N // _DB + 1),
        in_specs=[
            pl.BlockSpec((_DB, LATENT), lambda i, j: (i, 0)),
            pl.BlockSpec((_DB, LATENT), lambda i, j: (j, 0)),
        ],
        out_specs=pl.BlockSpec((_DB, _DB), lambda i, j: (i, j)),
        out_shape=jax.ShapeDtypeStruct((N, N), jnp.float32),
    )(mu_p, mu_p)

    return (adj, mu_p[:N], lv_p[:N])

# --- scband reference (transcript-rebuilt; emitter-appended) ---
"""Pipeline reference for scband-graph-vae-9740985827608 (READ-ONLY COPY).

The authoritative reference and input builder live on the scoring server;
editing this copy changes nothing except your own understanding.
"""

import jax, jax.numpy as jnp
import numpy as np

N = 10000
E = 160000
D_IN = 128
LATENT = 64
HID = LATENT * 2


def setup_inputs(seed: int = 0) -> dict:
    key = jax.random.key(seed)
    ks = jax.random.split(key, 12)
    x = jax.random.normal(ks[0], (N, D_IN), dtype=jnp.float32)
    edge_index = jax.random.randint(ks[1], (2, E), 0, N, dtype=jnp.int32)
    W1 = jax.random.normal(ks[2], (D_IN, HID), dtype=jnp.float32) * 0.05
    b1 = jnp.zeros((HID,), dtype=jnp.float32)
    W2 = jax.random.normal(ks[3], (HID, LATENT), dtype=jnp.float32) * 0.05
    b2 = jnp.zeros((LATENT,), dtype=jnp.float32)
    Wm = jax.random.normal(ks[4], (LATENT, LATENT), dtype=jnp.float32) * 0.05
    bm = jnp.zeros((LATENT,), dtype=jnp.float32)
    Wl = jax.random.normal(ks[5], (LATENT, LATENT), dtype=jnp.float32) * 0.05
    bl = jnp.zeros((LATENT,), dtype=jnp.float32)
    return {"x": x, "edge_index": edge_index, "W1": W1, "b1": b1, "W2": W2, "b2": b2, "Wm": Wm, "bm": bm, "Wl": Wl, "bl": bl}


def _gcn_conv(x, src, dst, W, b):
    # PyG GCNConv: x' = D^{-1/2} (A+I) D^{-1/2} X W + b (self loops already in src/dst)
    deg = jnp.zeros((N,), dtype=jnp.float32).at[dst].add(1.0)
    dinv = jnp.where(deg > 0, jax.lax.rsqrt(deg), 0.0)
    norm = dinv[src] * dinv[dst]
    xw = x @ W
    msg = xw[src] * norm[:, None]
    out = jnp.zeros((N, W.shape[1]), dtype=jnp.float32).at[dst].add(msg)
    return out + b


def reference(x, edge_index, W1, b1, W2, b2, Wm, bm, Wl, bl):
    loop = jnp.arange(N, dtype=edge_index.dtype)
    # GraphVAE.forward adds self loops once, then each GCNConv adds them again
    fsrc = jnp.concatenate([edge_index[0], loop, loop])
    fdst = jnp.concatenate([edge_index[1], loop, loop])
    h = jax.nn.relu(_gcn_conv(x, fsrc, fdst, W1, b1))
    h = _gcn_conv(h, fsrc, fdst, W2, b2)
    mu = h @ Wm + bm
    logvar = h @ Wl + bl
    z = mu  # eval mode: reparameterize returns mu
    adj = jax.nn.sigmoid(z @ z.T)
    return (adj, mu, logvar)

if __name__ == "__main__":
    import jax
    _d = setup_inputs()
    print(jax.jit(kernel)(*tuple(_d.values())))

</pallas_src>

<mosaic_0001>
#map = affine_map<(d0, d1) -> (0, 0)>
#map1 = affine_map<(d0, d1) -> (0)>
#map2 = affine_map<(d0, d1) -> (0, 0, 0)>
module attributes {stable_mosaic.version = 14 : i64} {
  func.func @_agg_body(%arg0: i32, %arg1: i32, %arg2: memref<10240x128xf32, #tpu.memory_space<hbm>>, %arg3: memref<163840xi32, #tpu.memory_space<hbm>>, %arg4: memref<163840xi32, #tpu.memory_space<hbm>>, %arg5: memref<128x128xf32, #tpu.memory_space<hbm>>, %arg6: memref<2x10240x128xf32, #tpu.memory_space<hbm>>, %arg7: memref<128xi32, #tpu.memory_space<vmem>>, %arg8: memref<128xi32, #tpu.memory_space<vmem>>, %arg9: memref<128xi32, #tpu.memory_space<vmem>>, %arg10: memref<128xi32, #tpu.memory_space<vmem>>, %arg11: memref<128x128xf32, #tpu.memory_space<vmem>>, %arg12: memref<128x128xf32, #tpu.memory_space<vmem>>, %arg13: memref<10240x128xf32, #tpu.memory_space<vmem_shared>>, %arg14: memref<!tpu.dma_semaphore, #tpu.memory_space<semaphore_mem>>, %arg15: memref<!tpu.dma_semaphore, #tpu.memory_space<semaphore_mem>>) attributes {dimension_semantics = [#tpu.dimension_semantics<core_parallel>, #tpu.dimension_semantics<subcore_parallel>], iteration_bounds = array<i64: 2, 16>, scalar_prefetch = 0 : i64, scratch_operands = 9 : i64, tpu.core_type = #tpu.core_type<sc_vector_subcore>, window_params = [{transform_indices = #map}, {transform_indices = #map1}, {transform_indices = #map1}, {transform_indices = #map}, {transform_indices = #map2}]} {
    "tpu.region"() ({
      %run_scoped3A = tpu.sem_alloc : memref<!tpu.dma_semaphore, #tpu.memory_space<semaphore_mem>>
      tpu.enqueue_dma source(%arg5 : memref<128x128xf32, #tpu.memory_space<hbm>>) target(%arg11 : memref<128x128xf32, #tpu.memory_space<vmem>>) target_semaphore(%run_scoped3A : memref<!tpu.dma_semaphore, #tpu.memory_space<semaphore_mem>>)
      tpu.wait_dma2 semaphore(%run_scoped3A : memref<!tpu.dma_semaphore, #tpu.memory_space<semaphore_mem>>) src(%arg5 : memref<128x128xf32, #tpu.memory_space<hbm>>) dst(%arg11 : memref<128x128xf32, #tpu.memory_space<vmem>>)
      tpu.yield
    }) : () -> ()
    %mul3A = arith.constant 640 : i32
    %mul3A_0 = arith.muli %arg1, %mul3A : i32
    %add3A = arith.constant 0 : i32
    %add3A_1 = arith.addi %mul3A_0, %add3A : i32
    "tpu.region"() ({
      %run_scoped3A = tpu.sem_alloc : memref<!tpu.dma_semaphore, #tpu.memory_space<semaphore_mem>>
      %dma_start3A = arith.constant 0 : i32
      %dma_start3A_77 = tpu.memref_slice %arg13[%add3A_1, %dma_start3A] : memref<10240x128xf32, #tpu.memory_space<vmem_shared>> -> memref<128x128xf32, #tpu.memory_space<vmem_shared>>
      %dma_start3A_78 = arith.constant 0 : i32
      %dma_start3A_79 = tpu.memref_slice %arg13[%add3A_1, %dma_start3A_78] : memref<10240x128xf32, #tpu.memory_space<vmem_shared>> -> memref<128x128xf32, #tpu.memory_space<vmem_shared>>
      tpu.enqueue_dma source(%arg11 : memref<128x128xf32, #tpu.memory_space<vmem>>) target(%dma_start3A_79 : memref<128x128xf32, #tpu.memory_space<vmem_shared>>) target_semaphore(%run_scoped3A : memref<!tpu.dma_semaphore, #tpu.memory_space<semaphore_mem>>)
      %dma_wait3A = arith.constant 0 : i32
      %dma_wait3A_80 = tpu.memref_slice %arg13[%add3A_1, %dma_wait3A] : memref<10240x128xf32, #tpu.memory_space<vmem_shared>> -> memref<128x128xf32, #tpu.memory_space<vmem_shared>>
      %dma_wait3A_81 = arith.constant 0 : i32
      %dma_wait3A_82 = tpu.memref_slice %arg13[%add3A_1, %dma_wait3A_81] : memref<10240x128xf32, #tpu.memory_space<vmem_shared>> -> memref<128x128xf32, #tpu.memory_space<vmem_shared>>
      tpu.wait_dma2 semaphore(%run_scoped3A : memref<!tpu.dma_semaphore, #tpu.memory_space<semaphore_mem>>) src(%arg11 : memref<128x128xf32, #tpu.memory_space<vmem>>) dst(%dma_wait3A_82 : memref<128x128xf32, #tpu.memory_space<vmem_shared>>)
      tpu.yield
    }) : () -> ()
    %mul3A_2 = arith.constant 640 : i32
    %mul3A_3 = arith.muli %arg1, %mul3A_2 : i32
    %add3A_4 = arith.constant 128 : i32
    %add3A_5 = arith.addi %mul3A_3, %add3A_4 : i32
    "tpu.region"() ({
      %run_scoped3A = tpu.sem_alloc : memref<!tpu.dma_semaphore, #tpu.memory_space<semaphore_mem>>
      %dma_start3A = arith.constant 0 : i32
      %dma_start3A_77 = tpu.memref_slice %arg13[%add3A_5, %dma_start3A] : memref<10240x128xf32, #tpu.memory_space<vmem_shared>> -> memref<128x128xf32, #tpu.memory_space<vmem_shared>>
      %dma_start3A_78 = arith.constant 0 : i32
      %dma_start3A_79 = tpu.memref_slice %arg13[%add3A_5, %dma_start3A_78] : memref<10240x128xf32, #tpu.memory_space<vmem_shared>> -> memref<128x128xf32, #tpu.memory_space<vmem_shared>>
      tpu.enqueue_dma source(%arg11 : memref<128x128xf32, #tpu.memory_space<vmem>>) target(%dma_start3A_79 : memref<128x128xf32, #tpu.memory_space<vmem_shared>>) target_semaphore(%run_scoped3A : memref<!tpu.dma_semaphore, #tpu.memory_space<semaphore_mem>>)
      %dma_wait3A = arith.constant 0 : i32
      %dma_wait3A_80 = tpu.memref_slice %arg13[%add3A_5, %dma_wait3A] : memref<10240x128xf32, #tpu.memory_space<vmem_shared>> -> memref<128x128xf32, #tpu.memory_space<vmem_shared>>
      %dma_wait3A_81 = arith.constant 0 : i32
      %dma_wait3A_82 = tpu.memref_slice %arg13[%add3A_5, %dma_wait3A_81] : memref<10240x128xf32, #tpu.memory_space<vmem_shared>> -> memref<128x128xf32, #tpu.memory_space<vmem_shared>>
      tpu.wait_dma2 semaphore(%run_scoped3A : memref<!tpu.dma_semaphore, #tpu.memory_space<semaphore_mem>>) src(%arg11 : memref<128x128xf32, #tpu.memory_space<vmem>>) dst(%dma_wait3A_82 : memref<128x128xf32, #tpu.memory_space<vmem_shared>>)
      tpu.yield
    }) : () -> ()
    %mul3A_6 = arith.constant 640 : i32
    %mul3A_7 = arith.muli %arg1, %mul3A_6 : i32
    %add3A_8 = arith.constant 256 : i32
    %add3A_9 = arith.addi %mul3A_7, %add3A_8 : i32
    "tpu.region"() ({
      %run_scoped3A = tpu.sem_alloc : memref<!tpu.dma_semaphore, #tpu.memory_space<semaphore_mem>>
      %dma_start3A = arith.constant 0 : i32
      %dma_start3A_77 = tpu.memref_slice %arg13[%add3A_9, %dma_start3A] : memref<10240x128xf32, #tpu.memory_space<vmem_shared>> -> memref<128x128xf32, #tpu.memory_space<vmem_shared>>
      %dma_start3A_78 = arith.constant 0 : i32
      %dma_start3A_79 = tpu.memref_slice %arg13[%add3A_9, %dma_start3A_78] : memref<10240x128xf32, #tpu.memory_space<vmem_shared>> -> memref<128x128xf32, #tpu.memory_space<vmem_shared>>
      tpu.enqueue_dma source(%arg11 : memref<128x128xf32, #tpu.memory_space<vmem>>) target(%dma_start3A_79 : memref<128x128xf32, #tpu.memory_space<vmem_shared>>) target_semaphore(%run_scoped3A : memref<!tpu.dma_semaphore, #tpu.memory_space<semaphore_mem>>)
      %dma_wait3A = arith.constant 0 : i32
      %dma_wait3A_80 = tpu.memref_slice %arg13[%add3A_9, %dma_wait3A] : memref<10240x128xf32, #tpu.memory_space<vmem_shared>> -> memref<128x128xf32, #tpu.memory_space<vmem_shared>>
      %dma_wait3A_81 = arith.constant 0 : i32
      %dma_wait3A_82 = tpu.memref_slice %arg13[%add3A_9, %dma_wait3A_81] : memref<10240x128xf32, #tpu.memory_space<vmem_shared>> -> memref<128x128xf32, #tpu.memory_space<vmem_shared>>
      tpu.wait_dma2 semaphore(%run_scoped3A : memref<!tpu.dma_semaphore, #tpu.memory_space<semaphore_mem>>) src(%arg11 : memref<128x128xf32, #tpu.memory_space<vmem>>) dst(%dma_wait3A_82 : memref<128x128xf32, #tpu.memory_space<vmem_shared>>)
      tpu.yield
    }) : () -> ()
    %mul3A_10 = arith.constant 640 : i32
    %mul3A_11 = arith.muli %arg1, %mul3A_10 : i32
    %add3A_12 = arith.constant 384 : i32
    %add3A_13 = arith.addi %mul3A_11, %add3A_12 : i32
    "tpu.region"() ({
      %run_scoped3A = tpu.sem_alloc : memref<!tpu.dma_semaphore, #tpu.memory_space<semaphore_mem>>
      %dma_start3A = arith.constant 0 : i32
      %dma_start3A_77 = tpu.memref_slice %arg13[%add3A_13, %dma_start3A] : memref<10240x128xf32, #tpu.memory_space<vmem_shared>> -> memref<128x128xf32, #tpu.memory_space<vmem_shared>>
      %dma_start3A_78 = arith.constant 0 : i32
      %dma_start3A_79 = tpu.memref_slice %arg13[%add3A_13, %dma_start3A_78] : memref<10240x128xf32, #tpu.memory_space<vmem_shared>> -> memref<128x128xf32, #tpu.memory_space<vmem_shared>>
      tpu.enqueue_dma source(%arg11 : memref<128x128xf32, #tpu.memory_space<vmem>>) target(%dma_start3A_79 : memref<128x128xf32, #tpu.memory_space<vmem_shared>>) target_semaphore(%run_scoped3A : memref<!tpu.dma_semaphore, #tpu.memory_space<semaphore_mem>>)
      %dma_wait3A = arith.constant 0 : i32
      %dma_wait3A_80 = tpu.memref_slice %arg13[%add3A_13, %dma_wait3A] : memref<10240x128xf32, #tpu.memory_space<vmem_shared>> -> memref<128x128xf32, #tpu.memory_space<vmem_shared>>
      %dma_wait3A_81 = arith.constant 0 : i32
      %dma_wait3A_82 = tpu.memref_slice %arg13[%add3A_13, %dma_wait3A_81] : memref<10240x128xf32, #tpu.memory_space<vmem_shared>> -> memref<128x128xf32, #tpu.memory_space<vmem_shared>>
      tpu.wait_dma2 semaphore(%run_scoped3A : memref<!tpu.dma_semaphore, #tpu.memory_space<semaphore_mem>>) src(%arg11 : memref<128x128xf32, #tpu.memory_space<vmem>>) dst(%dma_wait3A_82 : memref<128x128xf32, #tpu.memory_space<vmem_shared>>)
      tpu.yield
    }) : () -> ()
    %mul3A_14 = arith.constant 640 : i32
    %mul3A_15 = arith.muli %arg1, %mul3A_14 : i32
    %add3A_16 = arith.constant 512 : i32
    %add3A_17 = arith.addi %mul3A_15, %add3A_16 : i32
    "tpu.region"() ({
      %run_scoped3A = tpu.sem_alloc : memref<!tpu.dma_semaphore, #tpu.memory_space<semaphore_mem>>
      %dma_start3A = arith.constant 0 : i32
      %dma_start3A_77 = tpu.memref_slice %arg13[%add3A_17, %dma_start3A] : memref<10240x128xf32, #tpu.memory_space<vmem_shared>> -> memref<128x128xf32, #tpu.memory_space<vmem_shared>>
      %dma_start3A_78 = arith.constant 0 : i32
      %dma_start3A_79 = tpu.memref_slice %arg13[%add3A_17, %dma_start3A_78] : memref<10240x128xf32, #tpu.memory_space<vmem_shared>> -> memref<128x128xf32, #tpu.memory_space<vmem_shared>>
      tpu.enqueue_dma source(%arg11 : memref<128x128xf32, #tpu.memory_space<vmem>>) target(%dma_start3A_79 : memref<128x128xf32, #tpu.memory_space<vmem_shared>>) target_semaphore(%run_scoped3A : memref<!tpu.dma_semaphore, #tpu.memory_space<semaphore_mem>>)
      %dma_wait3A = arith.constant 0 : i32
      %dma_wait3A_80 = tpu.memref_slice %arg13[%add3A_17, %dma_wait3A] : memref<10240x128xf32, #tpu.memory_space<vmem_shared>> -> memref<128x128xf32, #tpu.memory_space<vmem_shared>>
      %dma_wait3A_81 = arith.constant 0 : i32
      %dma_wait3A_82 = tpu.memref_slice %arg13[%add3A_17, %dma_wait3A_81] : memref<10240x128xf32, #tpu.memory_space<vmem_shared>> -> memref<128x128xf32, #tpu.memory_space<vmem_shared>>
      tpu.wait_dma2 semaphore(%run_scoped3A : memref<!tpu.dma_semaphore, #tpu.memory_space<semaphore_mem>>) src(%arg11 : memref<128x128xf32, #tpu.memory_space<vmem>>) dst(%dma_wait3A_82 : memref<128x128xf32, #tpu.memory_space<vmem_shared>>)
      tpu.yield
    }) : () -> ()
    %barrier3A = arith.constant 0 : index
    tpu.barrier barrier_id(%barrier3A)
    %eq3A = arith.constant 0 : i32
    %eq3A_18 = arith.cmpi eq, %arg0, %eq3A : i32
    %mul3A_19 = arith.constant 60 : i32
    %mul3A_20 = arith.muli %arg1, %mul3A_19 : i32
    %mul3A_21 = arith.constant 20 : i32
    %mul3A_22 = arith.muli %arg1, %mul3A_21 : i32
    %add3A_23 = arith.constant 960 : i32
    %add3A_24 = arith.addi %add3A_23, %mul3A_22 : i32
    %select_n3A = arith.select %eq3A_18, %mul3A_20, %add3A_24 : i32
    %eq3A_25 = arith.constant 0 : i32
    %eq3A_26 = arith.cmpi eq, %arg0, %eq3A_25 : i32
    %jit3A = arith.constant 60 : i32
    %jit3A_27 = arith.constant 20 : i32
    %select_n3A_28 = arith.select %eq3A_26, %jit3A, %jit3A_27 : i32
    %jit3A_29 = arith.constant 2 : i32
    %div3A = arith.divsi %select_n3A_28, %jit3A_29 : i32
    %sign3A = arith.constant 0 : i32
    %sign3A_30 = arith.cmpi sgt, %select_n3A_28, %sign3A : i32
    %sign3A_31 = arith.extui %sign3A_30 : i1 to i32
    %sign3A_32 = arith.constant 0 : i32
    %sign3A_33 = arith.cmpi slt, %select_n3A_28, %sign3A_32 : i32
    %sign3A_34 = arith.extui %sign3A_33 : i1 to i32
    %sign3A_35 = arith.subi %sign3A_31, %sign3A_34 : i32
    %sign3A_36 = arith.constant 0 : i32
    %sign3A_37 = arith.cmpi sgt, %jit3A_29, %sign3A_36 : i32
    %sign3A_38 = arith.extui %sign3A_37 : i1 to i32
    %sign3A_39 = arith.constant 0 : i32
    %sign3A_40 = arith.cmpi slt, %jit3A_29, %sign3A_39 : i32
    %sign3A_41 = arith.extui %sign3A_40 : i1 to i32
    %sign3A_42 = arith.subi %sign3A_38, %sign3A_41 : i32
    %ne3A = arith.cmpi ne, %sign3A_35, %sign3A_42 : i32
    %rem3A = arith.remsi %select_n3A_28, %jit3A_29 : i32
    %ne3A_43 = arith.constant 0 : i32
    %ne3A_44 = arith.cmpi ne, %rem3A, %ne3A_43 : i32
    %and3A = arith.andi %ne3A, %ne3A_44 : i1
    %sub3A = arith.constant 1 : i32
    %sub3A_45 = arith.subi %div3A, %sub3A : i32
    %select_n3A_46 = arith.select %and3A, %sub3A_45, %div3A : i32
    %while3A = arith.constant 0 : i32
    %while3A_47 = arith.constant 0 : i32
    %while3A_48 = arith.subi %select_n3A_46, %while3A_47 : i32
    %while3A_49 = arith.addi %while3A_47, %while3A_48 : i32
    %while3A_50 = arith.constant 1 : i32
    %while3A_51 = arith.divsi %while3A_48, %while3A_50 : i32
    %while3A_52 = arith.muli %while3A_51, %while3A_50 : i32
    %while3A_53 = arith.addi %while3A_47, %while3A_52 : i32
    %while3A_54 = arith.constant 1 : i32
    scf.for %while3A_77 = %while3A_47 to %while3A_53 step %while3A_54  : i32 {
      %mul3A_78 = arith.constant 2 : i32
      %mul3A_79 = arith.muli %mul3A_78, %while3A_77 : i32
      %add3A_80 = arith.addi %select_n3A, %mul3A_79 : i32
      %mul3A_81 = arith.constant 128 : i32
      %mul3A_82 = arith.muli %add3A_80, %mul3A_81 : i32
      %add3A_83 = arith.constant 128 : i32
      %add3A_84 = arith.addi %mul3A_82, %add3A_83 : i32
      "tpu.region"() ({
        %run_scoped3A = tpu.sem_alloc : memref<!tpu.dma_semaphore, #tpu.memory_space<semaphore_mem>>
        %dma_start3A_95 = tpu.memref_slice %arg3[%mul3A_82] : memref<163840xi32, #tpu.memory_space<hbm>> -> memref<128xi32, #tpu.memory_space<hbm>>
        %dma_start3A_96 = tpu.memref_slice %arg3[%mul3A_82] : memref<163840xi32, #tpu.memory_space<hbm>> -> memref<128xi32, #tpu.memory_space<hbm>>
        tpu.enqueue_dma source(%dma_start3A_96 : memref<128xi32, #tpu.memory_space<hbm>>) target(%arg7 : memref<128xi32, #tpu.memory_space<vmem>>) target_semaphore(%run_scoped3A : memref<!tpu.dma_semaphore, #tpu.memory_space<semaphore_mem>>)
        %dma_wait3A_97 = tpu.memref_slice %arg3[%mul3A_82] : memref<163840xi32, #tpu.memory_space<hbm>> -> memref<128xi32, #tpu.memory_space<hbm>>
        %dma_wait3A_98 = tpu.memref_slice %arg3[%mul3A_82] : memref<163840xi32, #tpu.memory_space<hbm>> -> memref<128xi32, #tpu.memory_space<hbm>>
        tpu.wait_dma2 semaphore(%run_scoped3A : memref<!tpu.dma_semaphore, #tpu.memory_space<semaphore_mem>>) src(%dma_wait3A_98 : memref<128xi32, #tpu.memory_space<hbm>>) dst(%arg7 : memref<128xi32, #tpu.memory_space<vmem>>)
        tpu.yield
      }) : () -> ()
      %dma_start3A = arith.constant 0 : i32
      %dma_start3A_85 = arith.constant 0 : i32
      %dma_start3A_86 = tpu.memref_slice %arg2[%dma_start3A, %dma_start3A_85] : memref<10240x128xf32, #tpu.memory_space<hbm>> -> memref<10240x128xf32, #tpu.memory_space<hbm>>
      tpu.enqueue_indirect_dma source(%dma_start3A_86 : memref<10240x128xf32, #tpu.memory_space<hbm>>) target(%arg11 : memref<128x128xf32, #tpu.memory_space<vmem>>) offsets(%arg7 : memref<128xi32, #tpu.memory_space<vmem>>) semaphore(%arg14 : memref<!tpu.dma_semaphore, #tpu.memory_space<semaphore_mem>>)
      "tpu.region"() ({
        %run_scoped3A = tpu.sem_alloc : memref<!tpu.dma_semaphore, #tpu.memory_space<semaphore_mem>>
        %dma_start3A_95 = tpu.memref_slice %arg3[%add3A_84] : memref<163840xi32, #tpu.memory_space<hbm>> -> memref<128xi32, #tpu.memory_space<hbm>>
        %dma_start3A_96 = tpu.memref_slice %arg3[%add3A_84] : memref<163840xi32, #tpu.memory_space<hbm>> -> memref<128xi32, #tpu.memory_space<hbm>>
        tpu.enqueue_dma source(%dma_start3A_96 : memref<128xi32, #tpu.memory_space<hbm>>) target(%arg9 : memref<128xi32, #tpu.memory_space<vmem>>) target_semaphore(%run_scoped3A : memref<!tpu.dma_semaphore, #tpu.memory_space<semaphore_mem>>)
        %dma_wait3A_97 = tpu.memref_slice %arg3[%add3A_84] : memref<163840xi32, #tpu.memory_space<hbm>> -> memref<128xi32, #tpu.memory_space<hbm>>
        %dma_wait3A_98 = tpu.memref_slice %arg3[%add3A_84] : memref<163840xi32, #tpu.memory_space<hbm>> -> memref<128xi32, #tpu.memory_space<hbm>>
        tpu.wait_dma2 semaphore(%run_scoped3A : memref<!tpu.dma_semaphore, #tpu.memory_space<semaphore_mem>>) src(%dma_wait3A_98 : memref<128xi32, #tpu.memory_space<hbm>>) dst(%arg9 : memref<128xi32, #tpu.memory_space<vmem>>)
        tpu.yield
      }) : () -> ()
      %dma_start3A_87 = arith.constant 0 : i32
      %dma_start3A_88 = arith.constant 0 : i32
      %dma_start3A_89 = tpu.memref_slice %arg2[%dma_start3A_87, %dma_start3A_88] : memref<10240x128xf32, #tpu.memory_space<hbm>> -> memref<10240x128xf32, #tpu.memory_space<hbm>>
      tpu.enqueue_indirect_dma source(%dma_start3A_89 : memref<10240x128xf32, #tpu.memory_space<hbm>>) target(%arg12 : memref<128x128xf32, #tpu.memory_space<vmem>>) offsets(%arg9 : memref<128xi32, #tpu.memory_space<vmem>>) semaphore(%arg15 : memref<!tpu.dma_semaphore, #tpu.memory_space<semaphore_mem>>)
      "tpu.region"() ({
        %run_scoped3A = tpu.sem_alloc : memref<!tpu.dma_semaphore, #tpu.memory_space<semaphore_mem>>
        %dma_start3A_95 = tpu.memref_slice %arg4[%mul3A_82] : memref<163840xi32, #tpu.memory_space<hbm>> -> memref<128xi32, #tpu.memory_space<hbm>>
        %dma_start3A_96 = tpu.memref_slice %arg4[%mul3A_82] : memref<163840xi32, #tpu.memory_space<hbm>> -> memref<128xi32, #tpu.memory_space<hbm>>
        tpu.enqueue_dma source(%dma_start3A_96 : memref<128xi32, #tpu.memory_space<hbm>>) target(%arg8 : memref<128xi32, #tpu.memory_space<vmem>>) target_semaphore(%run_scoped3A : memref<!tpu.dma_semaphore, #tpu.memory_space<semaphore_mem>>)
        %dma_wait3A_97 = tpu.memref_slice %arg4[%mul3A_82] : memref<163840xi32, #tpu.memory_space<hbm>> -> memref<128xi32, #tpu.memory_space<hbm>>
        %dma_wait3A_98 = tpu.memref_slice %arg4[%mul3A_82] : memref<163840xi32, #tpu.memory_space<hbm>> -> memref<128xi32, #tpu.memory_space<hbm>>
        tpu.wait_dma2 semaphore(%run_scoped3A : memref<!tpu.dma_semaphore, #tpu.memory_space<semaphore_mem>>) src(%dma_wait3A_98 : memref<128xi32, #tpu.memory_space<hbm>>) dst(%arg8 : memref<128xi32, #tpu.memory_space<vmem>>)
        tpu.yield
      }) : () -> ()
      "tpu.region"() ({
        %run_scoped3A = tpu.sem_alloc : memref<!tpu.dma_semaphore, #tpu.memory_space<semaphore_mem>>
        %dma_start3A_95 = tpu.memref_slice %arg4[%add3A_84] : memref<163840xi32, #tpu.memory_space<hbm>> -> memref<128xi32, #tpu.memory_space<hbm>>
        %dma_start3A_96 = tpu.memref_slice %arg4[%add3A_84] : memref<163840xi32, #tpu.memory_space<hbm>> -> memref<128xi32, #tpu.memory_space<hbm>>
        tpu.enqueue_dma source(%dma_start3A_96 : memref<128xi32, #tpu.memory_space<hbm>>) target(%arg10 : memref<128xi32, #tpu.memory_space<vmem>>) target_semaphore(%run_scoped3A : memref<!tpu.dma_semaphore, #tpu.memory_space<semaphore_mem>>)
        %dma_wait3A_97 = tpu.memref_slice %arg4[%add3A_84] : memref<163840xi32, #tpu.memory_space<hbm>> -> memref<128xi32, #tpu.memory_space<hbm>>
        %dma_wait3A_98 = tpu.memref_slice %arg4[%add3A_84] : memref<163840xi32, #tpu.memory_space<hbm>> -> memref<128xi32, #tpu.memory_space<hbm>>
        tpu.wait_dma2 semaphore(%run_scoped3A : memref<!tpu.dma_semaphore, #tpu.memory_space<semaphore_mem>>) src(%dma_wait3A_98 : memref<128xi32, #tpu.memory_space<hbm>>) dst(%arg10 : memref<128xi32, #tpu.memory_space<vmem>>)
        tpu.yield
      }) : () -> ()
      %dma_wait3A = arith.constant 0 : i32
      %dma_wait3A_90 = arith.constant 0 : i32
      %dma_wait3A_91 = tpu.memref_slice %arg2[%dma_wait3A, %dma_wait3A_90] : memref<10240x128xf32, #tpu.memory_space<hbm>> -> memref<10240x128xf32, #tpu.memory_space<hbm>>
      tpu.wait_indirect_dma semaphore(%arg14 : memref<!tpu.dma_semaphore, #tpu.memory_space<semaphore_mem>>) src(%dma_wait3A_91 : memref<10240x128xf32, #tpu.memory_space<hbm>>) dst(%arg11 : memref<128x128xf32, #tpu.memory_space<vmem>>)
      "tpu.region"() ({
        %run_scoped3A = tpu.sem_alloc : memref<!tpu.dma_semaphore, #tpu.memory_space<semaphore_mem>>
        %dma_start3A_95 = arith.constant 0 : i32
        %dma_start3A_96 = arith.constant 0 : i32
        %dma_start3A_97 = tpu.memref_slice %arg13[%dma_start3A_95, %dma_start3A_96] : memref<10240x128xf32, #tpu.memory_space<vmem_shared>> -> memref<10240x128xf32, #tpu.memory_space<vmem_shared>>
        tpu.enqueue_indirect_dma source(%arg11 : memref<128x128xf32, #tpu.memory_space<vmem>>) target(%dma_start3A_97 : memref<10240x128xf32, #tpu.memory_space<vmem_shared>>) offsets(%arg8 : memref<128xi32, #tpu.memory_space<vmem>>) semaphore(%run_scoped3A : memref<!tpu.dma_semaphore, #tpu.memory_space<semaphore_mem>>) {add = true}
        %dma_wait3A_98 = arith.constant 0 : i32
        %dma_wait3A_99 = arith.constant 0 : i32
        %dma_wait3A_100 = tpu.memref_slice %arg13[%dma_wait3A_98, %dma_wait3A_99] : memref<10240x128xf32, #tpu.memory_space<vmem_shared>> -> memref<10240x128xf32, #tpu.memory_space<vmem_shared>>
        tpu.wait_indirect_dma semaphore(%run_scoped3A : memref<!tpu.dma_semaphore, #tpu.memory_space<semaphore_mem>>) src(%arg11 : memref<128x128xf32, #tpu.memory_space<vmem>>) dst(%dma_wait3A_100 : memref<10240x128xf32, #tpu.memory_space<vmem_shared>>)
        tpu.yield
      }) : () -> ()
      %dma_wait3A_92 = arith.constant 0 : i32
      %dma_wait3A_93 = arith.constant 0 : i32
      %dma_wait3A_94 = tpu.memref_slice %arg2[%dma_wait3A_92, %dma_wait3A_93] : memref<10240x128xf32, #tpu.memory_space<hbm>> -> memref<10240x128xf32, #tpu.memory_space<hbm>>
      tpu.wait_indirect_dma semaphore(%arg15 : memref<!tpu.dma_semaphore, #tpu.memory_space<semaphore_mem>>) src(%dma_wait3A_94 : memref<10240x128xf32, #tpu.memory_space<hbm>>) dst(%arg12 : memref<128x128xf32, #tpu.memory_space<vmem>>)
      "tpu.region"() ({
        %run_scoped3A = tpu.sem_alloc : memref<!tpu.dma_semaphore, #tpu.memory_space<semaphore_mem>>
        %dma_start3A_95 = arith.constant 0 : i32
        %dma_start3A_96 = arith.constant 0 : i32
        %dma_start3A_97 = tpu.memref_slice %arg13[%dma_start3A_95, %dma_start3A_96] : memref<10240x128xf32, #tpu.memory_space<vmem_shared>> -> memref<10240x128xf32, #tpu.memory_space<vmem_shared>>
        tpu.enqueue_indirect_dma source(%arg12 : memref<128x128xf32, #tpu.memory_space<vmem>>) target(%dma_start3A_97 : memref<10240x128xf32, #tpu.memory_space<vmem_shared>>) offsets(%arg10 : memref<128xi32, #tpu.memory_space<vmem>>) semaphore(%run_scoped3A : memref<!tpu.dma_semaphore, #tpu.memory_space<semaphore_mem>>) {add = true}
        %dma_wait3A_98 = arith.constant 0 : i32
        %dma_wait3A_99 = arith.constant 0 : i32
        %dma_wait3A_100 = tpu.memref_slice %arg13[%dma_wait3A_98, %dma_wait3A_99] : memref<10240x128xf32, #tpu.memory_space<vmem_shared>> -> memref<10240x128xf32, #tpu.memory_space<vmem_shared>>
        tpu.wait_indirect_dma semaphore(%run_scoped3A : memref<!tpu.dma_semaphore, #tpu.memory_space<semaphore_mem>>) src(%arg12 : memref<128x128xf32, #tpu.memory_space<vmem>>) dst(%dma_wait3A_100 : memref<10240x128xf32, #tpu.memory_space<vmem_shared>>)
        tpu.yield
      }) : () -> ()
    }
    %while3A_55 = arith.constant 1 : i32
    scf.for %while3A_77 = %while3A_53 to %while3A_49 step %while3A_55  : i32 {
      %mul3A_78 = arith.constant 2 : i32
      %mul3A_79 = arith.muli %mul3A_78, %while3A_77 : i32
      %add3A_80 = arith.addi %select_n3A, %mul3A_79 : i32
      %mul3A_81 = arith.constant 128 : i32
      %mul3A_82 = arith.muli %add3A_80, %mul3A_81 : i32
      %add3A_83 = arith.constant 128 : i32
      %add3A_84 = arith.addi %mul3A_82, %add3A_83 : i32
      "tpu.region"() ({
        %run_scoped3A = tpu.sem_alloc : memref<!tpu.dma_semaphore, #tpu.memory_space<semaphore_mem>>
        %dma_start3A_95 = tpu.memref_slice %arg3[%mul3A_82] : memref<163840xi32, #tpu.memory_space<hbm>> -> memref<128xi32, #tpu.memory_space<hbm>>
        %dma_start3A_96 = tpu.memref_slice %arg3[%mul3A_82] : memref<163840xi32, #tpu.memory_space<hbm>> -> memref<128xi32, #tpu.memory_space<hbm>>
        tpu.enqueue_dma source(%dma_start3A_96 : memref<128xi32, #tpu.memory_space<hbm>>) target(%arg7 : memref<128xi32, #tpu.memory_space<vmem>>) target_semaphore(%run_scoped3A : memref<!tpu.dma_semaphore, #tpu.memory_space<semaphore_mem>>)
        %dma_wait3A_97 = tpu.memref_slice %arg3[%mul3A_82] : memref<163840xi32, #tpu.memory_space<hbm>> -> memref<128xi32, #tpu.memory_space<hbm>>
        %dma_wait3A_98 = tpu.memref_slice %arg3[%mul3A_82] : memref<163840xi32, #tpu.memory_space<hbm>> -> memref<128xi32, #tpu.memory_space<hbm>>
        tpu.wait_dma2 semaphore(%run_scoped3A : memref<!tpu.dma_semaphore, #tpu.memory_space<semaphore_mem>>) src(%dma_wait3A_98 : memref<128xi32, #tpu.memory_space<hbm>>) dst(%arg7 : memref<128xi32, #tpu.memory_space<vmem>>)
        tpu.yield
      }) : () -> ()
      %dma_start3A = arith.constant 0 : i32
      %dma_start3A_85 = arith.constant 0 : i32
      %dma_start3A_86 = tpu.memref_slice %arg2[%dma_start3A, %dma_start3A_85] : memref<10240x128xf32, #tpu.memory_space<hbm>> -> memref<10240x128xf32, #tpu.memory_space<hbm>>
      tpu.enqueue_indirect_dma source(%dma_start3A_86 : memref<10240x128xf32, #tpu.memory_space<hbm>>) target(%arg11 : memref<128x128xf32, #tpu.memory_space<vmem>>) offsets(%arg7 : memref<128xi32, #tpu.memory_space<vmem>>) semaphore(%arg14 : memref<!tpu.dma_semaphore, #tpu.memory_space<semaphore_mem>>)
      "tpu.region"() ({
        %run_scoped3A = tpu.sem_alloc : memref<!tpu.dma_semaphore, #tpu.memory_space<semaphore_mem>>
        %dma_start3A_95 = tpu.memref_slice %arg3[%add3A_84] : memref<163840xi32, #tpu.memory_space<hbm>> -> memref<128xi32, #tpu.memory_space<hbm>>
        %dma_start3A_96 = tpu.memref_slice %arg3[%add3A_84] : memref<163840xi32, #tpu.memory_space<hbm>> -> memref<128xi32, #tpu.memory_space<hbm>>
        tpu.enqueue_dma source(%dma_start3A_96 : memref<128xi32, #tpu.memory_space<hbm>>) target(%arg9 : memref<128xi32, #tpu.memory_space<vmem>>) target_semaphore(%run_scoped3A : memref<!tpu.dma_semaphore, #tpu.memory_space<semaphore_mem>>)
        %dma_wait3A_97 = tpu.memref_slice %arg3[%add3A_84] : memref<163840xi32, #tpu.memory_space<hbm>> -> memref<128xi32, #tpu.memory_space<hbm>>
        %dma_wait3A_98 = tpu.memref_slice %arg3[%add3A_84] : memref<163840xi32, #tpu.memory_space<hbm>> -> memref<128xi32, #tpu.memory_space<hbm>>
        tpu.wait_dma2 semaphore(%run_scoped3A : memref<!tpu.dma_semaphore, #tpu.memory_space<semaphore_mem>>) src(%dma_wait3A_98 : memref<128xi32, #tpu.memory_space<hbm>>) dst(%arg9 : memref<128xi32, #tpu.memory_space<vmem>>)
        tpu.yield
      }) : () -> ()
      %dma_start3A_87 = arith.constant 0 : i32
      %dma_start3A_88 = arith.constant 0 : i32
      %dma_start3A_89 = tpu.memref_slice %arg2[%dma_start3A_87, %dma_start3A_88] : memref<10240x128xf32, #tpu.memory_space<hbm>> -> memref<10240x128xf32, #tpu.memory_space<hbm>>
      tpu.enqueue_indirect_dma source(%dma_start3A_89 : memref<10240x128xf32, #tpu.memory_space<hbm>>) target(%arg12 : memref<128x128xf32, #tpu.memory_space<vmem>>) offsets(%arg9 : memref<128xi32, #tpu.memory_space<vmem>>) semaphore(%arg15 : memref<!tpu.dma_semaphore, #tpu.memory_space<semaphore_mem>>)
      "tpu.region"() ({
        %run_scoped3A = tpu.sem_alloc : memref<!tpu.dma_semaphore, #tpu.memory_space<semaphore_mem>>
        %dma_start3A_95 = tpu.memref_slice %arg4[%mul3A_82] : memref<163840xi32, #tpu.memory_space<hbm>> -> memref<128xi32, #tpu.memory_space<hbm>>
        %dma_start3A_96 = tpu.memref_slice %arg4[%mul3A_82] : memref<163840xi32, #tpu.memory_space<hbm>> -> memref<128xi32, #tpu.memory_space<hbm>>
        tpu.enqueue_dma source(%dma_start3A_96 : memref<128xi32, #tpu.memory_space<hbm>>) target(%arg8 : memref<128xi32, #tpu.memory_space<vmem>>) target_semaphore(%run_scoped3A : memref<!tpu.dma_semaphore, #tpu.memory_space<semaphore_mem>>)
        %dma_wait3A_97 = tpu.memref_slice %arg4[%mul3A_82] : memref<163840xi32, #tpu.memory_space<hbm>> -> memref<128xi32, #tpu.memory_space<hbm>>
        %dma_wait3A_98 = tpu.memref_slice %arg4[%mul3A_82] : memref<163840xi32, #tpu.memory_space<hbm>> -> memref<128xi32, #tpu.memory_space<hbm>>
        tpu.wait_dma2 semaphore(%run_scoped3A : memref<!tpu.dma_semaphore, #tpu.memory_space<semaphore_mem>>) src(%dma_wait3A_98 : memref<128xi32, #tpu.memory_space<hbm>>) dst(%arg8 : memref<128xi32, #tpu.memory_space<vmem>>)
        tpu.yield
      }) : () -> ()
      "tpu.region"() ({
        %run_scoped3A = tpu.sem_alloc : memref<!tpu.dma_semaphore, #tpu.memory_space<semaphore_mem>>
        %dma_start3A_95 = tpu.memref_slice %arg4[%add3A_84] : memref<163840xi32, #tpu.memory_space<hbm>> -> memref<128xi32, #tpu.memory_space<hbm>>
        %dma_start3A_96 = tpu.memref_slice %arg4[%add3A_84] : memref<163840xi32, #tpu.memory_space<hbm>> -> memref<128xi32, #tpu.memory_space<hbm>>
        tpu.enqueue_dma source(%dma_start3A_96 : memref<128xi32, #tpu.memory_space<hbm>>) target(%arg10 : memref<128xi32, #tpu.memory_space<vmem>>) target_semaphore(%run_scoped3A : memref<!tpu.dma_semaphore, #tpu.memory_space<semaphore_mem>>)
        %dma_wait3A_97 = tpu.memref_slice %arg4[%add3A_84] : memref<163840xi32, #tpu.memory_space<hbm>> -> memref<128xi32, #tpu.memory_space<hbm>>
        %dma_wait3A_98 = tpu.memref_slice %arg4[%add3A_84] : memref<163840xi32, #tpu.memory_space<hbm>> -> memref<128xi32, #tpu.memory_space<hbm>>
        tpu.wait_dma2 semaphore(%run_scoped3A : memref<!tpu.dma_semaphore, #tpu.memory_space<semaphore_mem>>) src(%dma_wait3A_98 : memref<128xi32, #tpu.memory_space<hbm>>) dst(%arg10 : memref<128xi32, #tpu.memory_space<vmem>>)
        tpu.yield
      }) : () -> ()
      %dma_wait3A = arith.constant 0 : i32
      %dma_wait3A_90 = arith.constant 0 : i32
      %dma_wait3A_91 = tpu.memref_slice %arg2[%dma_wait3A, %dma_wait3A_90] : memref<10240x128xf32, #tpu.memory_space<hbm>> -> memref<10240x128xf32, #tpu.memory_space<hbm>>
      tpu.wait_indirect_dma semaphore(%arg14 : memref<!tpu.dma_semaphore, #tpu.memory_space<semaphore_mem>>) src(%dma_wait3A_91 : memref<10240x128xf32, #tpu.memory_space<hbm>>) dst(%arg11 : memref<128x128xf32, #tpu.memory_space<vmem>>)
      "tpu.region"() ({
        %run_scoped3A = tpu.sem_alloc : memref<!tpu.dma_semaphore, #tpu.memory_space<semaphore_mem>>
        %dma_start3A_95 = arith.constant 0 : i32
        %dma_start3A_96 = arith.constant 0 : i32
        %dma_start3A_97 = tpu.memref_slice %arg13[%dma_start3A_95, %dma_start3A_96] : memref<10240x128xf32, #tpu.memory_space<vmem_shared>> -> memref<10240x128xf32, #tpu.memory_space<vmem_shared>>
        tpu.enqueue_indirect_dma source(%arg11 : memref<128x128xf32, #tpu.memory_space<vmem>>) target(%dma_start3A_97 : memref<10240x128xf32, #tpu.memory_space<vmem_shared>>) offsets(%arg8 : memref<128xi32, #tpu.memory_space<vmem>>) semaphore(%run_scoped3A : memref<!tpu.dma_semaphore, #tpu.memory_space<semaphore_mem>>) {add = true}
        %dma_wait3A_98 = arith.constant 0 : i32
        %dma_wait3A_99 = arith.constant 0 : i32
        %dma_wait3A_100 = tpu.memref_slice %arg13[%dma_wait3A_98, %dma_wait3A_99] : memref<10240x128xf32, #tpu.memory_space<vmem_shared>> -> memref<10240x128xf32, #tpu.memory_space<vmem_shared>>
        tpu.wait_indirect_dma semaphore(%run_scoped3A : memref<!tpu.dma_semaphore, #tpu.memory_space<semaphore_mem>>) src(%arg11 : memref<128x128xf32, #tpu.memory_space<vmem>>) dst(%dma_wait3A_100 : memref<10240x128xf32, #tpu.memory_space<vmem_shared>>)
        tpu.yield
      }) : () -> ()
      %dma_wait3A_92 = arith.constant 0 : i32
      %dma_wait3A_93 = arith.constant 0 : i32
      %dma_wait3A_94 = tpu.memref_slice %arg2[%dma_wait3A_92, %dma_wait3A_93] : memref<10240x128xf32, #tpu.memory_space<hbm>> -> memref<10240x128xf32, #tpu.memory_space<hbm>>
      tpu.wait_indirect_dma semaphore(%arg15 : memref<!tpu.dma_semaphore, #tpu.memory_space<semaphore_mem>>) src(%dma_wait3A_94 : memref<10240x128xf32, #tpu.memory_space<hbm>>) dst(%arg12 : memref<128x128xf32, #tpu.memory_space<vmem>>)
      "tpu.region"() ({
        %run_scoped3A = tpu.sem_alloc : memref<!tpu.dma_semaphore, #tpu.memory_space<semaphore_mem>>
        %dma_start3A_95 = arith.constant 0 : i32
        %dma_start3A_96 = arith.constant 0 : i32
        %dma_start3A_97 = tpu.memref_slice %arg13[%dma_start3A_95, %dma_start3A_96] : memref<10240x128xf32, #tpu.memory_space<vmem_shared>> -> memref<10240x128xf32, #tpu.memory_space<vmem_shared>>
        tpu.enqueue_indirect_dma source(%arg12 : memref<128x128xf32, #tpu.memory_space<vmem>>) target(%dma_start3A_97 : memref<10240x128xf32, #tpu.memory_space<vmem_shared>>) offsets(%arg10 : memref<128xi32, #tpu.memory_space<vmem>>) semaphore(%run_scoped3A : memref<!tpu.dma_semaphore, #tpu.memory_space<semaphore_mem>>) {add = true}
        %dma_wait3A_98 = arith.constant 0 : i32
        %dma_wait3A_99 = arith.constant 0 : i32
        %dma_wait3A_100 = tpu.memref_slice %arg13[%dma_wait3A_98, %dma_wait3A_99] : memref<10240x128xf32, #tpu.memory_space<vmem_shared>> -> memref<10240x128xf32, #tpu.memory_space<vmem_shared>>
        tpu.wait_indirect_dma semaphore(%run_scoped3A : memref<!tpu.dma_semaphore, #tpu.memory_space<semaphore_mem>>) src(%arg12 : memref<128x128xf32, #tpu.memory_space<vmem>>) dst(%dma_wait3A_100 : memref<10240x128xf32, #tpu.memory_space<vmem_shared>>)
        tpu.yield
      }) : () -> ()
    }
    %barrier3A_56 = arith.constant 0 : index
    tpu.barrier barrier_id(%barrier3A_56)
    %mul3A_57 = arith.constant 640 : i32
    %mul3A_58 = arith.muli %arg1, %mul3A_57 : i32
    %add3A_59 = arith.constant 0 : i32
    %add3A_60 = arith.addi %mul3A_58, %add3A_59 : i32
    "tpu.region"() ({
      %run_scoped3A = tpu.sem_alloc : memref<!tpu.dma_semaphore, #tpu.memory_space<semaphore_mem>>
      %dma_start3A = arith.constant 0 : i32
      %dma_start3A_77 = tpu.memref_slice %arg13[%add3A_60, %dma_start3A] : memref<10240x128xf32, #tpu.memory_space<vmem_shared>> -> memref<128x128xf32, #tpu.memory_space<vmem_shared>>
      %dma_start3A_78 = arith.constant 0 : i32
      %dma_start3A_79 = tpu.memref_slice %arg13[%add3A_60, %dma_start3A_78] : memref<10240x128xf32, #tpu.memory_space<vmem_shared>> -> memref<128x128xf32, #tpu.memory_space<vmem_shared>>
      tpu.enqueue_dma source(%dma_start3A_79 : memref<128x128xf32, #tpu.memory_space<vmem_shared>>) target(%arg11 : memref<128x128xf32, #tpu.memory_space<vmem>>) target_semaphore(%run_scoped3A : memref<!tpu.dma_semaphore, #tpu.memory_space<semaphore_mem>>)
      %dma_wait3A = arith.constant 0 : i32
      %dma_wait3A_80 = tpu.memref_slice %arg13[%add3A_60, %dma_wait3A] : memref<10240x128xf32, #tpu.memory_space<vmem_shared>> -> memref<128x128xf32, #tpu.memory_space<vmem_shared>>
      %dma_wait3A_81 = arith.constant 0 : i32
      %dma_wait3A_82 = tpu.memref_slice %arg13[%add3A_60, %dma_wait3A_81] : memref<10240x128xf32, #tpu.memory_space<vmem_shared>> -> memref<128x128xf32, #tpu.memory_space<vmem_shared>>
      tpu.wait_dma2 semaphore(%run_scoped3A : memref<!tpu.dma_semaphore, #tpu.memory_space<semaphore_mem>>) src(%dma_wait3A_82 : memref<128x128xf32, #tpu.memory_space<vmem_shared>>) dst(%arg11 : memref<128x128xf32, #tpu.memory_space<vmem>>)
      tpu.yield
    }) : () -> ()
    "tpu.region"() ({
      %run_scoped3A = tpu.sem_alloc : memref<!tpu.dma_semaphore, #tpu.memory_space<semaphore_mem>>
      %dma_start3A = arith.constant 0 : i32
      %dma_start3A_77 = tpu.memref_slice %arg6[%arg0, %add3A_60, %dma_start3A] : memref<2x10240x128xf32, #tpu.memory_space<hbm>> -> memref<1x128x128xf32, #tpu.memory_space<hbm>>
      %dma_start3A_78 = tpu.memref_squeeze %dma_start3A_77 : memref<1x128x128xf32, #tpu.memory_space<hbm>> -> memref<128x128xf32, #tpu.memory_space<hbm>>
      %dma_start3A_79 = arith.constant 0 : i32
      %dma_start3A_80 = tpu.memref_slice %arg6[%arg0, %add3A_60, %dma_start3A_79] : memref<2x10240x128xf32, #tpu.memory_space<hbm>> -> memref<1x128x128xf32, #tpu.memory_space<hbm>>
      %dma_start3A_81 = tpu.memref_squeeze %dma_start3A_80 : memref<1x128x128xf32, #tpu.memory_space<hbm>> -> memref<128x128xf32, #tpu.memory_space<hbm>>
      tpu.enqueue_dma source(%arg11 : memref<128x128xf32, #tpu.memory_space<vmem>>) target(%dma_start3A_81 : memref<128x128xf32, #tpu.memory_space<hbm>>) target_semaphore(%run_scoped3A : memref<!tpu.dma_semaphore, #tpu.memory_space<semaphore_mem>>)
      %dma_wait3A = arith.constant 0 : i32
      %dma_wait3A_82 = tpu.memref_slice %arg6[%arg0, %add3A_60, %dma_wait3A] : memref<2x10240x128xf32, #tpu.memory_space<hbm>> -> memref<1x128x128xf32, #tpu.memory_space<hbm>>
      %dma_wait3A_83 = tpu.memref_squeeze %dma_wait3A_82 : memref<1x128x128xf32, #tpu.memory_space<hbm>> -> memref<128x128xf32, #tpu.memory_space<hbm>>
      %dma_wait3A_84 = arith.constant 0 : i32
      %dma_wait3A_85 = tpu.memref_slice %arg6[%arg0, %add3A_60, %dma_wait3A_84] : memref<2x10240x128xf32, #tpu.memory_space<hbm>> -> memref<1x128x128xf32, #tpu.memory_space<hbm>>
      %dma_wait3A_86 = tpu.memref_squeeze %dma_wait3A_85 : memref<1x128x128xf32, #tpu.memory_space<hbm>> -> memref<128x128xf32, #tpu.memory_space<hbm>>
      tpu.wait_dma2 semaphore(%run_scoped3A : memref<!tpu.dma_semaphore, #tpu.memory_space<semaphore_mem>>) src(%arg11 : memref<128x128xf32, #tpu.memory_space<vmem>>) dst(%dma_wait3A_86 : memref<128x128xf32, #tpu.memory_space<hbm>>)
      tpu.yield
    }) : () -> ()
    %mul3A_61 = arith.constant 640 : i32
    %mul3A_62 = arith.muli %arg1, %mul3A_61 : i32
    %add3A_63 = arith.constant 128 : i32
    %add3A_64 = arith.addi %mul3A_62, %add3A_63 : i32
    "tpu.region"() ({
      %run_scoped3A = tpu.sem_alloc : memref<!tpu.dma_semaphore, #tpu.memory_space<semaphore_mem>>
      %dma_start3A = arith.constant 0 : i32
      %dma_start3A_77 = tpu.memref_slice %arg13[%add3A_64, %dma_start3A] : memref<10240x128xf32, #tpu.memory_space<vmem_shared>> -> memref<128x128xf32, #tpu.memory_space<vmem_shared>>
      %dma_start3A_78 = arith.constant 0 : i32
      %dma_start3A_79 = tpu.memref_slice %arg13[%add3A_64, %dma_start3A_78] : memref<10240x128xf32, #tpu.memory_space<vmem_shared>> -> memref<128x128xf32, #tpu.memory_space<vmem_shared>>
      tpu.enqueue_dma source(%dma_start3A_79 : memref<128x128xf32, #tpu.memory_space<vmem_shared>>) target(%arg11 : memref<128x128xf32, #tpu.memory_space<vmem>>) target_semaphore(%run_scoped3A : memref<!tpu.dma_semaphore, #tpu.memory_space<semaphore_mem>>)
      %dma_wait3A = arith.constant 0 : i32
      %dma_wait3A_80 = tpu.memref_slice %arg13[%add3A_64, %dma_wait3A] : memref<10240x128xf32, #tpu.memory_space<vmem_shared>> -> memref<128x128xf32, #tpu.memory_space<vmem_shared>>
      %dma_wait3A_81 = arith.constant 0 : i32
      %dma_wait3A_82 = tpu.memref_slice %arg13[%add3A_64, %dma_wait3A_81] : memref<10240x128xf32, #tpu.memory_space<vmem_shared>> -> memref<128x128xf32, #tpu.memory_space<vmem_shared>>
      tpu.wait_dma2 semaphore(%run_scoped3A : memref<!tpu.dma_semaphore, #tpu.memory_space<semaphore_mem>>) src(%dma_wait3A_82 : memref<128x128xf32, #tpu.memory_space<vmem_shared>>) dst(%arg11 : memref<128x128xf32, #tpu.memory_space<vmem>>)
      tpu.yield
    }) : () -> ()
    "tpu.region"() ({
      %run_scoped3A = tpu.sem_alloc : memref<!tpu.dma_semaphore, #tpu.memory_space<semaphore_mem>>
      %dma_start3A = arith.constant 0 : i32
      %dma_start3A_77 = tpu.memref_slice %arg6[%arg0, %add3A_64, %dma_start3A] : memref<2x10240x128xf32, #tpu.memory_space<hbm>> -> memref<1x128x128xf32, #tpu.memory_space<hbm>>
      %dma_start3A_78 = tpu.memref_squeeze %dma_start3A_77 : memref<1x128x128xf32, #tpu.memory_space<hbm>> -> memref<128x128xf32, #tpu.memory_space<hbm>>
      %dma_start3A_79 = arith.constant 0 : i32
      %dma_start3A_80 = tpu.memref_slice %arg6[%arg0, %add3A_64, %dma_start3A_79] : memref<2x10240x128xf32, #tpu.memory_space<hbm>> -> memref<1x128x128xf32, #tpu.memory_space<hbm>>
      %dma_start3A_81 = tpu.memref_squeeze %dma_start3A_80 : memref<1x128x128xf32, #tpu.memory_space<hbm>> -> memref<128x128xf32, #tpu.memory_space<hbm>>
      tpu.enqueue_dma source(%arg11 : memref<128x128xf32, #tpu.memory_space<vmem>>) target(%dma_start3A_81 : memref<128x128xf32, #tpu.memory_space<hbm>>) target_semaphore(%run_scoped3A : memref<!tpu.dma_semaphore, #tpu.memory_space<semaphore_mem>>)
      %dma_wait3A = arith.constant 0 : i32
      %dma_wait3A_82 = tpu.memref_slice %arg6[%arg0, %add3A_64, %dma_wait3A] : memref<2x10240x128xf32, #tpu.memory_space<hbm>> -> memref<1x128x128xf32, #tpu.memory_space<hbm>>
      %dma_wait3A_83 = tpu.memref_squeeze %dma_wait3A_82 : memref<1x128x128xf32, #tpu.memory_space<hbm>> -> memref<128x128xf32, #tpu.memory_space<hbm>>
      %dma_wait3A_84 = arith.constant 0 : i32
      %dma_wait3A_85 = tpu.memref_slice %arg6[%arg0, %add3A_64, %dma_wait3A_84] : memref<2x10240x128xf32, #tpu.memory_space<hbm>> -> memref<1x128x128xf32, #tpu.memory_space<hbm>>
      %dma_wait3A_86 = tpu.memref_squeeze %dma_wait3A_85 : memref<1x128x128xf32, #tpu.memory_space<hbm>> -> memref<128x128xf32, #tpu.memory_space<hbm>>
      tpu.wait_dma2 semaphore(%run_scoped3A : memref<!tpu.dma_semaphore, #tpu.memory_space<semaphore_mem>>) src(%arg11 : memref<128x128xf32, #tpu.memory_space<vmem>>) dst(%dma_wait3A_86 : memref<128x128xf32, #tpu.memory_space<hbm>>)
      tpu.yield
    }) : () -> ()
    %mul3A_65 = arith.constant 640 : i32
    %mul3A_66 = arith.muli %arg1, %mul3A_65 : i32
    %add3A_67 = arith.constant 256 : i32
    %add3A_68 = arith.addi %mul3A_66, %add3A_67 : i32
    "tpu.region"() ({
      %run_scoped3A = tpu.sem_alloc : memref<!tpu.dma_semaphore, #tpu.memory_space<semaphore_mem>>
      %dma_start3A = arith.constant 0 : i32
      %dma_start3A_77 = tpu.memref_slice %arg13[%add3A_68, %dma_start3A] : memref<10240x128xf32, #tpu.memory_space<vmem_shared>> -> memref<128x128xf32, #tpu.memory_space<vmem_shared>>
      %dma_start3A_78 = arith.constant 0 : i32
      %dma_start3A_79 = tpu.memref_slice %arg13[%add3A_68, %dma_start3A_78] : memref<10240x128xf32, #tpu.memory_space<vmem_shared>> -> memref<128x128xf32, #tpu.memory_space<vmem_shared>>
      tpu.enqueue_dma source(%dma_start3A_79 : memref<128x128xf32, #tpu.memory_space<vmem_shared>>) target(%arg11 : memref<128x128xf32, #tpu.memory_space<vmem>>) target_semaphore(%run_scoped3A : memref<!tpu.dma_semaphore, #tpu.memory_space<semaphore_mem>>)
      %dma_wait3A = arith.constant 0 : i32
      %dma_wait3A_80 = tpu.memref_slice %arg13[%add3A_68, %dma_wait3A] : memref<10240x128xf32, #tpu.memory_space<vmem_shared>> -> memref<128x128xf32, #tpu.memory_space<vmem_shared>>
      %dma_wait3A_81 = arith.constant 0 : i32
      %dma_wait3A_82 = tpu.memref_slice %arg13[%add3A_68, %dma_wait3A_81] : memref<10240x128xf32, #tpu.memory_space<vmem_shared>> -> memref<128x128xf32, #tpu.memory_space<vmem_shared>>
      tpu.wait_dma2 semaphore(%run_scoped3A : memref<!tpu.dma_semaphore, #tpu.memory_space<semaphore_mem>>) src(%dma_wait3A_82 : memref<128x128xf32, #tpu.memory_space<vmem_shared>>) dst(%arg11 : memref<128x128xf32, #tpu.memory_space<vmem>>)
      tpu.yield
    }) : () -> ()
    "tpu.region"() ({
      %run_scoped3A = tpu.sem_alloc : memref<!tpu.dma_semaphore, #tpu.memory_space<semaphore_mem>>
      %dma_start3A = arith.constant 0 : i32
      %dma_start3A_77 = tpu.memref_slice %arg6[%arg0, %add3A_68, %dma_start3A] : memref<2x10240x128xf32, #tpu.memory_space<hbm>> -> memref<1x128x128xf32, #tpu.memory_space<hbm>>
      %dma_start3A_78 = tpu.memref_squeeze %dma_start3A_77 : memref<1x128x128xf32, #tpu.memory_space<hbm>> -> memref<128x128xf32, #tpu.memory_space<hbm>>
      %dma_start3A_79 = arith.constant 0 : i32
      %dma_start3A_80 = tpu.memref_slice %arg6[%arg0, %add3A_68, %dma_start3A_79] : memref<2x10240x128xf32, #tpu.memory_space<hbm>> -> memref<1x128x128xf32, #tpu.memory_space<hbm>>
      %dma_start3A_81 = tpu.memref_squeeze %dma_start3A_80 : memref<1x128x128xf32, #tpu.memory_space<hbm>> -> memref<128x128xf32, #tpu.memory_space<hbm>>
      tpu.enqueue_dma source(%arg11 : memref<128x128xf32, #tpu.memory_space<vmem>>) target(%dma_start3A_81 : memref<128x128xf32, #tpu.memory_space<hbm>>) target_semaphore(%run_scoped3A : memref<!tpu.dma_semaphore, #tpu.memory_space<semaphore_mem>>)
      %dma_wait3A = arith.constant 0 : i32
      %dma_wait3A_82 = tpu.memref_slice %arg6[%arg0, %add3A_68, %dma_wait3A] : memref<2x10240x128xf32, #tpu.memory_space<hbm>> -> memref<1x128x128xf32, #tpu.memory_space<hbm>>
      %dma_wait3A_83 = tpu.memref_squeeze %dma_wait3A_82 : memref<1x128x128xf32, #tpu.memory_space<hbm>> -> memref<128x128xf32, #tpu.memory_space<hbm>>
      %dma_wait3A_84 = arith.constant 0 : i32
      %dma_wait3A_85 = tpu.memref_slice %arg6[%arg0, %add3A_68, %dma_wait3A_84] : memref<2x10240x128xf32, #tpu.memory_space<hbm>> -> memref<1x128x128xf32, #tpu.memory_space<hbm>>
      %dma_wait3A_86 = tpu.memref_squeeze %dma_wait3A_85 : memref<1x128x128xf32, #tpu.memory_space<hbm>> -> memref<128x128xf32, #tpu.memory_space<hbm>>
      tpu.wait_dma2 semaphore(%run_scoped3A : memref<!tpu.dma_semaphore, #tpu.memory_space<semaphore_mem>>) src(%arg11 : memref<128x128xf32, #tpu.memory_space<vmem>>) dst(%dma_wait3A_86 : memref<128x128xf32, #tpu.memory_space<hbm>>)
      tpu.yield
    }) : () -> ()
    %mul3A_69 = arith.constant 640 : i32
    %mul3A_70 = arith.muli %arg1, %mul3A_69 : i32
    %add3A_71 = arith.constant 384 : i32
    %add3A_72 = arith.addi %mul3A_70, %add3A_71 : i32
    "tpu.region"() ({
      %run_scoped3A = tpu.sem_alloc : memref<!tpu.dma_semaphore, #tpu.memory_space<semaphore_mem>>
      %dma_start3A = arith.constant 0 : i32
      %dma_start3A_77 = tpu.memref_slice %arg13[%add3A_72, %dma_start3A] : memref<10240x128xf32, #tpu.memory_space<vmem_shared>> -> memref<128x128xf32, #tpu.memory_space<vmem_shared>>
      %dma_start3A_78 = arith.constant 0 : i32
      %dma_start3A_79 = tpu.memref_slice %arg13[%add3A_72, %dma_start3A_78] : memref<10240x128xf32, #tpu.memory_space<vmem_shared>> -> memref<128x128xf32, #tpu.memory_space<vmem_shared>>
      tpu.enqueue_dma source(%dma_start3A_79 : memref<128x128xf32, #tpu.memory_space<vmem_shared>>) target(%arg11 : memref<128x128xf32, #tpu.memory_space<vmem>>) target_semaphore(%run_scoped3A : memref<!tpu.dma_semaphore, #tpu.memory_space<semaphore_mem>>)
      %dma_wait3A = arith.constant 0 : i32
      %dma_wait3A_80 = tpu.memref_slice %arg13[%add3A_72, %dma_wait3A] : memref<10240x128xf32, #tpu.memory_space<vmem_shared>> -> memref<128x128xf32, #tpu.memory_space<vmem_shared>>
      %dma_wait3A_81 = arith.constant 0 : i32
      %dma_wait3A_82 = tpu.memref_slice %arg13[%add3A_72, %dma_wait3A_81] : memref<10240x128xf32, #tpu.memory_space<vmem_shared>> -> memref<128x128xf32, #tpu.memory_space<vmem_shared>>
      tpu.wait_dma2 semaphore(%run_scoped3A : memref<!tpu.dma_semaphore, #tpu.memory_space<semaphore_mem>>) src(%dma_wait3A_82 : memref<128x128xf32, #tpu.memory_space<vmem_shared>>) dst(%arg11 : memref<128x128xf32, #tpu.memory_space<vmem>>)
      tpu.yield
    }) : () -> ()
    "tpu.region"() ({
      %run_scoped3A = tpu.sem_alloc : memref<!tpu.dma_semaphore, #tpu.memory_space<semaphore_mem>>
      %dma_start3A = arith.constant 0 : i32
      %dma_start3A_77 = tpu.memref_slice %arg6[%arg0, %add3A_72, %dma_start3A] : memref<2x10240x128xf32, #tpu.memory_space<hbm>> -> memref<1x128x128xf32, #tpu.memory_space<hbm>>
      %dma_start3A_78 = tpu.memref_squeeze %dma_start3A_77 : memref<1x128x128xf32, #tpu.memory_space<hbm>> -> memref<128x128xf32, #tpu.memory_space<hbm>>
      %dma_start3A_79 = arith.constant 0 : i32
      %dma_start3A_80 = tpu.memref_slice %arg6[%arg0, %add3A_72, %dma_start3A_79] : memref<2x10240x128xf32, #tpu.memory_space<hbm>> -> memref<1x128x128xf32, #tpu.memory_space<hbm>>
      %dma_start3A_81 = tpu.memref_squeeze %dma_start3A_80 : memref<1x128x128xf32, #tpu.memory_space<hbm>> -> memref<128x128xf32, #tpu.memory_space<hbm>>
      tpu.enqueue_dma source(%arg11 : memref<128x128xf32, #tpu.memory_space<vmem>>) target(%dma_start3A_81 : memref<128x128xf32, #tpu.memory_space<hbm>>) target_semaphore(%run_scoped3A : memref<!tpu.dma_semaphore, #tpu.memory_space<semaphore_mem>>)
      %dma_wait3A = arith.constant 0 : i32
      %dma_wait3A_82 = tpu.memref_slice %arg6[%arg0, %add3A_72, %dma_wait3A] : memref<2x10240x128xf32, #tpu.memory_space<hbm>> -> memref<1x128x128xf32, #tpu.memory_space<hbm>>
      %dma_wait3A_83 = tpu.memref_squeeze %dma_wait3A_82 : memref<1x128x128xf32, #tpu.memory_space<hbm>> -> memref<128x128xf32, #tpu.memory_space<hbm>>
      %dma_wait3A_84 = arith.constant 0 : i32
      %dma_wait3A_85 = tpu.memref_slice %arg6[%arg0, %add3A_72, %dma_wait3A_84] : memref<2x10240x128xf32, #tpu.memory_space<hbm>> -> memref<1x128x128xf32, #tpu.memory_space<hbm>>
      %dma_wait3A_86 = tpu.memref_squeeze %dma_wait3A_85 : memref<1x128x128xf32, #tpu.memory_space<hbm>> -> memref<128x128xf32, #tpu.memory_space<hbm>>
      tpu.wait_dma2 semaphore(%run_scoped3A : memref<!tpu.dma_semaphore, #tpu.memory_space<semaphore_mem>>) src(%arg11 : memref<128x128xf32, #tpu.memory_space<vmem>>) dst(%dma_wait3A_86 : memref<128x128xf32, #tpu.memory_space<hbm>>)
      tpu.yield
    }) : () -> ()
    %mul3A_73 = arith.constant 640 : i32
    %mul3A_74 = arith.muli %arg1, %mul3A_73 : i32
    %add3A_75 = arith.constant 512 : i32
    %add3A_76 = arith.addi %mul3A_74, %add3A_75 : i32
    "tpu.region"() ({
      %run_scoped3A = tpu.sem_alloc : memref<!tpu.dma_semaphore, #tpu.memory_space<semaphore_mem>>
      %dma_start3A = arith.constant 0 : i32
      %dma_start3A_77 = tpu.memref_slice %arg13[%add3A_76, %dma_start3A] : memref<10240x128xf32, #tpu.memory_space<vmem_shared>> -> memref<128x128xf32, #tpu.memory_space<vmem_shared>>
      %dma_start3A_78 = arith.constant 0 : i32
      %dma_start3A_79 = tpu.memref_slice %arg13[%add3A_76, %dma_start3A_78] : memref<10240x128xf32, #tpu.memory_space<vmem_shared>> -> memref<128x128xf32, #tpu.memory_space<vmem_shared>>
      tpu.enqueue_dma source(%dma_start3A_79 : memref<128x128xf32, #tpu.memory_space<vmem_shared>>) target(%arg11 : memref<128x128xf32, #tpu.memory_space<vmem>>) target_semaphore(%run_scoped3A : memref<!tpu.dma_semaphore, #tpu.memory_space<semaphore_mem>>)
      %dma_wait3A = arith.constant 0 : i32
      %dma_wait3A_80 = tpu.memref_slice %arg13[%add3A_76, %dma_wait3A] : memref<10240x128xf32, #tpu.memory_space<vmem_shared>> -> memref<128x128xf32, #tpu.memory_space<vmem_shared>>
      %dma_wait3A_81 = arith.constant 0 : i32
      %dma_wait3A_82 = tpu.memref_slice %arg13[%add3A_76, %dma_wait3A_81] : memref<10240x128xf32, #tpu.memory_space<vmem_shared>> -> memref<128x128xf32, #tpu.memory_space<vmem_shared>>
      tpu.wait_dma2 semaphore(%run_scoped3A : memref<!tpu.dma_semaphore, #tpu.memory_space<semaphore_mem>>) src(%dma_wait3A_82 : memref<128x128xf32, #tpu.memory_space<vmem_shared>>) dst(%arg11 : memref<128x128xf32, #tpu.memory_space<vmem>>)
      tpu.yield
    }) : () -> ()
    "tpu.region"() ({
      %run_scoped3A = tpu.sem_alloc : memref<!tpu.dma_semaphore, #tpu.memory_space<semaphore_mem>>
      %dma_start3A = arith.constant 0 : i32
      %dma_start3A_77 = tpu.memref_slice %arg6[%arg0, %add3A_76, %dma_start3A] : memref<2x10240x128xf32, #tpu.memory_space<hbm>> -> memref<1x128x128xf32, #tpu.memory_space<hbm>>
      %dma_start3A_78 = tpu.memref_squeeze %dma_start3A_77 : memref<1x128x128xf32, #tpu.memory_space<hbm>> -> memref<128x128xf32, #tpu.memory_space<hbm>>
      %dma_start3A_79 = arith.constant 0 : i32
      %dma_start3A_80 = tpu.memref_slice %arg6[%arg0, %add3A_76, %dma_start3A_79] : memref<2x10240x128xf32, #tpu.memory_space<hbm>> -> memref<1x128x128xf32, #tpu.memory_space<hbm>>
      %dma_start3A_81 = tpu.memref_squeeze %dma_start3A_80 : memref<1x128x128xf32, #tpu.memory_space<hbm>> -> memref<128x128xf32, #tpu.memory_space<hbm>>
      tpu.enqueue_dma source(%arg11 : memref<128x128xf32, #tpu.memory_space<vmem>>) target(%dma_start3A_81 : memref<128x128xf32, #tpu.memory_space<hbm>>) target_semaphore(%run_scoped3A : memref<!tpu.dma_semaphore, #tpu.memory_space<semaphore_mem>>)
      %dma_wait3A = arith.constant 0 : i32
      %dma_wait3A_82 = tpu.memref_slice %arg6[%arg0, %add3A_76, %dma_wait3A] : memref<2x10240x128xf32, #tpu.memory_space<hbm>> -> memref<1x128x128xf32, #tpu.memory_space<hbm>>
      %dma_wait3A_83 = tpu.memref_squeeze %dma_wait3A_82 : memref<1x128x128xf32, #tpu.memory_space<hbm>> -> memref<128x128xf32, #tpu.memory_space<hbm>>
      %dma_wait3A_84 = arith.constant 0 : i32
      %dma_wait3A_85 = tpu.memref_slice %arg6[%arg0, %add3A_76, %dma_wait3A_84] : memref<2x10240x128xf32, #tpu.memory_space<hbm>> -> memref<1x128x128xf32, #tpu.memory_space<hbm>>
      %dma_wait3A_86 = tpu.memref_squeeze %dma_wait3A_85 : memref<1x128x128xf32, #tpu.memory_space<hbm>> -> memref<128x128xf32, #tpu.memory_space<hbm>>
      tpu.wait_dma2 semaphore(%run_scoped3A : memref<!tpu.dma_semaphore, #tpu.memory_space<semaphore_mem>>) src(%arg11 : memref<128x128xf32, #tpu.memory_space<vmem>>) dst(%dma_wait3A_86 : memref<128x128xf32, #tpu.memory_space<hbm>>)
      tpu.yield
    }) : () -> ()
    return
  }
}

#map = affine_map<(d0, d1) -> (0, 0, 0)>
#map1 = affine_map<(d0, d1) -> (0, 0)>
module attributes {stable_mosaic.version = 14 : i64} {
  func.func @_hist_body(%arg0: i32, %arg1: i32, %arg2: memref<32x42x128xi32, #tpu.memory_space<hbm>>, %arg3: memref<128x128xf32, #tpu.memory_space<hbm>>, %arg4: memref<128x128xf32, #tpu.memory_space<hbm>>, %arg5: memref<2x10240x128xf32, #tpu.memory_space<hbm>>, %arg6: memref<42x128xi32, #tpu.memory_space<vmem>>, %arg7: memref<128x128xf32, #tpu.memory_space<vmem>>, %arg8: memref<128x128xf32, #tpu.memory_space<vmem>>, %arg9: memref<10240x128xf32, #tpu.memory_space<vmem_shared>>, %arg10: memref<!tpu.dma_semaphore, #tpu.memory_space<semaphore_mem>>) attributes {dimension_semantics = [#tpu.dimension_semantics<core_parallel>, #tpu.dimension_semantics<subcore_parallel>], iteration_bounds = array<i64: 2, 16>, scalar_prefetch = 0 : i64, scratch_operands = 5 : i64, tpu.core_type = #tpu.core_type<sc_vector_subcore>, window_params = [{transform_indices = #map}, {transform_indices = #map1}, {transform_indices = #map1}, {transform_indices = #map}]} {
    %mul3A = arith.constant 2 : i32
    %mul3A_0 = arith.muli %arg1, %mul3A : i32
    %add3A = arith.addi %mul3A_0, %arg0 : i32
    "tpu.region"() ({
      %run_scoped3A = tpu.sem_alloc : memref<!tpu.dma_semaphore, #tpu.memory_space<semaphore_mem>>
      %dma_start3A = arith.constant 0 : i32
      %dma_start3A_47 = arith.constant 0 : i32
      %dma_start3A_48 = tpu.memref_slice %arg2[%add3A, %dma_start3A, %dma_start3A_47] : memref<32x42x128xi32, #tpu.memory_space<hbm>> -> memref<1x42x128xi32, #tpu.memory_space<hbm>>
      %dma_start3A_49 = tpu.memref_squeeze %dma_start3A_48 : memref<1x42x128xi32, #tpu.memory_space<hbm>> -> memref<42x128xi32, #tpu.memory_space<hbm>>
      %dma_start3A_50 = arith.constant 0 : i32
      %dma_start3A_51 = arith.constant 0 : i32
      %dma_start3A_52 = tpu.memref_slice %arg2[%add3A, %dma_start3A_50, %dma_start3A_51] : memref<32x42x128xi32, #tpu.memory_space<hbm>> -> memref<1x42x128xi32, #tpu.memory_space<hbm>>
      %dma_start3A_53 = tpu.memref_squeeze %dma_start3A_52 : memref<1x42x128xi32, #tpu.memory_space<hbm>> -> memref<42x128xi32, #tpu.memory_space<hbm>>
      tpu.enqueue_dma source(%dma_start3A_53 : memref<42x128xi32, #tpu.memory_space<hbm>>) target(%arg6 : memref<42x128xi32, #tpu.memory_space<vmem>>) target_semaphore(%run_scoped3A : memref<!tpu.dma_semaphore, #tpu.memory_space<semaphore_mem>>)
      %dma_wait3A = arith.constant 0 : i32
      %dma_wait3A_54 = arith.constant 0 : i32
      %dma_wait3A_55 = tpu.memref_slice %arg2[%add3A, %dma_wait3A, %dma_wait3A_54] : memref<32x42x128xi32, #tpu.memory_space<hbm>> -> memref<1x42x128xi32, #tpu.memory_space<hbm>>
      %dma_wait3A_56 = tpu.memref_squeeze %dma_wait3A_55 : memref<1x42x128xi32, #tpu.memory_space<hbm>> -> memref<42x128xi32, #tpu.memory_space<hbm>>
      %dma_wait3A_57 = arith.constant 0 : i32
      %dma_wait3A_58 = arith.constant 0 : i32
      %dma_wait3A_59 = tpu.memref_slice %arg2[%add3A, %dma_wait3A_57, %dma_wait3A_58] : memref<32x42x128xi32, #tpu.memory_space<hbm>> -> memref<1x42x128xi32, #tpu.memory_space<hbm>>
      %dma_wait3A_60 = tpu.memref_squeeze %dma_wait3A_59 : memref<1x42x128xi32, #tpu.memory_space<hbm>> -> memref<42x128xi32, #tpu.memory_space<hbm>>
      tpu.wait_dma2 semaphore(%run_scoped3A : memref<!tpu.dma_semaphore, #tpu.memory_space<semaphore_mem>>) src(%dma_wait3A_60 : memref<42x128xi32, #tpu.memory_space<hbm>>) dst(%arg6 : memref<42x128xi32, #tpu.memory_space<vmem>>)
      tpu.yield
    }) : () -> ()
    "tpu.region"() ({
      %run_scoped3A = tpu.sem_alloc : memref<!tpu.dma_semaphore, #tpu.memory_space<semaphore_mem>>
      tpu.enqueue_dma source(%arg3 : memref<128x128xf32, #tpu.memory_space<hbm>>) target(%arg7 : memref<128x128xf32, #tpu.memory_space<vmem>>) target_semaphore(%run_scoped3A : memref<!tpu.dma_semaphore, #tpu.memory_space<semaphore_mem>>)
      tpu.wait_dma2 semaphore(%run_scoped3A : memref<!tpu.dma_semaphore, #tpu.memory_space<semaphore_mem>>) src(%arg3 : memref<128x128xf32, #tpu.memory_space<hbm>>) dst(%arg7 : memref<128x128xf32, #tpu.memory_space<vmem>>)
      tpu.yield
    }) : () -> ()
    "tpu.region"() ({
      %run_scoped3A = tpu.sem_alloc : memref<!tpu.dma_semaphore, #tpu.memory_space<semaphore_mem>>
      tpu.enqueue_dma source(%arg4 : memref<128x128xf32, #tpu.memory_space<hbm>>) target(%arg8 : memref<128x128xf32, #tpu.memory_space<vmem>>) target_semaphore(%run_scoped3A : memref<!tpu.dma_semaphore, #tpu.memory_space<semaphore_mem>>)
      tpu.wait_dma2 semaphore(%run_scoped3A : memref<!tpu.dma_semaphore, #tpu.memory_space<semaphore_mem>>) src(%arg4 : memref<128x128xf32, #tpu.memory_space<hbm>>) dst(%arg8 : memref<128x128xf32, #tpu.memory_space<vmem>>)
      tpu.yield
    }) : () -> ()
    %mul3A_1 = arith.constant 640 : i32
    %mul3A_2 = arith.muli %arg1, %mul3A_1 : i32
    %add3A_3 = arith.constant 0 : i32
    %add3A_4 = arith.addi %mul3A_2, %add3A_3 : i32
    "tpu.region"() ({
      %run_scoped3A = tpu.sem_alloc : memref<!tpu.dma_semaphore, #tpu.memory_space<semaphore_mem>>
      %dma_start3A = arith.constant 0 : i32
      %dma_start3A_47 = tpu.memref_slice %arg9[%add3A_4, %dma_start3A] : memref<10240x128xf32, #tpu.memory_space<vmem_shared>> -> memref<128x128xf32, #tpu.memory_space<vmem_shared>>
      %dma_start3A_48 = arith.constant 0 : i32
      %dma_start3A_49 = tpu.memref_slice %arg9[%add3A_4, %dma_start3A_48] : memref<10240x128xf32, #tpu.memory_space<vmem_shared>> -> memref<128x128xf32, #tpu.memory_space<vmem_shared>>
      tpu.enqueue_dma source(%arg8 : memref<128x128xf32, #tpu.memory_space<vmem>>) target(%dma_start3A_49 : memref<128x128xf32, #tpu.memory_space<vmem_shared>>) target_semaphore(%run_scoped3A : memref<!tpu.dma_semaphore, #tpu.memory_space<semaphore_mem>>)
      %dma_wait3A = arith.constant 0 : i32
      %dma_wait3A_50 = tpu.memref_slice %arg9[%add3A_4, %dma_wait3A] : memref<10240x128xf32, #tpu.memory_space<vmem_shared>> -> memref<128x128xf32, #tpu.memory_space<vmem_shared>>
      %dma_wait3A_51 = arith.constant 0 : i32
      %dma_wait3A_52 = tpu.memref_slice %arg9[%add3A_4, %dma_wait3A_51] : memref<10240x128xf32, #tpu.memory_space<vmem_shared>> -> memref<128x128xf32, #tpu.memory_space<vmem_shared>>
      tpu.wait_dma2 semaphore(%run_scoped3A : memref<!tpu.dma_semaphore, #tpu.memory_space<semaphore_mem>>) src(%arg8 : memref<128x128xf32, #tpu.memory_space<vmem>>) dst(%dma_wait3A_52 : memref<128x128xf32, #tpu.memory_space<vmem_shared>>)
      tpu.yield
    }) : () -> ()
    %mul3A_5 = arith.constant 640 : i32
    %mul3A_6 = arith.muli %arg1, %mul3A_5 : i32
    %add3A_7 = arith.constant 128 : i32
    %add3A_8 = arith.addi %mul3A_6, %add3A_7 : i32
    "tpu.region"() ({
      %run_scoped3A = tpu.sem_alloc : memref<!tpu.dma_semaphore, #tpu.memory_space<semaphore_mem>>
      %dma_start3A = arith.constant 0 : i32
      %dma_start3A_47 = tpu.memref_slice %arg9[%add3A_8, %dma_start3A] : memref<10240x128xf32, #tpu.memory_space<vmem_shared>> -> memref<128x128xf32, #tpu.memory_space<vmem_shared>>
      %dma_start3A_48 = arith.constant 0 : i32
      %dma_start3A_49 = tpu.memref_slice %arg9[%add3A_8, %dma_start3A_48] : memref<10240x128xf32, #tpu.memory_space<vmem_shared>> -> memref<128x128xf32, #tpu.memory_space<vmem_shared>>
      tpu.enqueue_dma source(%arg8 : memref<128x128xf32, #tpu.memory_space<vmem>>) target(%dma_start3A_49 : memref<128x128xf32, #tpu.memory_space<vmem_shared>>) target_semaphore(%run_scoped3A : memref<!tpu.dma_semaphore, #tpu.memory_space<semaphore_mem>>)
      %dma_wait3A = arith.constant 0 : i32
      %dma_wait3A_50 = tpu.memref_slice %arg9[%add3A_8, %dma_wait3A] : memref<10240x128xf32, #tpu.memory_space<vmem_shared>> -> memref<128x128xf32, #tpu.memory_space<vmem_shared>>
      %dma_wait3A_51 = arith.constant 0 : i32
      %dma_wait3A_52 = tpu.memref_slice %arg9[%add3A_8, %dma_wait3A_51] : memref<10240x128xf32, #tpu.memory_space<vmem_shared>> -> memref<128x128xf32, #tpu.memory_space<vmem_shared>>
      tpu.wait_dma2 semaphore(%run_scoped3A : memref<!tpu.dma_semaphore, #tpu.memory_space<semaphore_mem>>) src(%arg8 : memref<128x128xf32, #tpu.memory_space<vmem>>) dst(%dma_wait3A_52 : memref<128x128xf32, #tpu.memory_space<vmem_shared>>)
      tpu.yield
    }) : () -> ()
    %mul3A_9 = arith.constant 640 : i32
    %mul3A_10 = arith.muli %arg1, %mul3A_9 : i32
    %add3A_11 = arith.constant 256 : i32
    %add3A_12 = arith.addi %mul3A_10, %add3A_11 : i32
    "tpu.region"() ({
      %run_scoped3A = tpu.sem_alloc : memref<!tpu.dma_semaphore, #tpu.memory_space<semaphore_mem>>
      %dma_start3A = arith.constant 0 : i32
      %dma_start3A_47 = tpu.memref_slice %arg9[%add3A_12, %dma_start3A] : memref<10240x128xf32, #tpu.memory_space<vmem_shared>> -> memref<128x128xf32, #tpu.memory_space<vmem_shared>>
      %dma_start3A_48 = arith.constant 0 : i32
      %dma_start3A_49 = tpu.memref_slice %arg9[%add3A_12, %dma_start3A_48] : memref<10240x128xf32, #tpu.memory_space<vmem_shared>> -> memref<128x128xf32, #tpu.memory_space<vmem_shared>>
      tpu.enqueue_dma source(%arg8 : memref<128x128xf32, #tpu.memory_space<vmem>>) target(%dma_start3A_49 : memref<128x128xf32, #tpu.memory_space<vmem_shared>>) target_semaphore(%run_scoped3A : memref<!tpu.dma_semaphore, #tpu.memory_space<semaphore_mem>>)
      %dma_wait3A = arith.constant 0 : i32
      %dma_wait3A_50 = tpu.memref_slice %arg9[%add3A_12, %dma_wait3A] : memref<10240x128xf32, #tpu.memory_space<vmem_shared>> -> memref<128x128xf32, #tpu.memory_space<vmem_shared>>
      %dma_wait3A_51 = arith.constant 0 : i32
      %dma_wait3A_52 = tpu.memref_slice %arg9[%add3A_12, %dma_wait3A_51] : memref<10240x128xf32, #tpu.memory_space<vmem_shared>> -> memref<128x128xf32, #tpu.memory_space<vmem_shared>>
      tpu.wait_dma2 semaphore(%run_scoped3A : memref<!tpu.dma_semaphore, #tpu.memory_space<semaphore_mem>>) src(%arg8 : memref<128x128xf32, #tpu.memory_space<vmem>>) dst(%dma_wait3A_52 : memref<128x128xf32, #tpu.memory_space<vmem_shared>>)
      tpu.yield
    }) : () -> ()
    %mul3A_13 = arith.constant 640 : i32
    %mul3A_14 = arith.muli %arg1, %mul3A_13 : i32
    %add3A_15 = arith.constant 384 : i32
    %add3A_16 = arith.addi %mul3A_14, %add3A_15 : i32
    "tpu.region"() ({
      %run_scoped3A = tpu.sem_alloc : memref<!tpu.dma_semaphore, #tpu.memory_space<semaphore_mem>>
      %dma_start3A = arith.constant 0 : i32
      %dma_start3A_47 = tpu.memref_slice %arg9[%add3A_16, %dma_start3A] : memref<10240x128xf32, #tpu.memory_space<vmem_shared>> -> memref<128x128xf32, #tpu.memory_space<vmem_shared>>
      %dma_start3A_48 = arith.constant 0 : i32
      %dma_start3A_49 = tpu.memref_slice %arg9[%add3A_16, %dma_start3A_48] : memref<10240x128xf32, #tpu.memory_space<vmem_shared>> -> memref<128x128xf32, #tpu.memory_space<vmem_shared>>
      tpu.enqueue_dma source(%arg8 : memref<128x128xf32, #tpu.memory_space<vmem>>) target(%dma_start3A_49 : memref<128x128xf32, #tpu.memory_space<vmem_shared>>) target_semaphore(%run_scoped3A : memref<!tpu.dma_semaphore, #tpu.memory_space<semaphore_mem>>)
      %dma_wait3A = arith.constant 0 : i32
      %dma_wait3A_50 = tpu.memref_slice %arg9[%add3A_16, %dma_wait3A] : memref<10240x128xf32, #tpu.memory_space<vmem_shared>> -> memref<128x128xf32, #tpu.memory_space<vmem_shared>>
      %dma_wait3A_51 = arith.constant 0 : i32
      %dma_wait3A_52 = tpu.memref_slice %arg9[%add3A_16, %dma_wait3A_51] : memref<10240x128xf32, #tpu.memory_space<vmem_shared>> -> memref<128x128xf32, #tpu.memory_space<vmem_shared>>
      tpu.wait_dma2 semaphore(%run_scoped3A : memref<!tpu.dma_semaphore, #tpu.memory_space<semaphore_mem>>) src(%arg8 : memref<128x128xf32, #tpu.memory_space<vmem>>) dst(%dma_wait3A_52 : memref<128x128xf32, #tpu.memory_space<vmem_shared>>)
      tpu.yield
    }) : () -> ()
    %mul3A_17 = arith.constant 640 : i32
    %mul3A_18 = arith.muli %arg1, %mul3A_17 : i32
    %add3A_19 = arith.constant 512 : i32
    %add3A_20 = arith.addi %mul3A_18, %add3A_19 : i32
    "tpu.region"() ({
      %run_scoped3A = tpu.sem_alloc : memref<!tpu.dma_semaphore, #tpu.memory_space<semaphore_mem>>
      %dma_start3A = arith.constant 0 : i32
      %dma_start3A_47 = tpu.memref_slice %arg9[%add3A_20, %dma_start3A] : memref<10240x128xf32, #tpu.memory_space<vmem_shared>> -> memref<128x128xf32, #tpu.memory_space<vmem_shared>>
      %dma_start3A_48 = arith.constant 0 : i32
      %dma_start3A_49 = tpu.memref_slice %arg9[%add3A_20, %dma_start3A_48] : memref<10240x128xf32, #tpu.memory_space<vmem_shared>> -> memref<128x128xf32, #tpu.memory_space<vmem_shared>>
      tpu.enqueue_dma source(%arg8 : memref<128x128xf32, #tpu.memory_space<vmem>>) target(%dma_start3A_49 : memref<128x128xf32, #tpu.memory_space<vmem_shared>>) target_semaphore(%run_scoped3A : memref<!tpu.dma_semaphore, #tpu.memory_space<semaphore_mem>>)
      %dma_wait3A = arith.constant 0 : i32
      %dma_wait3A_50 = tpu.memref_slice %arg9[%add3A_20, %dma_wait3A] : memref<10240x128xf32, #tpu.memory_space<vmem_shared>> -> memref<128x128xf32, #tpu.memory_space<vmem_shared>>
      %dma_wait3A_51 = arith.constant 0 : i32
      %dma_wait3A_52 = tpu.memref_slice %arg9[%add3A_20, %dma_wait3A_51] : memref<10240x128xf32, #tpu.memory_space<vmem_shared>> -> memref<128x128xf32, #tpu.memory_space<vmem_shared>>
      tpu.wait_dma2 semaphore(%run_scoped3A : memref<!tpu.dma_semaphore, #tpu.memory_space<semaphore_mem>>) src(%arg8 : memref<128x128xf32, #tpu.memory_space<vmem>>) dst(%dma_wait3A_52 : memref<128x128xf32, #tpu.memory_space<vmem_shared>>)
      tpu.yield
    }) : () -> ()
    %barrier3A = arith.constant 0 : index
    tpu.barrier barrier_id(%barrier3A)
    %scan3A = arith.constant 0 : i32
    %scan3A_21 = arith.constant 0 : i32
    %scan3A_22 = arith.constant 5 : i32
    %scan3A_23 = arith.addi %scan3A_21, %scan3A_22 : i32
    %scan3A_24 = arith.constant 1 : i32
    scf.for %scan3A_47 = %scan3A_21 to %scan3A_23 step %scan3A_24  : i32 {
      %mul3A_48 = arith.constant 8 : i32
      %mul3A_49 = arith.muli %mul3A_48, %scan3A_47 : i32
      %add3A_50 = arith.constant 0 : i32
      %add3A_51 = arith.addi %mul3A_49, %add3A_50 : i32
      %dma_start3A = arith.constant 0 : i32
      %dma_start3A_52 = tpu.memref_slice %arg6[%add3A_51, %dma_start3A] : memref<42x128xi32, #tpu.memory_space<vmem>> -> memref<1x128xi32, #tpu.memory_space<vmem>>
      %dma_start3A_53 = tpu.memref_squeeze %dma_start3A_52 : memref<1x128xi32, #tpu.memory_space<vmem>> -> memref<128xi32, #tpu.memory_space<vmem>>
      %dma_start3A_54 = arith.constant 0 : i32
      %dma_start3A_55 = arith.constant 0 : i32
      %dma_start3A_56 = tpu.memref_slice %arg9[%dma_start3A_54, %dma_start3A_55] : memref<10240x128xf32, #tpu.memory_space<vmem_shared>> -> memref<10240x128xf32, #tpu.memory_space<vmem_shared>>
      tpu.enqueue_indirect_dma source(%arg7 : memref<128x128xf32, #tpu.memory_space<vmem>>) target(%dma_start3A_56 : memref<10240x128xf32, #tpu.memory_space<vmem_shared>>) offsets(%dma_start3A_53 : memref<128xi32, #tpu.memory_space<vmem>>) semaphore(%arg10 : memref<!tpu.dma_semaphore, #tpu.memory_space<semaphore_mem>>) {add = true}
      %add3A_57 = arith.constant 1 : i32
      %add3A_58 = arith.addi %mul3A_49, %add3A_57 : i32
      %dma_start3A_59 = arith.constant 0 : i32
      %dma_start3A_60 = tpu.memref_slice %arg6[%add3A_58, %dma_start3A_59] : memref<42x128xi32, #tpu.memory_space<vmem>> -> memref<1x128xi32, #tpu.memory_space<vmem>>
      %dma_start3A_61 = tpu.memref_squeeze %dma_start3A_60 : memref<1x128xi32, #tpu.memory_space<vmem>> -> memref<128xi32, #tpu.memory_space<vmem>>
      %dma_start3A_62 = arith.constant 0 : i32
      %dma_start3A_63 = arith.constant 0 : i32
      %dma_start3A_64 = tpu.memref_slice %arg9[%dma_start3A_62, %dma_start3A_63] : memref<10240x128xf32, #tpu.memory_space<vmem_shared>> -> memref<10240x128xf32, #tpu.memory_space<vmem_shared>>
      tpu.enqueue_indirect_dma source(%arg7 : memref<128x128xf32, #tpu.memory_space<vmem>>) target(%dma_start3A_64 : memref<10240x128xf32, #tpu.memory_space<vmem_shared>>) offsets(%dma_start3A_61 : memref<128xi32, #tpu.memory_space<vmem>>) semaphore(%arg10 : memref<!tpu.dma_semaphore, #tpu.memory_space<semaphore_mem>>) {add = true}
      %add3A_65 = arith.constant 2 : i32
      %add3A_66 = arith.addi %mul3A_49, %add3A_65 : i32
      %dma_start3A_67 = arith.constant 0 : i32
      %dma_start3A_68 = tpu.memref_slice %arg6[%add3A_66, %dma_start3A_67] : memref<42x128xi32, #tpu.memory_space<vmem>> -> memref<1x128xi32, #tpu.memory_space<vmem>>
      %dma_start3A_69 = tpu.memref_squeeze %dma_start3A_68 : memref<1x128xi32, #tpu.memory_space<vmem>> -> memref<128xi32, #tpu.memory_space<vmem>>
      %dma_start3A_70 = arith.constant 0 : i32
      %dma_start3A_71 = arith.constant 0 : i32
      %dma_start3A_72 = tpu.memref_slice %arg9[%dma_start3A_70, %dma_start3A_71] : memref<10240x128xf32, #tpu.memory_space<vmem_shared>> -> memref<10240x128xf32, #tpu.memory_space<vmem_shared>>
      tpu.enqueue_indirect_dma source(%arg7 : memref<128x128xf32, #tpu.memory_space<vmem>>) target(%dma_start3A_72 : memref<10240x128xf32, #tpu.memory_space<vmem_shared>>) offsets(%dma_start3A_69 : memref<128xi32, #tpu.memory_space<vmem>>) semaphore(%arg10 : memref<!tpu.dma_semaphore, #tpu.memory_space<semaphore_mem>>) {add = true}
      %add3A_73 = arith.constant 3 : i32
      %add3A_74 = arith.addi %mul3A_49, %add3A_73 : i32
      %dma_start3A_75 = arith.constant 0 : i32
      %dma_start3A_76 = tpu.memref_slice %arg6[%add3A_74, %dma_start3A_75] : memref<42x128xi32, #tpu.memory_space<vmem>> -> memref<1x128xi32, #tpu.memory_space<vmem>>
      %dma_start3A_77 = tpu.memref_squeeze %dma_start3A_76 : memref<1x128xi32, #tpu.memory_space<vmem>> -> memref<128xi32, #tpu.memory_space<vmem>>
      %dma_start3A_78 = arith.constant 0 : i32
      %dma_start3A_79 = arith.constant 0 : i32
      %dma_start3A_80 = tpu.memref_slice %arg9[%dma_start3A_78, %dma_start3A_79] : memref<10240x128xf32, #tpu.memory_space<vmem_shared>> -> memref<10240x128xf32, #tpu.memory_space<vmem_shared>>
      tpu.enqueue_indirect_dma source(%arg7 : memref<128x128xf32, #tpu.memory_space<vmem>>) target(%dma_start3A_80 : memref<10240x128xf32, #tpu.memory_space<vmem_shared>>) offsets(%dma_start3A_77 : memref<128xi32, #tpu.memory_space<vmem>>) semaphore(%arg10 : memref<!tpu.dma_semaphore, #tpu.memory_space<semaphore_mem>>) {add = true}
      %add3A_81 = arith.constant 4 : i32
      %add3A_82 = arith.addi %mul3A_49, %add3A_81 : i32
      %dma_start3A_83 = arith.constant 0 : i32
      %dma_start3A_84 = tpu.memref_slice %arg6[%add3A_82, %dma_start3A_83] : memref<42x128xi32, #tpu.memory_space<vmem>> -> memref<1x128xi32, #tpu.memory_space<vmem>>
      %dma_start3A_85 = tpu.memref_squeeze %dma_start3A_84 : memref<1x128xi32, #tpu.memory_space<vmem>> -> memref<128xi32, #tpu.memory_space<vmem>>
      %dma_start3A_86 = arith.constant 0 : i32
      %dma_start3A_87 = arith.constant 0 : i32
      %dma_start3A_88 = tpu.memref_slice %arg9[%dma_start3A_86, %dma_start3A_87] : memref<10240x128xf32, #tpu.memory_space<vmem_shared>> -> memref<10240x128xf32, #tpu.memory_space<vmem_shared>>
      tpu.enqueue_indirect_dma source(%arg7 : memref<128x128xf32, #tpu.memory_space<vmem>>) target(%dma_start3A_88 : memref<10240x128xf32, #tpu.memory_space<vmem_shared>>) offsets(%dma_start3A_85 : memref<128xi32, #tpu.memory_space<vmem>>) semaphore(%arg10 : memref<!tpu.dma_semaphore, #tpu.memory_space<semaphore_mem>>) {add = true}
      %add3A_89 = arith.constant 5 : i32
      %add3A_90 = arith.addi %mul3A_49, %add3A_89 : i32
      %dma_start3A_91 = arith.constant 0 : i32
      %dma_start3A_92 = tpu.memref_slice %arg6[%add3A_90, %dma_start3A_91] : memref<42x128xi32, #tpu.memory_space<vmem>> -> memref<1x128xi32, #tpu.memory_space<vmem>>
      %dma_start3A_93 = tpu.memref_squeeze %dma_start3A_92 : memref<1x128xi32, #tpu.memory_space<vmem>> -> memref<128xi32, #tpu.memory_space<vmem>>
      %dma_start3A_94 = arith.constant 0 : i32
      %dma_start3A_95 = arith.constant 0 : i32
      %dma_start3A_96 = tpu.memref_slice %arg9[%dma_start3A_94, %dma_start3A_95] : memref<10240x128xf32, #tpu.memory_space<vmem_shared>> -> memref<10240x128xf32, #tpu.memory_space<vmem_shared>>
      tpu.enqueue_indirect_dma source(%arg7 : memref<128x128xf32, #tpu.memory_space<vmem>>) target(%dma_start3A_96 : memref<10240x128xf32, #tpu.memory_space<vmem_shared>>) offsets(%dma_start3A_93 : memref<128xi32, #tpu.memory_space<vmem>>) semaphore(%arg10 : memref<!tpu.dma_semaphore, #tpu.memory_space<semaphore_mem>>) {add = true}
      %add3A_97 = arith.constant 6 : i32
      %add3A_98 = arith.addi %mul3A_49, %add3A_97 : i32
      %dma_start3A_99 = arith.constant 0 : i32
      %dma_start3A_100 = tpu.memref_slice %arg6[%add3A_98, %dma_start3A_99] : memref<42x128xi32, #tpu.memory_space<vmem>> -> memref<1x128xi32, #tpu.memory_space<vmem>>
      %dma_start3A_101 = tpu.memref_squeeze %dma_start3A_100 : memref<1x128xi32, #tpu.memory_space<vmem>> -> memref<128xi32, #tpu.memory_space<vmem>>
      %dma_start3A_102 = arith.constant 0 : i32
      %dma_start3A_103 = arith.constant 0 : i32
      %dma_start3A_104 = tpu.memref_slice %arg9[%dma_start3A_102, %dma_start3A_103] : memref<10240x128xf32, #tpu.memory_space<vmem_shared>> -> memref<10240x128xf32, #tpu.memory_space<vmem_shared>>
      tpu.enqueue_indirect_dma source(%arg7 : memref<128x128xf32, #tpu.memory_space<vmem>>) target(%dma_start3A_104 : memref<10240x128xf32, #tpu.memory_space<vmem_shared>>) offsets(%dma_start3A_101 : memref<128xi32, #tpu.memory_space<vmem>>) semaphore(%arg10 : memref<!tpu.dma_semaphore, #tpu.memory_space<semaphore_mem>>) {add = true}
      %add3A_105 = arith.constant 7 : i32
      %add3A_106 = arith.addi %mul3A_49, %add3A_105 : i32
      %dma_start3A_107 = arith.constant 0 : i32
      %dma_start3A_108 = tpu.memref_slice %arg6[%add3A_106, %dma_start3A_107] : memref<42x128xi32, #tpu.memory_space<vmem>> -> memref<1x128xi32, #tpu.memory_space<vmem>>
      %dma_start3A_109 = tpu.memref_squeeze %dma_start3A_108 : memref<1x128xi32, #tpu.memory_space<vmem>> -> memref<128xi32, #tpu.memory_space<vmem>>
      %dma_start3A_110 = arith.constant 0 : i32
      %dma_start3A_111 = arith.constant 0 : i32
      %dma_start3A_112 = tpu.memref_slice %arg9[%dma_start3A_110, %dma_start3A_111] : memref<10240x128xf32, #tpu.memory_space<vmem_shared>> -> memref<10240x128xf32, #tpu.memory_space<vmem_shared>>
      tpu.enqueue_indirect_dma source(%arg7 : memref<128x128xf32, #tpu.memory_space<vmem>>) target(%dma_start3A_112 : memref<10240x128xf32, #tpu.memory_space<vmem_shared>>) offsets(%dma_start3A_109 : memref<128xi32, #tpu.memory_space<vmem>>) semaphore(%arg10 : memref<!tpu.dma_semaphore, #tpu.memory_space<semaphore_mem>>) {add = true}
      %add3A_113 = arith.constant 0 : i32
      %add3A_114 = arith.addi %mul3A_49, %add3A_113 : i32
      %dma_wait3A = arith.constant 0 : i32
      %dma_wait3A_115 = tpu.memref_slice %arg6[%add3A_114, %dma_wait3A] : memref<42x128xi32, #tpu.memory_space<vmem>> -> memref<1x128xi32, #tpu.memory_space<vmem>>
      %dma_wait3A_116 = tpu.memref_squeeze %dma_wait3A_115 : memref<1x128xi32, #tpu.memory_space<vmem>> -> memref<128xi32, #tpu.memory_space<vmem>>
      %dma_wait3A_117 = arith.constant 0 : i32
      %dma_wait3A_118 = arith.constant 0 : i32
      %dma_wait3A_119 = tpu.memref_slice %arg9[%dma_wait3A_117, %dma_wait3A_118] : memref<10240x128xf32, #tpu.memory_space<vmem_shared>> -> memref<10240x128xf32, #tpu.memory_space<vmem_shared>>
      tpu.wait_indirect_dma semaphore(%arg10 : memref<!tpu.dma_semaphore, #tpu.memory_space<semaphore_mem>>) src(%arg7 : memref<128x128xf32, #tpu.memory_space<vmem>>) dst(%dma_wait3A_119 : memref<10240x128xf32, #tpu.memory_space<vmem_shared>>)
      %add3A_120 = arith.constant 1 : i32
      %add3A_121 = arith.addi %mul3A_49, %add3A_120 : i32
      %dma_wait3A_122 = arith.constant 0 : i32
      %dma_wait3A_123 = tpu.memref_slice %arg6[%add3A_121, %dma_wait3A_122] : memref<42x128xi32, #tpu.memory_space<vmem>> -> memref<1x128xi32, #tpu.memory_space<vmem>>
      %dma_wait3A_124 = tpu.memref_squeeze %dma_wait3A_123 : memref<1x128xi32, #tpu.memory_space<vmem>> -> memref<128xi32, #tpu.memory_space<vmem>>
      %dma_wait3A_125 = arith.constant 0 : i32
      %dma_wait3A_126 = arith.constant 0 : i32
      %dma_wait3A_127 = tpu.memref_slice %arg9[%dma_wait3A_125, %dma_wait3A_126] : memref<10240x128xf32, #tpu.memory_space<vmem_shared>> -> memref<10240x128xf32, #tpu.memory_space<vmem_shared>>
      tpu.wait_indirect_dma semaphore(%arg10 : memref<!tpu.dma_semaphore, #tpu.memory_space<semaphore_mem>>) src(%arg7 : memref<128x128xf32, #tpu.memory_space<vmem>>) dst(%dma_wait3A_127 : memref<10240x128xf32, #tpu.memory_space<vmem_shared>>)
      %add3A_128 = arith.constant 2 : i32
      %add3A_129 = arith.addi %mul3A_49, %add3A_128 : i32
      %dma_wait3A_130 = arith.constant 0 : i32
      %dma_wait3A_131 = tpu.memref_slice %arg6[%add3A_129, %dma_wait3A_130] : memref<42x128xi32, #tpu.memory_space<vmem>> -> memref<1x128xi32, #tpu.memory_space<vmem>>
      %dma_wait3A_132 = tpu.memref_squeeze %dma_wait3A_131 : memref<1x128xi32, #tpu.memory_space<vmem>> -> memref<128xi32, #tpu.memory_space<vmem>>
      %dma_wait3A_133 = arith.constant 0 : i32
      %dma_wait3A_134 = arith.constant 0 : i32
      %dma_wait3A_135 = tpu.memref_slice %arg9[%dma_wait3A_133, %dma_wait3A_134] : memref<10240x128xf32, #tpu.memory_space<vmem_shared>> -> memref<10240x128xf32, #tpu.memory_space<vmem_shared>>
      tpu.wait_indirect_dma semaphore(%arg10 : memref<!tpu.dma_semaphore, #tpu.memory_space<semaphore_mem>>) src(%arg7 : memref<128x128xf32, #tpu.memory_space<vmem>>) dst(%dma_wait3A_135 : memref<10240x128xf32, #tpu.memory_space<vmem_shared>>)
      %add3A_136 = arith.constant 3 : i32
      %add3A_137 = arith.addi %mul3A_49, %add3A_136 : i32
      %dma_wait3A_138 = arith.constant 0 : i32
      %dma_wait3A_139 = tpu.memref_slice %arg6[%add3A_137, %dma_wait3A_138] : memref<42x128xi32, #tpu.memory_space<vmem>> -> memref<1x128xi32, #tpu.memory_space<vmem>>
      %dma_wait3A_140 = tpu.memref_squeeze %dma_wait3A_139 : memref<1x128xi32, #tpu.memory_space<vmem>> -> memref<128xi32, #tpu.memory_space<vmem>>
      %dma_wait3A_141 = arith.constant 0 : i32
      %dma_wait3A_142 = arith.constant 0 : i32
      %dma_wait3A_143 = tpu.memref_slice %arg9[%dma_wait3A_141, %dma_wait3A_142] : memref<10240x128xf32, #tpu.memory_space<vmem_shared>> -> memref<10240x128xf32, #tpu.memory_space<vmem_shared>>
      tpu.wait_indirect_dma semaphore(%arg10 : memref<!tpu.dma_semaphore, #tpu.memory_space<semaphore_mem>>) src(%arg7 : memref<128x128xf32, #tpu.memory_space<vmem>>) dst(%dma_wait3A_143 : memref<10240x128xf32, #tpu.memory_space<vmem_shared>>)
      %add3A_144 = arith.constant 4 : i32
      %add3A_145 = arith.addi %mul3A_49, %add3A_144 : i32
      %dma_wait3A_146 = arith.constant 0 : i32
      %dma_wait3A_147 = tpu.memref_slice %arg6[%add3A_145, %dma_wait3A_146] : memref<42x128xi32, #tpu.memory_space<vmem>> -> memref<1x128xi32, #tpu.memory_space<vmem>>
      %dma_wait3A_148 = tpu.memref_squeeze %dma_wait3A_147 : memref<1x128xi32, #tpu.memory_space<vmem>> -> memref<128xi32, #tpu.memory_space<vmem>>
      %dma_wait3A_149 = arith.constant 0 : i32
      %dma_wait3A_150 = arith.constant 0 : i32
      %dma_wait3A_151 = tpu.memref_slice %arg9[%dma_wait3A_149, %dma_wait3A_150] : memref<10240x128xf32, #tpu.memory_space<vmem_shared>> -> memref<10240x128xf32, #tpu.memory_space<vmem_shared>>
      tpu.wait_indirect_dma semaphore(%arg10 : memref<!tpu.dma_semaphore, #tpu.memory_space<semaphore_mem>>) src(%arg7 : memref<128x128xf32, #tpu.memory_space<vmem>>) dst(%dma_wait3A_151 : memref<10240x128xf32, #tpu.memory_space<vmem_shared>>)
      %add3A_152 = arith.constant 5 : i32
      %add3A_153 = arith.addi %mul3A_49, %add3A_152 : i32
      %dma_wait3A_154 = arith.constant 0 : i32
      %dma_wait3A_155 = tpu.memref_slice %arg6[%add3A_153, %dma_wait3A_154] : memref<42x128xi32, #tpu.memory_space<vmem>> -> memref<1x128xi32, #tpu.memory_space<vmem>>
      %dma_wait3A_156 = tpu.memref_squeeze %dma_wait3A_155 : memref<1x128xi32, #tpu.memory_space<vmem>> -> memref<128xi32, #tpu.memory_space<vmem>>
      %dma_wait3A_157 = arith.constant 0 : i32
      %dma_wait3A_158 = arith.constant 0 : i32
      %dma_wait3A_159 = tpu.memref_slice %arg9[%dma_wait3A_157, %dma_wait3A_158] : memref<10240x128xf32, #tpu.memory_space<vmem_shared>> -> memref<10240x128xf32, #tpu.memory_space<vmem_shared>>
      tpu.wait_indirect_dma semaphore(%arg10 : memref<!tpu.dma_semaphore, #tpu.memory_space<semaphore_mem>>) src(%arg7 : memref<128x128xf32, #tpu.memory_space<vmem>>) dst(%dma_wait3A_159 : memref<10240x128xf32, #tpu.memory_space<vmem_shared>>)
      %add3A_160 = arith.constant 6 : i32
      %add3A_161 = arith.addi %mul3A_49, %add3A_160 : i32
      %dma_wait3A_162 = arith.constant 0 : i32
      %dma_wait3A_163 = tpu.memref_slice %arg6[%add3A_161, %dma_wait3A_162] : memref<42x128xi32, #tpu.memory_space<vmem>> -> memref<1x128xi32, #tpu.memory_space<vmem>>
      %dma_wait3A_164 = tpu.memref_squeeze %dma_wait3A_163 : memref<1x128xi32, #tpu.memory_space<vmem>> -> memref<128xi32, #tpu.memory_space<vmem>>
      %dma_wait3A_165 = arith.constant 0 : i32
      %dma_wait3A_166 = arith.constant 0 : i32
      %dma_wait3A_167 = tpu.memref_slice %arg9[%dma_wait3A_165, %dma_wait3A_166] : memref<10240x128xf32, #tpu.memory_space<vmem_shared>> -> memref<10240x128xf32, #tpu.memory_space<vmem_shared>>
      tpu.wait_indirect_dma semaphore(%arg10 : memref<!tpu.dma_semaphore, #tpu.memory_space<semaphore_mem>>) src(%arg7 : memref<128x128xf32, #tpu.memory_space<vmem>>) dst(%dma_wait3A_167 : memref<10240x128xf32, #tpu.memory_space<vmem_shared>>)
      %add3A_168 = arith.constant 7 : i32
      %add3A_169 = arith.addi %mul3A_49, %add3A_168 : i32
      %dma_wait3A_170 = arith.constant 0 : i32
      %dma_wait3A_171 = tpu.memref_slice %arg6[%add3A_169, %dma_wait3A_170] : memref<42x128xi32, #tpu.memory_space<vmem>> -> memref<1x128xi32, #tpu.memory_space<vmem>>
      %dma_wait3A_172 = tpu.memref_squeeze %dma_wait3A_171 : memref<1x128xi32, #tpu.memory_space<vmem>> -> memref<128xi32, #tpu.memory_space<vmem>>
      %dma_wait3A_173 = arith.constant 0 : i32
      %dma_wait3A_174 = arith.constant 0 : i32
      %dma_wait3A_175 = tpu.memref_slice %arg9[%dma_wait3A_173, %dma_wait3A_174] : memref<10240x128xf32, #tpu.memory_space<vmem_shared>> -> memref<10240x128xf32, #tpu.memory_space<vmem_shared>>
      tpu.wait_indirect_dma semaphore(%arg10 : memref<!tpu.dma_semaphore, #tpu.memory_space<semaphore_mem>>) src(%arg7 : memref<128x128xf32, #tpu.memory_space<vmem>>) dst(%dma_wait3A_175 : memref<10240x128xf32, #tpu.memory_space<vmem_shared>>)
    }
    %scan3A_25 = arith.constant 5 : i32
    %barrier3A_26 = arith.constant 0 : index
    tpu.barrier barrier_id(%barrier3A_26)
    %mul3A_27 = arith.constant 640 : i32
    %mul3A_28 = arith.muli %arg1, %mul3A_27 : i32
    %add3A_29 = arith.constant 0 : i32
    %add3A_30 = arith.addi %mul3A_28, %add3A_29 : i32
    "tpu.region"() ({
      %run_scoped3A = tpu.sem_alloc : memref<!tpu.dma_semaphore, #tpu.memory_space<semaphore_mem>>
      %dma_start3A = arith.constant 0 : i32
      %dma_start3A_47 = tpu.memref_slice %arg9[%add3A_30, %dma_start3A] : memref<10240x128xf32, #tpu.memory_space<vmem_shared>> -> memref<128x128xf32, #tpu.memory_space<vmem_shared>>
      %dma_start3A_48 = arith.constant 0 : i32
      %dma_start3A_49 = tpu.memref_slice %arg9[%add3A_30, %dma_start3A_48] : memref<10240x128xf32, #tpu.memory_space<vmem_shared>> -> memref<128x128xf32, #tpu.memory_space<vmem_shared>>
      tpu.enqueue_dma source(%dma_start3A_49 : memref<128x128xf32, #tpu.memory_space<vmem_shared>>) target(%arg8 : memref<128x128xf32, #tpu.memory_space<vmem>>) target_semaphore(%run_scoped3A : memref<!tpu.dma_semaphore, #tpu.memory_space<semaphore_mem>>)
      %dma_wait3A = arith.constant 0 : i32
      %dma_wait3A_50 = tpu.memref_slice %arg9[%add3A_30, %dma_wait3A] : memref<10240x128xf32, #tpu.memory_space<vmem_shared>> -> memref<128x128xf32, #tpu.memory_space<vmem_shared>>
      %dma_wait3A_51 = arith.constant 0 : i32
      %dma_wait3A_52 = tpu.memref_slice %arg9[%add3A_30, %dma_wait3A_51] : memref<10240x128xf32, #tpu.memory_space<vmem_shared>> -> memref<128x128xf32, #tpu.memory_space<vmem_shared>>
      tpu.wait_dma2 semaphore(%run_scoped3A : memref<!tpu.dma_semaphore, #tpu.memory_space<semaphore_mem>>) src(%dma_wait3A_52 : memref<128x128xf32, #tpu.memory_space<vmem_shared>>) dst(%arg8 : memref<128x128xf32, #tpu.memory_space<vmem>>)
      tpu.yield
    }) : () -> ()
    "tpu.region"() ({
      %run_scoped3A = tpu.sem_alloc : memref<!tpu.dma_semaphore, #tpu.memory_space<semaphore_mem>>
      %dma_start3A = arith.constant 0 : i32
      %dma_start3A_47 = tpu.memref_slice %arg5[%arg0, %add3A_30, %dma_start3A] : memref<2x10240x128xf32, #tpu.memory_space<hbm>> -> memref<1x128x128xf32, #tpu.memory_space<hbm>>
      %dma_start3A_48 = tpu.memref_squeeze %dma_start3A_47 : memref<1x128x128xf32, #tpu.memory_space<hbm>> -> memref<128x128xf32, #tpu.memory_space<hbm>>
      %dma_start3A_49 = arith.constant 0 : i32
      %dma_start3A_50 = tpu.memref_slice %arg5[%arg0, %add3A_30, %dma_start3A_49] : memref<2x10240x128xf32, #tpu.memory_space<hbm>> -> memref<1x128x128xf32, #tpu.memory_space<hbm>>
      %dma_start3A_51 = tpu.memref_squeeze %dma_start3A_50 : memref<1x128x128xf32, #tpu.memory_space<hbm>> -> memref<128x128xf32, #tpu.memory_space<hbm>>
      tpu.enqueue_dma source(%arg8 : memref<128x128xf32, #tpu.memory_space<vmem>>) target(%dma_start3A_51 : memref<128x128xf32, #tpu.memory_space<hbm>>) target_semaphore(%run_scoped3A : memref<!tpu.dma_semaphore, #tpu.memory_space<semaphore_mem>>)
      %dma_wait3A = arith.constant 0 : i32
      %dma_wait3A_52 = tpu.memref_slice %arg5[%arg0, %add3A_30, %dma_wait3A] : memref<2x10240x128xf32, #tpu.memory_space<hbm>> -> memref<1x128x128xf32, #tpu.memory_space<hbm>>
      %dma_wait3A_53 = tpu.memref_squeeze %dma_wait3A_52 : memref<1x128x128xf32, #tpu.memory_space<hbm>> -> memref<128x128xf32, #tpu.memory_space<hbm>>
      %dma_wait3A_54 = arith.constant 0 : i32
      %dma_wait3A_55 = tpu.memref_slice %arg5[%arg0, %add3A_30, %dma_wait3A_54] : memref<2x10240x128xf32, #tpu.memory_space<hbm>> -> memref<1x128x128xf32, #tpu.memory_space<hbm>>
      %dma_wait3A_56 = tpu.memref_squeeze %dma_wait3A_55 : memref<1x128x128xf32, #tpu.memory_space<hbm>> -> memref<128x128xf32, #tpu.memory_space<hbm>>
      tpu.wait_dma2 semaphore(%run_scoped3A : memref<!tpu.dma_semaphore, #tpu.memory_space<semaphore_mem>>) src(%arg8 : memref<128x128xf32, #tpu.memory_space<vmem>>) dst(%dma_wait3A_56 : memref<128x128xf32, #tpu.memory_space<hbm>>)
      tpu.yield
    }) : () -> ()
    %mul3A_31 = arith.constant 640 : i32
    %mul3A_32 = arith.muli %arg1, %mul3A_31 : i32
    %add3A_33 = arith.constant 128 : i32
    %add3A_34 = arith.addi %mul3A_32, %add3A_33 : i32
    "tpu.region"() ({
      %run_scoped3A = tpu.sem_alloc : memref<!tpu.dma_semaphore, #tpu.memory_space<semaphore_mem>>
      %dma_start3A = arith.constant 0 : i32
      %dma_start3A_47 = tpu.memref_slice %arg9[%add3A_34, %dma_start3A] : memref<10240x128xf32, #tpu.memory_space<vmem_shared>> -> memref<128x128xf32, #tpu.memory_space<vmem_shared>>
      %dma_start3A_48 = arith.constant 0 : i32
      %dma_start3A_49 = tpu.memref_slice %arg9[%add3A_34, %dma_start3A_48] : memref<10240x128xf32, #tpu.memory_space<vmem_shared>> -> memref<128x128xf32, #tpu.memory_space<vmem_shared>>
      tpu.enqueue_dma source(%dma_start3A_49 : memref<128x128xf32, #tpu.memory_space<vmem_shared>>) target(%arg8 : memref<128x128xf32, #tpu.memory_space<vmem>>) target_semaphore(%run_scoped3A : memref<!tpu.dma_semaphore, #tpu.memory_space<semaphore_mem>>)
      %dma_wait3A = arith.constant 0 : i32
      %dma_wait3A_50 = tpu.memref_slice %arg9[%add3A_34, %dma_wait3A] : memref<10240x128xf32, #tpu.memory_space<vmem_shared>> -> memref<128x128xf32, #tpu.memory_space<vmem_shared>>
      %dma_wait3A_51 = arith.constant 0 : i32
      %dma_wait3A_52 = tpu.memref_slice %arg9[%add3A_34, %dma_wait3A_51] : memref<10240x128xf32, #tpu.memory_space<vmem_shared>> -> memref<128x128xf32, #tpu.memory_space<vmem_shared>>
      tpu.wait_dma2 semaphore(%run_scoped3A : memref<!tpu.dma_semaphore, #tpu.memory_space<semaphore_mem>>) src(%dma_wait3A_52 : memref<128x128xf32, #tpu.memory_space<vmem_shared>>) dst(%arg8 : memref<128x128xf32, #tpu.memory_space<vmem>>)
      tpu.yield
    }) : () -> ()
    "tpu.region"() ({
      %run_scoped3A = tpu.sem_alloc : memref<!tpu.dma_semaphore, #tpu.memory_space<semaphore_mem>>
      %dma_start3A = arith.constant 0 : i32
      %dma_start3A_47 = tpu.memref_slice %arg5[%arg0, %add3A_34, %dma_start3A] : memref<2x10240x128xf32, #tpu.memory_space<hbm>> -> memref<1x128x128xf32, #tpu.memory_space<hbm>>
      %dma_start3A_48 = tpu.memref_squeeze %dma_start3A_47 : memref<1x128x128xf32, #tpu.memory_space<hbm>> -> memref<128x128xf32, #tpu.memory_space<hbm>>
      %dma_start3A_49 = arith.constant 0 : i32
      %dma_start3A_50 = tpu.memref_slice %arg5[%arg0, %add3A_34, %dma_start3A_49] : memref<2x10240x128xf32, #tpu.memory_space<hbm>> -> memref<1x128x128xf32, #tpu.memory_space<hbm>>
      %dma_start3A_51 = tpu.memref_squeeze %dma_start3A_50 : memref<1x128x128xf32, #tpu.memory_space<hbm>> -> memref<128x128xf32, #tpu.memory_space<hbm>>
      tpu.enqueue_dma source(%arg8 : memref<128x128xf32, #tpu.memory_space<vmem>>) target(%dma_start3A_51 : memref<128x128xf32, #tpu.memory_space<hbm>>) target_semaphore(%run_scoped3A : memref<!tpu.dma_semaphore, #tpu.memory_space<semaphore_mem>>)
      %dma_wait3A = arith.constant 0 : i32
      %dma_wait3A_52 = tpu.memref_slice %arg5[%arg0, %add3A_34, %dma_wait3A] : memref<2x10240x128xf32, #tpu.memory_space<hbm>> -> memref<1x128x128xf32, #tpu.memory_space<hbm>>
      %dma_wait3A_53 = tpu.memref_squeeze %dma_wait3A_52 : memref<1x128x128xf32, #tpu.memory_space<hbm>> -> memref<128x128xf32, #tpu.memory_space<hbm>>
      %dma_wait3A_54 = arith.constant 0 : i32
      %dma_wait3A_55 = tpu.memref_slice %arg5[%arg0, %add3A_34, %dma_wait3A_54] : memref<2x10240x128xf32, #tpu.memory_space<hbm>> -> memref<1x128x128xf32, #tpu.memory_space<hbm>>
      %dma_wait3A_56 = tpu.memref_squeeze %dma_wait3A_55 : memref<1x128x128xf32, #tpu.memory_space<hbm>> -> memref<128x128xf32, #tpu.memory_space<hbm>>
      tpu.wait_dma2 semaphore(%run_scoped3A : memref<!tpu.dma_semaphore, #tpu.memory_space<semaphore_mem>>) src(%arg8 : memref<128x128xf32, #tpu.memory_space<vmem>>) dst(%dma_wait3A_56 : memref<128x128xf32, #tpu.memory_space<hbm>>)
      tpu.yield
    }) : () -> ()
    %mul3A_35 = arith.constant 640 : i32
    %mul3A_36 = arith.muli %arg1, %mul3A_35 : i32
    %add3A_37 = arith.constant 256 : i32
    %add3A_38 = arith.addi %mul3A_36, %add3A_37 : i32
    "tpu.region"() ({
      %run_scoped3A = tpu.sem_alloc : memref<!tpu.dma_semaphore, #tpu.memory_space<semaphore_mem>>
      %dma_start3A = arith.constant 0 : i32
      %dma_start3A_47 = tpu.memref_slice %arg9[%add3A_38, %dma_start3A] : memref<10240x128xf32, #tpu.memory_space<vmem_shared>> -> memref<128x128xf32, #tpu.memory_space<vmem_shared>>
      %dma_start3A_48 = arith.constant 0 : i32
      %dma_start3A_49 = tpu.memref_slice %arg9[%add3A_38, %dma_start3A_48] : memref<10240x128xf32, #tpu.memory_space<vmem_shared>> -> memref<128x128xf32, #tpu.memory_space<vmem_shared>>
      tpu.enqueue_dma source(%dma_start3A_49 : memref<128x128xf32, #tpu.memory_space<vmem_shared>>) target(%arg8 : memref<128x128xf32, #tpu.memory_space<vmem>>) target_semaphore(%run_scoped3A : memref<!tpu.dma_semaphore, #tpu.memory_space<semaphore_mem>>)
      %dma_wait3A = arith.constant 0 : i32
      %dma_wait3A_50 = tpu.memref_slice %arg9[%add3A_38, %dma_wait3A] : memref<10240x128xf32, #tpu.memory_space<vmem_shared>> -> memref<128x128xf32, #tpu.memory_space<vmem_shared>>
      %dma_wait3A_51 = arith.constant 0 : i32
      %dma_wait3A_52 = tpu.memref_slice %arg9[%add3A_38, %dma_wait3A_51] : memref<10240x128xf32, #tpu.memory_space<vmem_shared>> -> memref<128x128xf32, #tpu.memory_space<vmem_shared>>
      tpu.wait_dma2 semaphore(%run_scoped3A : memref<!tpu.dma_semaphore, #tpu.memory_space<semaphore_mem>>) src(%dma_wait3A_52 : memref<128x128xf32, #tpu.memory_space<vmem_shared>>) dst(%arg8 : memref<128x128xf32, #tpu.memory_space<vmem>>)
      tpu.yield
    }) : () -> ()
    "tpu.region"() ({
      %run_scoped3A = tpu.sem_alloc : memref<!tpu.dma_semaphore, #tpu.memory_space<semaphore_mem>>
      %dma_start3A = arith.constant 0 : i32
      %dma_start3A_47 = tpu.memref_slice %arg5[%arg0, %add3A_38, %dma_start3A] : memref<2x10240x128xf32, #tpu.memory_space<hbm>> -> memref<1x128x128xf32, #tpu.memory_space<hbm>>
      %dma_start3A_48 = tpu.memref_squeeze %dma_start3A_47 : memref<1x128x128xf32, #tpu.memory_space<hbm>> -> memref<128x128xf32, #tpu.memory_space<hbm>>
      %dma_start3A_49 = arith.constant 0 : i32
      %dma_start3A_50 = tpu.memref_slice %arg5[%arg0, %add3A_38, %dma_start3A_49] : memref<2x10240x128xf32, #tpu.memory_space<hbm>> -> memref<1x128x128xf32, #tpu.memory_space<hbm>>
      %dma_start3A_51 = tpu.memref_squeeze %dma_start3A_50 : memref<1x128x128xf32, #tpu.memory_space<hbm>> -> memref<128x128xf32, #tpu.memory_space<hbm>>
      tpu.enqueue_dma source(%arg8 : memref<128x128xf32, #tpu.memory_space<vmem>>) target(%dma_start3A_51 : memref<128x128xf32, #tpu.memory_space<hbm>>) target_semaphore(%run_scoped3A : memref<!tpu.dma_semaphore, #tpu.memory_space<semaphore_mem>>)
      %dma_wait3A = arith.constant 0 : i32
      %dma_wait3A_52 = tpu.memref_slice %arg5[%arg0, %add3A_38, %dma_wait3A] : memref<2x10240x128xf32, #tpu.memory_space<hbm>> -> memref<1x128x128xf32, #tpu.memory_space<hbm>>
      %dma_wait3A_53 = tpu.memref_squeeze %dma_wait3A_52 : memref<1x128x128xf32, #tpu.memory_space<hbm>> -> memref<128x128xf32, #tpu.memory_space<hbm>>
      %dma_wait3A_54 = arith.constant 0 : i32
      %dma_wait3A_55 = tpu.memref_slice %arg5[%arg0, %add3A_38, %dma_wait3A_54] : memref<2x10240x128xf32, #tpu.memory_space<hbm>> -> memref<1x128x128xf32, #tpu.memory_space<hbm>>
      %dma_wait3A_56 = tpu.memref_squeeze %dma_wait3A_55 : memref<1x128x128xf32, #tpu.memory_space<hbm>> -> memref<128x128xf32, #tpu.memory_space<hbm>>
      tpu.wait_dma2 semaphore(%run_scoped3A : memref<!tpu.dma_semaphore, #tpu.memory_space<semaphore_mem>>) src(%arg8 : memref<128x128xf32, #tpu.memory_space<vmem>>) dst(%dma_wait3A_56 : memref<128x128xf32, #tpu.memory_space<hbm>>)
      tpu.yield
    }) : () -> ()
    %mul3A_39 = arith.constant 640 : i32
    %mul3A_40 = arith.muli %arg1, %mul3A_39 : i32
    %add3A_41 = arith.constant 384 : i32
    %add3A_42 = arith.addi %mul3A_40, %add3A_41 : i32
    "tpu.region"() ({
      %run_scoped3A = tpu.sem_alloc : memref<!tpu.dma_semaphore, #tpu.memory_space<semaphore_mem>>
      %dma_start3A = arith.constant 0 : i32
      %dma_start3A_47 = tpu.memref_slice %arg9[%add3A_42, %dma_start3A] : memref<10240x128xf32, #tpu.memory_space<vmem_shared>> -> memref<128x128xf32, #tpu.memory_space<vmem_shared>>
      %dma_start3A_48 = arith.constant 0 : i32
      %dma_start3A_49 = tpu.memref_slice %arg9[%add3A_42, %dma_start3A_48] : memref<10240x128xf32, #tpu.memory_space<vmem_shared>> -> memref<128x128xf32, #tpu.memory_space<vmem_shared>>
      tpu.enqueue_dma source(%dma_start3A_49 : memref<128x128xf32, #tpu.memory_space<vmem_shared>>) target(%arg8 : memref<128x128xf32, #tpu.memory_space<vmem>>) target_semaphore(%run_scoped3A : memref<!tpu.dma_semaphore, #tpu.memory_space<semaphore_mem>>)
      %dma_wait3A = arith.constant 0 : i32
      %dma_wait3A_50 = tpu.memref_slice %arg9[%add3A_42, %dma_wait3A] : memref<10240x128xf32, #tpu.memory_space<vmem_shared>> -> memref<128x128xf32, #tpu.memory_space<vmem_shared>>
      %dma_wait3A_51 = arith.constant 0 : i32
      %dma_wait3A_52 = tpu.memref_slice %arg9[%add3A_42, %dma_wait3A_51] : memref<10240x128xf32, #tpu.memory_space<vmem_shared>> -> memref<128x128xf32, #tpu.memory_space<vmem_shared>>
      tpu.wait_dma2 semaphore(%run_scoped3A : memref<!tpu.dma_semaphore, #tpu.memory_space<semaphore_mem>>) src(%dma_wait3A_52 : memref<128x128xf32, #tpu.memory_space<vmem_shared>>) dst(%arg8 : memref<128x128xf32, #tpu.memory_space<vmem>>)
      tpu.yield
    }) : () -> ()
    "tpu.region"() ({
      %run_scoped3A = tpu.sem_alloc : memref<!tpu.dma_semaphore, #tpu.memory_space<semaphore_mem>>
      %dma_start3A = arith.constant 0 : i32
      %dma_start3A_47 = tpu.memref_slice %arg5[%arg0, %add3A_42, %dma_start3A] : memref<2x10240x128xf32, #tpu.memory_space<hbm>> -> memref<1x128x128xf32, #tpu.memory_space<hbm>>
      %dma_start3A_48 = tpu.memref_squeeze %dma_start3A_47 : memref<1x128x128xf32, #tpu.memory_space<hbm>> -> memref<128x128xf32, #tpu.memory_space<hbm>>
      %dma_start3A_49 = arith.constant 0 : i32
      %dma_start3A_50 = tpu.memref_slice %arg5[%arg0, %add3A_42, %dma_start3A_49] : memref<2x10240x128xf32, #tpu.memory_space<hbm>> -> memref<1x128x128xf32, #tpu.memory_space<hbm>>
      %dma_start3A_51 = tpu.memref_squeeze %dma_start3A_50 : memref<1x128x128xf32, #tpu.memory_space<hbm>> -> memref<128x128xf32, #tpu.memory_space<hbm>>
      tpu.enqueue_dma source(%arg8 : memref<128x128xf32, #tpu.memory_space<vmem>>) target(%dma_start3A_51 : memref<128x128xf32, #tpu.memory_space<hbm>>) target_semaphore(%run_scoped3A : memref<!tpu.dma_semaphore, #tpu.memory_space<semaphore_mem>>)
      %dma_wait3A = arith.constant 0 : i32
      %dma_wait3A_52 = tpu.memref_slice %arg5[%arg0, %add3A_42, %dma_wait3A] : memref<2x10240x128xf32, #tpu.memory_space<hbm>> -> memref<1x128x128xf32, #tpu.memory_space<hbm>>
      %dma_wait3A_53 = tpu.memref_squeeze %dma_wait3A_52 : memref<1x128x128xf32, #tpu.memory_space<hbm>> -> memref<128x128xf32, #tpu.memory_space<hbm>>
      %dma_wait3A_54 = arith.constant 0 : i32
      %dma_wait3A_55 = tpu.memref_slice %arg5[%arg0, %add3A_42, %dma_wait3A_54] : memref<2x10240x128xf32, #tpu.memory_space<hbm>> -> memref<1x128x128xf32, #tpu.memory_space<hbm>>
      %dma_wait3A_56 = tpu.memref_squeeze %dma_wait3A_55 : memref<1x128x128xf32, #tpu.memory_space<hbm>> -> memref<128x128xf32, #tpu.memory_space<hbm>>
      tpu.wait_dma2 semaphore(%run_scoped3A : memref<!tpu.dma_semaphore, #tpu.memory_space<semaphore_mem>>) src(%arg8 : memref<128x128xf32, #tpu.memory_space<vmem>>) dst(%dma_wait3A_56 : memref<128x128xf32, #tpu.memory_space<hbm>>)
      tpu.yield
    }) : () -> ()
    %mul3A_43 = arith.constant 640 : i32
    %mul3A_44 = arith.muli %arg1, %mul3A_43 : i32
    %add3A_45 = arith.constant 512 : i32
    %add3A_46 = arith.addi %mul3A_44, %add3A_45 : i32
    "tpu.region"() ({
      %run_scoped3A = tpu.sem_alloc : memref<!tpu.dma_semaphore, #tpu.memory_space<semaphore_mem>>
      %dma_start3A = arith.constant 0 : i32
      %dma_start3A_47 = tpu.memref_slice %arg9[%add3A_46, %dma_start3A] : memref<10240x128xf32, #tpu.memory_space<vmem_shared>> -> memref<128x128xf32, #tpu.memory_space<vmem_shared>>
      %dma_start3A_48 = arith.constant 0 : i32
      %dma_start3A_49 = tpu.memref_slice %arg9[%add3A_46, %dma_start3A_48] : memref<10240x128xf32, #tpu.memory_space<vmem_shared>> -> memref<128x128xf32, #tpu.memory_space<vmem_shared>>
      tpu.enqueue_dma source(%dma_start3A_49 : memref<128x128xf32, #tpu.memory_space<vmem_shared>>) target(%arg8 : memref<128x128xf32, #tpu.memory_space<vmem>>) target_semaphore(%run_scoped3A : memref<!tpu.dma_semaphore, #tpu.memory_space<semaphore_mem>>)
      %dma_wait3A = arith.constant 0 : i32
      %dma_wait3A_50 = tpu.memref_slice %arg9[%add3A_46, %dma_wait3A] : memref<10240x128xf32, #tpu.memory_space<vmem_shared>> -> memref<128x128xf32, #tpu.memory_space<vmem_shared>>
      %dma_wait3A_51 = arith.constant 0 : i32
      %dma_wait3A_52 = tpu.memref_slice %arg9[%add3A_46, %dma_wait3A_51] : memref<10240x128xf32, #tpu.memory_space<vmem_shared>> -> memref<128x128xf32, #tpu.memory_space<vmem_shared>>
      tpu.wait_dma2 semaphore(%run_scoped3A : memref<!tpu.dma_semaphore, #tpu.memory_space<semaphore_mem>>) src(%dma_wait3A_52 : memref<128x128xf32, #tpu.memory_space<vmem_shared>>) dst(%arg8 : memref<128x128xf32, #tpu.memory_space<vmem>>)
      tpu.yield
    }) : () -> ()
    "tpu.region"() ({
      %run_scoped3A = tpu.sem_alloc : memref<!tpu.dma_semaphore, #tpu.memory_space<semaphore_mem>>
      %dma_start3A = arith.constant 0 : i32
      %dma_start3A_47 = tpu.memref_slice %arg5[%arg0, %add3A_46, %dma_start3A] : memref<2x10240x128xf32, #tpu.memory_space<hbm>> -> memref<1x128x128xf32, #tpu.memory_space<hbm>>
      %dma_start3A_48 = tpu.memref_squeeze %dma_start3A_47 : memref<1x128x128xf32, #tpu.memory_space<hbm>> -> memref<128x128xf32, #tpu.memory_space<hbm>>
      %dma_start3A_49 = arith.constant 0 : i32
      %dma_start3A_50 = tpu.memref_slice %arg5[%arg0, %add3A_46, %dma_start3A_49] : memref<2x10240x128xf32, #tpu.memory_space<hbm>> -> memref<1x128x128xf32, #tpu.memory_space<hbm>>
      %dma_start3A_51 = tpu.memref_squeeze %dma_start3A_50 : memref<1x128x128xf32, #tpu.memory_space<hbm>> -> memref<128x128xf32, #tpu.memory_space<hbm>>
      tpu.enqueue_dma source(%arg8 : memref<128x128xf32, #tpu.memory_space<vmem>>) target(%dma_start3A_51 : memref<128x128xf32, #tpu.memory_space<hbm>>) target_semaphore(%run_scoped3A : memref<!tpu.dma_semaphore, #tpu.memory_space<semaphore_mem>>)
      %dma_wait3A = arith.constant 0 : i32
      %dma_wait3A_52 = tpu.memref_slice %arg5[%arg0, %add3A_46, %dma_wait3A] : memref<2x10240x128xf32, #tpu.memory_space<hbm>> -> memref<1x128x128xf32, #tpu.memory_space<hbm>>
      %dma_wait3A_53 = tpu.memref_squeeze %dma_wait3A_52 : memref<1x128x128xf32, #tpu.memory_space<hbm>> -> memref<128x128xf32, #tpu.memory_space<hbm>>
      %dma_wait3A_54 = arith.constant 0 : i32
      %dma_wait3A_55 = tpu.memref_slice %arg5[%arg0, %add3A_46, %dma_wait3A_54] : memref<2x10240x128xf32, #tpu.memory_space<hbm>> -> memref<1x128x128xf32, #tpu.memory_space<hbm>>
      %dma_wait3A_56 = tpu.memref_squeeze %dma_wait3A_55 : memref<1x128x128xf32, #tpu.memory_space<hbm>> -> memref<128x128xf32, #tpu.memory_space<hbm>>
      tpu.wait_dma2 semaphore(%run_scoped3A : memref<!tpu.dma_semaphore, #tpu.memory_space<semaphore_mem>>) src(%arg8 : memref<128x128xf32, #tpu.memory_space<vmem>>) dst(%dma_wait3A_56 : memref<128x128xf32, #tpu.memory_space<hbm>>)
      tpu.yield
    }) : () -> ()
    return
  }
}

#map = affine_map<(d0, d1) -> (0, 0)>
#map1 = affine_map<(d0, d1) -> (0)>
#map2 = affine_map<(d0, d1) -> (0, 0, 0)>
module attributes {stable_mosaic.version = 14 : i64} {
  func.func @_agg_body(%arg0: i32, %arg1: i32, %arg2: memref<10240x128xf32, #tpu.memory_space<hbm>>, %arg3: memref<163840xi32, #tpu.memory_space<hbm>>, %arg4: memref<163840xi32, #tpu.memory_space<hbm>>, %arg5: memref<128x128xf32, #tpu.memory_space<hbm>>, %arg6: memref<2x10240x128xf32, #tpu.memory_space<hbm>>, %arg7: memref<128xi32, #tpu.memory_space<vmem>>, %arg8: memref<128xi32, #tpu.memory_space<vmem>>, %arg9: memref<128xi32, #tpu.memory_space<vmem>>, %arg10: memref<128xi32, #tpu.memory_space<vmem>>, %arg11: memref<128x128xf32, #tpu.memory_space<vmem>>, %arg12: memref<128x128xf32, #tpu.memory_space<vmem>>, %arg13: memref<10240x128xf32, #tpu.memory_space<vmem_shared>>, %arg14: memref<!tpu.dma_semaphore, #tpu.memory_space<semaphore_mem>>, %arg15: memref<!tpu.dma_semaphore, #tpu.memory_space<semaphore_mem>>) attributes {dimension_semantics = [#tpu.dimension_semantics<core_parallel>, #tpu.dimension_semantics<subcore_parallel>], iteration_bounds = array<i64: 2, 16>, scalar_prefetch = 0 : i64, scratch_operands = 9 : i64, tpu.core_type = #tpu.core_type<sc_vector_subcore>, window_params = [{transform_indices = #map}, {transform_indices = #map1}, {transform_indices = #map1}, {transform_indices = #map}, {transform_indices = #map2}]} {
    "tpu.region"() ({
      %run_scoped3A = tpu.sem_alloc : memref<!tpu.dma_semaphore, #tpu.memory_space<semaphore_mem>>
      tpu.enqueue_dma source(%arg5 : memref<128x128xf32, #tpu.memory_space<hbm>>) target(%arg11 : memref<128x128xf32, #tpu.memory_space<vmem>>) target_semaphore(%run_scoped3A : memref<!tpu.dma_semaphore, #tpu.memory_space<semaphore_mem>>)
      tpu.wait_dma2 semaphore(%run_scoped3A : memref<!tpu.dma_semaphore, #tpu.memory_space<semaphore_mem>>) src(%arg5 : memref<128x128xf32, #tpu.memory_space<hbm>>) dst(%arg11 : memref<128x128xf32, #tpu.memory_space<vmem>>)
      tpu.yield
    }) : () -> ()
    %mul3A = arith.constant 640 : i32
    %mul3A_0 = arith.muli %arg1, %mul3A : i32
    %add3A = arith.constant 0 : i32
    %add3A_1 = arith.addi %mul3A_0, %add3A : i32
    "tpu.region"() ({
      %run_scoped3A = tpu.sem_alloc : memref<!tpu.dma_semaphore, #tpu.memory_space<semaphore_mem>>
      %dma_start3A = arith.constant 0 : i32
      %dma_start3A_77 = tpu.memref_slice %arg13[%add3A_1, %dma_start3A] : memref<10240x128xf32, #tpu.memory_space<vmem_shared>> -> memref<128x128xf32, #tpu.memory_space<vmem_shared>>
      %dma_start3A_78 = arith.constant 0 : i32
      %dma_start3A_79 = tpu.memref_slice %arg13[%add3A_1, %dma_start3A_78] : memref<10240x128xf32, #tpu.memory_space<vmem_shared>> -> memref<128x128xf32, #tpu.memory_space<vmem_shared>>
      tpu.enqueue_dma source(%arg11 : memref<128x128xf32, #tpu.memory_space<vmem>>) target(%dma_start3A_79 : memref<128x128xf32, #tpu.memory_space<vmem_shared>>) target_semaphore(%run_scoped3A : memref<!tpu.dma_semaphore, #tpu.memory_space<semaphore_mem>>)
      %dma_wait3A = arith.constant 0 : i32
      %dma_wait3A_80 = tpu.memref_slice %arg13[%add3A_1, %dma_wait3A] : memref<10240x128xf32, #tpu.memory_space<vmem_shared>> -> memref<128x128xf32, #tpu.memory_space<vmem_shared>>
      %dma_wait3A_81 = arith.constant 0 : i32
      %dma_wait3A_82 = tpu.memref_slice %arg13[%add3A_1, %dma_wait3A_81] : memref<10240x128xf32, #tpu.memory_space<vmem_shared>> -> memref<128x128xf32, #tpu.memory_space<vmem_shared>>
      tpu.wait_dma2 semaphore(%run_scoped3A : memref<!tpu.dma_semaphore, #tpu.memory_space<semaphore_mem>>) src(%arg11 : memref<128x128xf32, #tpu.memory_space<vmem>>) dst(%dma_wait3A_82 : memref<128x128xf32, #tpu.memory_space<vmem_shared>>)
      tpu.yield
    }) : () -> ()
    %mul3A_2 = arith.constant 640 : i32
    %mul3A_3 = arith.muli %arg1, %mul3A_2 : i32
    %add3A_4 = arith.constant 128 : i32
    %add3A_5 = arith.addi %mul3A_3, %add3A_4 : i32
    "tpu.region"() ({
      %run_scoped3A = tpu.sem_alloc : memref<!tpu.dma_semaphore, #tpu.memory_space<semaphore_mem>>
      %dma_start3A = arith.constant 0 : i32
      %dma_start3A_77 = tpu.memref_slice %arg13[%add3A_5, %dma_start3A] : memref<10240x128xf32, #tpu.memory_space<vmem_shared>> -> memref<128x128xf32, #tpu.memory_space<vmem_shared>>
      %dma_start3A_78 = arith.constant 0 : i32
      %dma_start3A_79 = tpu.memref_slice %arg13[%add3A_5, %dma_start3A_78] : memref<10240x128xf32, #tpu.memory_space<vmem_shared>> -> memref<128x128xf32, #tpu.memory_space<vmem_shared>>
      tpu.enqueue_dma source(%arg11 : memref<128x128xf32, #tpu.memory_space<vmem>>) target(%dma_start3A_79 : memref<128x128xf32, #tpu.memory_space<vmem_shared>>) target_semaphore(%run_scoped3A : memref<!tpu.dma_semaphore, #tpu.memory_space<semaphore_mem>>)
      %dma_wait3A = arith.constant 0 : i32
      %dma_wait3A_80 = tpu.memref_slice %arg13[%add3A_5, %dma_wait3A] : memref<10240x128xf32, #tpu.memory_space<vmem_shared>> -> memref<128x128xf32, #tpu.memory_space<vmem_shared>>
      %dma_wait3A_81 = arith.constant 0 : i32
      %dma_wait3A_82 = tpu.memref_slice %arg13[%add3A_5, %dma_wait3A_81] : memref<10240x128xf32, #tpu.memory_space<vmem_shared>> -> memref<128x128xf32, #tpu.memory_space<vmem_shared>>
      tpu.wait_dma2 semaphore(%run_scoped3A : memref<!tpu.dma_semaphore, #tpu.memory_space<semaphore_mem>>) src(%arg11 : memref<128x128xf32, #tpu.memory_space<vmem>>) dst(%dma_wait3A_82 : memref<128x128xf32, #tpu.memory_space<vmem_shared>>)
      tpu.yield
    }) : () -> ()
    %mul3A_6 = arith.constant 640 : i32
    %mul3A_7 = arith.muli %arg1, %mul3A_6 : i32
    %add3A_8 = arith.constant 256 : i32
    %add3A_9 = arith.addi %mul3A_7, %add3A_8 : i32
    "tpu.region"() ({
      %run_scoped3A = tpu.sem_alloc : memref<!tpu.dma_semaphore, #tpu.memory_space<semaphore_mem>>
      %dma_start3A = arith.constant 0 : i32
      %dma_start3A_77 = tpu.memref_slice %arg13[%add3A_9, %dma_start3A] : memref<10240x128xf32, #tpu.memory_space<vmem_shared>> -> memref<128x128xf32, #tpu.memory_space<vmem_shared>>
      %dma_start3A_78 = arith.constant 0 : i32
      %dma_start3A_79 = tpu.memref_slice %arg13[%add3A_9, %dma_start3A_78] : memref<10240x128xf32, #tpu.memory_space<vmem_shared>> -> memref<128x128xf32, #tpu.memory_space<vmem_shared>>
      tpu.enqueue_dma source(%arg11 : memref<128x128xf32, #tpu.memory_space<vmem>>) target(%dma_start3A_79 : memref<128x128xf32, #tpu.memory_space<vmem_shared>>) target_semaphore(%run_scoped3A : memref<!tpu.dma_semaphore, #tpu.memory_space<semaphore_mem>>)
      %dma_wait3A = arith.constant 0 : i32
      %dma_wait3A_80 = tpu.memref_slice %arg13[%add3A_9, %dma_wait3A] : memref<10240x128xf32, #tpu.memory_space<vmem_shared>> -> memref<128x128xf32, #tpu.memory_space<vmem_shared>>
      %dma_wait3A_81 = arith.constant 0 : i32
      %dma_wait3A_82 = tpu.memref_slice %arg13[%add3A_9, %dma_wait3A_81] : memref<10240x128xf32, #tpu.memory_space<vmem_shared>> -> memref<128x128xf32, #tpu.memory_space<vmem_shared>>
      tpu.wait_dma2 semaphore(%run_scoped3A : memref<!tpu.dma_semaphore, #tpu.memory_space<semaphore_mem>>) src(%arg11 : memref<128x128xf32, #tpu.memory_space<vmem>>) dst(%dma_wait3A_82 : memref<128x128xf32, #tpu.memory_space<vmem_shared>>)
      tpu.yield
    }) : () -> ()
    %mul3A_10 = arith.constant 640 : i32
    %mul3A_11 = arith.muli %arg1, %mul3A_10 : i32
    %add3A_12 = arith.constant 384 : i32
    %add3A_13 = arith.addi %mul3A_11, %add3A_12 : i32
    "tpu.region"() ({
      %run_scoped3A = tpu.sem_alloc : memref<!tpu.dma_semaphore, #tpu.memory_space<semaphore_mem>>
      %dma_start3A = arith.constant 0 : i32
      %dma_start3A_77 = tpu.memref_slice %arg13[%add3A_13, %dma_start3A] : memref<10240x128xf32, #tpu.memory_space<vmem_shared>> -> memref<128x128xf32, #tpu.memory_space<vmem_shared>>
      %dma_start3A_78 = arith.constant 0 : i32
      %dma_start3A_79 = tpu.memref_slice %arg13[%add3A_13, %dma_start3A_78] : memref<10240x128xf32, #tpu.memory_space<vmem_shared>> -> memref<128x128xf32, #tpu.memory_space<vmem_shared>>
      tpu.enqueue_dma source(%arg11 : memref<128x128xf32, #tpu.memory_space<vmem>>) target(%dma_start3A_79 : memref<128x128xf32, #tpu.memory_space<vmem_shared>>) target_semaphore(%run_scoped3A : memref<!tpu.dma_semaphore, #tpu.memory_space<semaphore_mem>>)
      %dma_wait3A = arith.constant 0 : i32
      %dma_wait3A_80 = tpu.memref_slice %arg13[%add3A_13, %dma_wait3A] : memref<10240x128xf32, #tpu.memory_space<vmem_shared>> -> memref<128x128xf32, #tpu.memory_space<vmem_shared>>
      %dma_wait3A_81 = arith.constant 0 : i32
      %dma_wait3A_82 = tpu.memref_slice %arg13[%add3A_13, %dma_wait3A_81] : memref<10240x128xf32, #tpu.memory_space<vmem_shared>> -> memref<128x128xf32, #tpu.memory_space<vmem_shared>>
      tpu.wait_dma2 semaphore(%run_scoped3A : memref<!tpu.dma_semaphore, #tpu.memory_space<semaphore_mem>>) src(%arg11 : memref<128x128xf32, #tpu.memory_space<vmem>>) dst(%dma_wait3A_82 : memref<128x128xf32, #tpu.memory_space<vmem_shared>>)
      tpu.yield
    }) : () -> ()
    %mul3A_14 = arith.constant 640 : i32
    %mul3A_15 = arith.muli %arg1, %mul3A_14 : i32
    %add3A_16 = arith.constant 512 : i32
    %add3A_17 = arith.addi %mul3A_15, %add3A_16 : i32
    "tpu.region"() ({
      %run_scoped3A = tpu.sem_alloc : memref<!tpu.dma_semaphore, #tpu.memory_space<semaphore_mem>>
      %dma_start3A = arith.constant 0 : i32
      %dma_start3A_77 = tpu.memref_slice %arg13[%add3A_17, %dma_start3A] : memref<10240x128xf32, #tpu.memory_space<vmem_shared>> -> memref<128x128xf32, #tpu.memory_space<vmem_shared>>
      %dma_start3A_78 = arith.constant 0 : i32
      %dma_start3A_79 = tpu.memref_slice %arg13[%add3A_17, %dma_start3A_78] : memref<10240x128xf32, #tpu.memory_space<vmem_shared>> -> memref<128x128xf32, #tpu.memory_space<vmem_shared>>
      tpu.enqueue_dma source(%arg11 : memref<128x128xf32, #tpu.memory_space<vmem>>) target(%dma_start3A_79 : memref<128x128xf32, #tpu.memory_space<vmem_shared>>) target_semaphore(%run_scoped3A : memref<!tpu.dma_semaphore, #tpu.memory_space<semaphore_mem>>)
      %dma_wait3A = arith.constant 0 : i32
      %dma_wait3A_80 = tpu.memref_slice %arg13[%add3A_17, %dma_wait3A] : memref<10240x128xf32, #tpu.memory_space<vmem_shared>> -> memref<128x128xf32, #tpu.memory_space<vmem_shared>>
      %dma_wait3A_81 = arith.constant 0 : i32
      %dma_wait3A_82 = tpu.memref_slice %arg13[%add3A_17, %dma_wait3A_81] : memref<10240x128xf32, #tpu.memory_space<vmem_shared>> -> memref<128x128xf32, #tpu.memory_space<vmem_shared>>
      tpu.wait_dma2 semaphore(%run_scoped3A : memref<!tpu.dma_semaphore, #tpu.memory_space<semaphore_mem>>) src(%arg11 : memref<128x128xf32, #tpu.memory_space<vmem>>) dst(%dma_wait3A_82 : memref<128x128xf32, #tpu.memory_space<vmem_shared>>)
      tpu.yield
    }) : () -> ()
    %barrier3A = arith.constant 0 : index
    tpu.barrier barrier_id(%barrier3A)
    %eq3A = arith.constant 0 : i32
    %eq3A_18 = arith.cmpi eq, %arg0, %eq3A : i32
    %mul3A_19 = arith.constant 60 : i32
    %mul3A_20 = arith.muli %arg1, %mul3A_19 : i32
    %mul3A_21 = arith.constant 20 : i32
    %mul3A_22 = arith.muli %arg1, %mul3A_21 : i32
    %add3A_23 = arith.constant 960 : i32
    %add3A_24 = arith.addi %add3A_23, %mul3A_22 : i32
    %select_n3A = arith.select %eq3A_18, %mul3A_20, %add3A_24 : i32
    %eq3A_25 = arith.constant 0 : i32
    %eq3A_26 = arith.cmpi eq, %arg0, %eq3A_25 : i32
    %jit3A = arith.constant 60 : i32
    %jit3A_27 = arith.constant 20 : i32
    %select_n3A_28 = arith.select %eq3A_26, %jit3A, %jit3A_27 : i32
    %jit3A_29 = arith.constant 2 : i32
    %div3A = arith.divsi %select_n3A_28, %jit3A_29 : i32
    %sign3A = arith.constant 0 : i32
    %sign3A_30 = arith.cmpi sgt, %select_n3A_28, %sign3A : i32
    %sign3A_31 = arith.extui %sign3A_30 : i1 to i32
    %sign3A_32 = arith.constant 0 : i32
    %sign3A_33 = arith.cmpi slt, %select_n3A_28, %sign3A_32 : i32
    %sign3A_34 = arith.extui %sign3A_33 : i1 to i32
    %sign3A_35 = arith.subi %sign3A_31, %sign3A_34 : i32
    %sign3A_36 = arith.constant 0 : i32
    %sign3A_37 = arith.cmpi sgt, %jit3A_29, %sign3A_36 : i32
    %sign3A_38 = arith.extui %sign3A_37 : i1 to i32
    %sign3A_39 = arith.constant 0 : i32
    %sign3A_40 = arith.cmpi slt, %jit3A_29, %sign3A_39 : i32
    %sign3A_41 = arith.extui %sign3A_40 : i1 to i32
    %sign3A_42 = arith.subi %sign3A_38, %sign3A_41 : i32
    %ne3A = arith.cmpi ne, %sign3A_35, %sign3A_42 : i32
    %rem3A = arith.remsi %select_n3A_28, %jit3A_29 : i32
    %ne3A_43 = arith.constant 0 : i32
    %ne3A_44 = arith.cmpi ne, %rem3A, %ne3A_43 : i32
    %and3A = arith.andi %ne3A, %ne3A_44 : i1
    %sub3A = arith.constant 1 : i32
    %sub3A_45 = arith.subi %div3A, %sub3A : i32
    %select_n3A_46 = arith.select %and3A, %sub3A_45, %div3A : i32
    %while3A = arith.constant 0 : i32
    %while3A_47 = arith.constant 0 : i32
    %while3A_48 = arith.subi %select_n3A_46, %while3A_47 : i32
    %while3A_49 = arith.addi %while3A_47, %while3A_48 : i32
    %while3A_50 = arith.constant 1 : i32
    %while3A_51 = arith.divsi %while3A_48, %while3A_50 : i32
    %while3A_52 = arith.muli %while3A_51, %while3A_50 : i32
    %while3A_53 = arith.addi %while3A_47, %while3A_52 : i32
    %while3A_54 = arith.constant 1 : i32
    scf.for %while3A_77 = %while3A_47 to %while3A_53 step %while3A_54  : i32 {
      %mul3A_78 = arith.constant 2 : i32
      %mul3A_79 = arith.muli %mul3A_78, %while3A_77 : i32
      %add3A_80 = arith.addi %select_n3A, %mul3A_79 : i32
      %mul3A_81 = arith.constant 128 : i32
      %mul3A_82 = arith.muli %add3A_80, %mul3A_81 : i32
      %add3A_83 = arith.constant 128 : i32
      %add3A_84 = arith.addi %mul3A_82, %add3A_83 : i32
      "tpu.region"() ({
        %run_scoped3A = tpu.sem_alloc : memref<!tpu.dma_semaphore, #tpu.memory_space<semaphore_mem>>
        %dma_start3A_95 = tpu.memref_slice %arg3[%mul3A_82] : memref<163840xi32, #tpu.memory_space<hbm>> -> memref<128xi32, #tpu.memory_space<hbm>>
        %dma_start3A_96 = tpu.memref_slice %arg3[%mul3A_82] : memref<163840xi32, #tpu.memory_space<hbm>> -> memref<128xi32, #tpu.memory_space<hbm>>
        tpu.enqueue_dma source(%dma_start3A_96 : memref<128xi32, #tpu.memory_space<hbm>>) target(%arg7 : memref<128xi32, #tpu.memory_space<vmem>>) target_semaphore(%run_scoped3A : memref<!tpu.dma_semaphore, #tpu.memory_space<semaphore_mem>>)
        %dma_wait3A_97 = tpu.memref_slice %arg3[%mul3A_82] : memref<163840xi32, #tpu.memory_space<hbm>> -> memref<128xi32, #tpu.memory_space<hbm>>
        %dma_wait3A_98 = tpu.memref_slice %arg3[%mul3A_82] : memref<163840xi32, #tpu.memory_space<hbm>> -> memref<128xi32, #tpu.memory_space<hbm>>
        tpu.wait_dma2 semaphore(%run_scoped3A : memref<!tpu.dma_semaphore, #tpu.memory_space<semaphore_mem>>) src(%dma_wait3A_98 : memref<128xi32, #tpu.memory_space<hbm>>) dst(%arg7 : memref<128xi32, #tpu.memory_space<vmem>>)
        tpu.yield
      }) : () -> ()
      %dma_start3A = arith.constant 0 : i32
      %dma_start3A_85 = arith.constant 0 : i32
      %dma_start3A_86 = tpu.memref_slice %arg2[%dma_start3A, %dma_start3A_85] : memref<10240x128xf32, #tpu.memory_space<hbm>> -> memref<10240x128xf32, #tpu.memory_space<hbm>>
      tpu.enqueue_indirect_dma source(%dma_start3A_86 : memref<10240x128xf32, #tpu.memory_space<hbm>>) target(%arg11 : memref<128x128xf32, #tpu.memory_space<vmem>>) offsets(%arg7 : memref<128xi32, #tpu.memory_space<vmem>>) semaphore(%arg14 : memref<!tpu.dma_semaphore, #tpu.memory_space<semaphore_mem>>)
      "tpu.region"() ({
        %run_scoped3A = tpu.sem_alloc : memref<!tpu.dma_semaphore, #tpu.memory_space<semaphore_mem>>
        %dma_start3A_95 = tpu.memref_slice %arg3[%add3A_84] : memref<163840xi32, #tpu.memory_space<hbm>> -> memref<128xi32, #tpu.memory_space<hbm>>
        %dma_start3A_96 = tpu.memref_slice %arg3[%add3A_84] : memref<163840xi32, #tpu.memory_space<hbm>> -> memref<128xi32, #tpu.memory_space<hbm>>
        tpu.enqueue_dma source(%dma_start3A_96 : memref<128xi32, #tpu.memory_space<hbm>>) target(%arg9 : memref<128xi32, #tpu.memory_space<vmem>>) target_semaphore(%run_scoped3A : memref<!tpu.dma_semaphore, #tpu.memory_space<semaphore_mem>>)
        %dma_wait3A_97 = tpu.memref_slice %arg3[%add3A_84] : memref<163840xi32, #tpu.memory_space<hbm>> -> memref<128xi32, #tpu.memory_space<hbm>>
        %dma_wait3A_98 = tpu.memref_slice %arg3[%add3A_84] : memref<163840xi32, #tpu.memory_space<hbm>> -> memref<128xi32, #tpu.memory_space<hbm>>
        tpu.wait_dma2 semaphore(%run_scoped3A : memref<!tpu.dma_semaphore, #tpu.memory_space<semaphore_mem>>) src(%dma_wait3A_98 : memref<128xi32, #tpu.memory_space<hbm>>) dst(%arg9 : memref<128xi32, #tpu.memory_space<vmem>>)
        tpu.yield
      }) : () -> ()
      %dma_start3A_87 = arith.constant 0 : i32
      %dma_start3A_88 = arith.constant 0 : i32
      %dma_start3A_89 = tpu.memref_slice %arg2[%dma_start3A_87, %dma_start3A_88] : memref<10240x128xf32, #tpu.memory_space<hbm>> -> memref<10240x128xf32, #tpu.memory_space<hbm>>
      tpu.enqueue_indirect_dma source(%dma_start3A_89 : memref<10240x128xf32, #tpu.memory_space<hbm>>) target(%arg12 : memref<128x128xf32, #tpu.memory_space<vmem>>) offsets(%arg9 : memref<128xi32, #tpu.memory_space<vmem>>) semaphore(%arg15 : memref<!tpu.dma_semaphore, #tpu.memory_space<semaphore_mem>>)
      "tpu.region"() ({
        %run_scoped3A = tpu.sem_alloc : memref<!tpu.dma_semaphore, #tpu.memory_space<semaphore_mem>>
        %dma_start3A_95 = tpu.memref_slice %arg4[%mul3A_82] : memref<163840xi32, #tpu.memory_space<hbm>> -> memref<128xi32, #tpu.memory_space<hbm>>
        %dma_start3A_96 = tpu.memref_slice %arg4[%mul3A_82] : memref<163840xi32, #tpu.memory_space<hbm>> -> memref<128xi32, #tpu.memory_space<hbm>>
        tpu.enqueue_dma source(%dma_start3A_96 : memref<128xi32, #tpu.memory_space<hbm>>) target(%arg8 : memref<128xi32, #tpu.memory_space<vmem>>) target_semaphore(%run_scoped3A : memref<!tpu.dma_semaphore, #tpu.memory_space<semaphore_mem>>)
        %dma_wait3A_97 = tpu.memref_slice %arg4[%mul3A_82] : memref<163840xi32, #tpu.memory_space<hbm>> -> memref<128xi32, #tpu.memory_space<hbm>>
        %dma_wait3A_98 = tpu.memref_slice %arg4[%mul3A_82] : memref<163840xi32, #tpu.memory_space<hbm>> -> memref<128xi32, #tpu.memory_space<hbm>>
        tpu.wait_dma2 semaphore(%run_scoped3A : memref<!tpu.dma_semaphore, #tpu.memory_space<semaphore_mem>>) src(%dma_wait3A_98 : memref<128xi32, #tpu.memory_space<hbm>>) dst(%arg8 : memref<128xi32, #tpu.memory_space<vmem>>)
        tpu.yield
      }) : () -> ()
      "tpu.region"() ({
        %run_scoped3A = tpu.sem_alloc : memref<!tpu.dma_semaphore, #tpu.memory_space<semaphore_mem>>
        %dma_start3A_95 = tpu.memref_slice %arg4[%add3A_84] : memref<163840xi32, #tpu.memory_space<hbm>> -> memref<128xi32, #tpu.memory_space<hbm>>
        %dma_start3A_96 = tpu.memref_slice %arg4[%add3A_84] : memref<163840xi32, #tpu.memory_space<hbm>> -> memref<128xi32, #tpu.memory_space<hbm>>
        tpu.enqueue_dma source(%dma_start3A_96 : memref<128xi32, #tpu.memory_space<hbm>>) target(%arg10 : memref<128xi32, #tpu.memory_space<vmem>>) target_semaphore(%run_scoped3A : memref<!tpu.dma_semaphore, #tpu.memory_space<semaphore_mem>>)
        %dma_wait3A_97 = tpu.memref_slice %arg4[%add3A_84] : memref<163840xi32, #tpu.memory_space<hbm>> -> memref<128xi32, #tpu.memory_space<hbm>>
        %dma_wait3A_98 = tpu.memref_slice %arg4[%add3A_84] : memref<163840xi32, #tpu.memory_space<hbm>> -> memref<128xi32, #tpu.memory_space<hbm>>
        tpu.wait_dma2 semaphore(%run_scoped3A : memref<!tpu.dma_semaphore, #tpu.memory_space<semaphore_mem>>) src(%dma_wait3A_98 : memref<128xi32, #tpu.memory_space<hbm>>) dst(%arg10 : memref<128xi32, #tpu.memory_space<vmem>>)
        tpu.yield
      }) : () -> ()
      %dma_wait3A = arith.constant 0 : i32
      %dma_wait3A_90 = arith.constant 0 : i32
      %dma_wait3A_91 = tpu.memref_slice %arg2[%dma_wait3A, %dma_wait3A_90] : memref<10240x128xf32, #tpu.memory_space<hbm>> -> memref<10240x128xf32, #tpu.memory_space<hbm>>
      tpu.wait_indirect_dma semaphore(%arg14 : memref<!tpu.dma_semaphore, #tpu.memory_space<semaphore_mem>>) src(%dma_wait3A_91 : memref<10240x128xf32, #tpu.memory_space<hbm>>) dst(%arg11 : memref<128x128xf32, #tpu.memory_space<vmem>>)
      "tpu.region"() ({
        %run_scoped3A = tpu.sem_alloc : memref<!tpu.dma_semaphore, #tpu.memory_space<semaphore_mem>>
        %dma_start3A_95 = arith.constant 0 : i32
        %dma_start3A_96 = arith.constant 0 : i32
        %dma_start3A_97 = tpu.memref_slice %arg13[%dma_start3A_95, %dma_start3A_96] : memref<10240x128xf32, #tpu.memory_space<vmem_shared>> -> memref<10240x128xf32, #tpu.memory_space<vmem_shared>>
        tpu.enqueue_indirect_dma source(%arg11 : memref<128x128xf32, #tpu.memory_space<vmem>>) target(%dma_start3A_97 : memref<10240x128xf32, #tpu.memory_space<vmem_shared>>) offsets(%arg8 : memref<128xi32, #tpu.memory_space<vmem>>) semaphore(%run_scoped3A : memref<!tpu.dma_semaphore, #tpu.memory_space<semaphore_mem>>) {add = true}
        %dma_wait3A_98 = arith.constant 0 : i32
        %dma_wait3A_99 = arith.constant 0 : i32
        %dma_wait3A_100 = tpu.memref_slice %arg13[%dma_wait3A_98, %dma_wait3A_99] : memref<10240x128xf32, #tpu.memory_space<vmem_shared>> -> memref<10240x128xf32, #tpu.memory_space<vmem_shared>>
        tpu.wait_indirect_dma semaphore(%run_scoped3A : memref<!tpu.dma_semaphore, #tpu.memory_space<semaphore_mem>>) src(%arg11 : memref<128x128xf32, #tpu.memory_space<vmem>>) dst(%dma_wait3A_100 : memref<10240x128xf32, #tpu.memory_space<vmem_shared>>)
        tpu.yield
      }) : () -> ()
      %dma_wait3A_92 = arith.constant 0 : i32
      %dma_wait3A_93 = arith.constant 0 : i32
      %dma_wait3A_94 = tpu.memref_slice %arg2[%dma_wait3A_92, %dma_wait3A_93] : memref<10240x128xf32, #tpu.memory_space<hbm>> -> memref<10240x128xf32, #tpu.memory_space<hbm>>
      tpu.wait_indirect_dma semaphore(%arg15 : memref<!tpu.dma_semaphore, #tpu.memory_space<semaphore_mem>>) src(%dma_wait3A_94 : memref<10240x128xf32, #tpu.memory_space<hbm>>) dst(%arg12 : memref<128x128xf32, #tpu.memory_space<vmem>>)
      "tpu.region"() ({
        %run_scoped3A = tpu.sem_alloc : memref<!tpu.dma_semaphore, #tpu.memory_space<semaphore_mem>>
        %dma_start3A_95 = arith.constant 0 : i32
        %dma_start3A_96 = arith.constant 0 : i32
        %dma_start3A_97 = tpu.memref_slice %arg13[%dma_start3A_95, %dma_start3A_96] : memref<10240x128xf32, #tpu.memory_space<vmem_shared>> -> memref<10240x128xf32, #tpu.memory_space<vmem_shared>>
        tpu.enqueue_indirect_dma source(%arg12 : memref<128x128xf32, #tpu.memory_space<vmem>>) target(%dma_start3A_97 : memref<10240x128xf32, #tpu.memory_space<vmem_shared>>) offsets(%arg10 : memref<128xi32, #tpu.memory_space<vmem>>) semaphore(%run_scoped3A : memref<!tpu.dma_semaphore, #tpu.memory_space<semaphore_mem>>) {add = true}
        %dma_wait3A_98 = arith.constant 0 : i32
        %dma_wait3A_99 = arith.constant 0 : i32
        %dma_wait3A_100 = tpu.memref_slice %arg13[%dma_wait3A_98, %dma_wait3A_99] : memref<10240x128xf32, #tpu.memory_space<vmem_shared>> -> memref<10240x128xf32, #tpu.memory_space<vmem_shared>>
        tpu.wait_indirect_dma semaphore(%run_scoped3A : memref<!tpu.dma_semaphore, #tpu.memory_space<semaphore_mem>>) src(%arg12 : memref<128x128xf32, #tpu.memory_space<vmem>>) dst(%dma_wait3A_100 : memref<10240x128xf32, #tpu.memory_space<vmem_shared>>)
        tpu.yield
      }) : () -> ()
    }
    %while3A_55 = arith.constant 1 : i32
    scf.for %while3A_77 = %while3A_53 to %while3A_49 step %while3A_55  : i32 {
      %mul3A_78 = arith.constant 2 : i32
      %mul3A_79 = arith.muli %mul3A_78, %while3A_77 : i32
      %add3A_80 = arith.addi %select_n3A, %mul3A_79 : i32
      %mul3A_81 = arith.constant 128 : i32
      %mul3A_82 = arith.muli %add3A_80, %mul3A_81 : i32
      %add3A_83 = arith.constant 128 : i32
      %add3A_84 = arith.addi %mul3A_82, %add3A_83 : i32
      "tpu.region"() ({
        %run_scoped3A = tpu.sem_alloc : memref<!tpu.dma_semaphore, #tpu.memory_space<semaphore_mem>>
        %dma_start3A_95 = tpu.memref_slice %arg3[%mul3A_82] : memref<163840xi32, #tpu.memory_space<hbm>> -> memref<128xi32, #tpu.memory_space<hbm>>
        %dma_start3A_96 = tpu.memref_slice %arg3[%mul3A_82] : memref<163840xi32, #tpu.memory_space<hbm>> -> memref<128xi32, #tpu.memory_space<hbm>>
        tpu.enqueue_dma source(%dma_start3A_96 : memref<128xi32, #tpu.memory_space<hbm>>) target(%arg7 : memref<128xi32, #tpu.memory_space<vmem>>) target_semaphore(%run_scoped3A : memref<!tpu.dma_semaphore, #tpu.memory_space<semaphore_mem>>)
        %dma_wait3A_97 = tpu.memref_slice %arg3[%mul3A_82] : memref<163840xi32, #tpu.memory_space<hbm>> -> memref<128xi32, #tpu.memory_space<hbm>>
        %dma_wait3A_98 = tpu.memref_slice %arg3[%mul3A_82] : memref<163840xi32, #tpu.memory_space<hbm>> -> memref<128xi32, #tpu.memory_space<hbm>>
        tpu.wait_dma2 semaphore(%run_scoped3A : memref<!tpu.dma_semaphore, #tpu.memory_space<semaphore_mem>>) src(%dma_wait3A_98 : memref<128xi32, #tpu.memory_space<hbm>>) dst(%arg7 : memref<128xi32, #tpu.memory_space<vmem>>)
        tpu.yield
      }) : () -> ()
      %dma_start3A = arith.constant 0 : i32
      %dma_start3A_85 = arith.constant 0 : i32
      %dma_start3A_86 = tpu.memref_slice %arg2[%dma_start3A, %dma_start3A_85] : memref<10240x128xf32, #tpu.memory_space<hbm>> -> memref<10240x128xf32, #tpu.memory_space<hbm>>
      tpu.enqueue_indirect_dma source(%dma_start3A_86 : memref<10240x128xf32, #tpu.memory_space<hbm>>) target(%arg11 : memref<128x128xf32, #tpu.memory_space<vmem>>) offsets(%arg7 : memref<128xi32, #tpu.memory_space<vmem>>) semaphore(%arg14 : memref<!tpu.dma_semaphore, #tpu.memory_space<semaphore_mem>>)
      "tpu.region"() ({
        %run_scoped3A = tpu.sem_alloc : memref<!tpu.dma_semaphore, #tpu.memory_space<semaphore_mem>>
        %dma_start3A_95 = tpu.memref_slice %arg3[%add3A_84] : memref<163840xi32, #tpu.memory_space<hbm>> -> memref<128xi32, #tpu.memory_space<hbm>>
        %dma_start3A_96 = tpu.memref_slice %arg3[%add3A_84] : memref<163840xi32, #tpu.memory_space<hbm>> -> memref<128xi32, #tpu.memory_space<hbm>>
        tpu.enqueue_dma source(%dma_start3A_96 : memref<128xi32, #tpu.memory_space<hbm>>) target(%arg9 : memref<128xi32, #tpu.memory_space<vmem>>) target_semaphore(%run_scoped3A : memref<!tpu.dma_semaphore, #tpu.memory_space<semaphore_mem>>)
        %dma_wait3A_97 = tpu.memref_slice %arg3[%add3A_84] : memref<163840xi32, #tpu.memory_space<hbm>> -> memref<128xi32, #tpu.memory_space<hbm>>
        %dma_wait3A_98 = tpu.memref_slice %arg3[%add3A_84] : memref<163840xi32, #tpu.memory_space<hbm>> -> memref<128xi32, #tpu.memory_space<hbm>>
        tpu.wait_dma2 semaphore(%run_scoped3A : memref<!tpu.dma_semaphore, #tpu.memory_space<semaphore_mem>>) src(%dma_wait3A_98 : memref<128xi32, #tpu.memory_space<hbm>>) dst(%arg9 : memref<128xi32, #tpu.memory_space<vmem>>)
        tpu.yield
      }) : () -> ()
      %dma_start3A_87 = arith.constant 0 : i32
      %dma_start3A_88 = arith.constant 0 : i32
      %dma_start3A_89 = tpu.memref_slice %arg2[%dma_start3A_87, %dma_start3A_88] : memref<10240x128xf32, #tpu.memory_space<hbm>> -> memref<10240x128xf32, #tpu.memory_space<hbm>>
      tpu.enqueue_indirect_dma source(%dma_start3A_89 : memref<10240x128xf32, #tpu.memory_space<hbm>>) target(%arg12 : memref<128x128xf32, #tpu.memory_space<vmem>>) offsets(%arg9 : memref<128xi32, #tpu.memory_space<vmem>>) semaphore(%arg15 : memref<!tpu.dma_semaphore, #tpu.memory_space<semaphore_mem>>)
      "tpu.region"() ({
        %run_scoped3A = tpu.sem_alloc : memref<!tpu.dma_semaphore, #tpu.memory_space<semaphore_mem>>
        %dma_start3A_95 = tpu.memref_slice %arg4[%mul3A_82] : memref<163840xi32, #tpu.memory_space<hbm>> -> memref<128xi32, #tpu.memory_space<hbm>>
        %dma_start3A_96 = tpu.memref_slice %arg4[%mul3A_82] : memref<163840xi32, #tpu.memory_space<hbm>> -> memref<128xi32, #tpu.memory_space<hbm>>
        tpu.enqueue_dma source(%dma_start3A_96 : memref<128xi32, #tpu.memory_space<hbm>>) target(%arg8 : memref<128xi32, #tpu.memory_space<vmem>>) target_semaphore(%run_scoped3A : memref<!tpu.dma_semaphore, #tpu.memory_space<semaphore_mem>>)
        %dma_wait3A_97 = tpu.memref_slice %arg4[%mul3A_82] : memref<163840xi32, #tpu.memory_space<hbm>> -> memref<128xi32, #tpu.memory_space<hbm>>
        %dma_wait3A_98 = tpu.memref_slice %arg4[%mul3A_82] : memref<163840xi32, #tpu.memory_space<hbm>> -> memref<128xi32, #tpu.memory_space<hbm>>
        tpu.wait_dma2 semaphore(%run_scoped3A : memref<!tpu.dma_semaphore, #tpu.memory_space<semaphore_mem>>) src(%dma_wait3A_98 : memref<128xi32, #tpu.memory_space<hbm>>) dst(%arg8 : memref<128xi32, #tpu.memory_space<vmem>>)
        tpu.yield
      }) : () -> ()
      "tpu.region"() ({
        %run_scoped3A = tpu.sem_alloc : memref<!tpu.dma_semaphore, #tpu.memory_space<semaphore_mem>>
        %dma_start3A_95 = tpu.memref_slice %arg4[%add3A_84] : memref<163840xi32, #tpu.memory_space<hbm>> -> memref<128xi32, #tpu.memory_space<hbm>>
        %dma_start3A_96 = tpu.memref_slice %arg4[%add3A_84] : memref<163840xi32, #tpu.memory_space<hbm>> -> memref<128xi32, #tpu.memory_space<hbm>>
        tpu.enqueue_dma source(%dma_start3A_96 : memref<128xi32, #tpu.memory_space<hbm>>) target(%arg10 : memref<128xi32, #tpu.memory_space<vmem>>) target_semaphore(%run_scoped3A : memref<!tpu.dma_semaphore, #tpu.memory_space<semaphore_mem>>)
        %dma_wait3A_97 = tpu.memref_slice %arg4[%add3A_84] : memref<163840xi32, #tpu.memory_space<hbm>> -> memref<128xi32, #tpu.memory_space<hbm>>
        %dma_wait3A_98 = tpu.memref_slice %arg4[%add3A_84] : memref<163840xi32, #tpu.memory_space<hbm>> -> memref<128xi32, #tpu.memory_space<hbm>>
        tpu.wait_dma2 semaphore(%run_scoped3A : memref<!tpu.dma_semaphore, #tpu.memory_space<semaphore_mem>>) src(%dma_wait3A_98 : memref<128xi32, #tpu.memory_space<hbm>>) dst(%arg10 : memref<128xi32, #tpu.memory_space<vmem>>)
        tpu.yield
      }) : () -> ()
      %dma_wait3A = arith.constant 0 : i32
      %dma_wait3A_90 = arith.constant 0 : i32
      %dma_wait3A_91 = tpu.memref_slice %arg2[%dma_wait3A, %dma_wait3A_90] : memref<10240x128xf32, #tpu.memory_space<hbm>> -> memref<10240x128xf32, #tpu.memory_space<hbm>>
      tpu.wait_indirect_dma semaphore(%arg14 : memref<!tpu.dma_semaphore, #tpu.memory_space<semaphore_mem>>) src(%dma_wait3A_91 : memref<10240x128xf32, #tpu.memory_space<hbm>>) dst(%arg11 : memref<128x128xf32, #tpu.memory_space<vmem>>)
      "tpu.region"() ({
        %run_scoped3A = tpu.sem_alloc : memref<!tpu.dma_semaphore, #tpu.memory_space<semaphore_mem>>
        %dma_start3A_95 = arith.constant 0 : i32
        %dma_start3A_96 = arith.constant 0 : i32
        %dma_start3A_97 = tpu.memref_slice %arg13[%dma_start3A_95, %dma_start3A_96] : memref<10240x128xf32, #tpu.memory_space<vmem_shared>> -> memref<10240x128xf32, #tpu.memory_space<vmem_shared>>
        tpu.enqueue_indirect_dma source(%arg11 : memref<128x128xf32, #tpu.memory_space<vmem>>) target(%dma_start3A_97 : memref<10240x128xf32, #tpu.memory_space<vmem_shared>>) offsets(%arg8 : memref<128xi32, #tpu.memory_space<vmem>>) semaphore(%run_scoped3A : memref<!tpu.dma_semaphore, #tpu.memory_space<semaphore_mem>>) {add = true}
        %dma_wait3A_98 = arith.constant 0 : i32
        %dma_wait3A_99 = arith.constant 0 : i32
        %dma_wait3A_100 = tpu.memref_slice %arg13[%dma_wait3A_98, %dma_wait3A_99] : memref<10240x128xf32, #tpu.memory_space<vmem_shared>> -> memref<10240x128xf32, #tpu.memory_space<vmem_shared>>
        tpu.wait_indirect_dma semaphore(%run_scoped3A : memref<!tpu.dma_semaphore, #tpu.memory_space<semaphore_mem>>) src(%arg11 : memref<128x128xf32, #tpu.memory_space<vmem>>) dst(%dma_wait3A_100 : memref<10240x128xf32, #tpu.memory_space<vmem_shared>>)
        tpu.yield
      }) : () -> ()
      %dma_wait3A_92 = arith.constant 0 : i32
      %dma_wait3A_93 = arith.constant 0 : i32
      %dma_wait3A_94 = tpu.memref_slice %arg2[%dma_wait3A_92, %dma_wait3A_93] : memref<10240x128xf32, #tpu.memory_space<hbm>> -> memref<10240x128xf32, #tpu.memory_space<hbm>>
      tpu.wait_indirect_dma semaphore(%arg15 : memref<!tpu.dma_semaphore, #tpu.memory_space<semaphore_mem>>) src(%dma_wait3A_94 : memref<10240x128xf32, #tpu.memory_space<hbm>>) dst(%arg12 : memref<128x128xf32, #tpu.memory_space<vmem>>)
      "tpu.region"() ({
        %run_scoped3A = tpu.sem_alloc : memref<!tpu.dma_semaphore, #tpu.memory_space<semaphore_mem>>
        %dma_start3A_95 = arith.constant 0 : i32
        %dma_start3A_96 = arith.constant 0 : i32
        %dma_start3A_97 = tpu.memref_slice %arg13[%dma_start3A_95, %dma_start3A_96] : memref<10240x128xf32, #tpu.memory_space<vmem_shared>> -> memref<10240x128xf32, #tpu.memory_space<vmem_shared>>
        tpu.enqueue_indirect_dma source(%arg12 : memref<128x128xf32, #tpu.memory_space<vmem>>) target(%dma_start3A_97 : memref<10240x128xf32, #tpu.memory_space<vmem_shared>>) offsets(%arg10 : memref<128xi32, #tpu.memory_space<vmem>>) semaphore(%run_scoped3A : memref<!tpu.dma_semaphore, #tpu.memory_space<semaphore_mem>>) {add = true}
        %dma_wait3A_98 = arith.constant 0 : i32
        %dma_wait3A_99 = arith.constant 0 : i32
        %dma_wait3A_100 = tpu.memref_slice %arg13[%dma_wait3A_98, %dma_wait3A_99] : memref<10240x128xf32, #tpu.memory_space<vmem_shared>> -> memref<10240x128xf32, #tpu.memory_space<vmem_shared>>
        tpu.wait_indirect_dma semaphore(%run_scoped3A : memref<!tpu.dma_semaphore, #tpu.memory_space<semaphore_mem>>) src(%arg12 : memref<128x128xf32, #tpu.memory_space<vmem>>) dst(%dma_wait3A_100 : memref<10240x128xf32, #tpu.memory_space<vmem_shared>>)
        tpu.yield
      }) : () -> ()
    }
    %barrier3A_56 = arith.constant 0 : index
    tpu.barrier barrier_id(%barrier3A_56)
    %mul3A_57 = arith.constant 640 : i32
    %mul3A_58 = arith.muli %arg1, %mul3A_57 : i32
    %add3A_59 = arith.constant 0 : i32
    %add3A_60 = arith.addi %mul3A_58, %add3A_59 : i32
    "tpu.region"() ({
      %run_scoped3A = tpu.sem_alloc : memref<!tpu.dma_semaphore, #tpu.memory_space<semaphore_mem>>
      %dma_start3A = arith.constant 0 : i32
      %dma_start3A_77 = tpu.memref_slice %arg13[%add3A_60, %dma_start3A] : memref<10240x128xf32, #tpu.memory_space<vmem_shared>> -> memref<128x128xf32, #tpu.memory_space<vmem_shared>>
      %dma_start3A_78 = arith.constant 0 : i32
      %dma_start3A_79 = tpu.memref_slice %arg13[%add3A_60, %dma_start3A_78] : memref<10240x128xf32, #tpu.memory_space<vmem_shared>> -> memref<128x128xf32, #tpu.memory_space<vmem_shared>>
      tpu.enqueue_dma source(%dma_start3A_79 : memref<128x128xf32, #tpu.memory_space<vmem_shared>>) target(%arg11 : memref<128x128xf32, #tpu.memory_space<vmem>>) target_semaphore(%run_scoped3A : memref<!tpu.dma_semaphore, #tpu.memory_space<semaphore_mem>>)
      %dma_wait3A = arith.constant 0 : i32
      %dma_wait3A_80 = tpu.memref_slice %arg13[%add3A_60, %dma_wait3A] : memref<10240x128xf32, #tpu.memory_space<vmem_shared>> -> memref<128x128xf32, #tpu.memory_space<vmem_shared>>
      %dma_wait3A_81 = arith.constant 0 : i32
      %dma_wait3A_82 = tpu.memref_slice %arg13[%add3A_60, %dma_wait3A_81] : memref<10240x128xf32, #tpu.memory_space<vmem_shared>> -> memref<128x128xf32, #tpu.memory_space<vmem_shared>>
      tpu.wait_dma2 semaphore(%run_scoped3A : memref<!tpu.dma_semaphore, #tpu.memory_space<semaphore_mem>>) src(%dma_wait3A_82 : memref<128x128xf32, #tpu.memory_space<vmem_shared>>) dst(%arg11 : memref<128x128xf32, #tpu.memory_space<vmem>>)
      tpu.yield
    }) : () -> ()
    "tpu.region"() ({
      %run_scoped3A = tpu.sem_alloc : memref<!tpu.dma_semaphore, #tpu.memory_space<semaphore_mem>>
      %dma_start3A = arith.constant 0 : i32
      %dma_start3A_77 = tpu.memref_slice %arg6[%arg0, %add3A_60, %dma_start3A] : memref<2x10240x128xf32, #tpu.memory_space<hbm>> -> memref<1x128x128xf32, #tpu.memory_space<hbm>>
      %dma_start3A_78 = tpu.memref_squeeze %dma_start3A_77 : memref<1x128x128xf32, #tpu.memory_space<hbm>> -> memref<128x128xf32, #tpu.memory_space<hbm>>
      %dma_start3A_79 = arith.constant 0 : i32
      %dma_start3A_80 = tpu.memref_slice %arg6[%arg0, %add3A_60, %dma_start3A_79] : memref<2x10240x128xf32, #tpu.memory_space<hbm>> -> memref<1x128x128xf32, #tpu.memory_space<hbm>>
      %dma_start3A_81 = tpu.memref_squeeze %dma_start3A_80 : memref<1x128x128xf32, #tpu.memory_space<hbm>> -> memref<128x128xf32, #tpu.memory_space<hbm>>
      tpu.enqueue_dma source(%arg11 : memref<128x128xf32, #tpu.memory_space<vmem>>) target(%dma_start3A_81 : memref<128x128xf32, #tpu.memory_space<hbm>>) target_semaphore(%run_scoped3A : memref<!tpu.dma_semaphore, #tpu.memory_space<semaphore_mem>>)
      %dma_wait3A = arith.constant 0 : i32
      %dma_wait3A_82 = tpu.memref_slice %arg6[%arg0, %add3A_60, %dma_wait3A] : memref<2x10240x128xf32, #tpu.memory_space<hbm>> -> memref<1x128x128xf32, #tpu.memory_space<hbm>>
      %dma_wait3A_83 = tpu.memref_squeeze %dma_wait3A_82 : memref<1x128x128xf32, #tpu.memory_space<hbm>> -> memref<128x128xf32, #tpu.memory_space<hbm>>
      %dma_wait3A_84 = arith.constant 0 : i32
      %dma_wait3A_85 = tpu.memref_slice %arg6[%arg0, %add3A_60, %dma_wait3A_84] : memref<2x10240x128xf32, #tpu.memory_space<hbm>> -> memref<1x128x128xf32, #tpu.memory_space<hbm>>
      %dma_wait3A_86 = tpu.memref_squeeze %dma_wait3A_85 : memref<1x128x128xf32, #tpu.memory_space<hbm>> -> memref<128x128xf32, #tpu.memory_space<hbm>>
      tpu.wait_dma2 semaphore(%run_scoped3A : memref<!tpu.dma_semaphore, #tpu.memory_space<semaphore_mem>>) src(%arg11 : memref<128x128xf32, #tpu.memory_space<vmem>>) dst(%dma_wait3A_86 : memref<128x128xf32, #tpu.memory_space<hbm>>)
      tpu.yield
    }) : () -> ()
    %mul3A_61 = arith.constant 640 : i32
    %mul3A_62 = arith.muli %arg1, %mul3A_61 : i32
    %add3A_63 = arith.constant 128 : i32
    %add3A_64 = arith.addi %mul3A_62, %add3A_63 : i32
    "tpu.region"() ({
      %run_scoped3A = tpu.sem_alloc : memref<!tpu.dma_semaphore, #tpu.memory_space<semaphore_mem>>
      %dma_start3A = arith.constant 0 : i32
      %dma_start3A_77 = tpu.memref_slice %arg13[%add3A_64, %dma_start3A] : memref<10240x128xf32, #tpu.memory_space<vmem_shared>> -> memref<128x128xf32, #tpu.memory_space<vmem_shared>>
      %dma_start3A_78 = arith.constant 0 : i32
      %dma_start3A_79 = tpu.memref_slice %arg13[%add3A_64, %dma_start3A_78] : memref<10240x128xf32, #tpu.memory_space<vmem_shared>> -> memref<128x128xf32, #tpu.memory_space<vmem_shared>>
      tpu.enqueue_dma source(%dma_start3A_79 : memref<128x128xf32, #tpu.memory_space<vmem_shared>>) target(%arg11 : memref<128x128xf32, #tpu.memory_space<vmem>>) target_semaphore(%run_scoped3A : memref<!tpu.dma_semaphore, #tpu.memory_space<semaphore_mem>>)
      %dma_wait3A = arith.constant 0 : i32
      %dma_wait3A_80 = tpu.memref_slice %arg13[%add3A_64, %dma_wait3A] : memref<10240x128xf32, #tpu.memory_space<vmem_shared>> -> memref<128x128xf32, #tpu.memory_space<vmem_shared>>
      %dma_wait3A_81 = arith.constant 0 : i32
      %dma_wait3A_82 = tpu.memref_slice %arg13[%add3A_64, %dma_wait3A_81] : memref<10240x128xf32, #tpu.memory_space<vmem_shared>> -> memref<128x128xf32, #tpu.memory_space<vmem_shared>>
      tpu.wait_dma2 semaphore(%run_scoped3A : memref<!tpu.dma_semaphore, #tpu.memory_space<semaphore_mem>>) src(%dma_wait3A_82 : memref<128x128xf32, #tpu.memory_space<vmem_shared>>) dst(%arg11 : memref<128x128xf32, #tpu.memory_space<vmem>>)
      tpu.yield
    }) : () -> ()
    "tpu.region"() ({
      %run_scoped3A = tpu.sem_alloc : memref<!tpu.dma_semaphore, #tpu.memory_space<semaphore_mem>>
      %dma_start3A = arith.constant 0 : i32
      %dma_start3A_77 = tpu.memref_slice %arg6[%arg0, %add3A_64, %dma_start3A] : memref<2x10240x128xf32, #tpu.memory_space<hbm>> -> memref<1x128x128xf32, #tpu.memory_space<hbm>>
      %dma_start3A_78 = tpu.memref_squeeze %dma_start3A_77 : memref<1x128x128xf32, #tpu.memory_space<hbm>> -> memref<128x128xf32, #tpu.memory_space<hbm>>
      %dma_start3A_79 = arith.constant 0 : i32
      %dma_start3A_80 = tpu.memref_slice %arg6[%arg0, %add3A_64, %dma_start3A_79] : memref<2x10240x128xf32, #tpu.memory_space<hbm>> -> memref<1x128x128xf32, #tpu.memory_space<hbm>>
      %dma_start3A_81 = tpu.memref_squeeze %dma_start3A_80 : memref<1x128x128xf32, #tpu.memory_space<hbm>> -> memref<128x128xf32, #tpu.memory_space<hbm>>
      tpu.enqueue_dma source(%arg11 : memref<128x128xf32, #tpu.memory_space<vmem>>) target(%dma_start3A_81 : memref<128x128xf32, #tpu.memory_space<hbm>>) target_semaphore(%run_scoped3A : memref<!tpu.dma_semaphore, #tpu.memory_space<semaphore_mem>>)
      %dma_wait3A = arith.constant 0 : i32
      %dma_wait3A_82 = tpu.memref_slice %arg6[%arg0, %add3A_64, %dma_wait3A] : memref<2x10240x128xf32, #tpu.memory_space<hbm>> -> memref<1x128x128xf32, #tpu.memory_space<hbm>>
      %dma_wait3A_83 = tpu.memref_squeeze %dma_wait3A_82 : memref<1x128x128xf32, #tpu.memory_space<hbm>> -> memref<128x128xf32, #tpu.memory_space<hbm>>
      %dma_wait3A_84 = arith.constant 0 : i32
      %dma_wait3A_85 = tpu.memref_slice %arg6[%arg0, %add3A_64, %dma_wait3A_84] : memref<2x10240x128xf32, #tpu.memory_space<hbm>> -> memref<1x128x128xf32, #tpu.memory_space<hbm>>
      %dma_wait3A_86 = tpu.memref_squeeze %dma_wait3A_85 : memref<1x128x128xf32, #tpu.memory_space<hbm>> -> memref<128x128xf32, #tpu.memory_space<hbm>>
      tpu.wait_dma2 semaphore(%run_scoped3A : memref<!tpu.dma_semaphore, #tpu.memory_space<semaphore_mem>>) src(%arg11 : memref<128x128xf32, #tpu.memory_space<vmem>>) dst(%dma_wait3A_86 : memref<128x128xf32, #tpu.memory_space<hbm>>)
      tpu.yield
    }) : () -> ()
    %mul3A_65 = arith.constant 640 : i32
    %mul3A_66 = arith.muli %arg1, %mul3A_65 : i32
    %add3A_67 = arith.constant 256 : i32
    %add3A_68 = arith.addi %mul3A_66, %add3A_67 : i32
    "tpu.region"() ({
      %run_scoped3A = tpu.sem_alloc : memref<!tpu.dma_semaphore, #tpu.memory_space<semaphore_mem>>
      %dma_start3A = arith.constant 0 : i32
      %dma_start3A_77 = tpu.memref_slice %arg13[%add3A_68, %dma_start3A] : memref<10240x128xf32, #tpu.memory_space<vmem_shared>> -> memref<128x128xf32, #tpu.memory_space<vmem_shared>>
      %dma_start3A_78 = arith.constant 0 : i32
      %dma_start3A_79 = tpu.memref_slice %arg13[%add3A_68, %dma_start3A_78] : memref<10240x128xf32, #tpu.memory_space<vmem_shared>> -> memref<128x128xf32, #tpu.memory_space<vmem_shared>>
      tpu.enqueue_dma source(%dma_start3A_79 : memref<128x128xf32, #tpu.memory_space<vmem_shared>>) target(%arg11 : memref<128x128xf32, #tpu.memory_space<vmem>>) target_semaphore(%run_scoped3A : memref<!tpu.dma_semaphore, #tpu.memory_space<semaphore_mem>>)
      %dma_wait3A = arith.constant 0 : i32
      %dma_wait3A_80 = tpu.memref_slice %arg13[%add3A_68, %dma_wait3A] : memref<10240x128xf32, #tpu.memory_space<vmem_shared>> -> memref<128x128xf32, #tpu.memory_space<vmem_shared>>
      %dma_wait3A_81 = arith.constant 0 : i32
      %dma_wait3A_82 = tpu.memref_slice %arg13[%add3A_68, %dma_wait3A_81] : memref<10240x128xf32, #tpu.memory_space<vmem_shared>> -> memref<128x128xf32, #tpu.memory_space<vmem_shared>>
      tpu.wait_dma2 semaphore(%run_scoped3A : memref<!tpu.dma_semaphore, #tpu.memory_space<semaphore_mem>>) src(%dma_wait3A_82 : memref<128x128xf32, #tpu.memory_space<vmem_shared>>) dst(%arg11 : memref<128x128xf32, #tpu.memory_space<vmem>>)
      tpu.yield
    }) : () -> ()
    "tpu.region"() ({
      %run_scoped3A = tpu.sem_alloc : memref<!tpu.dma_semaphore, #tpu.memory_space<semaphore_mem>>
      %dma_start3A = arith.constant 0 : i32
      %dma_start3A_77 = tpu.memref_slice %arg6[%arg0, %add3A_68, %dma_start3A] : memref<2x10240x128xf32, #tpu.memory_space<hbm>> -> memref<1x128x128xf32, #tpu.memory_space<hbm>>
      %dma_start3A_78 = tpu.memref_squeeze %dma_start3A_77 : memref<1x128x128xf32, #tpu.memory_space<hbm>> -> memref<128x128xf32, #tpu.memory_space<hbm>>
      %dma_start3A_79 = arith.constant 0 : i32
      %dma_start3A_80 = tpu.memref_slice %arg6[%arg0, %add3A_68, %dma_start3A_79] : memref<2x10240x128xf32, #tpu.memory_space<hbm>> -> memref<1x128x128xf32, #tpu.memory_space<hbm>>
      %dma_start3A_81 = tpu.memref_squeeze %dma_start3A_80 : memref<1x128x128xf32, #tpu.memory_space<hbm>> -> memref<128x128xf32, #tpu.memory_space<hbm>>
      tpu.enqueue_dma source(%arg11 : memref<128x128xf32, #tpu.memory_space<vmem>>) target(%dma_start3A_81 : memref<128x128xf32, #tpu.memory_space<hbm>>) target_semaphore(%run_scoped3A : memref<!tpu.dma_semaphore, #tpu.memory_space<semaphore_mem>>)
      %dma_wait3A = arith.constant 0 : i32
      %dma_wait3A_82 = tpu.memref_slice %arg6[%arg0, %add3A_68, %dma_wait3A] : memref<2x10240x128xf32, #tpu.memory_space<hbm>> -> memref<1x128x128xf32, #tpu.memory_space<hbm>>
      %dma_wait3A_83 = tpu.memref_squeeze %dma_wait3A_82 : memref<1x128x128xf32, #tpu.memory_space<hbm>> -> memref<128x128xf32, #tpu.memory_space<hbm>>
      %dma_wait3A_84 = arith.constant 0 : i32
      %dma_wait3A_85 = tpu.memref_slice %arg6[%arg0, %add3A_68, %dma_wait3A_84] : memref<2x10240x128xf32, #tpu.memory_space<hbm>> -> memref<1x128x128xf32, #tpu.memory_space<hbm>>
      %dma_wait3A_86 = tpu.memref_squeeze %dma_wait3A_85 : memref<1x128x128xf32, #tpu.memory_space<hbm>> -> memref<128x128xf32, #tpu.memory_space<hbm>>
      tpu.wait_dma2 semaphore(%run_scoped3A : memref<!tpu.dma_semaphore, #tpu.memory_space<semaphore_mem>>) src(%arg11 : memref<128x128xf32, #tpu.memory_space<vmem>>) dst(%dma_wait3A_86 : memref<128x128xf32, #tpu.memory_space<hbm>>)
      tpu.yield
    }) : () -> ()
    %mul3A_69 = arith.constant 640 : i32
    %mul3A_70 = arith.muli %arg1, %mul3A_69 : i32
    %add3A_71 = arith.constant 384 : i32
    %add3A_72 = arith.addi %mul3A_70, %add3A_71 : i32
    "tpu.region"() ({
      %run_scoped3A = tpu.sem_alloc : memref<!tpu.dma_semaphore, #tpu.memory_space<semaphore_mem>>
      %dma_start3A = arith.constant 0 : i32
      %dma_start3A_77 = tpu.memref_slice %arg13[%add3A_72, %dma_start3A] : memref<10240x128xf32, #tpu.memory_space<vmem_shared>> -> memref<128x128xf32, #tpu.memory_space<vmem_shared>>
      %dma_start3A_78 = arith.constant 0 : i32
      %dma_start3A_79 = tpu.memref_slice %arg13[%add3A_72, %dma_start3A_78] : memref<10240x128xf32, #tpu.memory_space<vmem_shared>> -> memref<128x128xf32, #tpu.memory_space<vmem_shared>>
      tpu.enqueue_dma source(%dma_start3A_79 : memref<128x128xf32, #tpu.memory_space<vmem_shared>>) target(%arg11 : memref<128x128xf32, #tpu.memory_space<vmem>>) target_semaphore(%run_scoped3A : memref<!tpu.dma_semaphore, #tpu.memory_space<semaphore_mem>>)
      %dma_wait3A = arith.constant 0 : i32
      %dma_wait3A_80 = tpu.memref_slice %arg13[%add3A_72, %dma_wait3A] : memref<10240x128xf32, #tpu.memory_space<vmem_shared>> -> memref<128x128xf32, #tpu.memory_space<vmem_shared>>
      %dma_wait3A_81 = arith.constant 0 : i32
      %dma_wait3A_82 = tpu.memref_slice %arg13[%add3A_72, %dma_wait3A_81] : memref<10240x128xf32, #tpu.memory_space<vmem_shared>> -> memref<128x128xf32, #tpu.memory_space<vmem_shared>>
      tpu.wait_dma2 semaphore(%run_scoped3A : memref<!tpu.dma_semaphore, #tpu.memory_space<semaphore_mem>>) src(%dma_wait3A_82 : memref<128x128xf32, #tpu.memory_space<vmem_shared>>) dst(%arg11 : memref<128x128xf32, #tpu.memory_space<vmem>>)
      tpu.yield
    }) : () -> ()
    "tpu.region"() ({
      %run_scoped3A = tpu.sem_alloc : memref<!tpu.dma_semaphore, #tpu.memory_space<semaphore_mem>>
      %dma_start3A = arith.constant 0 : i32
      %dma_start3A_77 = tpu.memref_slice %arg6[%arg0, %add3A_72, %dma_start3A] : memref<2x10240x128xf32, #tpu.memory_space<hbm>> -> memref<1x128x128xf32, #tpu.memory_space<hbm>>
      %dma_start3A_78 = tpu.memref_squeeze %dma_start3A_77 : memref<1x128x128xf32, #tpu.memory_space<hbm>> -> memref<128x128xf32, #tpu.memory_space<hbm>>
      %dma_start3A_79 = arith.constant 0 : i32
      %dma_start3A_80 = tpu.memref_slice %arg6[%arg0, %add3A_72, %dma_start3A_79] : memref<2x10240x128xf32, #tpu.memory_space<hbm>> -> memref<1x128x128xf32, #tpu.memory_space<hbm>>
      %dma_start3A_81 = tpu.memref_squeeze %dma_start3A_80 : memref<1x128x128xf32, #tpu.memory_space<hbm>> -> memref<128x128xf32, #tpu.memory_space<hbm>>
      tpu.enqueue_dma source(%arg11 : memref<128x128xf32, #tpu.memory_space<vmem>>) target(%dma_start3A_81 : memref<128x128xf32, #tpu.memory_space<hbm>>) target_semaphore(%run_scoped3A : memref<!tpu.dma_semaphore, #tpu.memory_space<semaphore_mem>>)
      %dma_wait3A = arith.constant 0 : i32
      %dma_wait3A_82 = tpu.memref_slice %arg6[%arg0, %add3A_72, %dma_wait3A] : memref<2x10240x128xf32, #tpu.memory_space<hbm>> -> memref<1x128x128xf32, #tpu.memory_space<hbm>>
      %dma_wait3A_83 = tpu.memref_squeeze %dma_wait3A_82 : memref<1x128x128xf32, #tpu.memory_space<hbm>> -> memref<128x128xf32, #tpu.memory_space<hbm>>
      %dma_wait3A_84 = arith.constant 0 : i32
      %dma_wait3A_85 = tpu.memref_slice %arg6[%arg0, %add3A_72, %dma_wait3A_84] : memref<2x10240x128xf32, #tpu.memory_space<hbm>> -> memref<1x128x128xf32, #tpu.memory_space<hbm>>
      %dma_wait3A_86 = tpu.memref_squeeze %dma_wait3A_85 : memref<1x128x128xf32, #tpu.memory_space<hbm>> -> memref<128x128xf32, #tpu.memory_space<hbm>>
      tpu.wait_dma2 semaphore(%run_scoped3A : memref<!tpu.dma_semaphore, #tpu.memory_space<semaphore_mem>>) src(%arg11 : memref<128x128xf32, #tpu.memory_space<vmem>>) dst(%dma_wait3A_86 : memref<128x128xf32, #tpu.memory_space<hbm>>)
      tpu.yield
    }) : () -> ()
    %mul3A_73 = arith.constant 640 : i32
    %mul3A_74 = arith.muli %arg1, %mul3A_73 : i32
    %add3A_75 = arith.constant 512 : i32
    %add3A_76 = arith.addi %mul3A_74, %add3A_75 : i32
    "tpu.region"() ({
      %run_scoped3A = tpu.sem_alloc : memref<!tpu.dma_semaphore, #tpu.memory_space<semaphore_mem>>
      %dma_start3A = arith.constant 0 : i32
      %dma_start3A_77 = tpu.memref_slice %arg13[%add3A_76, %dma_start3A] : memref<10240x128xf32, #tpu.memory_space<vmem_shared>> -> memref<128x128xf32, #tpu.memory_space<vmem_shared>>
      %dma_start3A_78 = arith.constant 0 : i32
      %dma_start3A_79 = tpu.memref_slice %arg13[%add3A_76, %dma_start3A_78] : memref<10240x128xf32, #tpu.memory_space<vmem_shared>> -> memref<128x128xf32, #tpu.memory_space<vmem_shared>>
      tpu.enqueue_dma source(%dma_start3A_79 : memref<128x128xf32, #tpu.memory_space<vmem_shared>>) target(%arg11 : memref<128x128xf32, #tpu.memory_space<vmem>>) target_semaphore(%run_scoped3A : memref<!tpu.dma_semaphore, #tpu.memory_space<semaphore_mem>>)
      %dma_wait3A = arith.constant 0 : i32
      %dma_wait3A_80 = tpu.memref_slice %arg13[%add3A_76, %dma_wait3A] : memref<10240x128xf32, #tpu.memory_space<vmem_shared>> -> memref<128x128xf32, #tpu.memory_space<vmem_shared>>
      %dma_wait3A_81 = arith.constant 0 : i32
      %dma_wait3A_82 = tpu.memref_slice %arg13[%add3A_76, %dma_wait3A_81] : memref<10240x128xf32, #tpu.memory_space<vmem_shared>> -> memref<128x128xf32, #tpu.memory_space<vmem_shared>>
      tpu.wait_dma2 semaphore(%run_scoped3A : memref<!tpu.dma_semaphore, #tpu.memory_space<semaphore_mem>>) src(%dma_wait3A_82 : memref<128x128xf32, #tpu.memory_space<vmem_shared>>) dst(%arg11 : memref<128x128xf32, #tpu.memory_space<vmem>>)
      tpu.yield
    }) : () -> ()
    "tpu.region"() ({
      %run_scoped3A = tpu.sem_alloc : memref<!tpu.dma_semaphore, #tpu.memory_space<semaphore_mem>>
      %dma_start3A = arith.constant 0 : i32
      %dma_start3A_77 = tpu.memref_slice %arg6[%arg0, %add3A_76, %dma_start3A] : memref<2x10240x128xf32, #tpu.memory_space<hbm>> -> memref<1x128x128xf32, #tpu.memory_space<hbm>>
      %dma_start3A_78 = tpu.memref_squeeze %dma_start3A_77 : memref<1x128x128xf32, #tpu.memory_space<hbm>> -> memref<128x128xf32, #tpu.memory_space<hbm>>
      %dma_start3A_79 = arith.constant 0 : i32
      %dma_start3A_80 = tpu.memref_slice %arg6[%arg0, %add3A_76, %dma_start3A_79] : memref<2x10240x128xf32, #tpu.memory_space<hbm>> -> memref<1x128x128xf32, #tpu.memory_space<hbm>>
      %dma_start3A_81 = tpu.memref_squeeze %dma_start3A_80 : memref<1x128x128xf32, #tpu.memory_space<hbm>> -> memref<128x128xf32, #tpu.memory_space<hbm>>
      tpu.enqueue_dma source(%arg11 : memref<128x128xf32, #tpu.memory_space<vmem>>) target(%dma_start3A_81 : memref<128x128xf32, #tpu.memory_space<hbm>>) target_semaphore(%run_scoped3A : memref<!tpu.dma_semaphore, #tpu.memory_space<semaphore_mem>>)
      %dma_wait3A = arith.constant 0 : i32
      %dma_wait3A_82 = tpu.memref_slice %arg6[%arg0, %add3A_76, %dma_wait3A] : memref<2x10240x128xf32, #tpu.memory_space<hbm>> -> memref<1x128x128xf32, #tpu.memory_space<hbm>>
      %dma_wait3A_83 = tpu.memref_squeeze %dma_wait3A_82 : memref<1x128x128xf32, #tpu.memory_space<hbm>> -> memref<128x128xf32, #tpu.memory_space<hbm>>
      %dma_wait3A_84 = arith.constant 0 : i32
      %dma_wait3A_85 = tpu.memref_slice %arg6[%arg0, %add3A_76, %dma_wait3A_84] : memref<2x10240x128xf32, #tpu.memory_space<hbm>> -> memref<1x128x128xf32, #tpu.memory_space<hbm>>
      %dma_wait3A_86 = tpu.memref_squeeze %dma_wait3A_85 : memref<1x128x128xf32, #tpu.memory_space<hbm>> -> memref<128x128xf32, #tpu.memory_space<hbm>>
      tpu.wait_dma2 semaphore(%run_scoped3A : memref<!tpu.dma_semaphore, #tpu.memory_space<semaphore_mem>>) src(%arg11 : memref<128x128xf32, #tpu.memory_space<vmem>>) dst(%dma_wait3A_86 : memref<128x128xf32, #tpu.memory_space<hbm>>)
      tpu.yield
    }) : () -> ()
    return
  }
}

module attributes {stable_mosaic.version = 14 : i64} {
  func.func @_t1a_body(%arg0: i32, %arg1: memref<256x128xf32, #tpu.memory_space<vmem>>, %arg2: memref<128x128xf32, #tpu.memory_space<vmem>>, %arg3: memref<256x128xf32, #tpu.memory_space<vmem>>) attributes {dimension_semantics = [#tpu.dimension_semantics<arbitrary>], iteration_bounds = array<i64: 40>, scalar_prefetch = 0 : i64, scratch_operands = 0 : i64, tpu.core_type = #tpu.core_type<tc>, window_params = [{transform_indices = @transform_0, window_bounds = array<i64: 256, 128>}, {pipeline_mode = #tpu.pipeline_mode<synchronous>, transform_indices = @transform_1, window_bounds = array<i64: 128, 128>}, {transform_indices = @transform_2, window_bounds = array<i64: 256, 128>}]} {
    %get3A = arith.constant 0 : index
    %get3A_0 = arith.constant 0 : index
    %get3A_1 = vector.load %arg1[%get3A, %get3A_0] : memref<256x128xf32, #tpu.memory_space<vmem>>, vector<256x128xf32>
    %get3A_2 = arith.constant 0 : index
    %get3A_3 = arith.constant 0 : index
    %get3A_4 = vector.load %arg2[%get3A_2, %get3A_3] : memref<128x128xf32, #tpu.memory_space<vmem>>, vector<128x128xf32>
    %dot_general3A = arith.constant dense<0.000000e+00> : vector<256x128xf32>
    %dot_general3A_5 = tpu.matmul %get3A_1, %get3A_4, %dot_general3A {dimension_numbers = #tpu.dot_dimension_numbers<[1], [0], [0], [1], [0, 0, 1, 1], [], []>, transpose_lhs_hint = false} : vector<256x128xf32>, vector<128x128xf32>, vector<256x128xf32> -> vector<256x128xf32>
    %swap3A = arith.constant 0 : index
    %swap3A_6 = arith.constant 0 : index
    %swap3A_7 = vector.load %arg3[%swap3A, %swap3A_6] : memref<256x128xf32, #tpu.memory_space<vmem>>, vector<256x128xf32>
    tpu.vector_store %arg3[%swap3A, %swap3A_6], %dot_general3A_5 {strides = array<i32>} : memref<256x128xf32, #tpu.memory_space<vmem>>, vector<256x128xf32>,
    return
  }
  func.func @transform_0(%arg0: i32) -> (i32, i32) {
    %c0_i32 = arith.constant 0 : i32
    %c0_i32_0 = arith.constant 0 : i32
    return %arg0, %c0_i32 : i32, i32
  }
  func.func @transform_1(%arg0: i32) -> (i32, i32) {
    %c0_i32 = arith.constant 0 : i32
    %c0_i32_0 = arith.constant 0 : i32
    %c0_i32_1 = arith.constant 0 : i32
    return %c0_i32, %c0_i32_0 : i32, i32
  }
  func.func @transform_2(%arg0: i32) -> (i32, i32) {
    %c0_i32 = arith.constant 0 : i32
    %c0_i32_0 = arith.constant 0 : i32
    return %arg0, %c0_i32 : i32, i32
  }
}

module attributes {stable_mosaic.version = 14 : i64} {
  func.func @_t1b_body(%arg0: i32, %arg1: memref<2x256x128xf32, #tpu.memory_space<vmem>>, %arg2: memref<256x128xf32, #tpu.memory_space<vmem>>, %arg3: memref<256x128xf32, #tpu.memory_space<vmem>>, %arg4: memref<256x1xf32, #tpu.memory_space<vmem>>) attributes {dimension_semantics = [#tpu.dimension_semantics<arbitrary>], iteration_bounds = array<i64: 40>, scalar_prefetch = 0 : i64, scratch_operands = 0 : i64, tpu.core_type = #tpu.core_type<tc>, window_params = [{transform_indices = @transform_0, window_bounds = array<i64: 2, 256, 128>}, {transform_indices = @transform_1, window_bounds = array<i64: 256, 128>}, {transform_indices = @transform_2, window_bounds = array<i64: 256, 128>}, {transform_indices = @transform_3, window_bounds = array<i64: 256, 1>}]} {
    %get3A = arith.constant 0 : index
    %get3A_0 = arith.constant 0 : index
    %get3A_1 = arith.constant 0 : index
    %get3A_2 = vector.load %arg1[%get3A, %get3A_0, %get3A_1] : memref<2x256x128xf32, #tpu.memory_space<vmem>>, vector<1x256x1xf32>
    %get3A_3 = vector.shape_cast %get3A_2 : vector<1x256x1xf32> to vector<256x1xf32>
    %get3A_4 = arith.constant 1 : index
    %get3A_5 = arith.constant 0 : index
    %get3A_6 = arith.constant 0 : index
    %get3A_7 = vector.load %arg1[%get3A_4, %get3A_5, %get3A_6] : memref<2x256x128xf32, #tpu.memory_space<vmem>>, vector<1x256x1xf32>
    %get3A_8 = vector.shape_cast %get3A_7 : vector<1x256x1xf32> to vector<256x1xf32>
    %add3A = arith.addf %get3A_3, %get3A_8 : vector<256x1xf32>
    %add3A_9 = arith.constant 2.000000e+00 : f32
    %add3A_10 = vector.broadcast %add3A_9 : f32 to vector<256x1xf32>
    %add3A_11 = arith.addf %add3A, %add3A_10 : vector<256x1xf32>
    %rsqrt3A = math.rsqrt %add3A_11 : vector<256x1xf32>
    %get3A_12 = arith.constant 0 : index
    %get3A_13 = arith.constant 0 : index
    %get3A_14 = vector.load %arg2[%get3A_12, %get3A_13] : memref<256x128xf32, #tpu.memory_space<vmem>>, vector<256x128xf32>
    %mul3A = vector.broadcast %rsqrt3A : vector<256x1xf32> to vector<256x128xf32>
    %mul3A_15 = arith.mulf %get3A_14, %mul3A : vector<256x128xf32>
    %swap3A = arith.constant 0 : index
    %swap3A_16 = arith.constant 0 : index
    %swap3A_17 = vector.load %arg3[%swap3A, %swap3A_16] : memref<256x128xf32, #tpu.memory_space<vmem>>, vector<256x128xf32>
    tpu.vector_store %arg3[%swap3A, %swap3A_16], %mul3A_15 {strides = array<i32>} : memref<256x128xf32, #tpu.memory_space<vmem>>, vector<256x128xf32>,
    %swap3A_18 = arith.constant 0 : index
    %swap3A_19 = arith.constant 0 : index
    %swap3A_20 = vector.load %arg4[%swap3A_18, %swap3A_19] : memref<256x1xf32, #tpu.memory_space<vmem>>, vector<256x1xf32>
    tpu.vector_store %arg4[%swap3A_18, %swap3A_19], %rsqrt3A {strides = array<i32>} : memref<256x1xf32, #tpu.memory_space<vmem>>, vector<256x1xf32>,
    return
  }
  func.func @transform_0(%arg0: i32) -> (i32, i32, i32) {
    %c0_i32 = arith.constant 0 : i32
    %c0_i32_0 = arith.constant 0 : i32
    %c0_i32_1 = arith.constant 0 : i32
    return %c0_i32, %arg0, %c0_i32_0 : i32, i32, i32
  }
  func.func @transform_1(%arg0: i32) -> (i32, i32) {
    %c0_i32 = arith.constant 0 : i32
    %c0_i32_0 = arith.constant 0 : i32
    return %arg0, %c0_i32 : i32, i32
  }
  func.func @transform_2(%arg0: i32) -> (i32, i32) {
    %c0_i32 = arith.constant 0 : i32
    %c0_i32_0 = arith.constant 0 : i32
    return %arg0, %c0_i32 : i32, i32
  }
  func.func @transform_3(%arg0: i32) -> (i32, i32) {
    %c0_i32 = arith.constant 0 : i32
    %c0_i32_0 = arith.constant 0 : i32
    return %arg0, %c0_i32 : i32, i32
  }
}

module attributes {stable_mosaic.version = 14 : i64} {
  func.func @_t2_body(%arg0: i32, %arg1: memref<2x256x128xf32, #tpu.memory_space<vmem>>, %arg2: memref<256x128xf32, #tpu.memory_space<vmem>>, %arg3: memref<256x1xf32, #tpu.memory_space<vmem>>, %arg4: memref<128x128xf32, #tpu.memory_space<vmem>>, %arg5: memref<1x128xf32, #tpu.memory_space<vmem>>, %arg6: memref<256x128xf32, #tpu.memory_space<vmem>>) attributes {dimension_semantics = [#tpu.dimension_semantics<arbitrary>], iteration_bounds = array<i64: 40>, scalar_prefetch = 0 : i64, scratch_operands = 0 : i64, tpu.core_type = #tpu.core_type<tc>, window_params = [{transform_indices = @transform_0, window_bounds = array<i64: 2, 256, 128>}, {transform_indices = @transform_1, window_bounds = array<i64: 256, 128>}, {transform_indices = @transform_2, window_bounds = array<i64: 256, 1>}, {pipeline_mode = #tpu.pipeline_mode<synchronous>, transform_indices = @transform_3, window_bounds = array<i64: 128, 128>}, {pipeline_mode = #tpu.pipeline_mode<synchronous>, transform_indices = @transform_4, window_bounds = array<i64: 1, 128>}, {transform_indices = @transform_5, window_bounds = array<i64: 256, 128>}]} {
    %get3A = arith.constant 0 : index
    %get3A_0 = arith.constant 0 : index
    %get3A_1 = vector.load %arg3[%get3A, %get3A_0] : memref<256x1xf32, #tpu.memory_space<vmem>>, vector<256x1xf32>
    %get3A_2 = arith.constant 0 : index
    %get3A_3 = arith.constant 0 : index
    %get3A_4 = arith.constant 0 : index
    %get3A_5 = vector.load %arg1[%get3A_2, %get3A_3, %get3A_4] : memref<2x256x128xf32, #tpu.memory_space<vmem>>, vector<1x256x128xf32>
    %get3A_6 = vector.shape_cast %get3A_5 : vector<1x256x128xf32> to vector<256x128xf32>
    %get3A_7 = arith.constant 1 : index
    %get3A_8 = arith.constant 0 : index
    %get3A_9 = arith.constant 0 : index
    %get3A_10 = vector.load %arg1[%get3A_7, %get3A_8, %get3A_9] : memref<2x256x128xf32, #tpu.memory_space<vmem>>, vector<1x256x128xf32>
    %get3A_11 = vector.shape_cast %get3A_10 : vector<1x256x128xf32> to vector<256x128xf32>
    %add3A = arith.addf %get3A_6, %get3A_11 : vector<256x128xf32>
    %get3A_12 = arith.constant 0 : index
    %get3A_13 = arith.constant 0 : index
    %get3A_14 = vector.load %arg2[%get3A_12, %get3A_13] : memref<256x128xf32, #tpu.memory_space<vmem>>, vector<256x128xf32>
    %mul3A = arith.constant 2.000000e+00 : f32
    %mul3A_15 = vector.broadcast %mul3A : f32 to vector<256x128xf32>
    %mul3A_16 = arith.mulf %mul3A_15, %get3A_14 : vector<256x128xf32>
    %add3A_17 = arith.addf %add3A, %mul3A_16 : vector<256x128xf32>
    %mul3A_18 = vector.broadcast %get3A_1 : vector<256x1xf32> to vector<256x128xf32>
    %mul3A_19 = arith.mulf %mul3A_18, %add3A_17 : vector<256x128xf32>
    %get3A_20 = arith.constant 0 : index
    %get3A_21 = arith.constant 0 : index
    %get3A_22 = vector.load %arg5[%get3A_20, %get3A_21] : memref<1x128xf32, #tpu.memory_space<vmem>>, vector<1x128xf32>
    %add3A_23 = vector.broadcast %get3A_22 : vector<1x128xf32> to vector<256x128xf32>
    %add3A_24 = arith.addf %mul3A_19, %add3A_23 : vector<256x128xf32>
    %max3A = arith.constant 0.000000e+00 : f32
    %max3A_25 = vector.broadcast %max3A : f32 to vector<256x128xf32>
    %max3A_26 = arith.maximumf %add3A_24, %max3A_25 : vector<256x128xf32>
    %get3A_27 = arith.constant 0 : index
    %get3A_28 = arith.constant 0 : index
    %get3A_29 = vector.load %arg4[%get3A_27, %get3A_28] : memref<128x128xf32, #tpu.memory_space<vmem>>, vector<128x128xf32>
    %dot_general3A = arith.constant dense<0.000000e+00> : vector<256x128xf32>
    %dot_general3A_30 = tpu.matmul %max3A_26, %get3A_29, %dot_general3A {dimension_numbers = #tpu.dot_dimension_numbers<[1], [0], [0], [1], [0, 0, 1, 1], [], []>, transpose_lhs_hint = false} : vector<256x128xf32>, vector<128x128xf32>, vector<256x128xf32> -> vector<256x128xf32>
    %mul3A_31 = vector.broadcast %get3A_1 : vector<256x1xf32> to vector<256x128xf32>
    %mul3A_32 = arith.mulf %mul3A_31, %dot_general3A_30 : vector<256x128xf32>
    %swap3A = arith.constant 0 : index
    %swap3A_33 = arith.constant 0 : index
    %swap3A_34 = vector.load %arg6[%swap3A, %swap3A_33] : memref<256x128xf32, #tpu.memory_space<vmem>>, vector<256x128xf32>
    tpu.vector_store %arg6[%swap3A, %swap3A_33], %mul3A_32 {strides = array<i32>} : memref<256x128xf32, #tpu.memory_space<vmem>>, vector<256x128xf32>,
    return
  }
  func.func @transform_0(%arg0: i32) -> (i32, i32, i32) {
    %c0_i32 = arith.constant 0 : i32
    %c0_i32_0 = arith.constant 0 : i32
    %c0_i32_1 = arith.constant 0 : i32
    return %c0_i32, %arg0, %c0_i32_0 : i32, i32, i32
  }
  func.func @transform_1(%arg0: i32) -> (i32, i32) {
    %c0_i32 = arith.constant 0 : i32
    %c0_i32_0 = arith.constant 0 : i32
    return %arg0, %c0_i32 : i32, i32
  }
  func.func @transform_2(%arg0: i32) -> (i32, i32) {
    %c0_i32 = arith.constant 0 : i32
    %c0_i32_0 = arith.constant 0 : i32
    return %arg0, %c0_i32 : i32, i32
  }
  func.func @transform_3(%arg0: i32) -> (i32, i32) {
    %c0_i32 = arith.constant 0 : i32
    %c0_i32_0 = arith.constant 0 : i32
    %c0_i32_1 = arith.constant 0 : i32
    return %c0_i32, %c0_i32_0 : i32, i32
  }
  func.func @transform_4(%arg0: i32) -> (i32, i32) {
    %c0_i32 = arith.constant 0 : i32
    %c0_i32_0 = arith.constant 0 : i32
    %c0_i32_1 = arith.constant 0 : i32
    return %c0_i32, %c0_i32_0 : i32, i32
  }
  func.func @transform_5(%arg0: i32) -> (i32, i32) {
    %c0_i32 = arith.constant 0 : i32
    %c0_i32_0 = arith.constant 0 : i32
    return %arg0, %c0_i32 : i32, i32
  }
}

module attributes {stable_mosaic.version = 14 : i64} {
  func.func @_t3_body(%arg0: i32, %arg1: memref<2x256x128xf32, #tpu.memory_space<vmem>>, %arg2: memref<256x128xf32, #tpu.memory_space<vmem>>, %arg3: memref<256x1xf32, #tpu.memory_space<vmem>>, %arg4: memref<128x64xf32, #tpu.memory_space<vmem>>, %arg5: memref<128x64xf32, #tpu.memory_space<vmem>>, %arg6: memref<1x128xf32, #tpu.memory_space<vmem>>, %arg7: memref<1x64xf32, #tpu.memory_space<vmem>>, %arg8: memref<1x64xf32, #tpu.memory_space<vmem>>, %arg9: memref<256x64xf32, #tpu.memory_space<vmem>>, %arg10: memref<256x64xf32, #tpu.memory_space<vmem>>) attributes {dimension_semantics = [#tpu.dimension_semantics<arbitrary>], iteration_bounds = array<i64: 40>, scalar_prefetch = 0 : i64, scratch_operands = 0 : i64, tpu.core_type = #tpu.core_type<tc>, window_params = [{transform_indices = @transform_0, window_bounds = array<i64: 2, 256, 128>}, {transform_indices = @transform_1, window_bounds = array<i64: 256, 128>}, {transform_indices = @transform_2, window_bounds = array<i64: 256, 1>}, {pipeline_mode = #tpu.pipeline_mode<synchronous>, transform_indices = @transform_3, window_bounds = array<i64: 128, 64>}, {pipeline_mode = #tpu.pipeline_mode<synchronous>, transform_indices = @transform_4, window_bounds = array<i64: 128, 64>}, {pipeline_mode = #tpu.pipeline_mode<synchronous>, transform_indices = @transform_5, window_bounds = array<i64: 1, 128>}, {pipeline_mode = #tpu.pipeline_mode<synchronous>, transform_indices = @transform_6, window_bounds = array<i64: 1, 64>}, {pipeline_mode = #tpu.pipeline_mode<synchronous>, transform_indices = @transform_7, window_bounds = array<i64: 1, 64>}, {transform_indices = @transform_8, window_bounds = array<i64: 256, 64>}, {transform_indices = @transform_9, window_bounds = array<i64: 256, 64>}]} {
    %get3A = arith.constant 0 : index
    %get3A_0 = arith.constant 0 : index
    %get3A_1 = vector.load %arg3[%get3A, %get3A_0] : memref<256x1xf32, #tpu.memory_space<vmem>>, vector<256x1xf32>
    %get3A_2 = arith.constant 0 : index
    %get3A_3 = arith.constant 0 : index
    %get3A_4 = arith.constant 0 : index
    %get3A_5 = vector.load %arg1[%get3A_2, %get3A_3, %get3A_4] : memref<2x256x128xf32, #tpu.memory_space<vmem>>, vector<1x256x128xf32>
    %get3A_6 = vector.shape_cast %get3A_5 : vector<1x256x128xf32> to vector<256x128xf32>
    %get3A_7 = arith.constant 1 : index
    %get3A_8 = arith.constant 0 : index
    %get3A_9 = arith.constant 0 : index
    %get3A_10 = vector.load %arg1[%get3A_7, %get3A_8, %get3A_9] : memref<2x256x128xf32, #tpu.memory_space<vmem>>, vector<1x256x128xf32>
    %get3A_11 = vector.shape_cast %get3A_10 : vector<1x256x128xf32> to vector<256x128xf32>
    %add3A = arith.addf %get3A_6, %get3A_11 : vector<256x128xf32>
    %get3A_12 = arith.constant 0 : index
    %get3A_13 = arith.constant 0 : index
    %get3A_14 = vector.load %arg2[%get3A_12, %get3A_13] : memref<256x128xf32, #tpu.memory_space<vmem>>, vector<256x128xf32>
    %mul3A = arith.constant 2.000000e+00 : f32
    %mul3A_15 = vector.broadcast %mul3A : f32 to vector<256x128xf32>
    %mul3A_16 = arith.mulf %mul3A_15, %get3A_14 : vector<256x128xf32>
    %add3A_17 = arith.addf %add3A, %mul3A_16 : vector<256x128xf32>
    %mul3A_18 = vector.broadcast %get3A_1 : vector<256x1xf32> to vector<256x128xf32>
    %mul3A_19 = arith.mulf %mul3A_18, %add3A_17 : vector<256x128xf32>
    %get3A_20 = arith.constant 0 : index
    %get3A_21 = arith.constant 0 : index
    %get3A_22 = vector.load %arg6[%get3A_20, %get3A_21] : memref<1x128xf32, #tpu.memory_space<vmem>>, vector<1x128xf32>
    %add3A_23 = vector.broadcast %get3A_22 : vector<1x128xf32> to vector<256x128xf32>
    %add3A_24 = arith.addf %mul3A_19, %add3A_23 : vector<256x128xf32>
    %get3A_25 = arith.constant 0 : index
    %get3A_26 = arith.constant 0 : index
    %get3A_27 = vector.load %arg4[%get3A_25, %get3A_26] : memref<128x64xf32, #tpu.memory_space<vmem>>, vector<128x64xf32>
    %dot_general3A = arith.constant dense<0.000000e+00> : vector<256x64xf32>
    %dot_general3A_28 = tpu.matmul %add3A_24, %get3A_27, %dot_general3A {dimension_numbers = #tpu.dot_dimension_numbers<[1], [0], [0], [1], [0, 0, 1, 1], [], []>, transpose_lhs_hint = false} : vector<256x128xf32>, vector<128x64xf32>, vector<256x64xf32> -> vector<256x64xf32>
    %get3A_29 = arith.constant 0 : index
    %get3A_30 = arith.constant 0 : index
    %get3A_31 = vector.load %arg7[%get3A_29, %get3A_30] : memref<1x64xf32, #tpu.memory_space<vmem>>, vector<1x64xf32>
    %add3A_32 = vector.broadcast %get3A_31 : vector<1x64xf32> to vector<256x64xf32>
    %add3A_33 = arith.addf %dot_general3A_28, %add3A_32 : vector<256x64xf32>
    %swap3A = arith.constant 0 : index
    %swap3A_34 = arith.constant 0 : index
    %swap3A_35 = vector.load %arg9[%swap3A, %swap3A_34] : memref<256x64xf32, #tpu.memory_space<vmem>>, vector<256x64xf32>
    tpu.vector_store %arg9[%swap3A, %swap3A_34], %add3A_33 {strides = array<i32>} : memref<256x64xf32, #tpu.memory_space<vmem>>, vector<256x64xf32>,
    %get3A_36 = arith.constant 0 : index
    %get3A_37 = arith.constant 0 : index
    %get3A_38 = vector.load %arg5[%get3A_36, %get3A_37] : memref<128x64xf32, #tpu.memory_space<vmem>>, vector<128x64xf32>
    %dot_general3A_39 = arith.constant dense<0.000000e+00> : vector<256x64xf32>
    %dot_general3A_40 = tpu.matmul %add3A_24, %get3A_38, %dot_general3A_39 {dimension_numbers = #tpu.dot_dimension_numbers<[1], [0], [0], [1], [0, 0, 1, 1], [], []>, transpose_lhs_hint = false} : vector<256x128xf32>, vector<128x64xf32>, vector<256x64xf32> -> vector<256x64xf32>
    %get3A_41 = arith.constant 0 : index
    %get3A_42 = arith.constant 0 : index
    %get3A_43 = vector.load %arg8[%get3A_41, %get3A_42] : memref<1x64xf32, #tpu.memory_space<vmem>>, vector<1x64xf32>
    %add3A_44 = vector.broadcast %get3A_43 : vector<1x64xf32> to vector<256x64xf32>
    %add3A_45 = arith.addf %dot_general3A_40, %add3A_44 : vector<256x64xf32>
    %swap3A_46 = arith.constant 0 : index
    %swap3A_47 = arith.constant 0 : index
    %swap3A_48 = vector.load %arg10[%swap3A_46, %swap3A_47] : memref<256x64xf32, #tpu.memory_space<vmem>>, vector<256x64xf32>
    tpu.vector_store %arg10[%swap3A_46, %swap3A_47], %add3A_45 {strides = array<i32>} : memref<256x64xf32, #tpu.memory_space<vmem>>, vector<256x64xf32>,
    return
  }
  func.func @transform_0(%arg0: i32) -> (i32, i32, i32) {
    %c0_i32 = arith.constant 0 : i32
    %c0_i32_0 = arith.constant 0 : i32
    %c0_i32_1 = arith.constant 0 : i32
    return %c0_i32, %arg0, %c0_i32_0 : i32, i32, i32
  }
  func.func @transform_1(%arg0: i32) -> (i32, i32) {
    %c0_i32 = arith.constant 0 : i32
    %c0_i32_0 = arith.constant 0 : i32
    return %arg0, %c0_i32 : i32, i32
  }
  func.func @transform_2(%arg0: i32) -> (i32, i32) {
    %c0_i32 = arith.constant 0 : i32
    %c0_i32_0 = arith.constant 0 : i32
    return %arg0, %c0_i32 : i32, i32
  }
  func.func @transform_3(%arg0: i32) -> (i32, i32) {
    %c0_i32 = arith.constant 0 : i32
    %c0_i32_0 = arith.constant 0 : i32
    %c0_i32_1 = arith.constant 0 : i32
    return %c0_i32, %c0_i32_0 : i32, i32
  }
  func.func @transform_4(%arg0: i32) -> (i32, i32) {
    %c0_i32 = arith.constant 0 : i32
    %c0_i32_0 = arith.constant 0 : i32
    %c0_i32_1 = arith.constant 0 : i32
    return %c0_i32, %c0_i32_0 : i32, i32
  }
  func.func @transform_5(%arg0: i32) -> (i32, i32) {
    %c0_i32 = arith.constant 0 : i32
    %c0_i32_0 = arith.constant 0 : i32
    %c0_i32_1 = arith.constant 0 : i32
    return %c0_i32, %c0_i32_0 : i32, i32
  }
  func.func @transform_6(%arg0: i32) -> (i32, i32) {
    %c0_i32 = arith.constant 0 : i32
    %c0_i32_0 = arith.constant 0 : i32
    %c0_i32_1 = arith.constant 0 : i32
    return %c0_i32, %c0_i32_0 : i32, i32
  }
  func.func @transform_7(%arg0: i32) -> (i32, i32) {
    %c0_i32 = arith.constant 0 : i32
    %c0_i32_0 = arith.constant 0 : i32
    %c0_i32_1 = arith.constant 0 : i32
    return %c0_i32, %c0_i32_0 : i32, i32
  }
  func.func @transform_8(%arg0: i32) -> (i32, i32) {
    %c0_i32 = arith.constant 0 : i32
    %c0_i32_0 = arith.constant 0 : i32
    return %arg0, %c0_i32 : i32, i32
  }
  func.func @transform_9(%arg0: i32) -> (i32, i32) {
    %c0_i32 = arith.constant 0 : i32
    %c0_i32_0 = arith.constant 0 : i32
    return %arg0, %c0_i32 : i32, i32
  }
}

module attributes {stable_mosaic.version = 14 : i64} {
  func.func @_dec_body(%arg0: i32, %arg1: i32, %arg2: memref<512x64xf32, #tpu.memory_space<vmem>>, %arg3: memref<512x64xf32, #tpu.memory_space<vmem>>, %arg4: memref<512x512xf32, #tpu.memory_space<vmem>>) attributes {dimension_semantics = [#tpu.dimension_semantics<arbitrary>, #tpu.dimension_semantics<arbitrary>], iteration_bounds = array<i64: 20, 20>, scalar_prefetch = 0 : i64, scratch_operands = 0 : i64, tpu.core_type = #tpu.core_type<tc>, window_params = [{transform_indices = @transform_0, window_bounds = array<i64: 512, 64>}, {transform_indices = @transform_1, window_bounds = array<i64: 512, 64>}, {transform_indices = @transform_2, window_bounds = array<i64: 512, 512>}]} {
    %get3A = arith.constant 0 : index
    %get3A_0 = arith.constant 0 : index
    %get3A_1 = vector.load %arg2[%get3A, %get3A_0] : memref<512x64xf32, #tpu.memory_space<vmem>>, vector<512x64xf32>
    %get3A_2 = arith.constant 0 : index
    %get3A_3 = arith.constant 0 : index
    %get3A_4 = vector.load %arg3[%get3A_2, %get3A_3] : memref<512x64xf32, #tpu.memory_space<vmem>>, vector<512x64xf32>
    %dot_general3A = arith.constant dense<0.000000e+00> : vector<512x512xf32>
    %dot_general3A_5 = tpu.matmul %get3A_1, %get3A_4, %dot_general3A {dimension_numbers = #tpu.dot_dimension_numbers<[1], [1], [0], [0], [0, 0, 1, 0], [], []>, transpose_lhs_hint = false} : vector<512x64xf32>, vector<512x64xf32>, vector<512x512xf32> -> vector<512x512xf32>
    %logistic3A = arith.negf %dot_general3A_5 : vector<512x512xf32>
    %logistic3A_6 = math.exp %logistic3A : vector<512x512xf32>
    %logistic3A_7 = arith.constant 1.000000e+00 : f32
    %logistic3A_8 = vector.broadcast %logistic3A_7 : f32 to vector<512x512xf32>
    %logistic3A_9 = arith.addf %logistic3A_8, %logistic3A_6 : vector<512x512xf32>
    %logistic3A_10 = arith.divf %logistic3A_8, %logistic3A_9 : vector<512x512xf32>
    %swap3A = arith.constant 0 : index
    %swap3A_11 = arith.constant 0 : index
    %swap3A_12 = vector.load %arg4[%swap3A, %swap3A_11] : memref<512x512xf32, #tpu.memory_space<vmem>>, vector<512x512xf32>
    tpu.vector_store %arg4[%swap3A, %swap3A_11], %logistic3A_10 {strides = array<i32>} : memref<512x512xf32, #tpu.memory_space<vmem>>, vector<512x512xf32>,
    return
  }
  func.func @transform_0(%arg0: i32, %arg1: i32) -> (i32, i32) {
    %c0_i32 = arith.constant 0 : i32
    %c0_i32_0 = arith.constant 0 : i32
    return %arg0, %c0_i32 : i32, i32
  }
  func.func @transform_1(%arg0: i32, %arg1: i32) -> (i32, i32) {
    %c0_i32 = arith.constant 0 : i32
    %c0_i32_0 = arith.constant 0 : i32
    return %arg1, %c0_i32 : i32, i32
  }
  func.func @transform_2(%arg0: i32, %arg1: i32) -> (i32, i32) {
    %c0_i32 = arith.constant 0 : i32
    return %arg0, %arg1 : i32, i32
  }
}

</mosaic_0001>

<sc_bundles>
// kernel: kernel.10.cloned.1.call-start
scs
__scs_entry_jumppad:
0x0: {  	(pc) =	sbr.rel $0x88, $3  }
0x1: {  	(tag) =	ssettag $0x0;
	lr =	simm.s32 $0x1  }
0x2: {  	[smem:$0x3F97] =	sst lr;
	_ =	strace $0xD0000000  }
0x3: {  	_ = 	snop  }
0x4: {  	_ = 	snop  }
0x5: {  	_ = 	snop  }
0x6: {  	_ = 	snop  }
0x7: {  	_ = 	snop  }
__scs_overlays_trampoline_lowered:
0x8: {  	[smem:$0x3FA6] =	sst s0  }
0x9: {  	[smem:$0x3FA7] =	sst s1  }
0xa: {  	[smem:$0x3FA8] =	sst s2  }
0xb: {  	[smem:$0x3FA9] =	sst s3  }
0xc: {  	[smem:$0x3FAA] =	sst s4  }
0xd: {  	[smem:$0x3FAB] =	sst s5  }
0xe: {  	[smem:$0x3FAC] =	sst s6  }
0xf: {  	[smem:$0x3FAD] =	sst s7  }
0x10: {  	[smem:$0x3FAE] =	sst s8  }
0x11: {  	[smem:$0x3FAF] =	sst s9;
	s0 =	simm.s32 @!p0 $0x0  }
0x12: {  	s1 =	sld [smem:$0x3F95];
	s0 =	simm.s32 @p0 $0x1  }
0x13: {  	[smem:$0x3FB0] =	sst s0;
	s0 =	simm.s32 @!p1 $0x0  }
0x14: {  	s2 =	sld [smem:$0x3F94];
	s0 =	simm.s32 @p1 $0x1  }
0x15: {  	[smem:$0x3FB1] =	sst s0;
	s0 =	simm.s32 @!p2 $0x0  }
0x16: {  	s3 =	sld [smem:$0x3FDB];
	s0 =	simm.s32 @p2 $0x1  }
0x17: {  	s4 =	simm.s32 $0x1BF5;
	[smem:$0x3FB3] =	sst s0  }
0x18: {  	s0 =	sld [smem:$0x3F96];
	_ =	swait.ge [sflag:s4], $0x0  }
0x19: {  	s7 =	sld [smem:$0x3F97]  }
0x1a: {  	s8 =	sadd.s32 $0xFFFFE003, lr  }
0x1b: {  	s9 =	sadd.s32 $0xFFFFFEF7, lr;
	s5 =	simm.s32 $0xFFFFFFFF;
	p2 =	slt.u32 s8, $0xFFFFF086  }
0x1c: {  	p1 =	slt.u32 s9, $0xF7A;
	s5 =	simm.s32 @!p2 $0x0  }
0x1d: {  	s5 =	simm.s32 @p1 $0x1;
	p0 =	seq.s32 s7, s2  }
0x1e: {  	s7 =	smul.u32 @!p0 $0xF7A, s2;
	p2 =	seq.s32 @!p0 s5, $0x0  }
0x1f: {  	s9 =	smul.u32 $0xF7A, s1;
	s8 =	simm.s32 @!p0 $0x1BF5;
	p2 =	por !p2, p0  }
0x20: {  	[sflag:s8] =	ssyncset.s32 @!p0 $0xFFFFF086;
	s6 =	sadd.s32 @!p0 s3, s7;
	s7 =	simm.s32 @!p0 $0x108  }
0x21: {  	s3 =	sadd.s32 s3, s9;
	s6 =	sadd.s32 @!p0 $0x88, s6;
	s7 =	simm.s32 @p2 $0x1082  }
0x22: {  	[simem:s7], [sflag:s8] =	dma.local @!p0 [hbm:s6], $0xF7A  }
0x23: {  	s9 =	sor.u32 $0xD0000000, s2;
	s6 =	simm.s32 $0x108;
	_ =	swait.ge @!p0 [sflag:s8], $0x0  }
0x24: {  	s3 =	sadd.s32 $0x88, s3;
	s6 =	simm.s32 @!p1 $0x1082;
	[sflag:s4] =	ssyncset.s32 $0xFFFFF086  }
0x25: {  	[simem:s6], [sflag:s4] =	dma.local [hbm:s3], $0xF7A  }
0x26: {  	[smem:$0x3F97] =	sst s1;
	(tag) =	ssettag s2;
	_ =	strace s9  }
0x27: {  	s1 =	sld [smem:$0x3FA7]  }
0x28: {  	s2 =	sld [smem:$0x3FA8]  }
0x29: {  	s4 =	sld [smem:$0x3FAA]  }
0x2a: {  	p0 =	seq.s32 s5, $0x0;
	s5 =	sld [smem:$0x3FAB]  }
0x2b: {  	s6 =	sld [smem:$0x3FAC]  }
0x2c: {  	s7 =	sld [smem:$0x3FAD]  }
0x2d: {  	s3 =	simm.s32 $0x108;
	s8 =	sld [smem:$0x3FAE]  }
0x2e: {  	s3 =	simm.s32 @!p0 $0x1082;
	s9 =	sld [smem:$0x3FAF]  }
0x2f: {  	lr =	sadd.s32 s0, s3;
	s0 =	sld [smem:$0x3FA6]  }
0x30: {  	s3 =	sld [smem:$0x3FA9]  }
0x31: {  	[smem:$0x3FB2] =	sst s10  }
0x32: {  	s10 =	sld [smem:$0x3FB0];
	_ =	sdelay $0x3  }
0x33: {  	p0 =	seq.s32 s10, $0x1;
	s10 =	sld [smem:$0x3FB2];
	_ =	sdelay $0x3  }
0x34: {  	[smem:$0x3FB2] =	sst s10  }
0x35: {  	s10 =	sld [smem:$0x3FB1];
	_ =	sdelay $0x3  }
0x36: {  	p1 =	seq.s32 s10, $0x1;
	s10 =	sld [smem:$0x3FB2];
	_ =	sdelay $0x3  }
0x37: {  	[smem:$0x3FB2] =	sst s10  }
0x38: {  	s10 =	sld [smem:$0x3FB3]  }
0x39: {  	_ = 	snop;
	(pc) =	sbr.ind lr, $3  }
0x3a: {  	_ = 	snop  }
0x3b: {  	_ = 	snop  }
0x3c: {  	p2 =	seq.s32 s10, $0x1;
	s10 =	sld [smem:$0x3FB2]  }
0x3d: {  	_ =	shalt  }
0x3e: {  	_ =	shalt  }
0x3f: {  	_ =	shalt  }
0x40: {  	_ =	shalt  }
0x41: {  	_ =	shalt  }
0x42: {  	_ =	shalt  }
0x43: {  	_ =	shalt  }
0x44: {  	_ =	shalt  }
0x45: {  	_ =	shalt  }
0x46: {  	_ =	shalt  }
0x47: {  	_ =	shalt  }
0x48: {  	_ =	shalt  }
0x49: {  	_ =	shalt  }
0x4a: {  	_ =	shalt  }
0x4b: {  	_ =	shalt  }
0x4c: {  	_ =	shalt  }
0x4d: {  	_ =	shalt  }
0x4e: {  	_ =	shalt  }
0x4f: {  	_ =	shalt  }
0x50: {  	_ =	shalt  }
0x51: {  	_ =	shalt  }
0x52: {  	_ =	shalt  }
0x53: {  	_ =	shalt  }
0x54: {  	_ =	shalt  }
0x55: {  	_ =	shalt  }
0x56: {  	_ =	shalt  }
0x57: {  	_ =	shalt  }
0x58: {  	_ =	shalt  }
0x59: {  	_ =	shalt  }
0x5a: {  	_ =	shalt  }
0x5b: {  	_ =	shalt  }
0x5c: {  	_ =	shalt  }
0x5d: {  	_ =	shalt  }
0x5e: {  	_ =	shalt  }
0x5f: {  	_ =	shalt  }
0x60: {  	_ =	shalt  }
0x61: {  	_ =	shalt  }
0x62: {  	_ =	shalt  }
0x63: {  	_ =	shalt  }
0x64: {  	_ =	shalt  }
0x65: {  	_ =	shalt  }
0x66: {  	_ =	shalt  }
0x67: {  	_ =	shalt  }
0x68: {  	_ =	shalt  }
0x69: {  	_ =	shalt  }
0x6a: {  	_ =	shalt  }
0x6b: {  	_ =	shalt  }
0x6c: {  	_ =	shalt  }
0x6d: {  	_ =	shalt  }
0x6e: {  	_ =	shalt  }
0x6f: {  	_ =	shalt  }
0x70: {  	_ =	shalt  }
0x71: {  	_ =	shalt  }
0x72: {  	_ =	shalt  }
0x73: {  	_ =	shalt  }
0x74: {  	_ =	shalt  }
0x75: {  	_ =	shalt  }
0x76: {  	_ =	shalt  }
0x77: {  	_ =	shalt  }
0x78: {  	_ =	shalt  }
0x79: {  	_ =	shalt  }
0x7a: {  	_ =	shalt  }
0x7b: {  	_ =	shalt  }
0x7c: {  	_ =	shalt  }
0x7d: {  	_ =	shalt  }
0x7e: {  	_ =	shalt  }
0x7f: {  	_ =	shalt  }
0x80: {  	_ =	shalt  }
0x81: {  	_ =	shalt  }
0x82: {  	_ =	shalt  }
0x83: {  	_ =	shalt  }
0x84: {  	_ =	shalt  }
0x85: {  	_ =	shalt  }
0x86: {  	_ =	shalt  }
0x87: {  	_ =	shalt  }
.Lfunc_end0:
.L_simem_size_0:
called_computation_lowered:
.L_overlay_start_0:
0x88: {  	s2 =	sld [smem:$0x3FD9]  }
0x89: {  	s3 =	sld [smem:$0x3FFE];
	_ =	sdelay $0x1  }
0x8a: {  	s1 =	srdreg.scid  }
0x8b: {  	s0 =	sand.u32 $0x1, s1  }
0x8c: {  	s14 =	sshll.u32 s0, $0xA;
	s2 =	sadd.s32 s3, s2  }
0x8d: {  	s2 =	sadd.s32 s2, s14  }
0x8e: {  	[smem:$0x3FBE] =	sst s2  }
0x8f: {  	_ = 	snop  }
0x90: {  	s2 =	sld [smem:$0x3FD0];
	_ =	sdelay $0x2  }
0x91: {  	s15 =	simm.s32 $0xA;
	s4 =	simm.s32 $0x10  }
0x92: {  	[smem:s4], [sflag:s15] =	dma.local [hbm:s2], $0x1  }
0x93: {  	_ =	swait.eq [sflag:s15], $0x1  }
0x94: {  	[sflag:s15] =	ssyncset.done $0x0  }
0x95: {  	s16 =	sld [smem:$0x10];
	[sflag:s15] =	ssyncadd.s32 $0xFFFFFFFF  }
0x96: {  	s17 =	sld [smem:$0x12];
	(tm) =	ssettm $0x1  }
0x97: {  	s18 =	sld [smem:$0x3FFB];
	_ =	sdelay $0x3  }
0x98: {  	_ =	strace s18  }
0x99: {  	s4 =	sld [smem:$0x3FFC];
	_ =	sdelay $0x3  }
0x9a: {  	_ =	strace s4  }
0x9b: {  	s4 =	sld [smem:$0x3FFD];
	_ =	sdelay $0x3  }
0x9c: {  	_ =	strace s4  }
0x9d: {  	_ =	strace $0x8FFFFFFF  }
0x9e: {  	s19 =	sld [smem:$0x3FDB];
	_ =	sdelay $0x1  }
0x9f: {  	s5 =	simm.s32 $_scs_section_size  }
0xa0: {  	s6 =	simm.s32 $_size__tile_overlayer_lowered;
	s7 =	simm.s32 $_tile_overlayer_lowered  }
0xa1: {  	s22 =	simm.s32 $0x1BFF;
	s21 =	sshll.u32 s7, $0x1;
	s4 =	sadd.s32 s5, s19  }
0xa2: {  	s8 =	simm.s32 $0x0;
	s20 =	sshll.u32 s6, $0x1;
	s6 =	sadd.s32 s21, s4  }
0xa3: {  	[timem:s8], [sflag:s22] =	dma.local [hbm:s6], s20  }
0xa4: {  	_ =	swait.ge [sflag:s22], s20  }
0xa5: {  	s5 =	ssub.s32 $0x0, s20;
	[sflag:s22] =	ssyncset.done $0x0  }
0xa6: {  	[sflag:s22] =	ssyncadd.s32 s5;
	_ =	sdelay $0x1  }
0xa7: {  	s23 =	simm.s32 $0x1B8B  }
0xa8: {  	_ =	swait.ge [sflag:s23], $0x1  }
0xa9: {  	[sflag:s23] =	ssyncset.done $0x0  }
0xaa: {  	s25 =	simm.s32 $0x1B8E;
	s24 =	sld [smem:$0x3FFE];
	[sflag:s23] =	ssyncadd.s32 $0xFFFFFFFF  }
0xab: {  	s26 =	simm.s32 $execute0_lowered;
	[smem:$0x3FD2] =	sst s25  }
0xac: {  	s6 =	sshll.u32 s26, $0x1;
	_ =	strace $0x80000046;
	[dreg:$0x1] =	wrdreg $0xFFFFFFFF  }
0xad: {  	s28 =	simm.s32 $_size_execute0_lowered;
	s4 =	sadd.s32 s4, s6;
	[dreg:$0x0] =	wrdreg $0x0  }
0xae: {  	s6 =	sshll.u32 s28, $0x1;
	[dreg:$0x2] =	wrdreg s4  }
0xaf: {  	[dreg:$0x3] =	wrdreg s6  }
0xb0: {  	[dreg:$0x4] =	wrdreg $0xC0  }
0xb1: {  	_ =	task [dreg:s8], $0x5FFFF  }
0xb2: {  	[dreg:$0x1] =	wrdreg $0xFFFFFFFF  }
0xb3: {  	[dreg:$0x0] =	wrdreg $0x60  }
0xb4: {  	[dreg:$0x2] =	wrdreg s17  }
0xb5: {  	[dreg:$0x3] =	wrdreg s24  }
0xb6: {  	[dreg:$0x4] =	wrdreg s16  }
0xb7: {  	[dreg:$0x5] =	wrdreg $0x98000  }
0xb8: {  	[dreg:$0x6] =	wrdreg $0x9  }
0xb9: {  	_ =	task.clear_ibuf [dreg:s8], $0x7FFFF;
	_ =	strace $0x90000046  }
0xba: {  	s29 =	simm.s32 $0x9;
	_ =	strace $0x80000048  }
0xbb: {  	_ =	swait.ge [sflag:s29], $0x1  }
0xbc: {  	[sflag:s29] =	ssyncadd.s32 $0xFFFFFFFF  }
0xbd: {  	_ =	strace $0x90000048  }
0xbe: {  	_ =	sfence  }
0xbf: {  	s30 =	sld [smem:$0x0];
	_ =	sdelay $0x2  }
0xc0: {  	s31 =	sshll.u32 s1, $0xD;
	s1 =	sshrl.u32 s1, $0x2  }
0xc1: {  	s3 =	sand.u32 $0x4000, s31;
	s1 =	sadd.s32 s1, s30  }
0xc2: {  	s0 =	sor.u32 s3, s0;
	s1 =	sshll.u32 s1, $0x11  }
0xc3: {  	s0 =	sor.u32 s1, s0  }
0xc4: {  	s0 =	sadd.s32 $0x8F2B, s0  }
0xc5: {  	[sflag:s0] =	ssyncadd.remote.s32 $0x1  }
0xc6: {  	_ =	sfence.sel $0xFFFF  }
0xc7: {  	[dreg:$0x0] =	wrdreg $0xFFFFFFFF;
	(pc) =	sbr.abs _section_cstart, $3  }
0xc8: {  	[dreg:$0x1] =	wrdreg $0xFFFFFFFF  }
0xc9: {  	_ =	task.clear_ibuf [dreg:s8], $0x2FFFF;
	_ =	strace $0x9FFFFFFF  }
0xca: {  	(tm) =	ssettm $0x7FFFFFFF  }
0xcb: {  	_ =	shalt  }
tec
execute0_lowered:
.L_overlay_start_1:
0x0: {  	(tag) =	ssettag $0x1  }
0x1: {  	s0 =	rddreg [dreg:$0x0]  }
0x2: {  	s1 =	rddreg [dreg:$0x1]  }
0x3: {  	s4 =	rddreg [dreg:$0x2]  }
0x4: {  	s3 =	rddreg [dreg:$0x3]  }
0x5: {  	s14 =	rddreg [dreg:$0x4]  }
0x6: {  	s5 =	srdreg.scid;
	s10 =	stileid.u32;
	s2 =	simm.s32 $0x0  }
0x7: {  	s19 =	simm.s32 $0x100;
	[smem:$0x7FF] =	sst s2;
	s7 =	sadd.s32 $0x7400, s1  }
0x8: {  	s1 =	sadd.s32 $0x7C00, s1;
	_ =	strace $0x80000047;
	[dreg:$0x5] =	wrdreg s7  }
0x9: {  	s20 =	simm.s32 $0x180;
	s21 =	simm.s32 $0x200;
	[dreg:$0x6] =	wrdreg s1  }
0xa: {  	s22 =	simm.s32 $0x280;
	s23 =	simm.s32 $0x300;
	[dreg:$0xd] =	wrdreg s19  }
0xb: {  	s24 =	simm.s32 $0x380;
	s25 =	simm.s32 $0x400;
	[dreg:$0xe] =	wrdreg s20  }
0xc: {  	s28 =	simm.s32 $0xE00;
	s29 =	simm.s32 $0xE80;
	[dreg:$0xf] =	wrdreg s21  }
0xd: {  	s30 =	simm.s32 $0xF00;
	s31 =	simm.s32 $0xF80;
	[dreg:$0x10] =	wrdreg s22  }
0xe: {  	p0 =	por $0x0, $0x0;
	s5 =	sand.u32 $0x1, s5;
	[dreg:$0x11] =	wrdreg s23  }
0xf: {  	s6 =	sshll.u32 s10, $0x1;
	s26 =	smul.u32 $0x14000, s10;
	[dreg:$0x12] =	wrdreg s24  }
0x10: {  	s10 =	smul.u32 $0x50000, s10;
	[dreg:$0x13] =	wrdreg s25;
	s19 =	simm.s32 $0x800  }
0x11: {  	s6 =	sor.u32 s5, s6;
	s20 =	simm.s32 $0x880;
	[dreg:$0x1b] =	wrdreg s19  }
0x12: {  	s12 =	smul.u32 $0x140000, s5;
	s21 =	simm.s32 $0x900;
	[dreg:$0x1c] =	wrdreg s20  }
0x13: {  	s23 =	simm.s32 $0x980;
	s24 =	simm.s32 $0xA00;
	[dreg:$0x1d] =	wrdreg s21  }
0x14: {  	s25 =	simm.s32 $0xA80;
	s6 =	smul.u32 $0x300, s6;
	[dreg:$0x1e] =	wrdreg s23  }
0x15: {  	s11 =	sadd.s32 $0xC000, s26;
	s7 =	sadd.s32 $0x10000, s26;
	[dreg:$0x1f] =	wrdreg s24  }
0x16: {  	[smem:$0x7FC] =	sst s25;
	s23 =	simm.s32 $0xB80;
	s24 =	simm.s32 $0xC80  }
0x17: {  	s25 =	simm.s32 $0xD00;
	s19 =	simm.s32 $0x1200;
	s20 =	simm.s32 $0x1280  }
0x18: {  	s21 =	simm.s32 $0x1300;
	s8 =	sadd.s32 s26, s12;
	s17 =	sadd.s32 s12, s11  }
0x19: {  	s1 =	sadd.s32 s12, s7;
	s0 =	sadd.s32 s0, s6;
	s6 =	sadd.s32 $0x8000, s26  }
0x1a: {  	s8 =	sshrl.u32 s8, $0x3;
	s1 =	sshrl.u32 s1, $0x3;
	[dreg:$0x7] =	wrdreg s0  }
0x1b: {  	s0 =	sadd.s32 $0x4000, s26;
	s8 =	sadd.s32 s4, s8;
	s15 =	sadd.s32 s12, s6  }
0x1c: {  	s1 =	sadd.s32 s4, s1;
	s26 =	ssub.s32 $0x2, s5;
	[dreg:$0x8] =	wrdreg s8  }
0x1d: {  	s9 =	sadd.s32 s12, s0;
	s16 =	sshrl.u32 s15, $0x3;
	[dreg:$0xc] =	wrdreg s1  }
0x1e: {  	s5 =	sshrl.u32 s26, $0x1;
	s12 =	simm.s32 $0x580;
	s15 =	sshrl.u32 s10, $0x2  }
0x1f: {  	s1 =	rddreg [dreg:$0x7];
	s9 =	sshrl.u32 s9, $0x3;
	s8 =	sadd.s32 s4, s16  }
0x20: {  	[dreg:$0x16] =	wrdreg s12;
	s16 =	simm.s32 $0x680;
	s10 =	sadd.s32 s15, s3  }
0x21: {  	s12 =	simm.s32 $0x1800;
	s15 =	simm.s32 $0x1000;
	[dreg:$0xa] =	wrdreg s8  }
0x22: {  	s13 =	sadd.s32 s4, s9;
	s9 =	sshrl.u32 s17, $0x3;
	[dreg:$0x18] =	wrdreg s16  }
0x23: {  	s8 =	simm.s32 $0x480;
	s17 =	simm.s32 $0x700;
	[dreg:$0x9] =	wrdreg s13  }
0x24: {  	s16 =	simm.s32 $0x1080;
	s18 =	sadd.s32 s4, s9;
	[dreg:$0x14] =	wrdreg s8  }
0x25: {  	s9 =	simm.s32 $0x500;
	s4 =	ssub.s32 s26, s5;
	s13 =	simm.s32 $0x600  }
0x26: {  	[dreg:$0x19] =	wrdreg s17;
	s8 =	sadd.s32 s6, s3;
	s6 =	sadd.s32 s11, s3  }
0x27: {  	s5 =	sadd.s32 s7, s3;
	s7 =	simm.s32 $0x5800;
	s22 =	smax.u32 s4, $0x1  }
0x28: {  	s26 =	simm.s32 $0xB00;
	[dreg:$0xb] =	wrdreg s18;
	p1 =	sne.s32 s22, $0x1  }
.Ltmp0:
0x29: {  	s11 =	simm.s32 $0x1;
	[dreg:$0x15] =	wrdreg s9;
	(pc) =	sbr.rel @!p1 .LBB2_1-.Ltmp0, $4  }
0x2a: {  	s17 =	simm.s32 $0x1100;
	[dreg:$0x17] =	wrdreg s13;
	s9 =	sadd.s32 s0, s3  }
0x2b: {  	s18 =	simm.s32 $0x780;
	s4 =	simm.s32 $0x2;
	[smem:$0x7FD] =	sst s26  }
0x2c: {  	s13 =	simm.s32 $0x80;
	s26 =	simm.s32 $0xD80;
	[dreg:$0x1a] =	wrdreg s18  }
0x2d: {  	s0 =	sadd.s32 $0xFFFFFFFF, s22;
	s18 =	simm.s32 $0x1180;
	s22 =	simm.s32 $0x1380  }
0x2e: {  	[tilespmem:s2], [sflag:$0x2] =	stream.linear.gather [hbm4b:s1+s2], $0x1500, $0x38;
	[tilespmem:$0x1D800] =	vst v63  }
0x2f: {  	_ =	swait.ge [sflag:s4], $0x1500  }
0x30: {  	[sflag:s4] =	ssyncset.done $0x0  }
0x31: {  	s14 =	rddreg [dreg:$0x5];
	[sflag:s4] =	ssyncadd.s32 $0xFFFFEB00  }
0x32: {  	[tilespmem:s12], [sflag:$0x2] =	stream.linear.gather [hbm4b:s14+s2], $0x4000, $0x38;
	[tilespmem:$0x1D800] =	vst v63  }
0x33: {  	_ =	swait.ge [sflag:s4], $0x4000  }
0x34: {  	[sflag:s4] =	ssyncset.done $0x0  }
0x35: {  	s14 =	rddreg [dreg:$0x6];
	[sflag:s4] =	ssyncadd.s32 $0xFFFFC000  }
0x36: {  	[tilespmem:s7], [sflag:$0x2] =	stream.linear.gather [hbm4b:s14+s2], $0x4000, $0x38;
	[tilespmem:$0x1D800] =	vst v63  }
0x37: {  	_ =	swait.ge [sflag:s4], $0x4000  }
0x38: {  	[sflag:s4] =	ssyncset.done $0x0  }
0x39: {  	[sflag:s4] =	ssyncadd.s32 $0xFFFFC000  }
0x3a: {  	[spmem:s10] =	stream.linear.scatter [tilespmem:s7], [sflag:$0x2], $0x4000, $0x38;
	[tilespmem:$0x1D800] =	vst v63  }
0x3b: {  	_ =	swait.ge [sflag:s4], $0x4000  }
0x3c: {  	[sflag:s4] =	ssyncset.done $0x0  }
0x3d: {  	[sflag:s4] =	ssyncadd.s32 $0xFFFFC000  }
0x3e: {  	[spmem:s9] =	stream.linear.scatter [tilespmem:s7], [sflag:$0x2], $0x4000, $0x38;
	[tilespmem:$0x1D800] =	vst v63  }
0x3f: {  	_ =	swait.ge [sflag:s4], $0x4000  }
0x40: {  	[sflag:s4] =	ssyncset.done $0x0  }
0x41: {  	[sflag:s4] =	ssyncadd.s32 $0xFFFFC000  }
0x42: {  	[spmem:s8] =	stream.linear.scatter [tilespmem:s7], [sflag:$0x2], $0x4000, $0x38;
	[tilespmem:$0x1D800] =	vst v63  }
0x43: {  	_ =	swait.ge [sflag:s4], $0x4000  }
0x44: {  	[sflag:s4] =	ssyncset.done $0x0  }
0x45: {  	[sflag:s4] =	ssyncadd.s32 $0xFFFFC000  }
0x46: {  	[spmem:s6] =	stream.linear.scatter [tilespmem:s7], [sflag:$0x2], $0x4000, $0x38;
	[tilespmem:$0x1D800] =	vst v63  }
0x47: {  	_ =	swait.ge [sflag:s4], $0x4000  }
0x48: {  	[sflag:s4] =	ssyncset.done $0x0  }
0x49: {  	[sflag:s4] =	ssyncadd.s32 $0xFFFFC000  }
0x4a: {  	[spmem:s5] =	stream.linear.scatter [tilespmem:s7], [sflag:$0x2], $0x4000, $0x38;
	[tilespmem:$0x1D800] =	vst v63  }
0x4b: {  	_ =	swait.ge [sflag:s4], $0x4000  }
0x4c: {  	[sflag:s4] =	ssyncset.done $0x0  }
0x4d: {  	[sflag:s4] =	ssyncadd.s32 $0xFFFFC000  }
0x4e: {  	[bflag:$0x0] =	sbarrier.arrive $0xFFFF  }
0x4f: {  	[spmem:s3] =	stream.indirect.scatter.add.f32 [tilespmem:s12], [sflag:$0x1], $0x80, s2, s13, $0xb8;
	[tilespmem:$0x1D800] =	vst v63  }
0x50: {  	_ = 	snop  }
0x51: {  	[spmem:s3] =	stream.indirect.scatter.add.f32 [tilespmem:s12], [sflag:$0x1], $0x80, s13, s13, $0xb8;
	[tilespmem:$0x1D800] =	vst v63  }
0x52: {  	s1 =	rddreg [dreg:$0xd]  }
0x53: {  	[spmem:s3] =	stream.indirect.scatter.add.f32 [tilespmem:s12], [sflag:$0x1], $0x80, s1, s13, $0xb8;
	[tilespmem:$0x1D800] =	vst v63  }
0x54: {  	s14 =	smov.u32 s0;
	s0 =	rddreg [dreg:$0xe]  }
0x55: {  	[spmem:s3] =	stream.indirect.scatter.add.f32 [tilespmem:s12], [sflag:$0x1], $0x80, s0, s13, $0xb8;
	[tilespmem:$0x1D800] =	vst v63  }
0x56: {  	s1 =	rddreg [dreg:$0xf]  }
0x57: {  	[spmem:s3] =	stream.indirect.scatter.add.f32 [tilespmem:s12], [sflag:$0x1], $0x80, s1, s13, $0xb8;
	[tilespmem:$0x1D800] =	vst v63  }
0x58: {  	s0 =	rddreg [dreg:$0x10]  }
0x59: {  	[spmem:s3] =	stream.indirect.scatter.add.f32 [tilespmem:s12], [sflag:$0x1], $0x80, s0, s13, $0xb8;
	[tilespmem:$0x1D800] =	vst v63  }
0x5a: {  	s1 =	rddreg [dreg:$0x11]  }
0x5b: {  	[spmem:s3] =	stream.indirect.scatter.add.f32 [tilespmem:s12], [sflag:$0x1], $0x80, s1, s13, $0xb8;
	[tilespmem:$0x1D800] =	vst v63  }
0x5c: {  	s0 =	rddreg [dreg:$0x12]  }
0x5d: {  	[spmem:s3] =	stream.indirect.scatter.add.f32 [tilespmem:s12], [sflag:$0x1], $0x80, s0, s13, $0xb8;
	[tilespmem:$0x1D800] =	vst v63  }
0x5e: {  	_ =	swait.ge [sflag:s11], $0x4000  }
0x5f: {  	[sflag:s11] =	ssyncset.done $0x0  }
0x60: {  	[sflag:s11] =	ssyncadd.s32 $0xFFFFC000  }
0x61: {  	_ =	swait.ge [sflag:s11], $0x4000  }
0x62: {  	[sflag:s11] =	ssyncset.done $0x0  }
0x63: {  	[sflag:s11] =	ssyncadd.s32 $0xFFFFC000  }
0x64: {  	_ =	swait.ge [sflag:s11], $0x4000  }
0x65: {  	[sflag:s11] =	ssyncset.done $0x0  }
0x66: {  	[sflag:s11] =	ssyncadd.s32 $0xFFFFC000  }
0x67: {  	_ =	swait.ge [sflag:s11], $0x4000  }
0x68: {  	[sflag:s11] =	ssyncset.done $0x0  }
0x69: {  	[sflag:s11] =	ssyncadd.s32 $0xFFFFC000  }
0x6a: {  	_ =	swait.ge [sflag:s11], $0x4000  }
0x6b: {  	[sflag:s11] =	ssyncset.done $0x0  }
0x6c: {  	[sflag:s11] =	ssyncadd.s32 $0xFFFFC000  }
0x6d: {  	_ =	swait.ge [sflag:s11], $0x4000  }
0x6e: {  	[sflag:s11] =	ssyncset.done $0x0  }
0x6f: {  	[sflag:s11] =	ssyncadd.s32 $0xFFFFC000  }
0x70: {  	_ =	swait.ge [sflag:s11], $0x4000  }
0x71: {  	[sflag:s11] =	ssyncset.done $0x0  }
0x72: {  	[sflag:s11] =	ssyncadd.s32 $0xFFFFC000  }
0x73: {  	_ =	swait.ge [sflag:s11], $0x4000  }
0x74: {  	[sflag:s11] =	ssyncset.done $0x0  }
0x75: {  	s0 =	rddreg [dreg:$0x13];
	[sflag:s11] =	ssyncadd.s32 $0xFFFFC000  }
0x76: {  	[spmem:s3] =	stream.indirect.scatter.add.f32 [tilespmem:s12], [sflag:$0x1], $0x80, s0, s13, $0xb8;
	[tilespmem:$0x1D800] =	vst v63  }
0x77: {  	s1 =	rddreg [dreg:$0x14]  }
0x78: {  	[spmem:s3] =	stream.indirect.scatter.add.f32 [tilespmem:s12], [sflag:$0x1], $0x80, s1, s13, $0xb8;
	[tilespmem:$0x1D800] =	vst v63  }
0x79: {  	s0 =	rddreg [dreg:$0x15]  }
0x7a: {  	[spmem:s3] =	stream.indirect.scatter.add.f32 [tilespmem:s12], [sflag:$0x1], $0x80, s0, s13, $0xb8;
	[tilespmem:$0x1D800] =	vst v63  }
0x7b: {  	s1 =	rddreg [dreg:$0x16]  }
0x7c: {  	[spmem:s3] =	stream.indirect.scatter.add.f32 [tilespmem:s12], [sflag:$0x1], $0x80, s1, s13, $0xb8;
	[tilespmem:$0x1D800] =	vst v63  }
0x7d: {  	s0 =	rddreg [dreg:$0x17]  }
0x7e: {  	[spmem:s3] =	stream.indirect.scatter.add.f32 [tilespmem:s12], [sflag:$0x1], $0x80, s0, s13, $0xb8;
	[tilespmem:$0x1D800] =	vst v63  }
0x7f: {  	s1 =	rddreg [dreg:$0x18]  }
0x80: {  	[spmem:s3] =	stream.indirect.scatter.add.f32 [tilespmem:s12], [sflag:$0x1], $0x80, s1, s13, $0xb8;
	[tilespmem:$0x1D800] =	vst v63  }
0x81: {  	s0 =	rddreg [dreg:$0x19]  }
0x82: {  	[spmem:s3] =	stream.indirect.scatter.add.f32 [tilespmem:s12], [sflag:$0x1], $0x80, s0, s13, $0xb8;
	[tilespmem:$0x1D800] =	vst v63  }
0x83: {  	s1 =	rddreg [dreg:$0x1a]  }
0x84: {  	[spmem:s3] =	stream.indirect.scatter.add.f32 [tilespmem:s12], [sflag:$0x1], $0x80, s1, s13, $0xb8;
	[tilespmem:$0x1D800] =	vst v63  }
0x85: {  	_ =	swait.ge [sflag:s11], $0x4000  }
0x86: {  	[sflag:s11] =	ssyncset.done $0x0  }
0x87: {  	[sflag:s11] =	ssyncadd.s32 $0xFFFFC000  }
0x88: {  	_ =	swait.ge [sflag:s11], $0x4000  }
0x89: {  	[sflag:s11] =	ssyncset.done $0x0  }
0x8a: {  	[sflag:s11] =	ssyncadd.s32 $0xFFFFC000  }
0x8b: {  	_ =	swait.ge [sflag:s11], $0x4000  }
0x8c: {  	[sflag:s11] =	ssyncset.done $0x0  }
0x8d: {  	[sflag:s11] =	ssyncadd.s32 $0xFFFFC000  }
0x8e: {  	_ =	swait.ge [sflag:s11], $0x4000  }
0x8f: {  	[sflag:s11] =	ssyncset.done $0x0  }
0x90: {  	[sflag:s11] =	ssyncadd.s32 $0xFFFFC000  }
0x91: {  	_ =	swait.ge [sflag:s11], $0x4000  }
0x92: {  	[sflag:s11] =	ssyncset.done $0x0  }
0x93: {  	[sflag:s11] =	ssyncadd.s32 $0xFFFFC000  }
0x94: {  	_ =	swait.ge [sflag:s11], $0x4000  }
0x95: {  	[sflag:s11] =	ssyncset.done $0x0  }
0x96: {  	[sflag:s11] =	ssyncadd.s32 $0xFFFFC000  }
0x97: {  	_ =	swait.ge [sflag:s11], $0x4000  }
0x98: {  	[sflag:s11] =	ssyncset.done $0x0  }
0x99: {  	[sflag:s11] =	ssyncadd.s32 $0xFFFFC000  }
0x9a: {  	_ =	swait.ge [sflag:s11], $0x4000  }
0x9b: {  	s0 =	rddreg [dreg:$0x1b];
	[sflag:s11] =	ssyncset.done $0x0  }
0x9c: {  	s1 =	rddreg [dreg:$0x1c];
	[sflag:s11] =	ssyncadd.s32 $0xFFFFC000  }
0x9d: {  	[spmem:s3] =	stream.indirect.scatter.add.f32 [tilespmem:s12], [sflag:$0x1], $0x80, s0, s13, $0xb8;
	[tilespmem:$0x1D800] =	vst v63  }
0x9e: {  	s0 =	rddreg [dreg:$0x1d]  }
0x9f: {  	[spmem:s3] =	stream.indirect.scatter.add.f32 [tilespmem:s12], [sflag:$0x1], $0x80, s1, s13, $0xb8;
	[tilespmem:$0x1D800] =	vst v63  }
0xa0: {  	s1 =	rddreg [dreg:$0x1e]  }
0xa1: {  	[spmem:s3] =	stream.indirect.scatter.add.f32 [tilespmem:s12], [sflag:$0x1], $0x80, s0, s13, $0xb8;
	[tilespmem:$0x1D800] =	vst v63  }
0xa2: {  	s0 =	rddreg [dreg:$0x1f]  }
0xa3: {  	[spmem:s3] =	stream.indirect.scatter.add.f32 [tilespmem:s12], [sflag:$0x1], $0x80, s1, s13, $0xb8;
	[tilespmem:$0x1D800] =	vst v63  }
0xa4: {  	s1 =	sld [smem:$0x7FC]  }
0xa5: {  	[spmem:s3] =	stream.indirect.scatter.add.f32 [tilespmem:s12], [sflag:$0x1], $0x80, s0, s13, $0xb8;
	[tilespmem:$0x1D800] =	vst v63  }
0xa6: {  	s0 =	sld [smem:$0x7FD]  }
0xa7: {  	[spmem:s3] =	stream.indirect.scatter.add.f32 [tilespmem:s12], [sflag:$0x1], $0x80, s1, s13, $0xb8;
	[tilespmem:$0x1D800] =	vst v63  }
0xa8: {  	_ = 	snop  }
0xa9: {  	[spmem:s3] =	stream.indirect.scatter.add.f32 [tilespmem:s12], [sflag:$0x1], $0x80, s0, s13, $0xb8;
	[tilespmem:$0x1D800] =	vst v63  }
0xaa: {  	_ = 	snop  }
0xab: {  	[spmem:s3] =	stream.indirect.scatter.add.f32 [tilespmem:s12], [sflag:$0x1], $0x80, s23, s13, $0xb8;
	[tilespmem:$0x1D800] =	vst v63  }
0xac: {  	_ =	swait.ge [sflag:s11], $0x4000  }
0xad: {  	[sflag:s11] =	ssyncset.done $0x0  }
0xae: {  	[sflag:s11] =	ssyncadd.s32 $0xFFFFC000  }
0xaf: {  	_ =	swait.ge [sflag:s11], $0x4000  }
0xb0: {  	[sflag:s11] =	ssyncset.done $0x0  }
0xb1: {  	[sflag:s11] =	ssyncadd.s32 $0xFFFFC000  }
0xb2: {  	_ =	swait.ge [sflag:s11], $0x4000  }
0xb3: {  	[sflag:s11] =	ssyncset.done $0x0  }
0xb4: {  	[sflag:s11] =	ssyncadd.s32 $0xFFFFC000  }
0xb5: {  	_ =	swait.ge [sflag:s11], $0x4000  }
0xb6: {  	[sflag:s11] =	ssyncset.done $0x0  }
0xb7: {  	[sflag:s11] =	ssyncadd.s32 $0xFFFFC000  }
0xb8: {  	_ =	swait.ge [sflag:s11], $0x4000  }
0xb9: {  	[sflag:s11] =	ssyncset.done $0x0  }
0xba: {  	[sflag:s11] =	ssyncadd.s32 $0xFFFFC000  }
0xbb: {  	_ =	swait.ge [sflag:s11], $0x4000  }
0xbc: {  	[sflag:s11] =	ssyncset.done $0x0  }
0xbd: {  	[sflag:s11] =	ssyncadd.s32 $0xFFFFC000  }
0xbe: {  	_ =	swait.ge [sflag:s11], $0x4000  }
0xbf: {  	[sflag:s11] =	ssyncset.done $0x0  }
0xc0: {  	[sflag:s11] =	ssyncadd.s32 $0xFFFFC000  }
0xc1: {  	_ =	swait.ge [sflag:s11], $0x4000  }
0xc2: {  	[sflag:s11] =	ssyncset.done $0x0  }
0xc3: {  	s1 =	simm.s32 $0xC00;
	[sflag:s11] =	ssyncadd.s32 $0xFFFFC000  }
0xc4: {  	[spmem:s3] =	stream.indirect.scatter.add.f32 [tilespmem:s12], [sflag:$0x1], $0x80, s1, s13, $0xb8;
	[tilespmem:$0x1D800] =	vst v63  }
0xc5: {  	_ = 	snop  }
0xc6: {  	[spmem:s3] =	stream.indirect.scatter.add.f32 [tilespmem:s12], [sflag:$0x1], $0x80, s24, s13, $0xb8;
	[tilespmem:$0x1D800] =	vst v63  }
0xc7: {  	_ = 	snop  }
0xc8: {  	[spmem:s3] =	stream.indirect.scatter.add.f32 [tilespmem:s12], [sflag:$0x1], $0x80, s25, s13, $0xb8;
	[tilespmem:$0x1D800] =	vst v63  }
0xc9: {  	_ = 	snop  }
0xca: {  	[spmem:s3] =	stream.indirect.scatter.add.f32 [tilespmem:s12], [sflag:$0x1], $0x80, s26, s13, $0xb8;
	[tilespmem:$0x1D800] =	vst v63  }
0xcb: {  	_ = 	snop  }
0xcc: {  	[spmem:s3] =	stream.indirect.scatter.add.f32 [tilespmem:s12], [sflag:$0x1], $0x80, s28, s13, $0xb8;
	[tilespmem:$0x1D800] =	vst v63  }
0xcd: {  	_ = 	snop  }
0xce: {  	[spmem:s3] =	stream.indirect.scatter.add.f32 [tilespmem:s12], [sflag:$0x1], $0x80, s29, s13, $0xb8;
	[tilespmem:$0x1D800] =	vst v63  }
0xcf: {  	_ = 	snop  }
0xd0: {  	[spmem:s3] =	stream.indirect.scatter.add.f32 [tilespmem:s12], [sflag:$0x1], $0x80, s30, s13, $0xb8;
	[tilespmem:$0x1D800] =	vst v63  }
0xd1: {  	_ = 	snop  }
0xd2: {  	[spmem:s3] =	stream.indirect.scatter.add.f32 [tilespmem:s12], [sflag:$0x1], $0x80, s31, s13, $0xb8;
	[tilespmem:$0x1D800] =	vst v63  }
0xd3: {  	_ =	swait.ge [sflag:s11], $0x4000  }
0xd4: {  	[sflag:s11] =	ssyncset.done $0x0  }
0xd5: {  	[sflag:s11] =	ssyncadd.s32 $0xFFFFC000  }
0xd6: {  	_ =	swait.ge [sflag:s11], $0x4000  }
0xd7: {  	[sflag:s11] =	ssyncset.done $0x0  }
0xd8: {  	[sflag:s11] =	ssyncadd.s32 $0xFFFFC000  }
0xd9: {  	_ =	swait.ge [sflag:s11], $0x4000  }
0xda: {  	[sflag:s11] =	ssyncset.done $0x0  }
0xdb: {  	[sflag:s11] =	ssyncadd.s32 $0xFFFFC000  }
0xdc: {  	_ =	swait.ge [sflag:s11], $0x4000  }
0xdd: {  	[sflag:s11] =	ssyncset.done $0x0  }
0xde: {  	[sflag:s11] =	ssyncadd.s32 $0xFFFFC000  }
0xdf: {  	_ =	swait.ge [sflag:s11], $0x4000  }
0xe0: {  	[sflag:s11] =	ssyncset.done $0x0  }
0xe1: {  	[sflag:s11] =	ssyncadd.s32 $0xFFFFC000  }
0xe2: {  	_ =	swait.ge [sflag:s11], $0x4000  }
0xe3: {  	[sflag:s11] =	ssyncset.done $0x0  }
0xe4: {  	[sflag:s11] =	ssyncadd.s32 $0xFFFFC000  }
0xe5: {  	_ =	swait.ge [sflag:s11], $0x4000  }
0xe6: {  	[sflag:s11] =	ssyncset.done $0x0  }
0xe7: {  	[sflag:s11] =	ssyncadd.s32 $0xFFFFC000  }
0xe8: {  	_ =	swait.ge [sflag:s11], $0x4000  }
0xe9: {  	[sflag:s11] =	ssyncset.done $0x0  }
0xea: {  	[sflag:s11] =	ssyncadd.s32 $0xFFFFC000  }
0xeb: {  	[spmem:s3] =	stream.indirect.scatter.add.f32 [tilespmem:s12], [sflag:$0x1], $0x80, s15, s13, $0xb8;
	[tilespmem:$0x1D800] =	vst v63  }
0xec: {  	_ = 	snop  }
0xed: {  	[spmem:s3] =	stream.indirect.scatter.add.f32 [tilespmem:s12], [sflag:$0x1], $0x80, s16, s13, $0xb8;
	[tilespmem:$0x1D800] =	vst v63  }
0xee: {  	_ = 	snop  }
0xef: {  	[spmem:s3] =	stream.indirect.scatter.add.f32 [tilespmem:s12], [sflag:$0x1], $0x80, s17, s13, $0xb8;
	[tilespmem:$0x1D800] =	vst v63  }
0xf0: {  	_ = 	snop  }
0xf1: {  	[spmem:s3] =	stream.indirect.scatter.add.f32 [tilespmem:s12], [sflag:$0x1], $0x80, s18, s13, $0xb8;
	[tilespmem:$0x1D800] =	vst v63  }
0xf2: {  	_ = 	snop  }
0xf3: {  	[spmem:s3] =	stream.indirect.scatter.add.f32 [tilespmem:s12], [sflag:$0x1], $0x80, s19, s13, $0xb8;
	[tilespmem:$0x1D800] =	vst v63  }
0xf4: {  	_ = 	snop  }
0xf5: {  	[spmem:s3] =	stream.indirect.scatter.add.f32 [tilespmem:s12], [sflag:$0x1], $0x80, s20, s13, $0xb8;
	[tilespmem:$0x1D800] =	vst v63  }
0xf6: {  	_ = 	snop  }
0xf7: {  	[spmem:s3] =	stream.indirect.scatter.add.f32 [tilespmem:s12], [sflag:$0x1], $0x80, s21, s13, $0xb8;
	[tilespmem:$0x1D800] =	vst v63  }
0xf8: {  	_ = 	snop  }
0xf9: {  	[spmem:s3] =	stream.indirect.scatter.add.f32 [tilespmem:s12], [sflag:$0x1], $0x80, s22, s13, $0xb8;
	[tilespmem:$0x1D800] =	vst v63  }
0xfa: {  	_ =	swait.ge [sflag:s11], $0x4000  }
0xfb: {  	[sflag:s11] =	ssyncset.done $0x0  }
0xfc: {  	[sflag:s11] =	ssyncadd.s32 $0xFFFFC000  }
0xfd: {  	_ =	swait.ge [sflag:s11], $0x4000  }
0xfe: {  	[sflag:s11] =	ssyncset.done $0x0  }
0xff: {  	[sflag:s11] =	ssyncadd.s32 $0xFFFFC000  }
0x100: {  	_ =	swait.ge [sflag:s11], $0x4000  }
0x101: {  	[sflag:s11] =	ssyncset.done $0x0  }
0x102: {  	[sflag:s11] =	ssyncadd.s32 $0xFFFFC000  }
0x103: {  	_ =	swait.ge [sflag:s11], $0x4000  }
0x104: {  	[sflag:s11] =	ssyncset.done $0x0  }
0x105: {  	[sflag:s11] =	ssyncadd.s32 $0xFFFFC000  }
0x106: {  	_ =	swait.ge [sflag:s11], $0x4000  }
0x107: {  	[sflag:s11] =	ssyncset.done $0x0  }
0x108: {  	[sflag:s11] =	ssyncadd.s32 $0xFFFFC000  }
0x109: {  	_ =	swait.ge [sflag:s11], $0x4000  }
0x10a: {  	[sflag:s11] =	ssyncset.done $0x0  }
0x10b: {  	[sflag:s11] =	ssyncadd.s32 $0xFFFFC000  }
0x10c: {  	_ =	swait.ge [sflag:s11], $0x4000  }
0x10d: {  	[sflag:s11] =	ssyncset.done $0x0  }
0x10e: {  	[sflag:s11] =	ssyncadd.s32 $0xFFFFC000  }
0x10f: {  	_ =	swait.ge [sflag:s11], $0x4000  }
0x110: {  	[sflag:s11] =	ssyncset.done $0x0  }
0x111: {  	[sflag:s11] =	ssyncadd.s32 $0xFFFFC000  }
0x112: {  	[bflag:$0x0] =	sbarrier.arrive $0xFFFF  }
0x113: {  	[tilespmem:s7], [sflag:$0x2] =	stream.linear.gather [spmem:s10], $0x4000, $0x38;
	[tilespmem:$0x1D800] =	vst v63  }
0x114: {  	_ =	swait.ge [sflag:s4], $0x4000  }
0x115: {  	[sflag:s4] =	ssyncset.done $0x0  }
0x116: {  	s1 =	rddreg [dreg:$0x8];
	[sflag:s4] =	ssyncadd.s32 $0xFFFFC000  }
0x117: {  	[hbm4b:s1+s2] =	stream.linear.scatter [tilespmem:s7], [sflag:$0x2], $0x4000, $0x38;
	[tilespmem:$0x1D800] =	vst v63  }
0x118: {  	_ =	swait.ge [sflag:s4], $0x4000  }
0x119: {  	[sflag:s4] =	ssyncset.done $0x0  }
0x11a: {  	[sflag:s4] =	ssyncadd.s32 $0xFFFFC000  }
0x11b: {  	[tilespmem:s7], [sflag:$0x2] =	stream.linear.gather [spmem:s9], $0x4000, $0x38;
	[tilespmem:$0x1D800] =	vst v63  }
0x11c: {  	_ =	swait.ge [sflag:s4], $0x4000  }
0x11d: {  	[sflag:s4] =	ssyncset.done $0x0  }
0x11e: {  	s1 =	rddreg [dreg:$0x9];
	[sflag:s4] =	ssyncadd.s32 $0xFFFFC000  }
0x11f: {  	[hbm4b:s1+s2] =	stream.linear.scatter [tilespmem:s7], [sflag:$0x2], $0x4000, $0x38;
	[tilespmem:$0x1D800] =	vst v63  }
0x120: {  	_ =	swait.ge [sflag:s4], $0x4000  }
0x121: {  	[sflag:s4] =	ssyncset.done $0x0  }
0x122: {  	[sflag:s4] =	ssyncadd.s32 $0xFFFFC000  }
0x123: {  	[tilespmem:s7], [sflag:$0x2] =	stream.linear.gather [spmem:s8], $0x4000, $0x38;
	[tilespmem:$0x1D800] =	vst v63  }
0x124: {  	_ =	swait.ge [sflag:s4], $0x4000  }
0x125: {  	[sflag:s4] =	ssyncset.done $0x0  }
0x126: {  	s1 =	rddreg [dreg:$0xa];
	[sflag:s4] =	ssyncadd.s32 $0xFFFFC000  }
0x127: {  	[hbm4b:s1+s2] =	stream.linear.scatter [tilespmem:s7], [sflag:$0x2], $0x4000, $0x38;
	[tilespmem:$0x1D800] =	vst v63  }
0x128: {  	_ =	swait.ge [sflag:s4], $0x4000  }
0x129: {  	[sflag:s4] =	ssyncset.done $0x0  }
0x12a: {  	[sflag:s4] =	ssyncadd.s32 $0xFFFFC000  }
0x12b: {  	[tilespmem:s7], [sflag:$0x2] =	stream.linear.gather [spmem:s6], $0x4000, $0x38;
	[tilespmem:$0x1D800] =	vst v63  }
0x12c: {  	_ =	swait.ge [sflag:s4], $0x4000  }
0x12d: {  	[sflag:s4] =	ssyncset.done $0x0  }
0x12e: {  	s1 =	rddreg [dreg:$0xb];
	[sflag:s4] =	ssyncadd.s32 $0xFFFFC000  }
0x12f: {  	[hbm4b:s1+s2] =	stream.linear.scatter [tilespmem:s7], [sflag:$0x2], $0x4000, $0x38;
	[tilespmem:$0x1D800] =	vst v63  }
0x130: {  	_ =	swait.ge [sflag:s4], $0x4000  }
0x131: {  	[sflag:s4] =	ssyncset.done $0x0  }
0x132: {  	[sflag:s4] =	ssyncadd.s32 $0xFFFFC000  }
0x133: {  	[tilespmem:s7], [sflag:$0x2] =	stream.linear.gather [spmem:s5], $0x4000, $0x38;
	[tilespmem:$0x1D800] =	vst v63  }
0x134: {  	p1 =	sne.s32 s14, $0x1;
	_ =	swait.ge [sflag:s4], $0x4000  }
.Ltmp1:
0x135: {  	[sflag:s4] =	ssyncset.done $0x0;
	(pc) =	sbr.rel @!p1 .LBB2_3-.Ltmp1, $4  }
0x136: {  	s1 =	rddreg [dreg:$0xc];
	[sflag:s4] =	ssyncadd.s32 $0xFFFFC000  }
0x137: {  	[hbm4b:s1+s2] =	stream.linear.scatter [tilespmem:s7], [sflag:$0x2], $0x4000, $0x38;
	[tilespmem:$0x1D800] =	vst v63  }
0x138: {  	p0 =	por $0x1, $0x1;
	_ =	swait.ge [sflag:s4], $0x4000  }
0x139: {  	s0 =	sadd.s32 $0xFFFFFFFF, s14;
	s1 =	rddreg [dreg:$0x7];
	[sflag:s4] =	ssyncset.done $0x0  }
.LBB2_4:
0x13a: {  	[sflag:s4] =	ssyncadd.s32 $0xFFFFC000  }
0x13b: {  	[tilespmem:s2], [sflag:$0x2] =	stream.linear.gather [hbm4b:s1+s2], $0x1500, $0x38;
	[tilespmem:$0x1D800] =	vst v63  }
0x13c: {  	_ =	swait.ge [sflag:s4], $0x1500  }
0x13d: {  	[sflag:s4] =	ssyncset.done $0x0  }
0x13e: {  	s14 =	rddreg [dreg:$0x5];
	[sflag:s4] =	ssyncadd.s32 $0xFFFFEB00  }
0x13f: {  	[tilespmem:s12], [sflag:$0x2] =	stream.linear.gather [hbm4b:s14+s2], $0x4000, $0x38;
	[tilespmem:$0x1D800] =	vst v63  }
0x140: {  	_ =	swait.ge [sflag:s4], $0x4000  }
0x141: {  	[sflag:s4] =	ssyncset.done $0x0  }
0x142: {  	s14 =	rddreg [dreg:$0x6];
	[sflag:s4] =	ssyncadd.s32 $0xFFFFC000  }
0x143: {  	[tilespmem:s7], [sflag:$0x2] =	stream.linear.gather [hbm4b:s14+s2], $0x4000, $0x38;
	[tilespmem:$0x1D800] =	vst v63  }
0x144: {  	_ =	swait.ge [sflag:s4], $0x4000  }
0x145: {  	[sflag:s4] =	ssyncset.done $0x0  }
0x146: {  	[sflag:s4] =	ssyncadd.s32 $0xFFFFC000  }
0x147: {  	[spmem:s10] =	stream.linear.scatter [tilespmem:s7], [sflag:$0x2], $0x4000, $0x38;
	[tilespmem:$0x1D800] =	vst v63  }
0x148: {  	_ =	swait.ge [sflag:s4], $0x4000  }
0x149: {  	[sflag:s4] =	ssyncset.done $0x0  }
0x14a: {  	[sflag:s4] =	ssyncadd.s32 $0xFFFFC000  }
0x14b: {  	[spmem:s9] =	stream.linear.scatter [tilespmem:s7], [sflag:$0x2], $0x4000, $0x38;
	[tilespmem:$0x1D800] =	vst v63  }
0x14c: {  	_ =	swait.ge [sflag:s4], $0x4000  }
0x14d: {  	[sflag:s4] =	ssyncset.done $0x0  }
0x14e: {  	[sflag:s4] =	ssyncadd.s32 $0xFFFFC000  }
0x14f: {  	[spmem:s8] =	stream.linear.scatter [tilespmem:s7], [sflag:$0x2], $0x4000, $0x38;
	[tilespmem:$0x1D800] =	vst v63  }
0x150: {  	_ =	swait.ge [sflag:s4], $0x4000  }
0x151: {  	[sflag:s4] =	ssyncset.done $0x0  }
0x152: {  	[sflag:s4] =	ssyncadd.s32 $0xFFFFC000  }
0x153: {  	[spmem:s6] =	stream.linear.scatter [tilespmem:s7], [sflag:$0x2], $0x4000, $0x38;
	[tilespmem:$0x1D800] =	vst v63  }
0x154: {  	_ =	swait.ge [sflag:s4], $0x4000  }
0x155: {  	[sflag:s4] =	ssyncset.done $0x0  }
0x156: {  	[sflag:s4] =	ssyncadd.s32 $0xFFFFC000  }
0x157: {  	[spmem:s5] =	stream.linear.scatter [tilespmem:s7], [sflag:$0x2], $0x4000, $0x38;
	[tilespmem:$0x1D800] =	vst v63  }
0x158: {  	_ =	swait.ge [sflag:s4], $0x4000  }
0x159: {  	[sflag:s4] =	ssyncset.done $0x0  }
0x15a: {  	[sflag:s4] =	ssyncadd.s32 $0xFFFFC000  }
0x15b: {  	[bflag:$0x0] =	sbarrier.arrive $0xFFFF  }
0x15c: {  	[spmem:s3] =	stream.indirect.scatter.add.f32 [tilespmem:s12], [sflag:$0x1], $0x80, s2, s13, $0xb8;
	[tilespmem:$0x1D800] =	vst v63  }
0x15d: {  	_ = 	snop  }
0x15e: {  	[spmem:s3] =	stream.indirect.scatter.add.f32 [tilespmem:s12], [sflag:$0x1], $0x80, s13, s13, $0xb8;
	[tilespmem:$0x1D800] =	vst v63  }
0x15f: {  	s1 =	rddreg [dreg:$0xd]  }
0x160: {  	[spmem:s3] =	stream.indirect.scatter.add.f32 [tilespmem:s12], [sflag:$0x1], $0x80, s1, s13, $0xb8;
	[tilespmem:$0x1D800] =	vst v63  }
0x161: {  	s14 =	rddreg [dreg:$0xe]  }
0x162: {  	[spmem:s3] =	stream.indirect.scatter.add.f32 [tilespmem:s12], [sflag:$0x1], $0x80, s14, s13, $0xb8;
	[tilespmem:$0x1D800] =	vst v63  }
0x163: {  	s1 =	rddreg [dreg:$0xf]  }
0x164: {  	[spmem:s3] =	stream.indirect.scatter.add.f32 [tilespmem:s12], [sflag:$0x1], $0x80, s1, s13, $0xb8;
	[tilespmem:$0x1D800] =	vst v63  }
0x165: {  	s14 =	rddreg [dreg:$0x10]  }
0x166: {  	[spmem:s3] =	stream.indirect.scatter.add.f32 [tilespmem:s12], [sflag:$0x1], $0x80, s14, s13, $0xb8;
	[tilespmem:$0x1D800] =	vst v63  }
0x167: {  	s1 =	rddreg [dreg:$0x11]  }
0x168: {  	[spmem:s3] =	stream.indirect.scatter.add.f32 [tilespmem:s12], [sflag:$0x1], $0x80, s1, s13, $0xb8;
	[tilespmem:$0x1D800] =	vst v63  }
0x169: {  	s14 =	rddreg [dreg:$0x12]  }
0x16a: {  	[spmem:s3] =	stream.indirect.scatter.add.f32 [tilespmem:s12], [sflag:$0x1], $0x80, s14, s13, $0xb8;
	[tilespmem:$0x1D800] =	vst v63  }
0x16b: {  	_ =	swait.ge [sflag:s11], $0x4000  }
0x16c: {  	[sflag:s11] =	ssyncset.done $0x0  }
0x16d: {  	[sflag:s11] =	ssyncadd.s32 $0xFFFFC000  }
0x16e: {  	_ =	swait.ge [sflag:s11], $0x4000  }
0x16f: {  	[sflag:s11] =	ssyncset.done $0x0  }
0x170: {  	[sflag:s11] =	ssyncadd.s32 $0xFFFFC000  }
0x171: {  	_ =	swait.ge [sflag:s11], $0x4000  }
0x172: {  	[sflag:s11] =	ssyncset.done $0x0  }
0x173: {  	[sflag:s11] =	ssyncadd.s32 $0xFFFFC000  }
0x174: {  	_ =	swait.ge [sflag:s11], $0x4000  }
0x175: {  	[sflag:s11] =	ssyncset.done $0x0  }
0x176: {  	[sflag:s11] =	ssyncadd.s32 $0xFFFFC000  }
0x177: {  	_ =	swait.ge [sflag:s11], $0x4000  }
0x178: {  	[sflag:s11] =	ssyncset.done $0x0  }
0x179: {  	[sflag:s11] =	ssyncadd.s32 $0xFFFFC000  }
0x17a: {  	_ =	swait.ge [sflag:s11], $0x4000  }
0x17b: {  	[sflag:s11] =	ssyncset.done $0x0  }
0x17c: {  	[sflag:s11] =	ssyncadd.s32 $0xFFFFC000  }
0x17d: {  	_ =	swait.ge [sflag:s11], $0x4000  }
0x17e: {  	[sflag:s11] =	ssyncset.done $0x0  }
0x17f: {  	[sflag:s11] =	ssyncadd.s32 $0xFFFFC000  }
0x180: {  	_ =	swait.ge [sflag:s11], $0x4000  }
0x181: {  	[sflag:s11] =	ssyncset.done $0x0  }
0x182: {  	s1 =	rddreg [dreg:$0x13];
	[sflag:s11] =	ssyncadd.s32 $0xFFFFC000  }
0x183: {  	[spmem:s3] =	stream.indirect.scatter.add.f32 [tilespmem:s12], [sflag:$0x1], $0x80, s1, s13, $0xb8;
	[tilespmem:$0x1D800] =	vst v63  }
0x184: {  	s14 =	rddreg [dreg:$0x14]  }
0x185: {  	[spmem:s3] =	stream.indirect.scatter.add.f32 [tilespmem:s12], [sflag:$0x1], $0x80, s14, s13, $0xb8;
	[tilespmem:$0x1D800] =	vst v63  }
0x186: {  	s1 =	rddreg [dreg:$0x15]  }
0x187: {  	[spmem:s3] =	stream.indirect.scatter.add.f32 [tilespmem:s12], [sflag:$0x1], $0x80, s1, s13, $0xb8;
	[tilespmem:$0x1D800] =	vst v63  }
0x188: {  	s14 =	rddreg [dreg:$0x16]  }
0x189: {  	[spmem:s3] =	stream.indirect.scatter.add.f32 [tilespmem:s12], [sflag:$0x1], $0x80, s14, s13, $0xb8;
	[tilespmem:$0x1D800] =	vst v63  }
0x18a: {  	s1 =	rddreg [dreg:$0x17]  }
0x18b: {  	[spmem:s3] =	stream.indirect.scatter.add.f32 [tilespmem:s12], [sflag:$0x1], $0x80, s1, s13, $0xb8;
	[tilespmem:$0x1D800] =	vst v63  }
0x18c: {  	s14 =	rddreg [dreg:$0x18]  }
0x18d: {  	[spmem:s3] =	stream.indirect.scatter.add.f32 [tilespmem:s12], [sflag:$0x1], $0x80, s14, s13, $0xb8;
	[tilespmem:$0x1D800] =	vst v63  }
0x18e: {  	s1 =	rddreg [dreg:$0x19]  }
0x18f: {  	[spmem:s3] =	stream.indirect.scatter.add.f32 [tilespmem:s12], [sflag:$0x1], $0x80, s1, s13, $0xb8;
	[tilespmem:$0x1D800] =	vst v63  }
0x190: {  	s14 =	rddreg [dreg:$0x1a]  }
0x191: {  	[spmem:s3] =	stream.indirect.scatter.add.f32 [tilespmem:s12], [sflag:$0x1], $0x80, s14, s13, $0xb8;
	[tilespmem:$0x1D800] =	vst v63  }
0x192: {  	_ =	swait.ge [sflag:s11], $0x4000  }
0x193: {  	[sflag:s11] =	ssyncset.done $0x0  }
0x194: {  	[sflag:s11] =	ssyncadd.s32 $0xFFFFC000  }
0x195: {  	_ =	swait.ge [sflag:s11], $0x4000  }
0x196: {  	[sflag:s11] =	ssyncset.done $0x0  }
0x197: {  	[sflag:s11] =	ssyncadd.s32 $0xFFFFC000  }
0x198: {  	_ =	swait.ge [sflag:s11], $0x4000  }
0x199: {  	[sflag:s11] =	ssyncset.done $0x0  }
0x19a: {  	[sflag:s11] =	ssyncadd.s32 $0xFFFFC000  }
0x19b: {  	_ =	swait.ge [sflag:s11], $0x4000  }
0x19c: {  	[sflag:s11] =	ssyncset.done $0x0  }
0x19d: {  	[sflag:s11] =	ssyncadd.s32 $0xFFFFC000  }
0x19e: {  	_ =	swait.ge [sflag:s11], $0x4000  }
0x19f: {  	[sflag:s11] =	ssyncset.done $0x0  }
0x1a0: {  	[sflag:s11] =	ssyncadd.s32 $0xFFFFC000  }
0x1a1: {  	_ =	swait.ge [sflag:s11], $0x4000  }
0x1a2: {  	[sflag:s11] =	ssyncset.done $0x0  }
0x1a3: {  	[sflag:s11] =	ssyncadd.s32 $0xFFFFC000  }
0x1a4: {  	_ =	swait.ge [sflag:s11], $0x4000  }
0x1a5: {  	[sflag:s11] =	ssyncset.done $0x0  }
0x1a6: {  	[sflag:s11] =	ssyncadd.s32 $0xFFFFC000  }
0x1a7: {  	_ =	swait.ge [sflag:s11], $0x4000  }
0x1a8: {  	s1 =	rddreg [dreg:$0x1b];
	[sflag:s11] =	ssyncset.done $0x0  }
0x1a9: {  	s14 =	rddreg [dreg:$0x1c];
	[sflag:s11] =	ssyncadd.s32 $0xFFFFC000  }
0x1aa: {  	[spmem:s3] =	stream.indirect.scatter.add.f32 [tilespmem:s12], [sflag:$0x1], $0x80, s1, s13, $0xb8;
	[tilespmem:$0x1D800] =	vst v63  }
0x1ab: {  	s1 =	rddreg [dreg:$0x1d]  }
0x1ac: {  	[spmem:s3] =	stream.indirect.scatter.add.f32 [tilespmem:s12], [sflag:$0x1], $0x80, s14, s13, $0xb8;
	[tilespmem:$0x1D800] =	vst v63  }
0x1ad: {  	s14 =	rddreg [dreg:$0x1e]  }
0x1ae: {  	[spmem:s3] =	stream.indirect.scatter.add.f32 [tilespmem:s12], [sflag:$0x1], $0x80, s1, s13, $0xb8;
	[tilespmem:$0x1D800] =	vst v63  }
0x1af: {  	s1 =	rddreg [dreg:$0x1f]  }
0x1b0: {  	[spmem:s3] =	stream.indirect.scatter.add.f32 [tilespmem:s12], [sflag:$0x1], $0x80, s14, s13, $0xb8;
	[tilespmem:$0x1D800] =	vst v63  }
0x1b1: {  	s14 =	sld [smem:$0x7FC]  }
0x1b2: {  	[spmem:s3] =	stream.indirect.scatter.add.f32 [tilespmem:s12], [sflag:$0x1], $0x80, s1, s13, $0xb8;
	[tilespmem:$0x1D800] =	vst v63  }
0x1b3: {  	s1 =	sld [smem:$0x7FD]  }
0x1b4: {  	[spmem:s3] =	stream.indirect.scatter.add.f32 [tilespmem:s12], [sflag:$0x1], $0x80, s14, s13, $0xb8;
	[tilespmem:$0x1D800] =	vst v63  }
0x1b5: {  	_ = 	snop  }
0x1b6: {  	[spmem:s3] =	stream.indirect.scatter.add.f32 [tilespmem:s12], [sflag:$0x1], $0x80, s1, s13, $0xb8;
	[tilespmem:$0x1D800] =	vst v63  }
0x1b7: {  	_ = 	snop  }
0x1b8: {  	[spmem:s3] =	stream.indirect.scatter.add.f32 [tilespmem:s12], [sflag:$0x1], $0x80, s23, s13, $0xb8;
	[tilespmem:$0x1D800] =	vst v63  }
0x1b9: {  	_ =	swait.ge [sflag:s11], $0x4000  }
0x1ba: {  	[sflag:s11] =	ssyncset.done $0x0  }
0x1bb: {  	[sflag:s11] =	ssyncadd.s32 $0xFFFFC000  }
0x1bc: {  	_ =	swait.ge [sflag:s11], $0x4000  }
0x1bd: {  	[sflag:s11] =	ssyncset.done $0x0  }
0x1be: {  	[sflag:s11] =	ssyncadd.s32 $0xFFFFC000  }
0x1bf: {  	_ =	swait.ge [sflag:s11], $0x4000  }
0x1c0: {  	[sflag:s11] =	ssyncset.done $0x0  }
0x1c1: {  	[sflag:s11] =	ssyncadd.s32 $0xFFFFC000  }
0x1c2: {  	_ =	swait.ge [sflag:s11], $0x4000  }
0x1c3: {  	[sflag:s11] =	ssyncset.done $0x0  }
0x1c4: {  	[sflag:s11] =	ssyncadd.s32 $0xFFFFC000  }
0x1c5: {  	_ =	swait.ge [sflag:s11], $0x4000  }
0x1c6: {  	[sflag:s11] =	ssyncset.done $0x0  }
0x1c7: {  	[sflag:s11] =	ssyncadd.s32 $0xFFFFC000  }
0x1c8: {  	_ =	swait.ge [sflag:s11], $0x4000  }
0x1c9: {  	[sflag:s11] =	ssyncset.done $0x0  }
0x1ca: {  	[sflag:s11] =	ssyncadd.s32 $0xFFFFC000  }
0x1cb: {  	_ =	swait.ge [sflag:s11], $0x4000  }
0x1cc: {  	[sflag:s11] =	ssyncset.done $0x0  }
0x1cd: {  	[sflag:s11] =	ssyncadd.s32 $0xFFFFC000  }
0x1ce: {  	_ =	swait.ge [sflag:s11], $0x4000  }
0x1cf: {  	[sflag:s11] =	ssyncset.done $0x0  }
0x1d0: {  	s14 =	simm.s32 $0xC00;
	[sflag:s11] =	ssyncadd.s32 $0xFFFFC000  }
0x1d1: {  	[spmem:s3] =	stream.indirect.scatter.add.f32 [tilespmem:s12], [sflag:$0x1], $0x80, s14, s13, $0xb8;
	[tilespmem:$0x1D800] =	vst v63  }
0x1d2: {  	_ = 	snop  }
0x1d3: {  	[spmem:s3] =	stream.indirect.scatter.add.f32 [tilespmem:s12], [sflag:$0x1], $0x80, s24, s13, $0xb8;
	[tilespmem:$0x1D800] =	vst v63  }
0x1d4: {  	_ = 	snop  }
0x1d5: {  	[spmem:s3] =	stream.indirect.scatter.add.f32 [tilespmem:s12], [sflag:$0x1], $0x80, s25, s13, $0xb8;
	[tilespmem:$0x1D800] =	vst v63  }
0x1d6: {  	_ = 	snop  }
0x1d7: {  	[spmem:s3] =	stream.indirect.scatter.add.f32 [tilespmem:s12], [sflag:$0x1], $0x80, s26, s13, $0xb8;
	[tilespmem:$0x1D800] =	vst v63  }
0x1d8: {  	_ = 	snop  }
0x1d9: {  	[spmem:s3] =	stream.indirect.scatter.add.f32 [tilespmem:s12], [sflag:$0x1], $0x80, s28, s13, $0xb8;
	[tilespmem:$0x1D800] =	vst v63  }
0x1da: {  	_ = 	snop  }
0x1db: {  	[spmem:s3] =	stream.indirect.scatter.add.f32 [tilespmem:s12], [sflag:$0x1], $0x80, s29, s13, $0xb8;
	[tilespmem:$0x1D800] =	vst v63  }
0x1dc: {  	_ = 	snop  }
0x1dd: {  	[spmem:s3] =	stream.indirect.scatter.add.f32 [tilespmem:s12], [sflag:$0x1], $0x80, s30, s13, $0xb8;
	[tilespmem:$0x1D800] =	vst v63  }
0x1de: {  	_ = 	snop  }
0x1df: {  	[spmem:s3] =	stream.indirect.scatter.add.f32 [tilespmem:s12], [sflag:$0x1], $0x80, s31, s13, $0xb8;
	[tilespmem:$0x1D800] =	vst v63  }
0x1e0: {  	_ =	swait.ge [sflag:s11], $0x4000  }
0x1e1: {  	[sflag:s11] =	ssyncset.done $0x0  }
0x1e2: {  	[sflag:s11] =	ssyncadd.s32 $0xFFFFC000  }
0x1e3: {  	_ =	swait.ge [sflag:s11], $0x4000  }
0x1e4: {  	[sflag:s11] =	ssyncset.done $0x0  }
0x1e5: {  	[sflag:s11] =	ssyncadd.s32 $0xFFFFC000  }
0x1e6: {  	_ =	swait.ge [sflag:s11], $0x4000  }
0x1e7: {  	[sflag:s11] =	ssyncset.done $0x0  }
0x1e8: {  	[sflag:s11] =	ssyncadd.s32 $0xFFFFC000  }
0x1e9: {  	_ =	swait.ge [sflag:s11], $0x4000  }
0x1ea: {  	[sflag:s11] =	ssyncset.done $0x0  }
0x1eb: {  	[sflag:s11] =	ssyncadd.s32 $0xFFFFC000  }
0x1ec: {  	_ =	swait.ge [sflag:s11], $0x4000  }
0x1ed: {  	[sflag:s11] =	ssyncset.done $0x0  }
0x1ee: {  	[sflag:s11] =	ssyncadd.s32 $0xFFFFC000  }
0x1ef: {  	_ =	swait.ge [sflag:s11], $0x4000  }
0x1f0: {  	[sflag:s11] =	ssyncset.done $0x0  }
0x1f1: {  	[sflag:s11] =	ssyncadd.s32 $0xFFFFC000  }
0x1f2: {  	_ =	swait.ge [sflag:s11], $0x4000  }
0x1f3: {  	[sflag:s11] =	ssyncset.done $0x0  }
0x1f4: {  	[sflag:s11] =	ssyncadd.s32 $0xFFFFC000  }
0x1f5: {  	_ =	swait.ge [sflag:s11], $0x4000  }
0x1f6: {  	[sflag:s11] =	ssyncset.done $0x0  }
0x1f7: {  	[sflag:s11] =	ssyncadd.s32 $0xFFFFC000  }
0x1f8: {  	[spmem:s3] =	stream.indirect.scatter.add.f32 [tilespmem:s12], [sflag:$0x1], $0x80, s15, s13, $0xb8;
	[tilespmem:$0x1D800] =	vst v63  }
0x1f9: {  	_ = 	snop  }
0x1fa: {  	[spmem:s3] =	stream.indirect.scatter.add.f32 [tilespmem:s12], [sflag:$0x1], $0x80, s16, s13, $0xb8;
	[tilespmem:$0x1D800] =	vst v63  }
0x1fb: {  	_ = 	snop  }
0x1fc: {  	[spmem:s3] =	stream.indirect.scatter.add.f32 [tilespmem:s12], [sflag:$0x1], $0x80, s17, s13, $0xb8;
	[tilespmem:$0x1D800] =	vst v63  }
0x1fd: {  	_ = 	snop  }
0x1fe: {  	[spmem:s3] =	stream.indirect.scatter.add.f32 [tilespmem:s12], [sflag:$0x1], $0x80, s18, s13, $0xb8;
	[tilespmem:$0x1D800] =	vst v63  }
0x1ff: {  	_ = 	snop  }
0x200: {  	[spmem:s3] =	stream.indirect.scatter.add.f32 [tilespmem:s12], [sflag:$0x1], $0x80, s19, s13, $0xb8;
	[tilespmem:$0x1D800] =	vst v63  }
0x201: {  	_ = 	snop  }
0x202: {  	[spmem:s3] =	stream.indirect.scatter.add.f32 [tilespmem:s12], [sflag:$0x1], $0x80, s20, s13, $0xb8;
	[tilespmem:$0x1D800] =	vst v63  }
0x203: {  	_ = 	snop  }
0x204: {  	[spmem:s3] =	stream.indirect.scatter.add.f32 [tilespmem:s12], [sflag:$0x1], $0x80, s21, s13, $0xb8;
	[tilespmem:$0x1D800] =	vst v63  }
0x205: {  	_ = 	snop  }
0x206: {  	[spmem:s3] =	stream.indirect.scatter.add.f32 [tilespmem:s12], [sflag:$0x1], $0x80, s22, s13, $0xb8;
	[tilespmem:$0x1D800] =	vst v63  }
0x207: {  	_ =	swait.ge [sflag:s11], $0x4000  }
0x208: {  	[sflag:s11] =	ssyncset.done $0x0  }
0x209: {  	[sflag:s11] =	ssyncadd.s32 $0xFFFFC000  }
0x20a: {  	_ =	swait.ge [sflag:s11], $0x4000  }
0x20b: {  	[sflag:s11] =	ssyncset.done $0x0  }
0x20c: {  	[sflag:s11] =	ssyncadd.s32 $0xFFFFC000  }
0x20d: {  	_ =	swait.ge [sflag:s11], $0x4000  }
0x20e: {  	[sflag:s11] =	ssyncset.done $0x0  }
0x20f: {  	[sflag:s11] =	ssyncadd.s32 $0xFFFFC000  }
0x210: {  	_ =	swait.ge [sflag:s11], $0x4000  }
0x211: {  	[sflag:s11] =	ssyncset.done $0x0  }
0x212: {  	[sflag:s11] =	ssyncadd.s32 $0xFFFFC000  }
0x213: {  	_ =	swait.ge [sflag:s11], $0x4000  }
0x214: {  	[sflag:s11] =	ssyncset.done $0x0  }
0x215: {  	[sflag:s11] =	ssyncadd.s32 $0xFFFFC000  }
0x216: {  	_ =	swait.ge [sflag:s11], $0x4000  }
0x217: {  	[sflag:s11] =	ssyncset.done $0x0  }
0x218: {  	[sflag:s11] =	ssyncadd.s32 $0xFFFFC000  }
0x219: {  	_ =	swait.ge [sflag:s11], $0x4000  }
0x21a: {  	[sflag:s11] =	ssyncset.done $0x0  }
0x21b: {  	[sflag:s11] =	ssyncadd.s32 $0xFFFFC000  }
0x21c: {  	_ =	swait.ge [sflag:s11], $0x4000  }
0x21d: {  	[sflag:s11] =	ssyncset.done $0x0  }
0x21e: {  	[sflag:s11] =	ssyncadd.s32 $0xFFFFC000  }
0x21f: {  	[bflag:$0x0] =	sbarrier.arrive $0xFFFF  }
0x220: {  	[tilespmem:s7], [sflag:$0x2] =	stream.linear.gather [spmem:s10], $0x4000, $0x38;
	[tilespmem:$0x1D800] =	vst v63  }
0x221: {  	_ =	swait.ge [sflag:s4], $0x4000  }
0x222: {  	[sflag:s4] =	ssyncset.done $0x0  }
0x223: {  	s14 =	rddreg [dreg:$0x8];
	[sflag:s4] =	ssyncadd.s32 $0xFFFFC000  }
0x224: {  	[hbm4b:s14+s2] =	stream.linear.scatter [tilespmem:s7], [sflag:$0x2], $0x4000, $0x38;
	[tilespmem:$0x1D800] =	vst v63  }
0x225: {  	_ =	swait.ge [sflag:s4], $0x4000  }
0x226: {  	[sflag:s4] =	ssyncset.done $0x0  }
0x227: {  	[sflag:s4] =	ssyncadd.s32 $0xFFFFC000  }
0x228: {  	[tilespmem:s7], [sflag:$0x2] =	stream.linear.gather [spmem:s9], $0x4000, $0x38;
	[tilespmem:$0x1D800] =	vst v63  }
0x229: {  	_ =	swait.ge [sflag:s4], $0x4000  }
0x22a: {  	[sflag:s4] =	ssyncset.done $0x0  }
0x22b: {  	s14 =	rddreg [dreg:$0x9];
	[sflag:s4] =	ssyncadd.s32 $0xFFFFC000  }
0x22c: {  	[hbm4b:s14+s2] =	stream.linear.scatter [tilespmem:s7], [sflag:$0x2], $0x4000, $0x38;
	[tilespmem:$0x1D800] =	vst v63  }
0x22d: {  	_ =	swait.ge [sflag:s4], $0x4000  }
0x22e: {  	[sflag:s4] =	ssyncset.done $0x0  }
0x22f: {  	[sflag:s4] =	ssyncadd.s32 $0xFFFFC000  }
0x230: {  	[tilespmem:s7], [sflag:$0x2] =	stream.linear.gather [spmem:s8], $0x4000, $0x38;
	[tilespmem:$0x1D800] =	vst v63  }
0x231: {  	_ =	swait.ge [sflag:s4], $0x4000  }
0x232: {  	[sflag:s4] =	ssyncset.done $0x0  }
0x233: {  	s14 =	rddreg [dreg:$0xa];
	[sflag:s4] =	ssyncadd.s32 $0xFFFFC000  }
0x234: {  	[hbm4b:s14+s2] =	stream.linear.scatter [tilespmem:s7], [sflag:$0x2], $0x4000, $0x38;
	[tilespmem:$0x1D800] =	vst v63  }
0x235: {  	_ =	swait.ge [sflag:s4], $0x4000  }
0x236: {  	[sflag:s4] =	ssyncset.done $0x0  }
0x237: {  	[sflag:s4] =	ssyncadd.s32 $0xFFFFC000  }
0x238: {  	[tilespmem:s7], [sflag:$0x2] =	stream.linear.gather [spmem:s6], $0x4000, $0x38;
	[tilespmem:$0x1D800] =	vst v63  }
0x239: {  	_ =	swait.ge [sflag:s4], $0x4000  }
0x23a: {  	[sflag:s4] =	ssyncset.done $0x0  }
0x23b: {  	s14 =	rddreg [dreg:$0xb];
	[sflag:s4] =	ssyncadd.s32 $0xFFFFC000  }
0x23c: {  	[hbm4b:s14+s2] =	stream.linear.scatter [tilespmem:s7], [sflag:$0x2], $0x4000, $0x38;
	[tilespmem:$0x1D800] =	vst v63  }
0x23d: {  	_ =	swait.ge [sflag:s4], $0x4000  }
0x23e: {  	[sflag:s4] =	ssyncset.done $0x0  }
0x23f: {  	[sflag:s4] =	ssyncadd.s32 $0xFFFFC000  }
0x240: {  	[tilespmem:s7], [sflag:$0x2] =	stream.linear.gather [spmem:s5], $0x4000, $0x38;
	[tilespmem:$0x1D800] =	vst v63  }
0x241: {  	p1 =	sne.s32 s0, $0x1;
	_ =	swait.ge [sflag:s4], $0x4000  }
.Ltmp2:
0x242: {  	[sflag:s4] =	ssyncset.done $0x0;
	(pc) =	sbr.rel @p1 .LBB2_4-.Ltmp2, $4  }
0x243: {  	s14 =	rddreg [dreg:$0xc];
	[sflag:s4] =	ssyncadd.s32 $0xFFFFC000  }
0x244: {  	[hbm4b:s14+s2] =	stream.linear.scatter [tilespmem:s7], [sflag:$0x2], $0x4000, $0x38;
	[tilespmem:$0x1D800] =	vst v63  }
0x245: {  	_ =	swait.ge [sflag:s4], $0x4000  }
0x246: {  	s0 =	sadd.s32 $0xFFFFFFFF, s0;
	s1 =	rddreg [dreg:$0x7];
	[sflag:s4] =	ssyncset.done $0x0  }
0x247: {  	s22 =	simm.s32 $0xB80;
	s31 =	simm.s32 $0xF80  }
0x248: {  	s30 =	simm.s32 $0xF00;
	s29 =	simm.s32 $0xE80;
	s28 =	simm.s32 $0xE00  }
0x249: {  	s26 =	simm.s32 $0xD80;
	s25 =	simm.s32 $0xD00;
	s24 =	simm.s32 $0xC80  }
0x24a: {  	s23 =	simm.s32 $0xC00;
	s21 =	simm.s32 $0x1300;
	s20 =	simm.s32 $0x1280  }
0x24b: {  	s19 =	simm.s32 $0x1200;
	s18 =	simm.s32 $0x1180;
	s17 =	simm.s32 $0x1100  }
0x24c: {  	s16 =	simm.s32 $0x1080;
	s15 =	simm.s32 $0x1000;
	s14 =	rddreg [dreg:$0x4]  }
.LBB2_6:
0x24d: {  	[sflag:s4] =	ssyncadd.s32 @p0 $0xFFFFC000  }
0x24e: {  	[tilespmem:s2], [sflag:$0x2] =	stream.linear.gather [hbm4b:s1+s2], $0x1500, $0x38;
	[tilespmem:$0x1D800] =	vst v63  }
0x24f: {  	_ =	swait.ge [sflag:s4], $0x1500  }
0x250: {  	[sflag:s4] =	ssyncset.done $0x0  }
0x251: {  	s0 =	rddreg [dreg:$0x5];
	[sflag:s4] =	ssyncadd.s32 $0xFFFFEB00  }
0x252: {  	[tilespmem:s12], [sflag:$0x2] =	stream.linear.gather [hbm4b:s0+s2], $0x4000, $0x38;
	[tilespmem:$0x1D800] =	vst v63  }
0x253: {  	_ =	swait.ge [sflag:s4], $0x4000  }
0x254: {  	[sflag:s4] =	ssyncset.done $0x0  }
0x255: {  	s1 =	rddreg [dreg:$0x6];
	[sflag:s4] =	ssyncadd.s32 $0xFFFFC000  }
0x256: {  	[tilespmem:s7], [sflag:$0x2] =	stream.linear.gather [hbm4b:s1+s2], $0x4000, $0x38;
	[tilespmem:$0x1D800] =	vst v63  }
0x257: {  	_ =	swait.ge [sflag:s4], $0x4000  }
0x258: {  	[sflag:s4] =	ssyncset.done $0x0  }
0x259: {  	[sflag:s4] =	ssyncadd.s32 $0xFFFFC000  }
0x25a: {  	[spmem:s10] =	stream.linear.scatter [tilespmem:s7], [sflag:$0x2], $0x4000, $0x38;
	[tilespmem:$0x1D800] =	vst v63  }
0x25b: {  	_ =	swait.ge [sflag:s4], $0x4000  }
0x25c: {  	[sflag:s4] =	ssyncset.done $0x0  }
0x25d: {  	[sflag:s4] =	ssyncadd.s32 $0xFFFFC000  }
0x25e: {  	[spmem:s9] =	stream.linear.scatter [tilespmem:s7], [sflag:$0x2], $0x4000, $0x38;
	[tilespmem:$0x1D800] =	vst v63  }
0x25f: {  	_ =	swait.ge [sflag:s4], $0x4000  }
0x260: {  	[sflag:s4] =	ssyncset.done $0x0  }
0x261: {  	[sflag:s4] =	ssyncadd.s32 $0xFFFFC000  }
0x262: {  	[spmem:s8] =	stream.linear.scatter [tilespmem:s7], [sflag:$0x2], $0x4000, $0x38;
	[tilespmem:$0x1D800] =	vst v63  }
0x263: {  	_ =	swait.ge [sflag:s4], $0x4000  }
0x264: {  	[sflag:s4] =	ssyncset.done $0x0  }
0x265: {  	[sflag:s4] =	ssyncadd.s32 $0xFFFFC000  }
0x266: {  	[spmem:s6] =	stream.linear.scatter [tilespmem:s7], [sflag:$0x2], $0x4000, $0x38;
	[tilespmem:$0x1D800] =	vst v63  }
0x267: {  	_ =	swait.ge [sflag:s4], $0x4000  }
0x268: {  	[sflag:s4] =	ssyncset.done $0x0  }
0x269: {  	[sflag:s4] =	ssyncadd.s32 $0xFFFFC000  }
0x26a: {  	[spmem:s5] =	stream.linear.scatter [tilespmem:s7], [sflag:$0x2], $0x4000, $0x38;
	[tilespmem:$0x1D800] =	vst v63  }
0x26b: {  	_ =	swait.ge [sflag:s4], $0x4000  }
0x26c: {  	[sflag:s4] =	ssyncset.done $0x0  }
0x26d: {  	[sflag:s4] =	ssyncadd.s32 $0xFFFFC000  }
0x26e: {  	[bflag:$0x0] =	sbarrier.arrive $0xFFFF  }
0x26f: {  	[spmem:s3] =	stream.indirect.scatter.add.f32 [tilespmem:s12], [sflag:$0x1], $0x80, s2, s13, $0xb8;
	[tilespmem:$0x1D800] =	vst v63  }
0x270: {  	_ = 	snop  }
0x271: {  	[spmem:s3] =	stream.indirect.scatter.add.f32 [tilespmem:s12], [sflag:$0x1], $0x80, s13, s13, $0xb8;
	[tilespmem:$0x1D800] =	vst v63  }
0x272: {  	s0 =	rddreg [dreg:$0xd]  }
0x273: {  	[spmem:s3] =	stream.indirect.scatter.add.f32 [tilespmem:s12], [sflag:$0x1], $0x80, s0, s13, $0xb8;
	[tilespmem:$0x1D800] =	vst v63  }
0x274: {  	s1 =	rddreg [dreg:$0xe]  }
0x275: {  	[spmem:s3] =	stream.indirect.scatter.add.f32 [tilespmem:s12], [sflag:$0x1], $0x80, s1, s13, $0xb8;
	[tilespmem:$0x1D800] =	vst v63  }
0x276: {  	s0 =	rddreg [dreg:$0xf]  }
0x277: {  	[spmem:s3] =	stream.indirect.scatter.add.f32 [tilespmem:s12], [sflag:$0x1], $0x80, s0, s13, $0xb8;
	[tilespmem:$0x1D800] =	vst v63  }
0x278: {  	s1 =	rddreg [dreg:$0x10]  }
0x279: {  	[spmem:s3] =	stream.indirect.scatter.add.f32 [tilespmem:s12], [sflag:$0x1], $0x80, s1, s13, $0xb8;
	[tilespmem:$0x1D800] =	vst v63  }
0x27a: {  	s0 =	rddreg [dreg:$0x11]  }
0x27b: {  	[spmem:s3] =	stream.indirect.scatter.add.f32 [tilespmem:s12], [sflag:$0x1], $0x80, s0, s13, $0xb8;
	[tilespmem:$0x1D800] =	vst v63  }
0x27c: {  	s1 =	rddreg [dreg:$0x12]  }
0x27d: {  	[spmem:s3] =	stream.indirect.scatter.add.f32 [tilespmem:s12], [sflag:$0x1], $0x80, s1, s13, $0xb8;
	[tilespmem:$0x1D800] =	vst v63  }
0x27e: {  	_ =	swait.ge [sflag:s11], $0x4000  }
0x27f: {  	[sflag:s11] =	ssyncset.done $0x0  }
0x280: {  	[sflag:s11] =	ssyncadd.s32 $0xFFFFC000  }
0x281: {  	_ =	swait.ge [sflag:s11], $0x4000  }
0x282: {  	[sflag:s11] =	ssyncset.done $0x0  }
0x283: {  	[sflag:s11] =	ssyncadd.s32 $0xFFFFC000  }
0x284: {  	_ =	swait.ge [sflag:s11], $0x4000  }
0x285: {  	[sflag:s11] =	ssyncset.done $0x0  }
0x286: {  	[sflag:s11] =	ssyncadd.s32 $0xFFFFC000  }
0x287: {  	_ =	swait.ge [sflag:s11], $0x4000  }
0x288: {  	[sflag:s11] =	ssyncset.done $0x0  }
0x289: {  	[sflag:s11] =	ssyncadd.s32 $0xFFFFC000  }
0x28a: {  	_ =	swait.ge [sflag:s11], $0x4000  }
0x28b: {  	[sflag:s11] =	ssyncset.done $0x0  }
0x28c: {  	[sflag:s11] =	ssyncadd.s32 $0xFFFFC000  }
0x28d: {  	_ =	swait.ge [sflag:s11], $0x4000  }
0x28e: {  	[sflag:s11] =	ssyncset.done $0x0  }
0x28f: {  	[sflag:s11] =	ssyncadd.s32 $0xFFFFC000  }
0x290: {  	_ =	swait.ge [sflag:s11], $0x4000  }
0x291: {  	[sflag:s11] =	ssyncset.done $0x0  }
0x292: {  	[sflag:s11] =	ssyncadd.s32 $0xFFFFC000  }
0x293: {  	_ =	swait.ge [sflag:s11], $0x4000  }
0x294: {  	[sflag:s11] =	ssyncset.done $0x0  }
0x295: {  	s0 =	rddreg [dreg:$0x13];
	[sflag:s11] =	ssyncadd.s32 $0xFFFFC000  }
0x296: {  	[spmem:s3] =	stream.indirect.scatter.add.f32 [tilespmem:s12], [sflag:$0x1], $0x80, s0, s13, $0xb8;
	[tilespmem:$0x1D800] =	vst v63  }
0x297: {  	s1 =	rddreg [dreg:$0x14]  }
0x298: {  	[spmem:s3] =	stream.indirect.scatter.add.f32 [tilespmem:s12], [sflag:$0x1], $0x80, s1, s13, $0xb8;
	[tilespmem:$0x1D800] =	vst v63  }
0x299: {  	s0 =	rddreg [dreg:$0x15]  }
0x29a: {  	[spmem:s3] =	stream.indirect.scatter.add.f32 [tilespmem:s12], [sflag:$0x1], $0x80, s0, s13, $0xb8;
	[tilespmem:$0x1D800] =	vst v63  }
0x29b: {  	s1 =	rddreg [dreg:$0x16]  }
0x29c: {  	[spmem:s3] =	stream.indirect.scatter.add.f32 [tilespmem:s12], [sflag:$0x1], $0x80, s1, s13, $0xb8;
	[tilespmem:$0x1D800] =	vst v63  }
0x29d: {  	s0 =	rddreg [dreg:$0x17]  }
0x29e: {  	[spmem:s3] =	stream.indirect.scatter.add.f32 [tilespmem:s12], [sflag:$0x1], $0x80, s0, s13, $0xb8;
	[tilespmem:$0x1D800] =	vst v63  }
0x29f: {  	s1 =	rddreg [dreg:$0x18]  }
0x2a0: {  	[spmem:s3] =	stream.indirect.scatter.add.f32 [tilespmem:s12], [sflag:$0x1], $0x80, s1, s13, $0xb8;
	[tilespmem:$0x1D800] =	vst v63  }
0x2a1: {  	s0 =	rddreg [dreg:$0x19]  }
0x2a2: {  	[spmem:s3] =	stream.indirect.scatter.add.f32 [tilespmem:s12], [sflag:$0x1], $0x80, s0, s13, $0xb8;
	[tilespmem:$0x1D800] =	vst v63  }
0x2a3: {  	s1 =	rddreg [dreg:$0x1a]  }
0x2a4: {  	[spmem:s3] =	stream.indirect.scatter.add.f32 [tilespmem:s12], [sflag:$0x1], $0x80, s1, s13, $0xb8;
	[tilespmem:$0x1D800] =	vst v63  }
0x2a5: {  	_ =	swait.ge [sflag:s11], $0x4000  }
0x2a6: {  	[sflag:s11] =	ssyncset.done $0x0  }
0x2a7: {  	[sflag:s11] =	ssyncadd.s32 $0xFFFFC000  }
0x2a8: {  	_ =	swait.ge [sflag:s11], $0x4000  }
0x2a9: {  	[sflag:s11] =	ssyncset.done $0x0  }
0x2aa: {  	[sflag:s11] =	ssyncadd.s32 $0xFFFFC000  }
0x2ab: {  	_ =	swait.ge [sflag:s11], $0x4000  }
0x2ac: {  	[sflag:s11] =	ssyncset.done $0x0  }
0x2ad: {  	[sflag:s11] =	ssyncadd.s32 $0xFFFFC000  }
0x2ae: {  	_ =	swait.ge [sflag:s11], $0x4000  }
0x2af: {  	[sflag:s11] =	ssyncset.done $0x0  }
0x2b0: {  	[sflag:s11] =	ssyncadd.s32 $0xFFFFC000  }
0x2b1: {  	_ =	swait.ge [sflag:s11], $0x4000  }
0x2b2: {  	[sflag:s11] =	ssyncset.done $0x0  }
0x2b3: {  	[sflag:s11] =	ssyncadd.s32 $0xFFFFC000  }
0x2b4: {  	_ =	swait.ge [sflag:s11], $0x4000  }
0x2b5: {  	[sflag:s11] =	ssyncset.done $0x0  }
0x2b6: {  	[sflag:s11] =	ssyncadd.s32 $0xFFFFC000  }
0x2b7: {  	_ =	swait.ge [sflag:s11], $0x4000  }
0x2b8: {  	[sflag:s11] =	ssyncset.done $0x0  }
0x2b9: {  	[sflag:s11] =	ssyncadd.s32 $0xFFFFC000  }
0x2ba: {  	_ =	swait.ge [sflag:s11], $0x4000  }
0x2bb: {  	s0 =	rddreg [dreg:$0x1b];
	[sflag:s11] =	ssyncset.done $0x0  }
0x2bc: {  	s1 =	rddreg [dreg:$0x1c];
	[sflag:s11] =	ssyncadd.s32 $0xFFFFC000  }
0x2bd: {  	[spmem:s3] =	stream.indirect.scatter.add.f32 [tilespmem:s12], [sflag:$0x1], $0x80, s0, s13, $0xb8;
	[tilespmem:$0x1D800] =	vst v63  }
0x2be: {  	s0 =	rddreg [dreg:$0x1d]  }
0x2bf: {  	[spmem:s3] =	stream.indirect.scatter.add.f32 [tilespmem:s12], [sflag:$0x1], $0x80, s1, s13, $0xb8;
	[tilespmem:$0x1D800] =	vst v63  }
0x2c0: {  	s1 =	rddreg [dreg:$0x1e]  }
0x2c1: {  	[spmem:s3] =	stream.indirect.scatter.add.f32 [tilespmem:s12], [sflag:$0x1], $0x80, s0, s13, $0xb8;
	[tilespmem:$0x1D800] =	vst v63  }
0x2c2: {  	s0 =	rddreg [dreg:$0x1f]  }
0x2c3: {  	[spmem:s3] =	stream.indirect.scatter.add.f32 [tilespmem:s12], [sflag:$0x1], $0x80, s1, s13, $0xb8;
	[tilespmem:$0x1D800] =	vst v63  }
0x2c4: {  	s1 =	sld [smem:$0x7FC]  }
0x2c5: {  	[spmem:s3] =	stream.indirect.scatter.add.f32 [tilespmem:s12], [sflag:$0x1], $0x80, s0, s13, $0xb8;
	[tilespmem:$0x1D800] =	vst v63  }
0x2c6: {  	s0 =	sld [smem:$0x7FD]  }
0x2c7: {  	[spmem:s3] =	stream.indirect.scatter.add.f32 [tilespmem:s12], [sflag:$0x1], $0x80, s1, s13, $0xb8;
	[tilespmem:$0x1D800] =	vst v63  }
0x2c8: {  	_ = 	snop  }
0x2c9: {  	[spmem:s3] =	stream.indirect.scatter.add.f32 [tilespmem:s12], [sflag:$0x1], $0x80, s0, s13, $0xb8;
	[tilespmem:$0x1D800] =	vst v63  }
0x2ca: {  	_ = 	snop  }
0x2cb: {  	[spmem:s3] =	stream.indirect.scatter.add.f32 [tilespmem:s12], [sflag:$0x1], $0x80, s22, s13, $0xb8;
	[tilespmem:$0x1D800] =	vst v63  }
0x2cc: {  	_ =	swait.ge [sflag:s11], $0x4000  }
0x2cd: {  	[sflag:s11] =	ssyncset.done $0x0  }
0x2ce: {  	[sflag:s11] =	ssyncadd.s32 $0xFFFFC000  }
0x2cf: {  	_ =	swait.ge [sflag:s11], $0x4000  }
0x2d0: {  	[sflag:s11] =	ssyncset.done $0x0  }
0x2d1: {  	[sflag:s11] =	ssyncadd.s32 $0xFFFFC000  }
0x2d2: {  	_ =	swait.ge [sflag:s11], $0x4000  }
0x2d3: {  	[sflag:s11] =	ssyncset.done $0x0  }
0x2d4: {  	[sflag:s11] =	ssyncadd.s32 $0xFFFFC000  }
0x2d5: {  	_ =	swait.ge [sflag:s11], $0x4000  }
0x2d6: {  	[sflag:s11] =	ssyncset.done $0x0  }
0x2d7: {  	[sflag:s11] =	ssyncadd.s32 $0xFFFFC000  }
0x2d8: {  	_ =	swait.ge [sflag:s11], $0x4000  }
0x2d9: {  	[sflag:s11] =	ssyncset.done $0x0  }
0x2da: {  	[sflag:s11] =	ssyncadd.s32 $0xFFFFC000  }
0x2db: {  	_ =	swait.ge [sflag:s11], $0x4000  }
0x2dc: {  	[sflag:s11] =	ssyncset.done $0x0  }
0x2dd: {  	[sflag:s11] =	ssyncadd.s32 $0xFFFFC000  }
0x2de: {  	_ =	swait.ge [sflag:s11], $0x4000  }
0x2df: {  	[sflag:s11] =	ssyncset.done $0x0  }
0x2e0: {  	[sflag:s11] =	ssyncadd.s32 $0xFFFFC000  }
0x2e1: {  	_ =	swait.ge [sflag:s11], $0x4000  }
0x2e2: {  	[sflag:s11] =	ssyncset.done $0x0  }
0x2e3: {  	[sflag:s11] =	ssyncadd.s32 $0xFFFFC000  }
0x2e4: {  	[spmem:s3] =	stream.indirect.scatter.add.f32 [tilespmem:s12], [sflag:$0x1], $0x80, s23, s13, $0xb8;
	[tilespmem:$0x1D800] =	vst v63  }
0x2e5: {  	_ = 	snop  }
0x2e6: {  	[spmem:s3] =	stream.indirect.scatter.add.f32 [tilespmem:s12], [sflag:$0x1], $0x80, s24, s13, $0xb8;
	[tilespmem:$0x1D800] =	vst v63  }
0x2e7: {  	_ = 	snop  }
0x2e8: {  	[spmem:s3] =	stream.indirect.scatter.add.f32 [tilespmem:s12], [sflag:$0x1], $0x80, s25, s13, $0xb8;
	[tilespmem:$0x1D800] =	vst v63  }
0x2e9: {  	_ = 	snop  }
0x2ea: {  	[spmem:s3] =	stream.indirect.scatter.add.f32 [tilespmem:s12], [sflag:$0x1], $0x80, s26, s13, $0xb8;
	[tilespmem:$0x1D800] =	vst v63  }
0x2eb: {  	_ = 	snop  }
0x2ec: {  	[spmem:s3] =	stream.indirect.scatter.add.f32 [tilespmem:s12], [sflag:$0x1], $0x80, s28, s13, $0xb8;
	[tilespmem:$0x1D800] =	vst v63  }
0x2ed: {  	_ = 	snop  }
0x2ee: {  	[spmem:s3] =	stream.indirect.scatter.add.f32 [tilespmem:s12], [sflag:$0x1], $0x80, s29, s13, $0xb8;
	[tilespmem:$0x1D800] =	vst v63  }
0x2ef: {  	_ = 	snop  }
0x2f0: {  	[spmem:s3] =	stream.indirect.scatter.add.f32 [tilespmem:s12], [sflag:$0x1], $0x80, s30, s13, $0xb8;
	[tilespmem:$0x1D800] =	vst v63  }
0x2f1: {  	_ = 	snop  }
0x2f2: {  	[spmem:s3] =	stream.indirect.scatter.add.f32 [tilespmem:s12], [sflag:$0x1], $0x80, s31, s13, $0xb8;
	[tilespmem:$0x1D800] =	vst v63  }
0x2f3: {  	_ =	swait.ge [sflag:s11], $0x4000  }
0x2f4: {  	[sflag:s11] =	ssyncset.done $0x0  }
0x2f5: {  	[sflag:s11] =	ssyncadd.s32 $0xFFFFC000  }
0x2f6: {  	_ =	swait.ge [sflag:s11], $0x4000  }
0x2f7: {  	[sflag:s11] =	ssyncset.done $0x0  }
0x2f8: {  	[sflag:s11] =	ssyncadd.s32 $0xFFFFC000  }
0x2f9: {  	_ =	swait.ge [sflag:s11], $0x4000  }
0x2fa: {  	[sflag:s11] =	ssyncset.done $0x0  }
0x2fb: {  	[sflag:s11] =	ssyncadd.s32 $0xFFFFC000  }
0x2fc: {  	_ =	swait.ge [sflag:s11], $0x4000  }
0x2fd: {  	[sflag:s11] =	ssyncset.done $0x0  }
0x2fe: {  	[sflag:s11] =	ssyncadd.s32 $0xFFFFC000  }
0x2ff: {  	_ =	swait.ge [sflag:s11], $0x4000  }
0x300: {  	[sflag:s11] =	ssyncset.done $0x0  }
0x301: {  	[sflag:s11] =	ssyncadd.s32 $0xFFFFC000  }
0x302: {  	_ =	swait.ge [sflag:s11], $0x4000  }
0x303: {  	[sflag:s11] =	ssyncset.done $0x0  }
0x304: {  	[sflag:s11] =	ssyncadd.s32 $0xFFFFC000  }
0x305: {  	_ =	swait.ge [sflag:s11], $0x4000  }
0x306: {  	[sflag:s11] =	ssyncset.done $0x0  }
0x307: {  	[sflag:s11] =	ssyncadd.s32 $0xFFFFC000  }
0x308: {  	_ =	swait.ge [sflag:s11], $0x4000  }
0x309: {  	[sflag:s11] =	ssyncset.done $0x0  }
0x30a: {  	[sflag:s11] =	ssyncadd.s32 $0xFFFFC000  }
0x30b: {  	[spmem:s3] =	stream.indirect.scatter.add.f32 [tilespmem:s12], [sflag:$0x1], $0x80, s15, s13, $0xb8;
	[tilespmem:$0x1D800] =	vst v63  }
0x30c: {  	_ = 	snop  }
0x30d: {  	[spmem:s3] =	stream.indirect.scatter.add.f32 [tilespmem:s12], [sflag:$0x1], $0x80, s16, s13, $0xb8;
	[tilespmem:$0x1D800] =	vst v63  }
0x30e: {  	_ = 	snop  }
0x30f: {  	[spmem:s3] =	stream.indirect.scatter.add.f32 [tilespmem:s12], [sflag:$0x1], $0x80, s17, s13, $0xb8;
	[tilespmem:$0x1D800] =	vst v63  }
0x310: {  	_ = 	snop  }
0x311: {  	[spmem:s3] =	stream.indirect.scatter.add.f32 [tilespmem:s12], [sflag:$0x1], $0x80, s18, s13, $0xb8;
	[tilespmem:$0x1D800] =	vst v63  }
0x312: {  	_ = 	snop  }
0x313: {  	[spmem:s3] =	stream.indirect.scatter.add.f32 [tilespmem:s12], [sflag:$0x1], $0x80, s19, s13, $0xb8;
	[tilespmem:$0x1D800] =	vst v63  }
0x314: {  	_ = 	snop  }
0x315: {  	[spmem:s3] =	stream.indirect.scatter.add.f32 [tilespmem:s12], [sflag:$0x1], $0x80, s20, s13, $0xb8;
	[tilespmem:$0x1D800] =	vst v63  }
0x316: {  	_ = 	snop  }
0x317: {  	[spmem:s3] =	stream.indirect.scatter.add.f32 [tilespmem:s12], [sflag:$0x1], $0x80, s21, s13, $0xb8;
	[tilespmem:$0x1D800] =	vst v63  }
0x318: {  	s24 =	simm.s32 $0x1380  }
0x319: {  	[spmem:s3] =	stream.indirect.scatter.add.f32 [tilespmem:s12], [sflag:$0x1], $0x80, s24, s13, $0xb8;
	[tilespmem:$0x1D800] =	vst v63  }
0x31a: {  	_ =	swait.ge [sflag:s11], $0x4000  }
0x31b: {  	[sflag:s11] =	ssyncset.done $0x0  }
0x31c: {  	[sflag:s11] =	ssyncadd.s32 $0xFFFFC000  }
0x31d: {  	_ =	swait.ge [sflag:s11], $0x4000  }
0x31e: {  	[sflag:s11] =	ssyncset.done $0x0  }
0x31f: {  	[sflag:s11] =	ssyncadd.s32 $0xFFFFC000  }
0x320: {  	_ =	swait.ge [sflag:s11], $0x4000  }
0x321: {  	[sflag:s11] =	ssyncset.done $0x0  }
0x322: {  	[sflag:s11] =	ssyncadd.s32 $0xFFFFC000  }
0x323: {  	_ =	swait.ge [sflag:s11], $0x4000  }
0x324: {  	[sflag:s11] =	ssyncset.done $0x0  }
0x325: {  	[sflag:s11] =	ssyncadd.s32 $0xFFFFC000  }
0x326: {  	_ =	swait.ge [sflag:s11], $0x4000  }
0x327: {  	[sflag:s11] =	ssyncset.done $0x0  }
0x328: {  	[sflag:s11] =	ssyncadd.s32 $0xFFFFC000  }
0x329: {  	_ =	swait.ge [sflag:s11], $0x4000  }
0x32a: {  	[sflag:s11] =	ssyncset.done $0x0  }
0x32b: {  	[sflag:s11] =	ssyncadd.s32 $0xFFFFC000  }
0x32c: {  	_ =	swait.ge [sflag:s11], $0x4000  }
0x32d: {  	[sflag:s11] =	ssyncset.done $0x0  }
0x32e: {  	[sflag:s11] =	ssyncadd.s32 $0xFFFFC000  }
0x32f: {  	_ =	swait.ge [sflag:s11], $0x4000  }
0x330: {  	[sflag:s11] =	ssyncset.done $0x0  }
0x331: {  	[sflag:s11] =	ssyncadd.s32 $0xFFFFC000  }
0x332: {  	[bflag:$0x0] =	sbarrier.arrive $0xFFFF  }
0x333: {  	[tilespmem:s7], [sflag:$0x2] =	stream.linear.gather [spmem:s10], $0x4000, $0x38;
	[tilespmem:$0x1D800] =	vst v63  }
0x334: {  	_ =	swait.ge [sflag:s4], $0x4000  }
0x335: {  	[sflag:s4] =	ssyncset.done $0x0  }
0x336: {  	s25 =	rddreg [dreg:$0x8];
	[sflag:s4] =	ssyncadd.s32 $0xFFFFC000  }
0x337: {  	[hbm4b:s25+s2] =	stream.linear.scatter [tilespmem:s7], [sflag:$0x2], $0x4000, $0x38;
	[tilespmem:$0x1D800] =	vst v63  }
0x338: {  	_ =	swait.ge [sflag:s4], $0x4000  }
0x339: {  	[sflag:s4] =	ssyncset.done $0x0  }
0x33a: {  	[sflag:s4] =	ssyncadd.s32 $0xFFFFC000  }
0x33b: {  	[tilespmem:s7], [sflag:$0x2] =	stream.linear.gather [spmem:s9], $0x4000, $0x38;
	[tilespmem:$0x1D800] =	vst v63  }
0x33c: {  	_ =	swait.ge [sflag:s4], $0x4000  }
0x33d: {  	[sflag:s4] =	ssyncset.done $0x0  }
0x33e: {  	s26 =	rddreg [dreg:$0x9];
	[sflag:s4] =	ssyncadd.s32 $0xFFFFC000  }
0x33f: {  	[hbm4b:s26+s2] =	stream.linear.scatter [tilespmem:s7], [sflag:$0x2], $0x4000, $0x38;
	[tilespmem:$0x1D800] =	vst v63  }
0x340: {  	_ =	swait.ge [sflag:s4], $0x4000  }
0x341: {  	[sflag:s4] =	ssyncset.done $0x0  }
0x342: {  	[sflag:s4] =	ssyncadd.s32 $0xFFFFC000  }
0x343: {  	[tilespmem:s7], [sflag:$0x2] =	stream.linear.gather [spmem:s8], $0x4000, $0x38;
	[tilespmem:$0x1D800] =	vst v63  }
0x344: {  	_ =	swait.ge [sflag:s4], $0x4000  }
0x345: {  	[sflag:s4] =	ssyncset.done $0x0  }
0x346: {  	s28 =	rddreg [dreg:$0xa];
	[sflag:s4] =	ssyncadd.s32 $0xFFFFC000  }
0x347: {  	[hbm4b:s28+s2] =	stream.linear.scatter [tilespmem:s7], [sflag:$0x2], $0x4000, $0x38;
	[tilespmem:$0x1D800] =	vst v63  }
0x348: {  	_ =	swait.ge [sflag:s4], $0x4000  }
0x349: {  	[sflag:s4] =	ssyncset.done $0x0  }
0x34a: {  	[sflag:s4] =	ssyncadd.s32 $0xFFFFC000  }
0x34b: {  	[tilespmem:s7], [sflag:$0x2] =	stream.linear.gather [spmem:s6], $0x4000, $0x38;
	[tilespmem:$0x1D800] =	vst v63  }
0x34c: {  	_ =	swait.ge [sflag:s4], $0x4000  }
0x34d: {  	[sflag:s4] =	ssyncset.done $0x0  }
0x34e: {  	s29 =	rddreg [dreg:$0xb];
	[sflag:s4] =	ssyncadd.s32 $0xFFFFC000  }
0x34f: {  	[hbm4b:s29+s2] =	stream.linear.scatter [tilespmem:s7], [sflag:$0x2], $0x4000, $0x38;
	[tilespmem:$0x1D800] =	vst v63  }
0x350: {  	_ =	swait.ge [sflag:s4], $0x4000  }
0x351: {  	[sflag:s4] =	ssyncset.done $0x0  }
0x352: {  	[sflag:s4] =	ssyncadd.s32 $0xFFFFC000  }
0x353: {  	[tilespmem:s7], [sflag:$0x2] =	stream.linear.gather [spmem:s5], $0x4000, $0x38;
	[tilespmem:$0x1D800] =	vst v63  }
0x354: {  	_ =	swait.ge [sflag:s4], $0x4000  }
0x355: {  	[sflag:s4] =	ssyncset.done $0x0  }
0x356: {  	s30 =	rddreg [dreg:$0xc];
	[sflag:s4] =	ssyncadd.s32 $0xFFFFC000  }
0x357: {  	[hbm4b:s30+s2] =	stream.linear.scatter [tilespmem:s7], [sflag:$0x2], $0x4000, $0x38;
	[tilespmem:$0x1D800] =	vst v63  }
0x358: {  	_ =	swait.ge [sflag:s4], $0x4000  }
0x359: {  	[sflag:s4] =	ssyncset.done $0x0  }
0x35a: {  	[sflag:s4] =	ssyncadd.s32 $0xFFFFC000  }
0x35b: {  	_ =	sfence.sel $0x180000  }
0x35c: {  	s31 =	stileid.u32;
	[bflag:$0x0] =	sbarrier.arrive $0xFFFF  }
0x35d: {  	p0 =	sne.s32 s31, $0x0;
	_ =	strace $0x90000047  }
0x35e: {  	s0 =	sadd.s32 @!p0 $0x100000, s14;
	[bflag:$0x2] =	sbarrier.arrive $0xFFFF  }
0x35f: {  	[sflag:s0] =	ssyncadd.tile.s32 @!p0 $0x1;
	_ =	shalt  }
.LBB2_1:
0x360: {  	s22 =	simm.s32 $0xB80;
	s31 =	simm.s32 $0xF80  }
.Ltmp3:
0x361: {  	s30 =	simm.s32 $0xF00;
	s29 =	simm.s32 $0xE80;
	(pc) =	sbr.rel .LBB2_6-.Ltmp3, $4  }
0x362: {  	s28 =	simm.s32 $0xE00;
	s26 =	simm.s32 $0xD80;
	s25 =	simm.s32 $0xD00  }
0x363: {  	s24 =	simm.s32 $0xC80;
	s23 =	simm.s32 $0xC00;
	s21 =	simm.s32 $0x1300  }
0x364: {  	s20 =	simm.s32 $0x1280;
	s19 =	simm.s32 $0x1200;
	s18 =	simm.s32 $0x1180  }
0x365: {  	s17 =	simm.s32 $0x1100;
	s16 =	simm.s32 $0x1080;
	s15 =	simm.s32 $0x1000  }
.LBB2_3:
0x366: {  	s22 =	simm.s32 $0xB80;
	s31 =	simm.s32 $0xF80;
	s30 =	simm.s32 $0xF00  }
.Ltmp4:
0x367: {  	s29 =	simm.s32 $0xE80;
	s28 =	simm.s32 $0xE00;
	(pc) =	sbr.rel .LBB2_6-.Ltmp4, $4  }
0x368: {  	s26 =	simm.s32 $0xD80;
	s25 =	simm.s32 $0xD00;
	s24 =	simm.s32 $0xC80  }
0x369: {  	s23 =	simm.s32 $0xC00;
	s21 =	simm.s32 $0x1300;
	s20 =	simm.s32 $0x1280  }
0x36a: {  	s19 =	simm.s32 $0x1200;
	s18 =	simm.s32 $0x1180;
	s17 =	simm.s32 $0x1100  }
0x36b: {  	s16 =	simm.s32 $0x1080;
	s15 =	simm.s32 $0x1000;
	s14 =	rddreg [dreg:$0x4]  }
.Lfunc_end2:
_tile_overlayer_lowered:
.L_overlay_start_2:
0x36c: {  	(tag) =	ssettag $0x2  }
0x36d: {  	s0 =	rddreg [dreg:$0x0];
	s2 =	stileid.u32  }
0x36e: {  	s1 =	rddreg [dreg:$0x1];
	p0 =	sne.s32 s2, $0x0  }
0x36f: {  	s3 =	rddreg [dreg:$0x2];
	[bflag:$0x3] =	sbarrier.arrive $0xFFFF;
	s2 =	simm.s32 @!p0 $0x1C02  }
0x370: {  	[timem:s3], [sflag:s2] =	dma.local @!p0 [hbm:s0], s1  }
0x371: {  	s0 =	simm.s32 @!p0 $0x2  }
0x372: {  	_ =	swait.ge @!p0 [sflag:s0], s1  }
0x373: {  	s1 =	ssub.s32 @!p0 $0x0, s1;
	[sflag:s0] =	ssyncset.done @!p0 $0x0  }
0x374: {  	[sflag:s0] =	ssyncadd.s32 @!p0 s1  }
0x375: {  	[bflag:$0x3] =	sbarrier.arrive $0xFFFF  }
0x376: {  	_ =	shalt  }

// kernel: kernel.13.cloned.1.call-start
scs
__scs_entry_jumppad:
0x0: {  	(pc) =	sbr.rel $0x88, $3  }
0x1: {  	(tag) =	ssettag $0x0;
	lr =	simm.s32 $0x1  }
0x2: {  	[smem:$0x3F97] =	sst lr;
	_ =	strace $0xD0000000  }
0x3: {  	_ = 	snop  }
0x4: {  	_ = 	snop  }
0x5: {  	_ = 	snop  }
0x6: {  	_ = 	snop  }
0x7: {  	_ = 	snop  }
__scs_overlays_trampoline_lowered:
0x8: {  	[smem:$0x3FA6] =	sst s0  }
0x9: {  	[smem:$0x3FA7] =	sst s1  }
0xa: {  	[smem:$0x3FA8] =	sst s2  }
0xb: {  	[smem:$0x3FA9] =	sst s3  }
0xc: {  	[smem:$0x3FAA] =	sst s4  }
0xd: {  	[smem:$0x3FAB] =	sst s5  }
0xe: {  	[smem:$0x3FAC] =	sst s6  }
0xf: {  	[smem:$0x3FAD] =	sst s7  }
0x10: {  	[smem:$0x3FAE] =	sst s8  }
0x11: {  	[smem:$0x3FAF] =	sst s9;
	s0 =	simm.s32 @!p0 $0x0  }
0x12: {  	s1 =	sld [smem:$0x3F95];
	s0 =	simm.s32 @p0 $0x1  }
0x13: {  	[smem:$0x3FB0] =	sst s0;
	s0 =	simm.s32 @!p1 $0x0  }
0x14: {  	s2 =	sld [smem:$0x3F94];
	s0 =	simm.s32 @p1 $0x1  }
0x15: {  	[smem:$0x3FB1] =	sst s0;
	s0 =	simm.s32 @!p2 $0x0  }
0x16: {  	s3 =	sld [smem:$0x3FDB];
	s0 =	simm.s32 @p2 $0x1  }
0x17: {  	s4 =	simm.s32 $0x1BF5;
	[smem:$0x3FB3] =	sst s0  }
0x18: {  	s0 =	sld [smem:$0x3F96];
	_ =	swait.ge [sflag:s4], $0x0  }
0x19: {  	s7 =	sld [smem:$0x3F97]  }
0x1a: {  	s8 =	sadd.s32 $0xFFFFE003, lr  }
0x1b: {  	s9 =	sadd.s32 $0xFFFFFEF7, lr;
	s5 =	simm.s32 $0xFFFFFFFF;
	p2 =	slt.u32 s8, $0xFFFFF086  }
0x1c: {  	p1 =	slt.u32 s9, $0xF7A;
	s5 =	simm.s32 @!p2 $0x0  }
0x1d: {  	s5 =	simm.s32 @p1 $0x1;
	p0 =	seq.s32 s7, s2  }
0x1e: {  	s7 =	smul.u32 @!p0 $0xF7A, s2;
	p2 =	seq.s32 @!p0 s5, $0x0  }
0x1f: {  	s9 =	smul.u32 $0xF7A, s1;
	s8 =	simm.s32 @!p0 $0x1BF5;
	p2 =	por !p2, p0  }
0x20: {  	[sflag:s8] =	ssyncset.s32 @!p0 $0xFFFFF086;
	s6 =	sadd.s32 @!p0 s3, s7;
	s7 =	simm.s32 @!p0 $0x108  }
0x21: {  	s3 =	sadd.s32 s3, s9;
	s6 =	sadd.s32 @!p0 $0x88, s6;
	s7 =	simm.s32 @p2 $0x1082  }
0x22: {  	[simem:s7], [sflag:s8] =	dma.local @!p0 [hbm:s6], $0xF7A  }
0x23: {  	s9 =	sor.u32 $0xD0000000, s2;
	s6 =	simm.s32 $0x108;
	_ =	swait.ge @!p0 [sflag:s8], $0x0  }
0x24: {  	s3 =	sadd.s32 $0x88, s3;
	s6 =	simm.s32 @!p1 $0x1082;
	[sflag:s4] =	ssyncset.s32 $0xFFFFF086  }
0x25: {  	[simem:s6], [sflag:s4] =	dma.local [hbm:s3], $0xF7A  }
0x26: {  	[smem:$0x3F97] =	sst s1;
	(tag) =	ssettag s2;
	_ =	strace s9  }
0x27: {  	s1 =	sld [smem:$0x3FA7]  }
0x28: {  	s2 =	sld [smem:$0x3FA8]  }
0x29: {  	s4 =	sld [smem:$0x3FAA]  }
0x2a: {  	p0 =	seq.s32 s5, $0x0;
	s5 =	sld [smem:$0x3FAB]  }
0x2b: {  	s6 =	sld [smem:$0x3FAC]  }
0x2c: {  	s7 =	sld [smem:$0x3FAD]  }
0x2d: {  	s3 =	simm.s32 $0x108;
	s8 =	sld [smem:$0x3FAE]  }
0x2e: {  	s3 =	simm.s32 @!p0 $0x1082;
	s9 =	sld [smem:$0x3FAF]  }
0x2f: {  	lr =	sadd.s32 s0, s3;
	s0 =	sld [smem:$0x3FA6]  }
0x30: {  	s3 =	sld [smem:$0x3FA9]  }
0x31: {  	[smem:$0x3FB2] =	sst s10  }
0x32: {  	s10 =	sld [smem:$0x3FB0];
	_ =	sdelay $0x3  }
0x33: {  	p0 =	seq.s32 s10, $0x1;
	s10 =	sld [smem:$0x3FB2];
	_ =	sdelay $0x3  }
0x34: {  	[smem:$0x3FB2] =	sst s10  }
0x35: {  	s10 =	sld [smem:$0x3FB1];
	_ =	sdelay $0x3  }
0x36: {  	p1 =	seq.s32 s10, $0x1;
	s10 =	sld [smem:$0x3FB2];
	_ =	sdelay $0x3  }
0x37: {  	[smem:$0x3FB2] =	sst s10  }
0x38: {  	s10 =	sld [smem:$0x3FB3]  }
0x39: {  	_ = 	snop;
	(pc) =	sbr.ind lr, $3  }
0x3a: {  	_ = 	snop  }
0x3b: {  	_ = 	snop  }
0x3c: {  	p2 =	seq.s32 s10, $0x1;
	s10 =	sld [smem:$0x3FB2]  }
0x3d: {  	_ =	shalt  }
0x3e: {  	_ =	shalt  }
0x3f: {  	_ =	shalt  }
0x40: {  	_ =	shalt  }
0x41: {  	_ =	shalt  }
0x42: {  	_ =	shalt  }
0x43: {  	_ =	shalt  }
0x44: {  	_ =	shalt  }
0x45: {  	_ =	shalt  }
0x46: {  	_ =	shalt  }
0x47: {  	_ =	shalt  }
0x48: {  	_ =	shalt  }
0x49: {  	_ =	shalt  }
0x4a: {  	_ =	shalt  }
0x4b: {  	_ =	shalt  }
0x4c: {  	_ =	shalt  }
0x4d: {  	_ =	shalt  }
0x4e: {  	_ =	shalt  }
0x4f: {  	_ =	shalt  }
0x50: {  	_ =	shalt  }
0x51: {  	_ =	shalt  }
0x52: {  	_ =	shalt  }
0x53: {  	_ =	shalt  }
0x54: {  	_ =	shalt  }
0x55: {  	_ =	shalt  }
0x56: {  	_ =	shalt  }
0x57: {  	_ =	shalt  }
0x58: {  	_ =	shalt  }
0x59: {  	_ =	shalt  }
0x5a: {  	_ =	shalt  }
0x5b: {  	_ =	shalt  }
0x5c: {  	_ =	shalt  }
0x5d: {  	_ =	shalt  }
0x5e: {  	_ =	shalt  }
0x5f: {  	_ =	shalt  }
0x60: {  	_ =	shalt  }
0x61: {  	_ =	shalt  }
0x62: {  	_ =	shalt  }
0x63: {  	_ =	shalt  }
0x64: {  	_ =	shalt  }
0x65: {  	_ =	shalt  }
0x66: {  	_ =	shalt  }
0x67: {  	_ =	shalt  }
0x68: {  	_ =	shalt  }
0x69: {  	_ =	shalt  }
0x6a: {  	_ =	shalt  }
0x6b: {  	_ =	shalt  }
0x6c: {  	_ =	shalt  }
0x6d: {  	_ =	shalt  }
0x6e: {  	_ =	shalt  }
0x6f: {  	_ =	shalt  }
0x70: {  	_ =	shalt  }
0x71: {  	_ =	shalt  }
0x72: {  	_ =	shalt  }
0x73: {  	_ =	shalt  }
0x74: {  	_ =	shalt  }
0x75: {  	_ =	shalt  }
0x76: {  	_ =	shalt  }
0x77: {  	_ =	shalt  }
0x78: {  	_ =	shalt  }
0x79: {  	_ =	shalt  }
0x7a: {  	_ =	shalt  }
0x7b: {  	_ =	shalt  }
0x7c: {  	_ =	shalt  }
0x7d: {  	_ =	shalt  }
0x7e: {  	_ =	shalt  }
0x7f: {  	_ =	shalt  }
0x80: {  	_ =	shalt  }
0x81: {  	_ =	shalt  }
0x82: {  	_ =	shalt  }
0x83: {  	_ =	shalt  }
0x84: {  	_ =	shalt  }
0x85: {  	_ =	shalt  }
0x86: {  	_ =	shalt  }
0x87: {  	_ =	shalt  }
.Lfunc_end0:
.L_simem_size_0:
called_computation.1_lowered:
.L_overlay_start_0:
0x88: {  	s2 =	sld [smem:$0x3FD9]  }
0x89: {  	s3 =	sld [smem:$0x3FFE];
	_ =	sdelay $0x1  }
0x8a: {  	s1 =	srdreg.scid  }
0x8b: {  	s0 =	sand.u32 $0x1, s1  }
0x8c: {  	s14 =	sshll.u32 s0, $0xA;
	s2 =	sadd.s32 s3, s2  }
0x8d: {  	s2 =	sadd.s32 s2, s14  }
0x8e: {  	[smem:$0x3FBE] =	sst s2  }
0x8f: {  	_ = 	snop  }
0x90: {  	s2 =	sld [smem:$0x3FD0];
	_ =	sdelay $0x2  }
0x91: {  	s15 =	simm.s32 $0xA;
	s4 =	simm.s32 $0x10  }
0x92: {  	[smem:s4], [sflag:s15] =	dma.local [hbm:s2], $0x1  }
0x93: {  	_ =	swait.eq [sflag:s15], $0x1  }
0x94: {  	[sflag:s15] =	ssyncset.done $0x0  }
0x95: {  	s16 =	sld [smem:$0x10];
	[sflag:s15] =	ssyncadd.s32 $0xFFFFFFFF  }
0x96: {  	s17 =	sld [smem:$0x11];
	(tm) =	ssettm $0x1  }
0x97: {  	s18 =	sld [smem:$0x3FFB];
	_ =	sdelay $0x3  }
0x98: {  	_ =	strace s18  }
0x99: {  	s4 =	sld [smem:$0x3FFC];
	_ =	sdelay $0x3  }
0x9a: {  	_ =	strace s4  }
0x9b: {  	s4 =	sld [smem:$0x3FFD];
	_ =	sdelay $0x3  }
0x9c: {  	_ =	strace s4  }
0x9d: {  	_ =	strace $0x8FFFFFFF  }
0x9e: {  	s19 =	sld [smem:$0x3FDB];
	_ =	sdelay $0x1  }
0x9f: {  	s5 =	simm.s32 $_scs_section_size  }
0xa0: {  	s6 =	simm.s32 $_size__tile_overlayer_lowered;
	s7 =	simm.s32 $_tile_overlayer_lowered  }
0xa1: {  	s22 =	simm.s32 $0x1BFF;
	s21 =	sshll.u32 s7, $0x1;
	s4 =	sadd.s32 s5, s19  }
0xa2: {  	s8 =	simm.s32 $0x0;
	s20 =	sshll.u32 s6, $0x1;
	s6 =	sadd.s32 s21, s4  }
0xa3: {  	[timem:s8], [sflag:s22] =	dma.local [hbm:s6], s20  }
0xa4: {  	_ =	swait.ge [sflag:s22], s20  }
0xa5: {  	s5 =	ssub.s32 $0x0, s20;
	[sflag:s22] =	ssyncset.done $0x0  }
0xa6: {  	[sflag:s22] =	ssyncadd.s32 s5;
	_ =	sdelay $0x1  }
0xa7: {  	s23 =	simm.s32 $0x1B8B  }
0xa8: {  	_ =	swait.ge [sflag:s23], $0x1  }
0xa9: {  	[sflag:s23] =	ssyncset.done $0x0  }
0xaa: {  	s25 =	simm.s32 $0x1B8E;
	s24 =	sld [smem:$0x3FFE];
	[sflag:s23] =	ssyncadd.s32 $0xFFFFFFFF  }
0xab: {  	s26 =	simm.s32 $execute0_lowered;
	[smem:$0x3FD2] =	sst s25  }
0xac: {  	s6 =	sshll.u32 s26, $0x1;
	_ =	strace $0x80000049;
	[dreg:$0x1] =	wrdreg $0xFFFFFFFF  }
0xad: {  	s28 =	simm.s32 $_size_execute0_lowered;
	s4 =	sadd.s32 s4, s6;
	[dreg:$0x0] =	wrdreg $0x0  }
0xae: {  	s6 =	sshll.u32 s28, $0x1;
	[dreg:$0x2] =	wrdreg s4  }
0xaf: {  	[dreg:$0x3] =	wrdreg s6  }
0xb0: {  	[dreg:$0x4] =	wrdreg $0xC0  }
0xb1: {  	_ =	task [dreg:s8], $0x5FFFF  }
0xb2: {  	[dreg:$0x1] =	wrdreg $0xFFFFFFFF  }
0xb3: {  	[dreg:$0x0] =	wrdreg $0x60  }
0xb4: {  	[dreg:$0x2] =	wrdreg s24  }
0xb5: {  	[dreg:$0x3] =	wrdreg s17  }
0xb6: {  	[dreg:$0x4] =	wrdreg s16  }
0xb7: {  	[dreg:$0x5] =	wrdreg $0x82000  }
0xb8: {  	[dreg:$0x6] =	wrdreg $0x9  }
0xb9: {  	_ =	task.clear_ibuf [dreg:s8], $0x7FFFF;
	_ =	strace $0x90000049  }
0xba: {  	s29 =	simm.s32 $0x9;
	_ =	strace $0x8000004B  }
0xbb: {  	_ =	swait.ge [sflag:s29], $0x1  }
0xbc: {  	[sflag:s29] =	ssyncadd.s32 $0xFFFFFFFF  }
0xbd: {  	_ =	strace $0x9000004B  }
0xbe: {  	_ =	sfence  }
0xbf: {  	s30 =	sld [smem:$0x0];
	_ =	sdelay $0x2  }
0xc0: {  	s31 =	sshll.u32 s1, $0xD;
	s1 =	sshrl.u32 s1, $0x2  }
0xc1: {  	s3 =	sand.u32 $0x4000, s31;
	s1 =	sadd.s32 s1, s30  }
0xc2: {  	s0 =	sor.u32 s3, s0;
	s1 =	sshll.u32 s1, $0x11  }
0xc3: {  	s0 =	sor.u32 s1, s0  }
0xc4: {  	s0 =	sadd.s32 $0x8F2B, s0  }
0xc5: {  	[sflag:s0] =	ssyncadd.remote.s32 $0x1  }
0xc6: {  	_ =	sfence.sel $0xFFFF  }
0xc7: {  	[dreg:$0x0] =	wrdreg $0xFFFFFFFF;
	(pc) =	sbr.abs _section_cstart, $3  }
0xc8: {  	[dreg:$0x1] =	wrdreg $0xFFFFFFFF  }
0xc9: {  	_ =	task.clear_ibuf [dreg:s8], $0x2FFFF;
	_ =	strace $0x9FFFFFFF  }
0xca: {  	(tm) =	ssettm $0x7FFFFFFF  }
0xcb: {  	_ =	shalt  }
tec
execute0_lowered:
.L_overlay_start_1:
0x0: {  	(tag) =	ssettag $0x1  }
0x1: {  	s0 =	rddreg [dreg:$0x0]  }
0x2: {  	s1 =	rddreg [dreg:$0x1]  }
0x3: {  	s18 =	rddreg [dreg:$0x2]  }
0x4: {  	s2 =	rddreg [dreg:$0x3];
	s4 =	simm.s32 $0x0;
	s5 =	srdreg.scid  }
0x5: {  	s3 =	stileid.u32;
	s28 =	simm.s32 $0x1;
	s29 =	simm.s32 $0x2  }
0x6: {  	s30 =	simm.s32 $0x0;
	[smem:$0x7FF] =	sst s4;
	s8 =	smul.u32 $0x50000, s3  }
0x7: {  	s12 =	sand.u32 $0x1, s5;
	s5 =	sadd.s32 $0x8400, s0;
	s13 =	smul.u32 $0x14000, s3  }
0x8: {  	s6 =	sadd.s32 $0x2400, s0;
	s0 =	sadd.s32 $0x7C00, s0;
	s15 =	smul.u32 $0x3C, s3  }
0x9: {  	s19 =	smul.u32 $0x14, s3;
	_ =	strace $0x8000004A;
	s9 =	ssub.s32 $0x2, s12  }
0xa: {  	[dreg:$0x5] =	wrdreg s0;
	s20 =	smul.u32 $0x140000, s12;
	p0 =	seq.s32 s12, $0x0  }
0xb: {  	s23 =	sshrl.u32 s9, $0x1;
	s8 =	sshrl.u32 s8, $0x2;
	s14 =	sadd.s32 $0x4000, s13  }
0xc: {  	s16 =	sadd.s32 $0x8000, s13;
	s17 =	sadd.s32 $0xC000, s13;
	s21 =	sadd.s32 $0x10000, s13  }
0xd: {  	s22 =	sadd.s32 $0x3C0, s19;
	s0 =	ssub.s32 s9, s23;
	s8 =	sadd.s32 s8, s2  }
0xe: {  	s9 =	sadd.s32 s14, s2;
	s10 =	sadd.s32 s16, s2;
	s11 =	sadd.s32 s17, s2  }
0xf: {  	s12 =	sadd.s32 s21, s2;
	s22 =	smov.u32 @p0 s15;
	s24 =	sadd.s32 s13, s20  }
0x10: {  	s13 =	simm.s32 $0x1E;
	s25 =	sadd.s32 s20, s14;
	s16 =	sadd.s32 s20, s16  }
0x11: {  	s17 =	sadd.s32 s20, s17;
	s31 =	sadd.s32 s20, s21;
	s21 =	simm.s32 $0x200  }
0x12: {  	s23 =	simm.s32 $0x80;
	s15 =	sshrl.u32 s24, $0x3;
	s13 =	simm.s32 @!p0 $0xA  }
0x13: {  	s26 =	sshrl.u32 s25, $0x3;
	s16 =	sshrl.u32 s16, $0x3;
	s17 =	sshrl.u32 s17, $0x3  }
0x14: {  	s19 =	sshrl.u32 s31, $0x3;
	s20 =	sshll.u32 s22, $0x4;
	s22 =	simm.s32 $0x3  }
0x15: {  	s24 =	simm.s32 $0x100;
	s25 =	simm.s32 $0x4200;
	s14 =	sadd.s32 s18, s15  }
0x16: {  	s15 =	sadd.s32 s18, s26;
	s16 =	sadd.s32 s18, s16;
	s17 =	sadd.s32 s18, s17  }
0x17: {  	s18 =	sadd.s32 s18, s19;
	s19 =	smax.u32 s0, $0x1;
	s26 =	simm.s32 $0x180  }
.LBB2_1:
0x18: {  	s0 =	rddreg [dreg:$0x5]  }
0x19: {  	[tilespmem:s21], [sflag:$0x3] =	stream.linear.gather [hbm4b:s0+s4], $0x4000, $0x38;
	[tilespmem:$0x1C200] =	vst v63  }
0x1a: {  	_ =	swait.ge [sflag:s22], $0x4000  }
0x1b: {  	[sflag:s22] =	ssyncset.done $0x0  }
0x1c: {  	[sflag:s22] =	ssyncadd.s32 $0xFFFFC000  }
0x1d: {  	[spmem:s8] =	stream.linear.scatter [tilespmem:s21], [sflag:$0x3], $0x4000, $0x38;
	[tilespmem:$0x1C200] =	vst v63  }
0x1e: {  	_ =	swait.ge [sflag:s22], $0x4000  }
0x1f: {  	[sflag:s22] =	ssyncset.done $0x0  }
0x20: {  	[sflag:s22] =	ssyncadd.s32 $0xFFFFC000  }
0x21: {  	[spmem:s9] =	stream.linear.scatter [tilespmem:s21], [sflag:$0x3], $0x4000, $0x38;
	[tilespmem:$0x1C200] =	vst v63  }
0x22: {  	_ =	swait.ge [sflag:s22], $0x4000  }
0x23: {  	[sflag:s22] =	ssyncset.done $0x0  }
0x24: {  	[sflag:s22] =	ssyncadd.s32 $0xFFFFC000  }
0x25: {  	[spmem:s10] =	stream.linear.scatter [tilespmem:s21], [sflag:$0x3], $0x4000, $0x38;
	[tilespmem:$0x1C200] =	vst v63  }
0x26: {  	_ =	swait.ge [sflag:s22], $0x4000  }
0x27: {  	[sflag:s22] =	ssyncset.done $0x0  }
0x28: {  	[sflag:s22] =	ssyncadd.s32 $0xFFFFC000  }
0x29: {  	[spmem:s11] =	stream.linear.scatter [tilespmem:s21], [sflag:$0x3], $0x4000, $0x38;
	[tilespmem:$0x1C200] =	vst v63  }
0x2a: {  	_ =	swait.ge [sflag:s22], $0x4000  }
0x2b: {  	[sflag:s22] =	ssyncset.done $0x0  }
0x2c: {  	p1 =	sne.s32 s13, $0x1;
	[sflag:s22] =	ssyncadd.s32 $0xFFFFC000  }
0x2d: {  	[spmem:s12] =	stream.linear.scatter [tilespmem:s21], [sflag:$0x3], $0x4000, $0x38;
	[tilespmem:$0x1C200] =	vst v63  }
.Ltmp0:
0x2e: {  	_ =	swait.ge [sflag:s22], $0x4000;
	(pc) =	sbr.rel @!p1 .LBB2_4-.Ltmp0, $4  }
0x2f: {  	[sflag:s22] =	ssyncset.done $0x0  }
0x30: {  	[sflag:s22] =	ssyncadd.s32 $0xFFFFC000  }
0x31: {  	[bflag:$0x0] =	sbarrier.arrive $0xFFFF  }
0x32: {  	p0 =	por $0x0, $0x0;
	s31 =	smov.u32 s20;
	s0 =	sadd.s32 $0xFFFFFFFF, s13  }
0x33: {  	s31 =	sadd.s32 s20, s1  }
0x34: {  	[tilespmem:s4], [sflag:$0x3] =	stream.linear.gather [hbm4b:s31+s4], $0x80, $0x38;
	[tilespmem:$0x1C200] =	vst v63  }
0x35: {  	_ =	swait.ge [sflag:s22], $0x80  }
0x36: {  	[sflag:s22] =	ssyncset.done $0x0  }
0x37: {  	s31 =	sor.u32 $0x10, s20;
	[sflag:s22] =	ssyncadd.s32 $0xFFFFFF80  }
0x38: {  	[tilespmem:s21], [sflag:$0x1] =	stream.indirect.gather [hbm4b:s5+s23], $0x80, s4, s23, $0xb8;
	[tilespmem:$0x1C200] =	vst v63  }
0x39: {  	s3 =	sadd.s32 s1, s31  }
0x3a: {  	[tilespmem:s24], [sflag:$0x3] =	stream.linear.gather [hbm4b:s3+s4], $0x80, $0x38;
	[tilespmem:$0x1C200] =	vst v63  }
0x3b: {  	_ =	swait.ge [sflag:s22], $0x80  }
0x3c: {  	[sflag:s22] =	ssyncset.done $0x0  }
0x3d: {  	[sflag:s22] =	ssyncadd.s32 $0xFFFFFF80  }
0x3e: {  	[tilespmem:s25], [sflag:$0x2] =	stream.indirect.gather [hbm4b:s5+s23], $0x80, s24, s23, $0xb8;
	[tilespmem:$0x1C200] =	vst v63  }
0x3f: {  	s7 =	sadd.s32 s20, s6  }
0x40: {  	[tilespmem:s23], [sflag:$0x3] =	stream.linear.gather [hbm4b:s7+s4], $0x80, $0x38;
	[tilespmem:$0x1C200] =	vst v63  }
0x41: {  	_ =	swait.ge [sflag:s22], $0x80  }
0x42: {  	[sflag:s22] =	ssyncset.done $0x0  }
0x43: {  	s7 =	sadd.s32 s6, s31;
	[sflag:s22] =	ssyncadd.s32 $0xFFFFFF80  }
0x44: {  	[tilespmem:s26], [sflag:$0x3] =	stream.linear.gather [hbm4b:s7+s4], $0x80, $0x38;
	[tilespmem:$0x1C200] =	vst v63  }
0x45: {  	_ =	swait.ge [sflag:s22], $0x80  }
0x46: {  	[sflag:s22] =	ssyncset.done $0x0  }
0x47: {  	[sflag:s22] =	ssyncadd.s32 $0xFFFFFF80  }
0x48: {  	_ =	swait.ge [sflag:s28], $0x4000  }
0x49: {  	[sflag:s28] =	ssyncset.done $0x0  }
0x4a: {  	[sflag:s28] =	ssyncadd.s32 $0xFFFFC000  }
0x4b: {  	[spmem:s2] =	stream.indirect.scatter.add.f32 [tilespmem:s21], [sflag:$0x3], $0x80, s23, s23, $0xb8;
	[tilespmem:$0x1C200] =	vst v63  }
0x4c: {  	_ =	swait.ge [sflag:s22], $0x4000  }
0x4d: {  	[sflag:s22] =	ssyncset.done $0x0  }
0x4e: {  	[sflag:s22] =	ssyncadd.s32 $0xFFFFC000  }
0x4f: {  	p1 =	sne.s32 s0, $0x1;
	_ =	swait.ge [sflag:s29], $0x4000  }
.Ltmp1:
0x50: {  	[sflag:s29] =	ssyncset.done $0x0;
	(pc) =	sbr.rel @!p1 .LBB2_4-.Ltmp1, $4  }
0x51: {  	[sflag:s29] =	ssyncadd.s32 $0xFFFFC000  }
0x52: {  	[spmem:s2] =	stream.indirect.scatter.add.f32 [tilespmem:s25], [sflag:$0x3], $0x80, s26, s23, $0xb8;
	[tilespmem:$0x1C200] =	vst v63  }
0x53: {  	s0 =	sadd.s32 $0xFFFFFFFF, s0;
	_ =	swait.ge [sflag:s22], $0x4000  }
0x54: {  	p0 =	por $0x1, $0x1;
	s31 =	sadd.s32 $0x20, s20;
	[sflag:s22] =	ssyncset.done $0x0  }
.LBB2_3:
0x55: {  	p1 =	sne.s32 s0, $0x1;
	s3 =	sadd.s32 s31, s1;
	[sflag:s22] =	ssyncadd.s32 $0xFFFFC000  }
0x56: {  	[tilespmem:s4], [sflag:$0x3] =	stream.linear.gather [hbm4b:s3+s4], $0x80, $0x38;
	[tilespmem:$0x1C200] =	vst v63  }
0x57: {  	s0 =	sadd.s32 $0xFFFFFFFF, s0;
	_ =	swait.ge [sflag:s22], $0x80  }
0x58: {  	[sflag:s22] =	ssyncset.done $0x0  }
0x59: {  	s3 =	sor.u32 $0x10, s31;
	[sflag:s22] =	ssyncadd.s32 $0xFFFFFF80  }
0x5a: {  	[tilespmem:s21], [sflag:$0x1] =	stream.indirect.gather [hbm4b:s5+s23], $0x80, s4, s23, $0xb8;
	[tilespmem:$0x1C200] =	vst v63  }
0x5b: {  	s7 =	sadd.s32 s1, s3  }
0x5c: {  	[tilespmem:s24], [sflag:$0x3] =	stream.linear.gather [hbm4b:s7+s4], $0x80, $0x38;
	[tilespmem:$0x1C200] =	vst v63  }
0x5d: {  	_ =	swait.ge [sflag:s22], $0x80  }
0x5e: {  	[sflag:s22] =	ssyncset.done $0x0  }
0x5f: {  	[sflag:s22] =	ssyncadd.s32 $0xFFFFFF80  }
0x60: {  	[tilespmem:s25], [sflag:$0x2] =	stream.indirect.gather [hbm4b:s5+s23], $0x80, s24, s23, $0xb8;
	[tilespmem:$0x1C200] =	vst v63  }
0x61: {  	s7 =	sadd.s32 s31, s6  }
0x62: {  	[tilespmem:s23], [sflag:$0x3] =	stream.linear.gather [hbm4b:s7+s4], $0x80, $0x38;
	[tilespmem:$0x1C200] =	vst v63  }
0x63: {  	_ =	swait.ge [sflag:s22], $0x80  }
0x64: {  	[sflag:s22] =	ssyncset.done $0x0  }
0x65: {  	s3 =	sadd.s32 s6, s3;
	[sflag:s22] =	ssyncadd.s32 $0xFFFFFF80  }
0x66: {  	[tilespmem:s26], [sflag:$0x3] =	stream.linear.gather [hbm4b:s3+s4], $0x80, $0x38;
	[tilespmem:$0x1C200] =	vst v63  }
0x67: {  	_ =	swait.ge [sflag:s22], $0x80  }
0x68: {  	[sflag:s22] =	ssyncset.done $0x0  }
0x69: {  	[sflag:s22] =	ssyncadd.s32 $0xFFFFFF80  }
0x6a: {  	_ =	swait.ge [sflag:s28], $0x4000  }
0x6b: {  	[sflag:s28] =	ssyncset.done $0x0  }
0x6c: {  	[sflag:s28] =	ssyncadd.s32 $0xFFFFC000  }
0x6d: {  	[spmem:s2] =	stream.indirect.scatter.add.f32 [tilespmem:s21], [sflag:$0x3], $0x80, s23, s23, $0xb8;
	[tilespmem:$0x1C200] =	vst v63  }
0x6e: {  	_ =	swait.ge [sflag:s22], $0x4000  }
0x6f: {  	[sflag:s22] =	ssyncset.done $0x0  }
0x70: {  	[sflag:s22] =	ssyncadd.s32 $0xFFFFC000  }
0x71: {  	_ =	swait.ge [sflag:s29], $0x4000  }
.Ltmp2:
0x72: {  	[sflag:s29] =	ssyncset.done $0x0;
	(pc) =	sbr.rel @p1 .LBB2_3-.Ltmp2, $4  }
0x73: {  	[sflag:s29] =	ssyncadd.s32 $0xFFFFC000  }
0x74: {  	[spmem:s2] =	stream.indirect.scatter.add.f32 [tilespmem:s25], [sflag:$0x3], $0x80, s26, s23, $0xb8;
	[tilespmem:$0x1C200] =	vst v63  }
0x75: {  	_ =	swait.ge [sflag:s22], $0x4000  }
0x76: {  	s31 =	sadd.s32 $0x20, s31;
	[sflag:s22] =	ssyncset.done $0x0  }
.LBB2_4:
0x77: {  	s0 =	sadd.s32 s31, s1;
	[sflag:s22] =	ssyncadd.s32 @p0 $0xFFFFC000  }
0x78: {  	[tilespmem:s4], [sflag:$0x3] =	stream.linear.gather [hbm4b:s0+s4], $0x80, $0x38;
	[tilespmem:$0x1C200] =	vst v63  }
0x79: {  	_ =	swait.ge [sflag:s22], $0x80  }
0x7a: {  	[sflag:s22] =	ssyncset.done $0x0  }
0x7b: {  	s7 =	sor.u32 $0x10, s31;
	[sflag:s22] =	ssyncadd.s32 $0xFFFFFF80  }
0x7c: {  	[tilespmem:s21], [sflag:$0x1] =	stream.indirect.gather [hbm4b:s5+s23], $0x80, s4, s23, $0xb8;
	[tilespmem:$0x1C200] =	vst v63  }
0x7d: {  	s3 =	sadd.s32 s1, s7  }
0x7e: {  	[tilespmem:s24], [sflag:$0x3] =	stream.linear.gather [hbm4b:s3+s4], $0x80, $0x38;
	[tilespmem:$0x1C200] =	vst v63  }
0x7f: {  	_ =	swait.ge [sflag:s22], $0x80  }
0x80: {  	[sflag:s22] =	ssyncset.done $0x0  }
0x81: {  	[sflag:s22] =	ssyncadd.s32 $0xFFFFFF80  }
0x82: {  	[tilespmem:s25], [sflag:$0x2] =	stream.indirect.gather [hbm4b:s5+s23], $0x80, s24, s23, $0xb8;
	[tilespmem:$0x1C200] =	vst v63  }
0x83: {  	s31 =	sadd.s32 s31, s6  }
0x84: {  	[tilespmem:s23], [sflag:$0x3] =	stream.linear.gather [hbm4b:s31+s4], $0x80, $0x38;
	[tilespmem:$0x1C200] =	vst v63  }
0x85: {  	_ =	swait.ge [sflag:s22], $0x80  }
0x86: {  	[sflag:s22] =	ssyncset.done $0x0  }
0x87: {  	s0 =	sadd.s32 s6, s7;
	[sflag:s22] =	ssyncadd.s32 $0xFFFFFF80  }
0x88: {  	[tilespmem:s26], [sflag:$0x3] =	stream.linear.gather [hbm4b:s0+s4], $0x80, $0x38;
	[tilespmem:$0x1C200] =	vst v63  }
0x89: {  	_ =	swait.ge [sflag:s22], $0x80  }
0x8a: {  	[sflag:s22] =	ssyncset.done $0x0  }
0x8b: {  	[sflag:s22] =	ssyncadd.s32 $0xFFFFFF80  }
0x8c: {  	_ =	swait.ge [sflag:s28], $0x4000  }
0x8d: {  	[sflag:s28] =	ssyncset.done $0x0  }
0x8e: {  	[sflag:s28] =	ssyncadd.s32 $0xFFFFC000  }
0x8f: {  	[spmem:s2] =	stream.indirect.scatter.add.f32 [tilespmem:s21], [sflag:$0x3], $0x80, s23, s23, $0xb8;
	[tilespmem:$0x1C200] =	vst v63  }
0x90: {  	_ =	swait.ge [sflag:s22], $0x4000  }
0x91: {  	[sflag:s22] =	ssyncset.done $0x0  }
0x92: {  	[sflag:s22] =	ssyncadd.s32 $0xFFFFC000  }
0x93: {  	_ =	swait.ge [sflag:s29], $0x4000  }
0x94: {  	[sflag:s29] =	ssyncset.done $0x0  }
0x95: {  	[sflag:s29] =	ssyncadd.s32 $0xFFFFC000  }
0x96: {  	[spmem:s2] =	stream.indirect.scatter.add.f32 [tilespmem:s25], [sflag:$0x3], $0x80, s26, s23, $0xb8;
	[tilespmem:$0x1C200] =	vst v63  }
0x97: {  	_ =	swait.ge [sflag:s22], $0x4000  }
0x98: {  	[sflag:s22] =	ssyncset.done $0x0  }
0x99: {  	[sflag:s22] =	ssyncadd.s32 $0xFFFFC000  }
0x9a: {  	[bflag:$0x0] =	sbarrier.arrive $0xFFFF  }
0x9b: {  	[tilespmem:s21], [sflag:$0x3] =	stream.linear.gather [spmem:s8], $0x4000, $0x38;
	[tilespmem:$0x1C200] =	vst v63  }
0x9c: {  	_ =	swait.ge [sflag:s22], $0x4000  }
0x9d: {  	[sflag:s22] =	ssyncset.done $0x0  }
0x9e: {  	[sflag:s22] =	ssyncadd.s32 $0xFFFFC000  }
0x9f: {  	[hbm4b:s14+s4] =	stream.linear.scatter [tilespmem:s21], [sflag:$0x3], $0x4000, $0x38;
	[tilespmem:$0x1C200] =	vst v63  }
0xa0: {  	_ =	swait.ge [sflag:s22], $0x4000  }
0xa1: {  	[sflag:s22] =	ssyncset.done $0x0  }
0xa2: {  	[sflag:s22] =	ssyncadd.s32 $0xFFFFC000  }
0xa3: {  	[tilespmem:s21], [sflag:$0x3] =	stream.linear.gather [spmem:s9], $0x4000, $0x38;
	[tilespmem:$0x1C200] =	vst v63  }
0xa4: {  	_ =	swait.ge [sflag:s22], $0x4000  }
0xa5: {  	[sflag:s22] =	ssyncset.done $0x0  }
0xa6: {  	[sflag:s22] =	ssyncadd.s32 $0xFFFFC000  }
0xa7: {  	[hbm4b:s15+s4] =	stream.linear.scatter [tilespmem:s21], [sflag:$0x3], $0x4000, $0x38;
	[tilespmem:$0x1C200] =	vst v63  }
0xa8: {  	_ =	swait.ge [sflag:s22], $0x4000  }
0xa9: {  	[sflag:s22] =	ssyncset.done $0x0  }
0xaa: {  	[sflag:s22] =	ssyncadd.s32 $0xFFFFC000  }
0xab: {  	[tilespmem:s21], [sflag:$0x3] =	stream.linear.gather [spmem:s10], $0x4000, $0x38;
	[tilespmem:$0x1C200] =	vst v63  }
0xac: {  	_ =	swait.ge [sflag:s22], $0x4000  }
0xad: {  	[sflag:s22] =	ssyncset.done $0x0  }
0xae: {  	[sflag:s22] =	ssyncadd.s32 $0xFFFFC000  }
0xaf: {  	[hbm4b:s16+s4] =	stream.linear.scatter [tilespmem:s21], [sflag:$0x3], $0x4000, $0x38;
	[tilespmem:$0x1C200] =	vst v63  }
0xb0: {  	_ =	swait.ge [sflag:s22], $0x4000  }
0xb1: {  	[sflag:s22] =	ssyncset.done $0x0  }
0xb2: {  	[sflag:s22] =	ssyncadd.s32 $0xFFFFC000  }
0xb3: {  	[tilespmem:s21], [sflag:$0x3] =	stream.linear.gather [spmem:s11], $0x4000, $0x38;
	[tilespmem:$0x1C200] =	vst v63  }
0xb4: {  	_ =	swait.ge [sflag:s22], $0x4000  }
0xb5: {  	[sflag:s22] =	ssyncset.done $0x0  }
0xb6: {  	[sflag:s22] =	ssyncadd.s32 $0xFFFFC000  }
0xb7: {  	[hbm4b:s17+s4] =	stream.linear.scatter [tilespmem:s21], [sflag:$0x3], $0x4000, $0x38;
	[tilespmem:$0x1C200] =	vst v63  }
0xb8: {  	_ =	swait.ge [sflag:s22], $0x4000  }
0xb9: {  	[sflag:s22] =	ssyncset.done $0x0  }
0xba: {  	[sflag:s22] =	ssyncadd.s32 $0xFFFFC000  }
0xbb: {  	[tilespmem:s21], [sflag:$0x3] =	stream.linear.gather [spmem:s12], $0x4000, $0x38;
	[tilespmem:$0x1C200] =	vst v63  }
0xbc: {  	s30 =	sadd.s32 $0x1, s30;
	_ =	swait.ge [sflag:s22], $0x4000  }
0xbd: {  	p0 =	sne.s32 s30, s19;
	[sflag:s22] =	ssyncset.done $0x0  }
.Ltmp3:
0xbe: {  	[sflag:s22] =	ssyncadd.s32 $0xFFFFC000;
	(pc) =	sbr.rel @p0 .LBB2_1-.Ltmp3, $4  }
0xbf: {  	[hbm4b:s18+s4] =	stream.linear.scatter [tilespmem:s21], [sflag:$0x3], $0x4000, $0x38;
	[tilespmem:$0x1C200] =	vst v63  }
0xc0: {  	_ =	swait.ge [sflag:s22], $0x4000  }
0xc1: {  	[sflag:s22] =	ssyncset.done $0x0  }
0xc2: {  	[sflag:s22] =	ssyncadd.s32 $0xFFFFC000  }
0xc3: {  	_ =	sfence.sel $0x180000  }
0xc4: {  	[bflag:$0x0] =	sbarrier.arrive $0xFFFF  }
0xc5: {  	_ =	strace $0x9000004A  }
0xc6: {  	s0 =	stileid.u32;
	[bflag:$0x2] =	sbarrier.arrive $0xFFFF  }
0xc7: {  	p0 =	sne.s32 s0, $0x0;
	s0 =	rddreg [dreg:$0x4]  }
0xc8: {  	s0 =	sadd.s32 @!p0 $0x100000, s0  }
0xc9: {  	[sflag:s0] =	ssyncadd.tile.s32 @!p0 $0x1;
	_ =	shalt  }
.Lfunc_end2:
_tile_overlayer_lowered:
.L_overlay_start_2:
0xca: {  	(tag) =	ssettag $0x2  }
0xcb: {  	s0 =	rddreg [dreg:$0x0];
	s2 =	stileid.u32  }
0xcc: {  	s1 =	rddreg [dreg:$0x1];
	p0 =	sne.s32 s2, $0x0  }
0xcd: {  	s3 =	rddreg [dreg:$0x2];
	[bflag:$0x3] =	sbarrier.arrive $0xFFFF;
	s2 =	simm.s32 @!p0 $0x1C03  }
0xce: {  	[timem:s3], [sflag:s2] =	dma.local @!p0 [hbm:s0], s1  }
0xcf: {  	s0 =	simm.s32 @!p0 $0x3  }
0xd0: {  	_ =	swait.ge @!p0 [sflag:s0], s1  }
0xd1: {  	s1 =	ssub.s32 @!p0 $0x0, s1;
	[sflag:s0] =	ssyncset.done @!p0 $0x0  }
0xd2: {  	[sflag:s0] =	ssyncadd.s32 @!p0 s1  }
0xd3: {  	[bflag:$0x3] =	sbarrier.arrive $0xFFFF  }
0xd4: {  	_ =	shalt  }

// kernel: kernel.16.cloned.1.call-start
scs
__scs_entry_jumppad:
0x0: {  	(pc) =	sbr.rel $0x88, $3  }
0x1: {  	(tag) =	ssettag $0x0;
	lr =	simm.s32 $0x1  }
0x2: {  	[smem:$0x3F97] =	sst lr;
	_ =	strace $0xD0000000  }
0x3: {  	_ = 	snop  }
0x4: {  	_ = 	snop  }
0x5: {  	_ = 	snop  }
0x6: {  	_ = 	snop  }
0x7: {  	_ = 	snop  }
__scs_overlays_trampoline_lowered:
0x8: {  	[smem:$0x3FA6] =	sst s0  }
0x9: {  	[smem:$0x3FA7] =	sst s1  }
0xa: {  	[smem:$0x3FA8] =	sst s2  }
0xb: {  	[smem:$0x3FA9] =	sst s3  }
0xc: {  	[smem:$0x3FAA] =	sst s4  }
0xd: {  	[smem:$0x3FAB] =	sst s5  }
0xe: {  	[smem:$0x3FAC] =	sst s6  }
0xf: {  	[smem:$0x3FAD] =	sst s7  }
0x10: {  	[smem:$0x3FAE] =	sst s8  }
0x11: {  	[smem:$0x3FAF] =	sst s9;
	s0 =	simm.s32 @!p0 $0x0  }
0x12: {  	s1 =	sld [smem:$0x3F95];
	s0 =	simm.s32 @p0 $0x1  }
0x13: {  	[smem:$0x3FB0] =	sst s0;
	s0 =	simm.s32 @!p1 $0x0  }
0x14: {  	s2 =	sld [smem:$0x3F94];
	s0 =	simm.s32 @p1 $0x1  }
0x15: {  	[smem:$0x3FB1] =	sst s0;
	s0 =	simm.s32 @!p2 $0x0  }
0x16: {  	s3 =	sld [smem:$0x3FDB];
	s0 =	simm.s32 @p2 $0x1  }
0x17: {  	s4 =	simm.s32 $0x1BF5;
	[smem:$0x3FB3] =	sst s0  }
0x18: {  	s0 =	sld [smem:$0x3F96];
	_ =	swait.ge [sflag:s4], $0x0  }
0x19: {  	s7 =	sld [smem:$0x3F97]  }
0x1a: {  	s8 =	sadd.s32 $0xFFFFE003, lr  }
0x1b: {  	s9 =	sadd.s32 $0xFFFFFEF7, lr;
	s5 =	simm.s32 $0xFFFFFFFF;
	p2 =	slt.u32 s8, $0xFFFFF086  }
0x1c: {  	p1 =	slt.u32 s9, $0xF7A;
	s5 =	simm.s32 @!p2 $0x0  }
0x1d: {  	s5 =	simm.s32 @p1 $0x1;
	p0 =	seq.s32 s7, s2  }
0x1e: {  	s7 =	smul.u32 @!p0 $0xF7A, s2;
	p2 =	seq.s32 @!p0 s5, $0x0  }
0x1f: {  	s9 =	smul.u32 $0xF7A, s1;
	s8 =	simm.s32 @!p0 $0x1BF5;
	p2 =	por !p2, p0  }
0x20: {  	[sflag:s8] =	ssyncset.s32 @!p0 $0xFFFFF086;
	s6 =	sadd.s32 @!p0 s3, s7;
	s7 =	simm.s32 @!p0 $0x108  }
0x21: {  	s3 =	sadd.s32 s3, s9;
	s6 =	sadd.s32 @!p0 $0x88, s6;
	s7 =	simm.s32 @p2 $0x1082  }
0x22: {  	[simem:s7], [sflag:s8] =	dma.local @!p0 [hbm:s6], $0xF7A  }
0x23: {  	s9 =	sor.u32 $0xD0000000, s2;
	s6 =	simm.s32 $0x108;
	_ =	swait.ge @!p0 [sflag:s8], $0x0  }
0x24: {  	s3 =	sadd.s32 $0x88, s3;
	s6 =	simm.s32 @!p1 $0x1082;
	[sflag:s4] =	ssyncset.s32 $0xFFFFF086  }
0x25: {  	[simem:s6], [sflag:s4] =	dma.local [hbm:s3], $0xF7A  }
0x26: {  	[smem:$0x3F97] =	sst s1;
	(tag) =	ssettag s2;
	_ =	strace s9  }
0x27: {  	s1 =	sld [smem:$0x3FA7]  }
0x28: {  	s2 =	sld [smem:$0x3FA8]  }
0x29: {  	s4 =	sld [smem:$0x3FAA]  }
0x2a: {  	p0 =	seq.s32 s5, $0x0;
	s5 =	sld [smem:$0x3FAB]  }
0x2b: {  	s6 =	sld [smem:$0x3FAC]  }
0x2c: {  	s7 =	sld [smem:$0x3FAD]  }
0x2d: {  	s3 =	simm.s32 $0x108;
	s8 =	sld [smem:$0x3FAE]  }
0x2e: {  	s3 =	simm.s32 @!p0 $0x1082;
	s9 =	sld [smem:$0x3FAF]  }
0x2f: {  	lr =	sadd.s32 s0, s3;
	s0 =	sld [smem:$0x3FA6]  }
0x30: {  	s3 =	sld [smem:$0x3FA9]  }
0x31: {  	[smem:$0x3FB2] =	sst s10  }
0x32: {  	s10 =	sld [smem:$0x3FB0];
	_ =	sdelay $0x3  }
0x33: {  	p0 =	seq.s32 s10, $0x1;
	s10 =	sld [smem:$0x3FB2];
	_ =	sdelay $0x3  }
0x34: {  	[smem:$0x3FB2] =	sst s10  }
0x35: {  	s10 =	sld [smem:$0x3FB1];
	_ =	sdelay $0x3  }
0x36: {  	p1 =	seq.s32 s10, $0x1;
	s10 =	sld [smem:$0x3FB2];
	_ =	sdelay $0x3  }
0x37: {  	[smem:$0x3FB2] =	sst s10  }
0x38: {  	s10 =	sld [smem:$0x3FB3]  }
0x39: {  	_ = 	snop;
	(pc) =	sbr.ind lr, $3  }
0x3a: {  	_ = 	snop  }
0x3b: {  	_ = 	snop  }
0x3c: {  	p2 =	seq.s32 s10, $0x1;
	s10 =	sld [smem:$0x3FB2]  }
0x3d: {  	_ =	shalt  }
0x3e: {  	_ =	shalt  }
0x3f: {  	_ =	shalt  }
0x40: {  	_ =	shalt  }
0x41: {  	_ =	shalt  }
0x42: {  	_ =	shalt  }
0x43: {  	_ =	shalt  }
0x44: {  	_ =	shalt  }
0x45: {  	_ =	shalt  }
0x46: {  	_ =	shalt  }
0x47: {  	_ =	shalt  }
0x48: {  	_ =	shalt  }
0x49: {  	_ =	shalt  }
0x4a: {  	_ =	shalt  }
0x4b: {  	_ =	shalt  }
0x4c: {  	_ =	shalt  }
0x4d: {  	_ =	shalt  }
0x4e: {  	_ =	shalt  }
0x4f: {  	_ =	shalt  }
0x50: {  	_ =	shalt  }
0x51: {  	_ =	shalt  }
0x52: {  	_ =	shalt  }
0x53: {  	_ =	shalt  }
0x54: {  	_ =	shalt  }
0x55: {  	_ =	shalt  }
0x56: {  	_ =	shalt  }
0x57: {  	_ =	shalt  }
0x58: {  	_ =	shalt  }
0x59: {  	_ =	shalt  }
0x5a: {  	_ =	shalt  }
0x5b: {  	_ =	shalt  }
0x5c: {  	_ =	shalt  }
0x5d: {  	_ =	shalt  }
0x5e: {  	_ =	shalt  }
0x5f: {  	_ =	shalt  }
0x60: {  	_ =	shalt  }
0x61: {  	_ =	shalt  }
0x62: {  	_ =	shalt  }
0x63: {  	_ =	shalt  }
0x64: {  	_ =	shalt  }
0x65: {  	_ =	shalt  }
0x66: {  	_ =	shalt  }
0x67: {  	_ =	shalt  }
0x68: {  	_ =	shalt  }
0x69: {  	_ =	shalt  }
0x6a: {  	_ =	shalt  }
0x6b: {  	_ =	shalt  }
0x6c: {  	_ =	shalt  }
0x6d: {  	_ =	shalt  }
0x6e: {  	_ =	shalt  }
0x6f: {  	_ =	shalt  }
0x70: {  	_ =	shalt  }
0x71: {  	_ =	shalt  }
0x72: {  	_ =	shalt  }
0x73: {  	_ =	shalt  }
0x74: {  	_ =	shalt  }
0x75: {  	_ =	shalt  }
0x76: {  	_ =	shalt  }
0x77: {  	_ =	shalt  }
0x78: {  	_ =	shalt  }
0x79: {  	_ =	shalt  }
0x7a: {  	_ =	shalt  }
0x7b: {  	_ =	shalt  }
0x7c: {  	_ =	shalt  }
0x7d: {  	_ =	shalt  }
0x7e: {  	_ =	shalt  }
0x7f: {  	_ =	shalt  }
0x80: {  	_ =	shalt  }
0x81: {  	_ =	shalt  }
0x82: {  	_ =	shalt  }
0x83: {  	_ =	shalt  }
0x84: {  	_ =	shalt  }
0x85: {  	_ =	shalt  }
0x86: {  	_ =	shalt  }
0x87: {  	_ =	shalt  }
.Lfunc_end0:
.L_simem_size_0:
called_computation.2_lowered:
.L_overlay_start_0:
0x88: {  	s2 =	sld [smem:$0x3FD9]  }
0x89: {  	s3 =	sld [smem:$0x3FFE];
	_ =	sdelay $0x1  }
0x8a: {  	s1 =	srdreg.scid  }
0x8b: {  	s0 =	sand.u32 $0x1, s1  }
0x8c: {  	s14 =	sshll.u32 s0, $0xA;
	s2 =	sadd.s32 s3, s2  }
0x8d: {  	s2 =	sadd.s32 s2, s14  }
0x8e: {  	[smem:$0x3FBE] =	sst s2  }
0x8f: {  	_ = 	snop  }
0x90: {  	s2 =	sld [smem:$0x3FD0];
	_ =	sdelay $0x2  }
0x91: {  	s15 =	simm.s32 $0xA;
	s4 =	simm.s32 $0x10  }
0x92: {  	[smem:s4], [sflag:s15] =	dma.local [hbm:s2], $0x1  }
0x93: {  	_ =	swait.eq [sflag:s15], $0x1  }
0x94: {  	[sflag:s15] =	ssyncset.done $0x0  }
0x95: {  	s16 =	sld [smem:$0x10];
	[sflag:s15] =	ssyncadd.s32 $0xFFFFFFFF  }
0x96: {  	s17 =	sld [smem:$0x11];
	(tm) =	ssettm $0x1  }
0x97: {  	s18 =	sld [smem:$0x3FFB];
	_ =	sdelay $0x3  }
0x98: {  	_ =	strace s18  }
0x99: {  	s4 =	sld [smem:$0x3FFC];
	_ =	sdelay $0x3  }
0x9a: {  	_ =	strace s4  }
0x9b: {  	s4 =	sld [smem:$0x3FFD];
	_ =	sdelay $0x3  }
0x9c: {  	_ =	strace s4  }
0x9d: {  	_ =	strace $0x8FFFFFFF  }
0x9e: {  	s19 =	sld [smem:$0x3FDB];
	_ =	sdelay $0x1  }
0x9f: {  	s5 =	simm.s32 $_scs_section_size  }
0xa0: {  	s6 =	simm.s32 $_size__tile_overlayer_lowered;
	s7 =	simm.s32 $_tile_overlayer_lowered  }
0xa1: {  	s22 =	simm.s32 $0x1BFF;
	s21 =	sshll.u32 s7, $0x1;
	s4 =	sadd.s32 s5, s19  }
0xa2: {  	s8 =	simm.s32 $0x0;
	s20 =	sshll.u32 s6, $0x1;
	s6 =	sadd.s32 s21, s4  }
0xa3: {  	[timem:s8], [sflag:s22] =	dma.local [hbm:s6], s20  }
0xa4: {  	_ =	swait.ge [sflag:s22], s20  }
0xa5: {  	s5 =	ssub.s32 $0x0, s20;
	[sflag:s22] =	ssyncset.done $0x0  }
0xa6: {  	[sflag:s22] =	ssyncadd.s32 s5;
	_ =	sdelay $0x1  }
0xa7: {  	s23 =	simm.s32 $0x1B8B  }
0xa8: {  	_ =	swait.ge [sflag:s23], $0x1  }
0xa9: {  	[sflag:s23] =	ssyncset.done $0x0  }
0xaa: {  	s25 =	simm.s32 $0x1B8E;
	s24 =	sld [smem:$0x3FFE];
	[sflag:s23] =	ssyncadd.s32 $0xFFFFFFFF  }
0xab: {  	s26 =	simm.s32 $execute0_lowered;
	[smem:$0x3FD2] =	sst s25  }
0xac: {  	s6 =	sshll.u32 s26, $0x1;
	_ =	strace $0x8000004C;
	[dreg:$0x1] =	wrdreg $0xFFFFFFFF  }
0xad: {  	s28 =	simm.s32 $_size_execute0_lowered;
	s4 =	sadd.s32 s4, s6;
	[dreg:$0x0] =	wrdreg $0x0  }
0xae: {  	s6 =	sshll.u32 s28, $0x1;
	[dreg:$0x2] =	wrdreg s4  }
0xaf: {  	[dreg:$0x3] =	wrdreg s6  }
0xb0: {  	[dreg:$0x4] =	wrdreg $0xC0  }
0xb1: {  	_ =	task [dreg:s8], $0x5FFFF  }
0xb2: {  	[dreg:$0x1] =	wrdreg $0xFFFFFFFF  }
0xb3: {  	[dreg:$0x0] =	wrdreg $0x60  }
0xb4: {  	[dreg:$0x2] =	wrdreg s24  }
0xb5: {  	[dreg:$0x3] =	wrdreg s17  }
0xb6: {  	[dreg:$0x4] =	wrdreg s16  }
0xb7: {  	[dreg:$0x5] =	wrdreg $0x82000  }
0xb8: {  	[dreg:$0x6] =	wrdreg $0x9  }
0xb9: {  	_ =	task.clear_ibuf [dreg:s8], $0x7FFFF;
	_ =	strace $0x9000004C  }
0xba: {  	s29 =	simm.s32 $0x9;
	_ =	strace $0x8000004E  }
0xbb: {  	_ =	swait.ge [sflag:s29], $0x1  }
0xbc: {  	[sflag:s29] =	ssyncadd.s32 $0xFFFFFFFF  }
0xbd: {  	_ =	strace $0x9000004E  }
0xbe: {  	_ =	sfence  }
0xbf: {  	s30 =	sld [smem:$0x0];
	_ =	sdelay $0x2  }
0xc0: {  	s31 =	sshll.u32 s1, $0xD;
	s1 =	sshrl.u32 s1, $0x2  }
0xc1: {  	s3 =	sand.u32 $0x4000, s31;
	s1 =	sadd.s32 s1, s30  }
0xc2: {  	s0 =	sor.u32 s3, s0;
	s1 =	sshll.u32 s1, $0x11  }
0xc3: {  	s0 =	sor.u32 s1, s0  }
0xc4: {  	s0 =	sadd.s32 $0x8F2B, s0  }
0xc5: {  	[sflag:s0] =	ssyncadd.remote.s32 $0x1  }
0xc6: {  	_ =	sfence.sel $0xFFFF  }
0xc7: {  	[dreg:$0x0] =	wrdreg $0xFFFFFFFF;
	(pc) =	sbr.abs _section_cstart, $3  }
0xc8: {  	[dreg:$0x1] =	wrdreg $0xFFFFFFFF  }
0xc9: {  	_ =	task.clear_ibuf [dreg:s8], $0x2FFFF;
	_ =	strace $0x9FFFFFFF  }
0xca: {  	(tm) =	ssettm $0x7FFFFFFF  }
0xcb: {  	_ =	shalt  }
tec
execute0_lowered:
.L_overlay_start_1:
0x0: {  	(tag) =	ssettag $0x1  }
0x1: {  	s0 =	rddreg [dreg:$0x0]  }
0x2: {  	s1 =	rddreg [dreg:$0x1]  }
0x3: {  	s18 =	rddreg [dreg:$0x2]  }
0x4: {  	s2 =	rddreg [dreg:$0x3];
	s4 =	simm.s32 $0x0;
	s5 =	srdreg.scid  }
0x5: {  	s3 =	stileid.u32;
	s28 =	simm.s32 $0x1;
	s29 =	simm.s32 $0x2  }
0x6: {  	s30 =	simm.s32 $0x0;
	[smem:$0x7FF] =	sst s4;
	s8 =	smul.u32 $0x50000, s3  }
0x7: {  	s12 =	sand.u32 $0x1, s5;
	s5 =	sadd.s32 $0x8400, s0;
	s13 =	smul.u32 $0x14000, s3  }
0x8: {  	s6 =	sadd.s32 $0x2400, s0;
	s0 =	sadd.s32 $0x7C00, s0;
	s15 =	smul.u32 $0x3C, s3  }
0x9: {  	s19 =	smul.u32 $0x14, s3;
	_ =	strace $0x8000004D;
	s9 =	ssub.s32 $0x2, s12  }
0xa: {  	[dreg:$0x5] =	wrdreg s0;
	s20 =	smul.u32 $0x140000, s12;
	p0 =	seq.s32 s12, $0x0  }
0xb: {  	s23 =	sshrl.u32 s9, $0x1;
	s8 =	sshrl.u32 s8, $0x2;
	s14 =	sadd.s32 $0x4000, s13  }
0xc: {  	s16 =	sadd.s32 $0x8000, s13;
	s17 =	sadd.s32 $0xC000, s13;
	s21 =	sadd.s32 $0x10000, s13  }
0xd: {  	s22 =	sadd.s32 $0x3C0, s19;
	s0 =	ssub.s32 s9, s23;
	s8 =	sadd.s32 s8, s2  }
0xe: {  	s9 =	sadd.s32 s14, s2;
	s10 =	sadd.s32 s16, s2;
	s11 =	sadd.s32 s17, s2  }
0xf: {  	s12 =	sadd.s32 s21, s2;
	s22 =	smov.u32 @p0 s15;
	s24 =	sadd.s32 s13, s20  }
0x10: {  	s13 =	simm.s32 $0x1E;
	s25 =	sadd.s32 s20, s14;
	s16 =	sadd.s32 s20, s16  }
0x11: {  	s17 =	sadd.s32 s20, s17;
	s31 =	sadd.s32 s20, s21;
	s21 =	simm.s32 $0x200  }
0x12: {  	s23 =	simm.s32 $0x80;
	s15 =	sshrl.u32 s24, $0x3;
	s13 =	simm.s32 @!p0 $0xA  }
0x13: {  	s26 =	sshrl.u32 s25, $0x3;
	s16 =	sshrl.u32 s16, $0x3;
	s17 =	sshrl.u32 s17, $0x3  }
0x14: {  	s19 =	sshrl.u32 s31, $0x3;
	s20 =	sshll.u32 s22, $0x4;
	s22 =	simm.s32 $0x3  }
0x15: {  	s24 =	simm.s32 $0x100;
	s25 =	simm.s32 $0x4200;
	s14 =	sadd.s32 s18, s15  }
0x16: {  	s15 =	sadd.s32 s18, s26;
	s16 =	sadd.s32 s18, s16;
	s17 =	sadd.s32 s18, s17  }
0x17: {  	s18 =	sadd.s32 s18, s19;
	s19 =	smax.u32 s0, $0x1;
	s26 =	simm.s32 $0x180  }
.LBB2_1:
0x18: {  	s0 =	rddreg [dreg:$0x5]  }
0x19: {  	[tilespmem:s21], [sflag:$0x3] =	stream.linear.gather [hbm4b:s0+s4], $0x4000, $0x38;
	[tilespmem:$0x1C200] =	vst v63  }
0x1a: {  	_ =	swait.ge [sflag:s22], $0x4000  }
0x1b: {  	[sflag:s22] =	ssyncset.done $0x0  }
0x1c: {  	[sflag:s22] =	ssyncadd.s32 $0xFFFFC000  }
0x1d: {  	[spmem:s8] =	stream.linear.scatter [tilespmem:s21], [sflag:$0x3], $0x4000, $0x38;
	[tilespmem:$0x1C200] =	vst v63  }
0x1e: {  	_ =	swait.ge [sflag:s22], $0x4000  }
0x1f: {  	[sflag:s22] =	ssyncset.done $0x0  }
0x20: {  	[sflag:s22] =	ssyncadd.s32 $0xFFFFC000  }
0x21: {  	[spmem:s9] =	stream.linear.scatter [tilespmem:s21], [sflag:$0x3], $0x4000, $0x38;
	[tilespmem:$0x1C200] =	vst v63  }
0x22: {  	_ =	swait.ge [sflag:s22], $0x4000  }
0x23: {  	[sflag:s22] =	ssyncset.done $0x0  }
0x24: {  	[sflag:s22] =	ssyncadd.s32 $0xFFFFC000  }
0x25: {  	[spmem:s10] =	stream.linear.scatter [tilespmem:s21], [sflag:$0x3], $0x4000, $0x38;
	[tilespmem:$0x1C200] =	vst v63  }
0x26: {  	_ =	swait.ge [sflag:s22], $0x4000  }
0x27: {  	[sflag:s22] =	ssyncset.done $0x0  }
0x28: {  	[sflag:s22] =	ssyncadd.s32 $0xFFFFC000  }
0x29: {  	[spmem:s11] =	stream.linear.scatter [tilespmem:s21], [sflag:$0x3], $0x4000, $0x38;
	[tilespmem:$0x1C200] =	vst v63  }
0x2a: {  	_ =	swait.ge [sflag:s22], $0x4000  }
0x2b: {  	[sflag:s22] =	ssyncset.done $0x0  }
0x2c: {  	p1 =	sne.s32 s13, $0x1;
	[sflag:s22] =	ssyncadd.s32 $0xFFFFC000  }
0x2d: {  	[spmem:s12] =	stream.linear.scatter [tilespmem:s21], [sflag:$0x3], $0x4000, $0x38;
	[tilespmem:$0x1C200] =	vst v63  }
.Ltmp0:
0x2e: {  	_ =	swait.ge [sflag:s22], $0x4000;
	(pc) =	sbr.rel @!p1 .LBB2_4-.Ltmp0, $4  }
0x2f: {  	[sflag:s22] =	ssyncset.done $0x0  }
0x30: {  	[sflag:s22] =	ssyncadd.s32 $0xFFFFC000  }
0x31: {  	[bflag:$0x0] =	sbarrier.arrive $0xFFFF  }
0x32: {  	p0 =	por $0x0, $0x0;
	s31 =	smov.u32 s20;
	s0 =	sadd.s32 $0xFFFFFFFF, s13  }
0x33: {  	s31 =	sadd.s32 s20, s1  }
0x34: {  	[tilespmem:s4], [sflag:$0x3] =	stream.linear.gather [hbm4b:s31+s4], $0x80, $0x38;
	[tilespmem:$0x1C200] =	vst v63  }
0x35: {  	_ =	swait.ge [sflag:s22], $0x80  }
0x36: {  	[sflag:s22] =	ssyncset.done $0x0  }
0x37: {  	s31 =	sor.u32 $0x10, s20;
	[sflag:s22] =	ssyncadd.s32 $0xFFFFFF80  }
0x38: {  	[tilespmem:s21], [sflag:$0x1] =	stream.indirect.gather [hbm4b:s5+s23], $0x80, s4, s23, $0xb8;
	[tilespmem:$0x1C200] =	vst v63  }
0x39: {  	s3 =	sadd.s32 s1, s31  }
0x3a: {  	[tilespmem:s24], [sflag:$0x3] =	stream.linear.gather [hbm4b:s3+s4], $0x80, $0x38;
	[tilespmem:$0x1C200] =	vst v63  }
0x3b: {  	_ =	swait.ge [sflag:s22], $0x80  }
0x3c: {  	[sflag:s22] =	ssyncset.done $0x0  }
0x3d: {  	[sflag:s22] =	ssyncadd.s32 $0xFFFFFF80  }
0x3e: {  	[tilespmem:s25], [sflag:$0x2] =	stream.indirect.gather [hbm4b:s5+s23], $0x80, s24, s23, $0xb8;
	[tilespmem:$0x1C200] =	vst v63  }
0x3f: {  	s7 =	sadd.s32 s20, s6  }
0x40: {  	[tilespmem:s23], [sflag:$0x3] =	stream.linear.gather [hbm4b:s7+s4], $0x80, $0x38;
	[tilespmem:$0x1C200] =	vst v63  }
0x41: {  	_ =	swait.ge [sflag:s22], $0x80  }
0x42: {  	[sflag:s22] =	ssyncset.done $0x0  }
0x43: {  	s7 =	sadd.s32 s6, s31;
	[sflag:s22] =	ssyncadd.s32 $0xFFFFFF80  }
0x44: {  	[tilespmem:s26], [sflag:$0x3] =	stream.linear.gather [hbm4b:s7+s4], $0x80, $0x38;
	[tilespmem:$0x1C200] =	vst v63  }
0x45: {  	_ =	swait.ge [sflag:s22], $0x80  }
0x46: {  	[sflag:s22] =	ssyncset.done $0x0  }
0x47: {  	[sflag:s22] =	ssyncadd.s32 $0xFFFFFF80  }
0x48: {  	_ =	swait.ge [sflag:s28], $0x4000  }
0x49: {  	[sflag:s28] =	ssyncset.done $0x0  }
0x4a: {  	[sflag:s28] =	ssyncadd.s32 $0xFFFFC000  }
0x4b: {  	[spmem:s2] =	stream.indirect.scatter.add.f32 [tilespmem:s21], [sflag:$0x3], $0x80, s23, s23, $0xb8;
	[tilespmem:$0x1C200] =	vst v63  }
0x4c: {  	_ =	swait.ge [sflag:s22], $0x4000  }
0x4d: {  	[sflag:s22] =	ssyncset.done $0x0  }
0x4e: {  	[sflag:s22] =	ssyncadd.s32 $0xFFFFC000  }
0x4f: {  	p1 =	sne.s32 s0, $0x1;
	_ =	swait.ge [sflag:s29], $0x4000  }
.Ltmp1:
0x50: {  	[sflag:s29] =	ssyncset.done $0x0;
	(pc) =	sbr.rel @!p1 .LBB2_4-.Ltmp1, $4  }
0x51: {  	[sflag:s29] =	ssyncadd.s32 $0xFFFFC000  }
0x52: {  	[spmem:s2] =	stream.indirect.scatter.add.f32 [tilespmem:s25], [sflag:$0x3], $0x80, s26, s23, $0xb8;
	[tilespmem:$0x1C200] =	vst v63  }
0x53: {  	s0 =	sadd.s32 $0xFFFFFFFF, s0;
	_ =	swait.ge [sflag:s22], $0x4000  }
0x54: {  	p0 =	por $0x1, $0x1;
	s31 =	sadd.s32 $0x20, s20;
	[sflag:s22] =	ssyncset.done $0x0  }
.LBB2_3:
0x55: {  	p1 =	sne.s32 s0, $0x1;
	s3 =	sadd.s32 s31, s1;
	[sflag:s22] =	ssyncadd.s32 $0xFFFFC000  }
0x56: {  	[tilespmem:s4], [sflag:$0x3] =	stream.linear.gather [hbm4b:s3+s4], $0x80, $0x38;
	[tilespmem:$0x1C200] =	vst v63  }
0x57: {  	s0 =	sadd.s32 $0xFFFFFFFF, s0;
	_ =	swait.ge [sflag:s22], $0x80  }
0x58: {  	[sflag:s22] =	ssyncset.done $0x0  }
0x59: {  	s3 =	sor.u32 $0x10, s31;
	[sflag:s22] =	ssyncadd.s32 $0xFFFFFF80  }
0x5a: {  	[tilespmem:s21], [sflag:$0x1] =	stream.indirect.gather [hbm4b:s5+s23], $0x80, s4, s23, $0xb8;
	[tilespmem:$0x1C200] =	vst v63  }
0x5b: {  	s7 =	sadd.s32 s1, s3  }
0x5c: {  	[tilespmem:s24], [sflag:$0x3] =	stream.linear.gather [hbm4b:s7+s4], $0x80, $0x38;
	[tilespmem:$0x1C200] =	vst v63  }
0x5d: {  	_ =	swait.ge [sflag:s22], $0x80  }
0x5e: {  	[sflag:s22] =	ssyncset.done $0x0  }
0x5f: {  	[sflag:s22] =	ssyncadd.s32 $0xFFFFFF80  }
0x60: {  	[tilespmem:s25], [sflag:$0x2] =	stream.indirect.gather [hbm4b:s5+s23], $0x80, s24, s23, $0xb8;
	[tilespmem:$0x1C200] =	vst v63  }
0x61: {  	s7 =	sadd.s32 s31, s6  }
0x62: {  	[tilespmem:s23], [sflag:$0x3] =	stream.linear.gather [hbm4b:s7+s4], $0x80, $0x38;
	[tilespmem:$0x1C200] =	vst v63  }
0x63: {  	_ =	swait.ge [sflag:s22], $0x80  }
0x64: {  	[sflag:s22] =	ssyncset.done $0x0  }
0x65: {  	s3 =	sadd.s32 s6, s3;
	[sflag:s22] =	ssyncadd.s32 $0xFFFFFF80  }
0x66: {  	[tilespmem:s26], [sflag:$0x3] =	stream.linear.gather [hbm4b:s3+s4], $0x80, $0x38;
	[tilespmem:$0x1C200] =	vst v63  }
0x67: {  	_ =	swait.ge [sflag:s22], $0x80  }
0x68: {  	[sflag:s22] =	ssyncset.done $0x0  }
0x69: {  	[sflag:s22] =	ssyncadd.s32 $0xFFFFFF80  }
0x6a: {  	_ =	swait.ge [sflag:s28], $0x4000  }
0x6b: {  	[sflag:s28] =	ssyncset.done $0x0  }
0x6c: {  	[sflag:s28] =	ssyncadd.s32 $0xFFFFC000  }
0x6d: {  	[spmem:s2] =	stream.indirect.scatter.add.f32 [tilespmem:s21], [sflag:$0x3], $0x80, s23, s23, $0xb8;
	[tilespmem:$0x1C200] =	vst v63  }
0x6e: {  	_ =	swait.ge [sflag:s22], $0x4000  }
0x6f: {  	[sflag:s22] =	ssyncset.done $0x0  }
0x70: {  	[sflag:s22] =	ssyncadd.s32 $0xFFFFC000  }
0x71: {  	_ =	swait.ge [sflag:s29], $0x4000  }
.Ltmp2:
0x72: {  	[sflag:s29] =	ssyncset.done $0x0;
	(pc) =	sbr.rel @p1 .LBB2_3-.Ltmp2, $4  }
0x73: {  	[sflag:s29] =	ssyncadd.s32 $0xFFFFC000  }
0x74: {  	[spmem:s2] =	stream.indirect.scatter.add.f32 [tilespmem:s25], [sflag:$0x3], $0x80, s26, s23, $0xb8;
	[tilespmem:$0x1C200] =	vst v63  }
0x75: {  	_ =	swait.ge [sflag:s22], $0x4000  }
0x76: {  	s31 =	sadd.s32 $0x20, s31;
	[sflag:s22] =	ssyncset.done $0x0  }
.LBB2_4:
0x77: {  	s0 =	sadd.s32 s31, s1;
	[sflag:s22] =	ssyncadd.s32 @p0 $0xFFFFC000  }
0x78: {  	[tilespmem:s4], [sflag:$0x3] =	stream.linear.gather [hbm4b:s0+s4], $0x80, $0x38;
	[tilespmem:$0x1C200] =	vst v63  }
0x79: {  	_ =	swait.ge [sflag:s22], $0x80  }
0x7a: {  	[sflag:s22] =	ssyncset.done $0x0  }
0x7b: {  	s7 =	sor.u32 $0x10, s31;
	[sflag:s22] =	ssyncadd.s32 $0xFFFFFF80  }
0x7c: {  	[tilespmem:s21], [sflag:$0x1] =	stream.indirect.gather [hbm4b:s5+s23], $0x80, s4, s23, $0xb8;
	[tilespmem:$0x1C200] =	vst v63  }
0x7d: {  	s3 =	sadd.s32 s1, s7  }
0x7e: {  	[tilespmem:s24], [sflag:$0x3] =	stream.linear.gather [hbm4b:s3+s4], $0x80, $0x38;
	[tilespmem:$0x1C200] =	vst v63  }
0x7f: {  	_ =	swait.ge [sflag:s22], $0x80  }
0x80: {  	[sflag:s22] =	ssyncset.done $0x0  }
0x81: {  	[sflag:s22] =	ssyncadd.s32 $0xFFFFFF80  }
0x82: {  	[tilespmem:s25], [sflag:$0x2] =	stream.indirect.gather [hbm4b:s5+s23], $0x80, s24, s23, $0xb8;
	[tilespmem:$0x1C200] =	vst v63  }
0x83: {  	s31 =	sadd.s32 s31, s6  }
0x84: {  	[tilespmem:s23], [sflag:$0x3] =	stream.linear.gather [hbm4b:s31+s4], $0x80, $0x38;
	[tilespmem:$0x1C200] =	vst v63  }
0x85: {  	_ =	swait.ge [sflag:s22], $0x80  }
0x86: {  	[sflag:s22] =	ssyncset.done $0x0  }
0x87: {  	s0 =	sadd.s32 s6, s7;
	[sflag:s22] =	ssyncadd.s32 $0xFFFFFF80  }
0x88: {  	[tilespmem:s26], [sflag:$0x3] =	stream.linear.gather [hbm4b:s0+s4], $0x80, $0x38;
	[tilespmem:$0x1C200] =	vst v63  }
0x89: {  	_ =	swait.ge [sflag:s22], $0x80  }
0x8a: {  	[sflag:s22] =	ssyncset.done $0x0  }
0x8b: {  	[sflag:s22] =	ssyncadd.s32 $0xFFFFFF80  }
0x8c: {  	_ =	swait.ge [sflag:s28], $0x4000  }
0x8d: {  	[sflag:s28] =	ssyncset.done $0x0  }
0x8e: {  	[sflag:s28] =	ssyncadd.s32 $0xFFFFC000  }
0x8f: {  	[spmem:s2] =	stream.indirect.scatter.add.f32 [tilespmem:s21], [sflag:$0x3], $0x80, s23, s23, $0xb8;
	[tilespmem:$0x1C200] =	vst v63  }
0x90: {  	_ =	swait.ge [sflag:s22], $0x4000  }
0x91: {  	[sflag:s22] =	ssyncset.done $0x0  }
0x92: {  	[sflag:s22] =	ssyncadd.s32 $0xFFFFC000  }
0x93: {  	_ =	swait.ge [sflag:s29], $0x4000  }
0x94: {  	[sflag:s29] =	ssyncset.done $0x0  }
0x95: {  	[sflag:s29] =	ssyncadd.s32 $0xFFFFC000  }
0x96: {  	[spmem:s2] =	stream.indirect.scatter.add.f32 [tilespmem:s25], [sflag:$0x3], $0x80, s26, s23, $0xb8;
	[tilespmem:$0x1C200] =	vst v63  }
0x97: {  	_ =	swait.ge [sflag:s22], $0x4000  }
0x98: {  	[sflag:s22] =	ssyncset.done $0x0  }
0x99: {  	[sflag:s22] =	ssyncadd.s32 $0xFFFFC000  }
0x9a: {  	[bflag:$0x0] =	sbarrier.arrive $0xFFFF  }
0x9b: {  	[tilespmem:s21], [sflag:$0x3] =	stream.linear.gather [spmem:s8], $0x4000, $0x38;
	[tilespmem:$0x1C200] =	vst v63  }
0x9c: {  	_ =	swait.ge [sflag:s22], $0x4000  }
0x9d: {  	[sflag:s22] =	ssyncset.done $0x0  }
0x9e: {  	[sflag:s22] =	ssyncadd.s32 $0xFFFFC000  }
0x9f: {  	[hbm4b:s14+s4] =	stream.linear.scatter [tilespmem:s21], [sflag:$0x3], $0x4000, $0x38;
	[tilespmem:$0x1C200] =	vst v63  }
0xa0: {  	_ =	swait.ge [sflag:s22], $0x4000  }
0xa1: {  	[sflag:s22] =	ssyncset.done $0x0  }
0xa2: {  	[sflag:s22] =	ssyncadd.s32 $0xFFFFC000  }
0xa3: {  	[tilespmem:s21], [sflag:$0x3] =	stream.linear.gather [spmem:s9], $0x4000, $0x38;
	[tilespmem:$0x1C200] =	vst v63  }
0xa4: {  	_ =	swait.ge [sflag:s22], $0x4000  }
0xa5: {  	[sflag:s22] =	ssyncset.done $0x0  }
0xa6: {  	[sflag:s22] =	ssyncadd.s32 $0xFFFFC000  }
0xa7: {  	[hbm4b:s15+s4] =	stream.linear.scatter [tilespmem:s21], [sflag:$0x3], $0x4000, $0x38;
	[tilespmem:$0x1C200] =	vst v63  }
0xa8: {  	_ =	swait.ge [sflag:s22], $0x4000  }
0xa9: {  	[sflag:s22] =	ssyncset.done $0x0  }
0xaa: {  	[sflag:s22] =	ssyncadd.s32 $0xFFFFC000  }
0xab: {  	[tilespmem:s21], [sflag:$0x3] =	stream.linear.gather [spmem:s10], $0x4000, $0x38;
	[tilespmem:$0x1C200] =	vst v63  }
0xac: {  	_ =	swait.ge [sflag:s22], $0x4000  }
0xad: {  	[sflag:s22] =	ssyncset.done $0x0  }
0xae: {  	[sflag:s22] =	ssyncadd.s32 $0xFFFFC000  }
0xaf: {  	[hbm4b:s16+s4] =	stream.linear.scatter [tilespmem:s21], [sflag:$0x3], $0x4000, $0x38;
	[tilespmem:$0x1C200] =	vst v63  }
0xb0: {  	_ =	swait.ge [sflag:s22], $0x4000  }
0xb1: {  	[sflag:s22] =	ssyncset.done $0x0  }
0xb2: {  	[sflag:s22] =	ssyncadd.s32 $0xFFFFC000  }
0xb3: {  	[tilespmem:s21], [sflag:$0x3] =	stream.linear.gather [spmem:s11], $0x4000, $0x38;
	[tilespmem:$0x1C200] =	vst v63  }
0xb4: {  	_ =	swait.ge [sflag:s22], $0x4000  }
0xb5: {  	[sflag:s22] =	ssyncset.done $0x0  }
0xb6: {  	[sflag:s22] =	ssyncadd.s32 $0xFFFFC000  }
0xb7: {  	[hbm4b:s17+s4] =	stream.linear.scatter [tilespmem:s21], [sflag:$0x3], $0x4000, $0x38;
	[tilespmem:$0x1C200] =	vst v63  }
0xb8: {  	_ =	swait.ge [sflag:s22], $0x4000  }
0xb9: {  	[sflag:s22] =	ssyncset.done $0x0  }
0xba: {  	[sflag:s22] =	ssyncadd.s32 $0xFFFFC000  }
0xbb: {  	[tilespmem:s21], [sflag:$0x3] =	stream.linear.gather [spmem:s12], $0x4000, $0x38;
	[tilespmem:$0x1C200] =	vst v63  }
0xbc: {  	s30 =	sadd.s32 $0x1, s30;
	_ =	swait.ge [sflag:s22], $0x4000  }
0xbd: {  	p0 =	sne.s32 s30, s19;
	[sflag:s22] =	ssyncset.done $0x0  }
.Ltmp3:
0xbe: {  	[sflag:s22] =	ssyncadd.s32 $0xFFFFC000;
	(pc) =	sbr.rel @p0 .LBB2_1-.Ltmp3, $4  }
0xbf: {  	[hbm4b:s18+s4] =	stream.linear.scatter [tilespmem:s21], [sflag:$0x3], $0x4000, $0x38;
	[tilespmem:$0x1C200] =	vst v63  }
0xc0: {  	_ =	swait.ge [sflag:s22], $0x4000  }
0xc1: {  	[sflag:s22] =	ssyncset.done $0x0  }
0xc2: {  	[sflag:s22] =	ssyncadd.s32 $0xFFFFC000  }
0xc3: {  	_ =	sfence.sel $0x180000  }
0xc4: {  	[bflag:$0x0] =	sbarrier.arrive $0xFFFF  }
0xc5: {  	_ =	strace $0x9000004D  }
0xc6: {  	s0 =	stileid.u32;
	[bflag:$0x2] =	sbarrier.arrive $0xFFFF  }
0xc7: {  	p0 =	sne.s32 s0, $0x0;
	s0 =	rddreg [dreg:$0x4]  }
0xc8: {  	s0 =	sadd.s32 @!p0 $0x100000, s0  }
0xc9: {  	[sflag:s0] =	ssyncadd.tile.s32 @!p0 $0x1;
	_ =	shalt  }
.Lfunc_end2:
_tile_overlayer_lowered:
.L_overlay_start_2:
0xca: {  	(tag) =	ssettag $0x2  }
0xcb: {  	s0 =	rddreg [dreg:$0x0];
	s2 =	stileid.u32  }
0xcc: {  	s1 =	rddreg [dreg:$0x1];
	p0 =	sne.s32 s2, $0x0  }
0xcd: {  	s3 =	rddreg [dreg:$0x2];
	[bflag:$0x3] =	sbarrier.arrive $0xFFFF;
	s2 =	simm.s32 @!p0 $0x1C03  }
0xce: {  	[timem:s3], [sflag:s2] =	dma.local @!p0 [hbm:s0], s1  }
0xcf: {  	s0 =	simm.s32 @!p0 $0x3  }
0xd0: {  	_ =	swait.ge @!p0 [sflag:s0], s1  }
0xd1: {  	s1 =	ssub.s32 @!p0 $0x0, s1;
	[sflag:s0] =	ssyncset.done @!p0 $0x0  }
0xd2: {  	[sflag:s0] =	ssyncadd.s32 @!p0 s1  }
0xd3: {  	[bflag:$0x3] =	sbarrier.arrive $0xFFFF  }
0xd4: {  	_ =	shalt  }

</sc_bundles>
